<compile_context>
chip_gen: v7x
topology: tpu7x:2x2x1
jax: 0.10.2.dev20260603
libtpu: 0.0.44.dev20260713+nightly
codegen_flags: <defaults>
</compile_context>

<pallas_src>
import functools

import jax
import jax.numpy as jnp
from jax import lax
from jax.experimental import pallas as pl
from jax.experimental.pallas import tpu as pltpu
from jax.experimental.pallas import tpu_sc as plsc

_L = 14
_P = _L * _L
_R = 5
_THRESHOLD = 0.6
_CIO = 256
_NCH = 4


def _combine(a, b):
    av, ai = a
    bv, bi = b
    repl = (bv > av) | ((bv == av) & (bi < ai))
    return jnp.where(repl, bv, av), jnp.where(repl, bi, ai)


def _nms_body(bpw, h_hbm, out1_hbm, out2_hbm, land1, land2, heat_v, sem_out):
    info = plsc.get_sparse_core_info()
    nc, lanes_n = info.num_cores, info.num_lanes
    ngroups = bpw // lanes_n

    wid = lax.axis_index("s") * nc + lax.axis_index("c")
    pltpu.sync_copy(h_hbm.at[wid], land1)

    lanes = lax.iota(jnp.int32, lanes_n)
    zeros_i = jnp.zeros((lanes_n,), jnp.int32)
    zeros_f = jnp.zeros((lanes_n,), jnp.float32)
    ones_f = jnp.full((lanes_n,), 1.0, jnp.float32)

    nchunk = (_P + lanes_n - 1) // lanes_n

    def repack(e, c):
        dst = e * _P
        for k in range(nchunk):
            v = land1[e, pl.ds(k * lanes_n, lanes_n)]
            plsc.store_scatter(heat_v, [dst + k * lanes_n + lanes], v)
        return c

    lax.fori_loop(0, bpw, repack, 0)

    u0 = 13 * lanes
    iv0 = u0 // _L
    jv0 = u0 - iv0 * _L

    def group_body(g, carry):
        exv = g * lanes_n + lanes
        bvec = exv * _P

        ims = []
        ci_glob = bvec
        for r in range(4):

            def scan_rows(i, accs):
                row = bvec + i * (2 * _L)
                out = list(accs)
                for j in range(2 * _L):
                    q = j % _NCH
                    cm, ci = out[q]
                    idx = row + j
                    v = plsc.load_gather(heat_v, [idx])
                    cond = v > cm
                    out[q] = (
                        jnp.where(cond, v, cm),
                        jnp.where(cond, idx, ci),
                    )
                return tuple(out)

            init = tuple(
                (jnp.full((lanes_n,), _THRESHOLD, jnp.float32), bvec)
                for _ in range(_NCH)
            )
            accs = list(lax.fori_loop(0, _L // 2, scan_rows, init))
            while len(accs) > 1:
                nxt = [
                    _combine(accs[2 * t], accs[2 * t + 1])
                    for t in range(len(accs) // 2)
                ]
                if len(accs) % 2:
                    nxt.append(accs[-1])
                accs = nxt
            _, ci_glob = accs[0]
            im = ci_glob - bvec
            ims.append(im)

            if r < 3:
                x = im // _L
                y = im - x * _L
                okys = []
                for dyj in range(2 * _R):
                    yn = y + (dyj - _R)
                    okys.append((yn >= 0) & (yn < _L))

                def sup_body(t, ci):
                    dx = t - _R
                    xn = x + dx
                    okx = (xn >= 0) & (xn < _L)
                    row_t = ci + dx * _L
                    for dyj in range(2 * _R):
                        ok = okx & okys[dyj]
                        tgt = row_t + (dyj - _R)
                        plsc.store_scatter(heat_v, [tgt], zeros_f, mask=ok)
                    return ci

                lax.fori_loop(0, 2 * _R, sup_body, ci_glob)

        xs = [im // _L for im in ims]
        ys = [im - (im // _L) * _L for im in ims]
        pairs = [(0, 1), (0, 2), (0, 3), (1, 2), (1, 3), (2, 3)]
        best = jnp.full((lanes_n,), -1, jnp.int32)
        c1x, c1y, c2x, c2y = xs[0], ys[0], xs[1], ys[1]
        for a, b in pairs:
            dxx = xs[b] - xs[a]
            dyy = ys[b] - ys[a]
            d = dxx * dxx + dyy * dyy
            cond = d > best
            best = jnp.where(cond, d, best)
            c1x = jnp.where(cond, xs[a], c1x)
            c1y = jnp.where(cond, ys[a], c1y)
            c2x = jnp.where(cond, xs[b], c2x)
            c2y = jnp.where(cond, ys[b], c2y)

        ax = 2 * (c2x - c1x)
        ay = 2 * (c2y - c1y)
        kk = c2x * c2x + c2y * c2y - c1x * c1x - c1y * c1y

        def vor_block(s, st):
            iv, jv = st
            for _ in range(_L):
                lhs = iv * ax + jv * ay - kk
                m = lhs < 0
                m1 = jnp.where(m, ones_f, zeros_f)
                m2 = ones_f - m1
                pv = iv * _L + jv
                plsc.store_scatter(land1, [exv, pv], m1)
                plsc.store_scatter(land2, [exv, pv], m2)
                jz = jv == 0
                jv = jnp.where(jz, _L - 1, jv - 1)
                iv = jnp.where(jz, iv, iv + 1)
                iv = jnp.where(iv >= _L, iv - _L, iv)
            return iv, jv

        lax.fori_loop(0, _L, vor_block, (iv0, jv0))

        pltpu.make_async_copy(
            land1.at[pl.ds(g * lanes_n, lanes_n)],
            out1_hbm.at[wid, pl.ds(g * lanes_n, lanes_n)],
            sem_out,
        ).start()
        pltpu.make_async_copy(
            land2.at[pl.ds(g * lanes_n, lanes_n)],
            out2_hbm.at[wid, pl.ds(g * lanes_n, lanes_n)],
            sem_out,
        ).start()
        return carry

    lax.fori_loop(0, ngroups, group_body, 0)

    def drain_out(g, c):
        pltpu.make_async_copy(
            land1.at[pl.ds(0, lanes_n)],
            out1_hbm.at[0, pl.ds(0, lanes_n)],
            sem_out,
        ).wait()
        pltpu.make_async_copy(
            land2.at[pl.ds(0, lanes_n)],
            out2_hbm.at[0, pl.ds(0, lanes_n)],
            sem_out,
        ).wait()
        return c

    lax.fori_loop(0, ngroups, drain_out, 0)


@functools.partial(jax.jit, static_argnums=(1,))
def _nms_run(h3, bpw):
    nw = h3.shape[0]
    mesh = plsc.VectorSubcoreMesh(core_axis_name="c", subcore_axis_name="s")
    out = pl.kernel(
        functools.partial(_nms_body, bpw),
        out_type=(
            jax.ShapeDtypeStruct((nw, bpw, _CIO), jnp.float32),
            jax.ShapeDtypeStruct((nw, bpw, _CIO), jnp.float32),
        ),
        mesh=mesh,
        compiler_params=pltpu.CompilerParams(needs_layout_passes=False),
        scratch_types=[
            pltpu.VMEM((bpw, _CIO), jnp.float32),
            pltpu.VMEM((bpw, _CIO), jnp.float32),
            pltpu.VMEM((bpw * _P,), jnp.float32),
            pltpu.SemaphoreType.DMA,
        ],
    )(h3)
    return out


def kernel(heatmap):
    b = heatmap.shape[0]
    info = plsc.get_sparse_core_info()
    nw = info.num_cores * info.num_subcores
    bpw = b // nw
    h2 = jnp.pad(heatmap.reshape(b, _P), ((0, 0), (0, _CIO - _P)))
    o1, o2 = _nms_run(h2.reshape(nw, bpw, _CIO), bpw)
    o1 = o1.reshape(b, _CIO)[:, :_P].reshape(b, 1, _L, _L)
    o2 = o2.reshape(b, _CIO)[:, :_P].reshape(b, 1, _L, _L)
    return (o1, o2)

# --- scband reference (transcript-rebuilt; emitter-appended) ---
"""Pipeline reference for scband-nms-20933670600803 (READ-ONLY COPY).

The authoritative reference and input builder live on the scoring server;
editing this copy changes nothing except your own understanding.
"""

import jax, jax.numpy as jnp
import numpy as np

L = 14
R = 5
THRESHOLD = 0.6
B = 4096


def setup_inputs(seed: int = 0) -> dict:
    key = jax.random.key(seed)
    heatmap = jax.random.uniform(key, (B, 1, L, L), dtype=jnp.float32)
    return {"heatmap": heatmap}


def reference(heatmap):
    h = jnp.squeeze(heatmap, axis=1)  # [B, 14, 14]
    b = h.shape[0]
    mask = (h > THRESHOLD).astype(h.dtype)
    heat = (h * mask).reshape(b, L * L)
    coord = jnp.arange(L)
    idx_list = []
    for _ in range(4):
        im = jnp.argmax(heat, axis=1)  # [B]
        idx_list.append(im)
        x = im // L
        y = im % L
        x1 = jnp.maximum(x - R, 0)
        y1 = jnp.maximum(y - R, 0)
        x2 = jnp.minimum(x + R, 15)
        y2 = jnp.minimum(y + R, 15)
        um = (coord[None, :] >= x1[:, None]) & (coord[None, :] < x2[:, None])  # [B, 14]
        vm = (coord[None, :] >= y1[:, None]) & (coord[None, :] < y2[:, None])  # [B, 14]
        rm = (um[:, :, None] & vm[:, None, :]).reshape(b, L * L)
        heat = jnp.where(rm, jnp.zeros_like(heat), heat)
    idx = jnp.stack(idx_list, axis=1)  # [B, 4]
    xs = idx // L
    ys = idx % L
    pairs = jnp.array([[0, 1], [0, 2], [0, 3], [1, 2], [1, 3], [2, 3]])
    dxx = xs[:, pairs[:, 1]] - xs[:, pairs[:, 0]]  # [B, 6]
    dyy = ys[:, pairs[:, 1]] - ys[:, pairs[:, 0]]
    dists = dxx ** 2 + dyy ** 2  # [B, 6]
    best = jnp.argmax(dists, axis=1)  # [B]
    chosen = pairs[best]  # [B, 2]
    a = chosen[:, 0]
    bsel = chosen[:, 1]
    co1x = jnp.take_along_axis(xs, a[:, None], axis=1)[:, 0]
    co1y = jnp.take_along_axis(ys, a[:, None], axis=1)[:, 0]
    co2x = jnp.take_along_axis(xs, bsel[:, None], axis=1)[:, 0]
    co2y = jnp.take_along_axis(ys, bsel[:, None], axis=1)[:, 0]
    U, V = jnp.meshgrid(jnp.arange(L), jnp.arange(L), indexing='ij')
    d1 = (U[None] - co1x[:, None, None]) ** 2 + (V[None] - co1y[:, None, None]) ** 2
    d2 = (U[None] - co2x[:, None, None]) ** 2 + (V[None] - co2y[:, None, None]) ** 2
    m1 = (d1 < d2).astype(jnp.float32)  # [B, 14, 14]
    m2 = (m1 < 0.9).astype(jnp.float32)
    masks1 = m1[:, None, :, :]
    masks2 = m2[:, None, :, :]
    return (masks1, masks2)

if __name__ == "__main__":
    import jax
    _d = setup_inputs()
    print(jax.jit(kernel)(*tuple(_d.values())))

</pallas_src>

<mosaic_0001>
#map = affine_map<(d0, d1) -> (0, 0, 0)>
module attributes {stable_mosaic.version = 14 : i64} {
  func.func @_nms_body(%arg0: i32, %arg1: i32, %arg2: memref<32x128x256xf32, #tpu.memory_space<hbm>>, %arg3: memref<32x128x256xf32, #tpu.memory_space<hbm>>, %arg4: memref<32x128x256xf32, #tpu.memory_space<hbm>>, %arg5: memref<128x256xf32, #tpu.memory_space<vmem>>, %arg6: memref<128x256xf32, #tpu.memory_space<vmem>>, %arg7: memref<25088xf32, #tpu.memory_space<vmem>>, %arg8: memref<!tpu.dma_semaphore, #tpu.memory_space<semaphore_mem>>) attributes {dimension_semantics = [#tpu.dimension_semantics<core_parallel>, #tpu.dimension_semantics<subcore_parallel>], iteration_bounds = array<i64: 2, 16>, scalar_prefetch = 0 : i64, scratch_operands = 4 : i64, tpu.core_type = #tpu.core_type<sc_vector_subcore>, window_params = [{transform_indices = #map}, {transform_indices = #map}, {transform_indices = #map}]} {
    %mul3A = arith.constant 2 : i32
    %mul3A_0 = arith.muli %arg1, %mul3A : i32
    %add3A = arith.addi %mul3A_0, %arg0 : i32
    "tpu.region"() ({
      %run_scoped3A = tpu.sem_alloc : memref<!tpu.dma_semaphore, #tpu.memory_space<semaphore_mem>>
      %dma_start3A = arith.constant 0 : i32
      %dma_start3A_53 = arith.constant 0 : i32
      %dma_start3A_54 = tpu.memref_slice %arg2[%add3A, %dma_start3A, %dma_start3A_53] : memref<32x128x256xf32, #tpu.memory_space<hbm>> -> memref<1x128x256xf32, #tpu.memory_space<hbm>>
      %dma_start3A_55 = tpu.memref_squeeze %dma_start3A_54 : memref<1x128x256xf32, #tpu.memory_space<hbm>> -> memref<128x256xf32, #tpu.memory_space<hbm>>
      %dma_start3A_56 = arith.constant 0 : i32
      %dma_start3A_57 = arith.constant 0 : i32
      %dma_start3A_58 = tpu.memref_slice %arg2[%add3A, %dma_start3A_56, %dma_start3A_57] : memref<32x128x256xf32, #tpu.memory_space<hbm>> -> memref<1x128x256xf32, #tpu.memory_space<hbm>>
      %dma_start3A_59 = tpu.memref_squeeze %dma_start3A_58 : memref<1x128x256xf32, #tpu.memory_space<hbm>> -> memref<128x256xf32, #tpu.memory_space<hbm>>
      tpu.enqueue_dma source(%dma_start3A_59 : memref<128x256xf32, #tpu.memory_space<hbm>>) target(%arg5 : memref<128x256xf32, #tpu.memory_space<vmem>>) target_semaphore(%run_scoped3A : memref<!tpu.dma_semaphore, #tpu.memory_space<semaphore_mem>>)
      %dma_wait3A = arith.constant 0 : i32
      %dma_wait3A_60 = arith.constant 0 : i32
      %dma_wait3A_61 = tpu.memref_slice %arg2[%add3A, %dma_wait3A, %dma_wait3A_60] : memref<32x128x256xf32, #tpu.memory_space<hbm>> -> memref<1x128x256xf32, #tpu.memory_space<hbm>>
      %dma_wait3A_62 = tpu.memref_squeeze %dma_wait3A_61 : memref<1x128x256xf32, #tpu.memory_space<hbm>> -> memref<128x256xf32, #tpu.memory_space<hbm>>
      %dma_wait3A_63 = arith.constant 0 : i32
      %dma_wait3A_64 = arith.constant 0 : i32
      %dma_wait3A_65 = tpu.memref_slice %arg2[%add3A, %dma_wait3A_63, %dma_wait3A_64] : memref<32x128x256xf32, #tpu.memory_space<hbm>> -> memref<1x128x256xf32, #tpu.memory_space<hbm>>
      %dma_wait3A_66 = tpu.memref_squeeze %dma_wait3A_65 : memref<1x128x256xf32, #tpu.memory_space<hbm>> -> memref<128x256xf32, #tpu.memory_space<hbm>>
      tpu.wait_dma2 semaphore(%run_scoped3A : memref<!tpu.dma_semaphore, #tpu.memory_space<semaphore_mem>>) src(%dma_wait3A_66 : memref<128x256xf32, #tpu.memory_space<hbm>>) dst(%arg5 : memref<128x256xf32, #tpu.memory_space<vmem>>)
      tpu.yield
    }) : () -> ()
    %iota3A = tpu.iota {dimensions = array<i32: 0>} : vector<16xi32>
    %broadcast_in_dim3A = arith.constant 0 : i32
    %broadcast_in_dim3A_1 = vector.broadcast %broadcast_in_dim3A : i32 to vector<16xi32>
    %broadcast_in_dim3A_2 = arith.constant 0.000000e+00 : f32
    %broadcast_in_dim3A_3 = vector.broadcast %broadcast_in_dim3A_2 : f32 to vector<16xf32>
    %broadcast_in_dim3A_4 = arith.constant 1.000000e+00 : f32
    %broadcast_in_dim3A_5 = vector.broadcast %broadcast_in_dim3A_4 : f32 to vector<16xf32>
    %scan3A = arith.constant 0 : i32
    %scan3A_6 = arith.constant 0 : i32
    %scan3A_7 = arith.constant 128 : i32
    %scan3A_8 = arith.addi %scan3A_6, %scan3A_7 : i32
    %scan3A_9 = arith.constant 1 : i32
    scf.for %scan3A_53 = %scan3A_6 to %scan3A_8 step %scan3A_9  : i32 {
      %mul3A_54 = arith.constant 196 : i32
      %mul3A_55 = arith.muli %scan3A_53, %mul3A_54 : i32
      %get3A = arith.index_cast %scan3A_53 : i32 to index
      %get3A_56 = arith.constant 0 : index
      %get3A_57 = tpu.vector_load %arg5[%get3A, %get3A_56] {strides = array<i32>} : memref<128x256xf32, #tpu.memory_space<vmem>>, vector<16xf32>,
      %add3A_58 = arith.constant 0 : i32
      %add3A_59 = arith.addi %mul3A_55, %add3A_58 : i32
      %add3A_60 = vector.broadcast %add3A_59 : i32 to vector<16xi32>
      %add3A_61 = arith.addi %add3A_60, %iota3A : vector<16xi32>
      tpu.vector_store_idx %arg7[%add3A_61], %get3A_57 : memref<25088xf32, #tpu.memory_space<vmem>>[vector<16xi32>], vector<16xf32>,
      %get3A_62 = arith.index_cast %scan3A_53 : i32 to index
      %get3A_63 = arith.constant 16 : index
      %get3A_64 = tpu.vector_load %arg5[%get3A_62, %get3A_63] {strides = array<i32>} : memref<128x256xf32, #tpu.memory_space<vmem>>, vector<16xf32>,
      %add3A_65 = arith.constant 16 : i32
      %add3A_66 = arith.addi %mul3A_55, %add3A_65 : i32
      %add3A_67 = vector.broadcast %add3A_66 : i32 to vector<16xi32>
      %add3A_68 = arith.addi %add3A_67, %iota3A : vector<16xi32>
      tpu.vector_store_idx %arg7[%add3A_68], %get3A_64 : memref<25088xf32, #tpu.memory_space<vmem>>[vector<16xi32>], vector<16xf32>,
      %get3A_69 = arith.index_cast %scan3A_53 : i32 to index
      %get3A_70 = arith.constant 32 : index
      %get3A_71 = tpu.vector_load %arg5[%get3A_69, %get3A_70] {strides = array<i32>} : memref<128x256xf32, #tpu.memory_space<vmem>>, vector<16xf32>,
      %add3A_72 = arith.constant 32 : i32
      %add3A_73 = arith.addi %mul3A_55, %add3A_72 : i32
      %add3A_74 = vector.broadcast %add3A_73 : i32 to vector<16xi32>
      %add3A_75 = arith.addi %add3A_74, %iota3A : vector<16xi32>
      tpu.vector_store_idx %arg7[%add3A_75], %get3A_71 : memref<25088xf32, #tpu.memory_space<vmem>>[vector<16xi32>], vector<16xf32>,
      %get3A_76 = arith.index_cast %scan3A_53 : i32 to index
      %get3A_77 = arith.constant 48 : index
      %get3A_78 = tpu.vector_load %arg5[%get3A_76, %get3A_77] {strides = array<i32>} : memref<128x256xf32, #tpu.memory_space<vmem>>, vector<16xf32>,
      %add3A_79 = arith.constant 48 : i32
      %add3A_80 = arith.addi %mul3A_55, %add3A_79 : i32
      %add3A_81 = vector.broadcast %add3A_80 : i32 to vector<16xi32>
      %add3A_82 = arith.addi %add3A_81, %iota3A : vector<16xi32>
      tpu.vector_store_idx %arg7[%add3A_82], %get3A_78 : memref<25088xf32, #tpu.memory_space<vmem>>[vector<16xi32>], vector<16xf32>,
      %get3A_83 = arith.index_cast %scan3A_53 : i32 to index
      %get3A_84 = arith.constant 64 : index
      %get3A_85 = tpu.vector_load %arg5[%get3A_83, %get3A_84] {strides = array<i32>} : memref<128x256xf32, #tpu.memory_space<vmem>>, vector<16xf32>,
      %add3A_86 = arith.constant 64 : i32
      %add3A_87 = arith.addi %mul3A_55, %add3A_86 : i32
      %add3A_88 = vector.broadcast %add3A_87 : i32 to vector<16xi32>
      %add3A_89 = arith.addi %add3A_88, %iota3A : vector<16xi32>
      tpu.vector_store_idx %arg7[%add3A_89], %get3A_85 : memref<25088xf32, #tpu.memory_space<vmem>>[vector<16xi32>], vector<16xf32>,
      %get3A_90 = arith.index_cast %scan3A_53 : i32 to index
      %get3A_91 = arith.constant 80 : index
      %get3A_92 = tpu.vector_load %arg5[%get3A_90, %get3A_91] {strides = array<i32>} : memref<128x256xf32, #tpu.memory_space<vmem>>, vector<16xf32>,
      %add3A_93 = arith.constant 80 : i32
      %add3A_94 = arith.addi %mul3A_55, %add3A_93 : i32
      %add3A_95 = vector.broadcast %add3A_94 : i32 to vector<16xi32>
      %add3A_96 = arith.addi %add3A_95, %iota3A : vector<16xi32>
      tpu.vector_store_idx %arg7[%add3A_96], %get3A_92 : memref<25088xf32, #tpu.memory_space<vmem>>[vector<16xi32>], vector<16xf32>,
      %get3A_97 = arith.index_cast %scan3A_53 : i32 to index
      %get3A_98 = arith.constant 96 : index
      %get3A_99 = tpu.vector_load %arg5[%get3A_97, %get3A_98] {strides = array<i32>} : memref<128x256xf32, #tpu.memory_space<vmem>>, vector<16xf32>,
      %add3A_100 = arith.constant 96 : i32
      %add3A_101 = arith.addi %mul3A_55, %add3A_100 : i32
      %add3A_102 = vector.broadcast %add3A_101 : i32 to vector<16xi32>
      %add3A_103 = arith.addi %add3A_102, %iota3A : vector<16xi32>
      tpu.vector_store_idx %arg7[%add3A_103], %get3A_99 : memref<25088xf32, #tpu.memory_space<vmem>>[vector<16xi32>], vector<16xf32>,
      %get3A_104 = arith.index_cast %scan3A_53 : i32 to index
      %get3A_105 = arith.constant 112 : index
      %get3A_106 = tpu.vector_load %arg5[%get3A_104, %get3A_105] {strides = array<i32>} : memref<128x256xf32, #tpu.memory_space<vmem>>, vector<16xf32>,
      %add3A_107 = arith.constant 112 : i32
      %add3A_108 = arith.addi %mul3A_55, %add3A_107 : i32
      %add3A_109 = vector.broadcast %add3A_108 : i32 to vector<16xi32>
      %add3A_110 = arith.addi %add3A_109, %iota3A : vector<16xi32>
      tpu.vector_store_idx %arg7[%add3A_110], %get3A_106 : memref<25088xf32, #tpu.memory_space<vmem>>[vector<16xi32>], vector<16xf32>,
      %get3A_111 = arith.index_cast %scan3A_53 : i32 to index
      %get3A_112 = arith.constant 128 : index
      %get3A_113 = tpu.vector_load %arg5[%get3A_111, %get3A_112] {strides = array<i32>} : memref<128x256xf32, #tpu.memory_space<vmem>>, vector<16xf32>,
      %add3A_114 = arith.constant 128 : i32
      %add3A_115 = arith.addi %mul3A_55, %add3A_114 : i32
      %add3A_116 = vector.broadcast %add3A_115 : i32 to vector<16xi32>
      %add3A_117 = arith.addi %add3A_116, %iota3A : vector<16xi32>
      tpu.vector_store_idx %arg7[%add3A_117], %get3A_113 : memref<25088xf32, #tpu.memory_space<vmem>>[vector<16xi32>], vector<16xf32>,
      %get3A_118 = arith.index_cast %scan3A_53 : i32 to index
      %get3A_119 = arith.constant 144 : index
      %get3A_120 = tpu.vector_load %arg5[%get3A_118, %get3A_119] {strides = array<i32>} : memref<128x256xf32, #tpu.memory_space<vmem>>, vector<16xf32>,
      %add3A_121 = arith.constant 144 : i32
      %add3A_122 = arith.addi %mul3A_55, %add3A_121 : i32
      %add3A_123 = vector.broadcast %add3A_122 : i32 to vector<16xi32>
      %add3A_124 = arith.addi %add3A_123, %iota3A : vector<16xi32>
      tpu.vector_store_idx %arg7[%add3A_124], %get3A_120 : memref<25088xf32, #tpu.memory_space<vmem>>[vector<16xi32>], vector<16xf32>,
      %get3A_125 = arith.index_cast %scan3A_53 : i32 to index
      %get3A_126 = arith.constant 160 : index
      %get3A_127 = tpu.vector_load %arg5[%get3A_125, %get3A_126] {strides = array<i32>} : memref<128x256xf32, #tpu.memory_space<vmem>>, vector<16xf32>,
      %add3A_128 = arith.constant 160 : i32
      %add3A_129 = arith.addi %mul3A_55, %add3A_128 : i32
      %add3A_130 = vector.broadcast %add3A_129 : i32 to vector<16xi32>
      %add3A_131 = arith.addi %add3A_130, %iota3A : vector<16xi32>
      tpu.vector_store_idx %arg7[%add3A_131], %get3A_127 : memref<25088xf32, #tpu.memory_space<vmem>>[vector<16xi32>], vector<16xf32>,
      %get3A_132 = arith.index_cast %scan3A_53 : i32 to index
      %get3A_133 = arith.constant 176 : index
      %get3A_134 = tpu.vector_load %arg5[%get3A_132, %get3A_133] {strides = array<i32>} : memref<128x256xf32, #tpu.memory_space<vmem>>, vector<16xf32>,
      %add3A_135 = arith.constant 176 : i32
      %add3A_136 = arith.addi %mul3A_55, %add3A_135 : i32
      %add3A_137 = vector.broadcast %add3A_136 : i32 to vector<16xi32>
      %add3A_138 = arith.addi %add3A_137, %iota3A : vector<16xi32>
      tpu.vector_store_idx %arg7[%add3A_138], %get3A_134 : memref<25088xf32, #tpu.memory_space<vmem>>[vector<16xi32>], vector<16xf32>,
      %get3A_139 = arith.index_cast %scan3A_53 : i32 to index
      %get3A_140 = arith.constant 192 : index
      %get3A_141 = tpu.vector_load %arg5[%get3A_139, %get3A_140] {strides = array<i32>} : memref<128x256xf32, #tpu.memory_space<vmem>>, vector<16xf32>,
      %add3A_142 = arith.constant 192 : i32
      %add3A_143 = arith.addi %mul3A_55, %add3A_142 : i32
      %add3A_144 = vector.broadcast %add3A_143 : i32 to vector<16xi32>
      %add3A_145 = arith.addi %add3A_144, %iota3A : vector<16xi32>
      tpu.vector_store_idx %arg7[%add3A_145], %get3A_141 : memref<25088xf32, #tpu.memory_space<vmem>>[vector<16xi32>], vector<16xf32>,
    }
    %scan3A_10 = arith.constant 128 : i32
    %mul3A_11 = arith.constant 13 : i32
    %mul3A_12 = vector.broadcast %mul3A_11 : i32 to vector<16xi32>
    %mul3A_13 = arith.muli %mul3A_12, %iota3A : vector<16xi32>
    %jit3A = arith.constant 14 : i32
    %div3A = vector.broadcast %jit3A : i32 to vector<16xi32>
    %div3A_14 = arith.divsi %mul3A_13, %div3A : vector<16xi32>
    %sign3A = arith.constant 0 : i32
    %sign3A_15 = vector.broadcast %sign3A : i32 to vector<16xi32>
    %sign3A_16 = arith.cmpi sgt, %mul3A_13, %sign3A_15 : vector<16xi32>
    %sign3A_17 = arith.extui %sign3A_16 : vector<16xi1> to vector<16xi32>
    %sign3A_18 = arith.constant 0 : i32
    %sign3A_19 = vector.broadcast %sign3A_18 : i32 to vector<16xi32>
    %sign3A_20 = arith.cmpi slt, %mul3A_13, %sign3A_19 : vector<16xi32>
    %sign3A_21 = arith.extui %sign3A_20 : vector<16xi1> to vector<16xi32>
    %sign3A_22 = arith.subi %sign3A_17, %sign3A_21 : vector<16xi32>
    %sign3A_23 = arith.constant 0 : i32
    %sign3A_24 = arith.cmpi sgt, %jit3A, %sign3A_23 : i32
    %sign3A_25 = arith.extui %sign3A_24 : i1 to i32
    %sign3A_26 = arith.constant 0 : i32
    %sign3A_27 = arith.cmpi slt, %jit3A, %sign3A_26 : i32
    %sign3A_28 = arith.extui %sign3A_27 : i1 to i32
    %sign3A_29 = arith.subi %sign3A_25, %sign3A_28 : i32
    %ne3A = vector.broadcast %sign3A_29 : i32 to vector<16xi32>
    %ne3A_30 = arith.cmpi ne, %sign3A_22, %ne3A : vector<16xi32>
    %rem3A = vector.broadcast %jit3A : i32 to vector<16xi32>
    %rem3A_31 = arith.remsi %mul3A_13, %rem3A : vector<16xi32>
    %ne3A_32 = arith.constant 0 : i32
    %ne3A_33 = vector.broadcast %ne3A_32 : i32 to vector<16xi32>
    %ne3A_34 = arith.cmpi ne, %rem3A_31, %ne3A_33 : vector<16xi32>
    %and3A = arith.andi %ne3A_30, %ne3A_34 : vector<16xi1>
    %sub3A = arith.constant 1 : i32
    %sub3A_35 = vector.broadcast %sub3A : i32 to vector<16xi32>
    %sub3A_36 = arith.subi %div3A_14, %sub3A_35 : vector<16xi32>
    %select_n3A = arith.select %and3A, %sub3A_36, %div3A_14 : vector<16xi1>, vector<16xi32>
    %mul3A_37 = arith.constant 14 : i32
    %mul3A_38 = vector.broadcast %mul3A_37 : i32 to vector<16xi32>
    %mul3A_39 = arith.muli %select_n3A, %mul3A_38 : vector<16xi32>
    %sub3A_40 = arith.subi %mul3A_13, %mul3A_39 : vector<16xi32>
    %scan3A_41 = arith.constant 0 : i32
    %scan3A_42 = arith.constant 0 : i32
    %scan3A_43 = arith.constant 8 : i32
    %scan3A_44 = arith.addi %scan3A_42, %scan3A_43 : i32
    %scan3A_45 = arith.constant 1 : i32
    scf.for %scan3A_53 = %scan3A_42 to %scan3A_44 step %scan3A_45  : i32 {
      %mul3A_54 = arith.constant 16 : i32
      %mul3A_55 = arith.muli %scan3A_53, %mul3A_54 : i32
      %add3A_56 = vector.broadcast %mul3A_55 : i32 to vector<16xi32>
      %add3A_57 = arith.addi %add3A_56, %iota3A : vector<16xi32>
      %mul3A_58 = arith.constant 196 : i32
      %mul3A_59 = vector.broadcast %mul3A_58 : i32 to vector<16xi32>
      %mul3A_60 = arith.muli %add3A_57, %mul3A_59 : vector<16xi32>
      %broadcast_in_dim3A_61 = arith.constant 6.000000e-01 : f32
      %broadcast_in_dim3A_62 = vector.broadcast %broadcast_in_dim3A_61 : f32 to vector<16xf32>
      %broadcast_in_dim3A_63 = arith.constant 6.000000e-01 : f32
      %broadcast_in_dim3A_64 = vector.broadcast %broadcast_in_dim3A_63 : f32 to vector<16xf32>
      %broadcast_in_dim3A_65 = arith.constant 6.000000e-01 : f32
      %broadcast_in_dim3A_66 = vector.broadcast %broadcast_in_dim3A_65 : f32 to vector<16xf32>
      %broadcast_in_dim3A_67 = arith.constant 6.000000e-01 : f32
      %broadcast_in_dim3A_68 = vector.broadcast %broadcast_in_dim3A_67 : f32 to vector<16xf32>
      %scan3A_69 = arith.constant 0 : i32
      %scan3A_70 = arith.constant 7 : i32
      %scan3A_71 = arith.addi %scan3A_69, %scan3A_70 : i32
      %scan3A_72 = arith.constant 1 : i32
      %scan3A_73:8 = scf.for %scan3A_1000 = %scan3A_69 to %scan3A_71 step %scan3A_72 iter_args(%scan3A_1001 = %broadcast_in_dim3A_62, %scan3A_1002 = %mul3A_60, %scan3A_1003 = %broadcast_in_dim3A_64, %scan3A_1004 = %mul3A_60, %scan3A_1005 = %broadcast_in_dim3A_66, %scan3A_1006 = %mul3A_60, %scan3A_1007 = %broadcast_in_dim3A_68, %scan3A_1008 = %mul3A_60) -> (vector<16xf32>, vector<16xi32>, vector<16xf32>, vector<16xi32>, vector<16xf32>, vector<16xi32>, vector<16xf32>, vector<16xi32>)  : i32 {
        %mul3A_1009 = arith.constant 28 : i32
        %mul3A_1010 = arith.muli %scan3A_1000, %mul3A_1009 : i32
        %add3A_1011 = vector.broadcast %mul3A_1010 : i32 to vector<16xi32>
        %add3A_1012 = arith.addi %mul3A_60, %add3A_1011 : vector<16xi32>
        %add3A_1013 = arith.constant 0 : i32
        %add3A_1014 = vector.broadcast %add3A_1013 : i32 to vector<16xi32>
        %add3A_1015 = arith.addi %add3A_1012, %add3A_1014 : vector<16xi32>
        %gather3A = tpu.vector_load_idx %arg7[%add3A_1015] : memref<25088xf32, #tpu.memory_space<vmem>>[vector<16xi32>], vector<16xf32>,
        %gt3A_1016 = arith.cmpf ogt, %gather3A, %scan3A_1001 : vector<16xf32>
        %select_n3A_1017 = arith.select %gt3A_1016, %gather3A, %scan3A_1001 : vector<16xi1>, vector<16xf32>
        %select_n3A_1018 = arith.select %gt3A_1016, %add3A_1015, %scan3A_1002 : vector<16xi1>, vector<16xi32>
        %add3A_1019 = arith.constant 1 : i32
        %add3A_1020 = vector.broadcast %add3A_1019 : i32 to vector<16xi32>
        %add3A_1021 = arith.addi %add3A_1012, %add3A_1020 : vector<16xi32>
        %gather3A_1022 = tpu.vector_load_idx %arg7[%add3A_1021] : memref<25088xf32, #tpu.memory_space<vmem>>[vector<16xi32>], vector<16xf32>,
        %gt3A_1023 = arith.cmpf ogt, %gather3A_1022, %scan3A_1003 : vector<16xf32>
        %select_n3A_1024 = arith.select %gt3A_1023, %gather3A_1022, %scan3A_1003 : vector<16xi1>, vector<16xf32>
        %select_n3A_1025 = arith.select %gt3A_1023, %add3A_1021, %scan3A_1004 : vector<16xi1>, vector<16xi32>
        %add3A_1026 = arith.constant 2 : i32
        %add3A_1027 = vector.broadcast %add3A_1026 : i32 to vector<16xi32>
        %add3A_1028 = arith.addi %add3A_1012, %add3A_1027 : vector<16xi32>
        %gather3A_1029 = tpu.vector_load_idx %arg7[%add3A_1028] : memref<25088xf32, #tpu.memory_space<vmem>>[vector<16xi32>], vector<16xf32>,
        %gt3A_1030 = arith.cmpf ogt, %gather3A_1029, %scan3A_1005 : vector<16xf32>
        %select_n3A_1031 = arith.select %gt3A_1030, %gather3A_1029, %scan3A_1005 : vector<16xi1>, vector<16xf32>
        %select_n3A_1032 = arith.select %gt3A_1030, %add3A_1028, %scan3A_1006 : vector<16xi1>, vector<16xi32>
        %add3A_1033 = arith.constant 3 : i32
        %add3A_1034 = vector.broadcast %add3A_1033 : i32 to vector<16xi32>
        %add3A_1035 = arith.addi %add3A_1012, %add3A_1034 : vector<16xi32>
        %gather3A_1036 = tpu.vector_load_idx %arg7[%add3A_1035] : memref<25088xf32, #tpu.memory_space<vmem>>[vector<16xi32>], vector<16xf32>,
        %gt3A_1037 = arith.cmpf ogt, %gather3A_1036, %scan3A_1007 : vector<16xf32>
        %select_n3A_1038 = arith.select %gt3A_1037, %gather3A_1036, %scan3A_1007 : vector<16xi1>, vector<16xf32>
        %select_n3A_1039 = arith.select %gt3A_1037, %add3A_1035, %scan3A_1008 : vector<16xi1>, vector<16xi32>
        %add3A_1040 = arith.constant 4 : i32
        %add3A_1041 = vector.broadcast %add3A_1040 : i32 to vector<16xi32>
        %add3A_1042 = arith.addi %add3A_1012, %add3A_1041 : vector<16xi32>
        %gather3A_1043 = tpu.vector_load_idx %arg7[%add3A_1042] : memref<25088xf32, #tpu.memory_space<vmem>>[vector<16xi32>], vector<16xf32>,
        %gt3A_1044 = arith.cmpf ogt, %gather3A_1043, %select_n3A_1017 : vector<16xf32>
        %select_n3A_1045 = arith.select %gt3A_1044, %gather3A_1043, %select_n3A_1017 : vector<16xi1>, vector<16xf32>
        %select_n3A_1046 = arith.select %gt3A_1044, %add3A_1042, %select_n3A_1018 : vector<16xi1>, vector<16xi32>
        %add3A_1047 = arith.constant 5 : i32
        %add3A_1048 = vector.broadcast %add3A_1047 : i32 to vector<16xi32>
        %add3A_1049 = arith.addi %add3A_1012, %add3A_1048 : vector<16xi32>
        %gather3A_1050 = tpu.vector_load_idx %arg7[%add3A_1049] : memref<25088xf32, #tpu.memory_space<vmem>>[vector<16xi32>], vector<16xf32>,
        %gt3A_1051 = arith.cmpf ogt, %gather3A_1050, %select_n3A_1024 : vector<16xf32>
        %select_n3A_1052 = arith.select %gt3A_1051, %gather3A_1050, %select_n3A_1024 : vector<16xi1>, vector<16xf32>
        %select_n3A_1053 = arith.select %gt3A_1051, %add3A_1049, %select_n3A_1025 : vector<16xi1>, vector<16xi32>
        %add3A_1054 = arith.constant 6 : i32
        %add3A_1055 = vector.broadcast %add3A_1054 : i32 to vector<16xi32>
        %add3A_1056 = arith.addi %add3A_1012, %add3A_1055 : vector<16xi32>
        %gather3A_1057 = tpu.vector_load_idx %arg7[%add3A_1056] : memref<25088xf32, #tpu.memory_space<vmem>>[vector<16xi32>], vector<16xf32>,
        %gt3A_1058 = arith.cmpf ogt, %gather3A_1057, %select_n3A_1031 : vector<16xf32>
        %select_n3A_1059 = arith.select %gt3A_1058, %gather3A_1057, %select_n3A_1031 : vector<16xi1>, vector<16xf32>
        %select_n3A_1060 = arith.select %gt3A_1058, %add3A_1056, %select_n3A_1032 : vector<16xi1>, vector<16xi32>
        %add3A_1061 = arith.constant 7 : i32
        %add3A_1062 = vector.broadcast %add3A_1061 : i32 to vector<16xi32>
        %add3A_1063 = arith.addi %add3A_1012, %add3A_1062 : vector<16xi32>
        %gather3A_1064 = tpu.vector_load_idx %arg7[%add3A_1063] : memref<25088xf32, #tpu.memory_space<vmem>>[vector<16xi32>], vector<16xf32>,
        %gt3A_1065 = arith.cmpf ogt, %gather3A_1064, %select_n3A_1038 : vector<16xf32>
        %select_n3A_1066 = arith.select %gt3A_1065, %gather3A_1064, %select_n3A_1038 : vector<16xi1>, vector<16xf32>
        %select_n3A_1067 = arith.select %gt3A_1065, %add3A_1063, %select_n3A_1039 : vector<16xi1>, vector<16xi32>
        %add3A_1068 = arith.constant 8 : i32
        %add3A_1069 = vector.broadcast %add3A_1068 : i32 to vector<16xi32>
        %add3A_1070 = arith.addi %add3A_1012, %add3A_1069 : vector<16xi32>
        %gather3A_1071 = tpu.vector_load_idx %arg7[%add3A_1070] : memref<25088xf32, #tpu.memory_space<vmem>>[vector<16xi32>], vector<16xf32>,
        %gt3A_1072 = arith.cmpf ogt, %gather3A_1071, %select_n3A_1045 : vector<16xf32>
        %select_n3A_1073 = arith.select %gt3A_1072, %gather3A_1071, %select_n3A_1045 : vector<16xi1>, vector<16xf32>
        %select_n3A_1074 = arith.select %gt3A_1072, %add3A_1070, %select_n3A_1046 : vector<16xi1>, vector<16xi32>
        %add3A_1075 = arith.constant 9 : i32
        %add3A_1076 = vector.broadcast %add3A_1075 : i32 to vector<16xi32>
        %add3A_1077 = arith.addi %add3A_1012, %add3A_1076 : vector<16xi32>
        %gather3A_1078 = tpu.vector_load_idx %arg7[%add3A_1077] : memref<25088xf32, #tpu.memory_space<vmem>>[vector<16xi32>], vector<16xf32>,
        %gt3A_1079 = arith.cmpf ogt, %gather3A_1078, %select_n3A_1052 : vector<16xf32>
        %select_n3A_1080 = arith.select %gt3A_1079, %gather3A_1078, %select_n3A_1052 : vector<16xi1>, vector<16xf32>
        %select_n3A_1081 = arith.select %gt3A_1079, %add3A_1077, %select_n3A_1053 : vector<16xi1>, vector<16xi32>
        %add3A_1082 = arith.constant 10 : i32
        %add3A_1083 = vector.broadcast %add3A_1082 : i32 to vector<16xi32>
        %add3A_1084 = arith.addi %add3A_1012, %add3A_1083 : vector<16xi32>
        %gather3A_1085 = tpu.vector_load_idx %arg7[%add3A_1084] : memref<25088xf32, #tpu.memory_space<vmem>>[vector<16xi32>], vector<16xf32>,
        %gt3A_1086 = arith.cmpf ogt, %gather3A_1085, %select_n3A_1059 : vector<16xf32>
        %select_n3A_1087 = arith.select %gt3A_1086, %gather3A_1085, %select_n3A_1059 : vector<16xi1>, vector<16xf32>
        %select_n3A_1088 = arith.select %gt3A_1086, %add3A_1084, %select_n3A_1060 : vector<16xi1>, vector<16xi32>
        %add3A_1089 = arith.constant 11 : i32
        %add3A_1090 = vector.broadcast %add3A_1089 : i32 to vector<16xi32>
        %add3A_1091 = arith.addi %add3A_1012, %add3A_1090 : vector<16xi32>
        %gather3A_1092 = tpu.vector_load_idx %arg7[%add3A_1091] : memref<25088xf32, #tpu.memory_space<vmem>>[vector<16xi32>], vector<16xf32>,
        %gt3A_1093 = arith.cmpf ogt, %gather3A_1092, %select_n3A_1066 : vector<16xf32>
        %select_n3A_1094 = arith.select %gt3A_1093, %gather3A_1092, %select_n3A_1066 : vector<16xi1>, vector<16xf32>
        %select_n3A_1095 = arith.select %gt3A_1093, %add3A_1091, %select_n3A_1067 : vector<16xi1>, vector<16xi32>
        %add3A_1096 = arith.constant 12 : i32
        %add3A_1097 = vector.broadcast %add3A_1096 : i32 to vector<16xi32>
        %add3A_1098 = arith.addi %add3A_1012, %add3A_1097 : vector<16xi32>
        %gather3A_1099 = tpu.vector_load_idx %arg7[%add3A_1098] : memref<25088xf32, #tpu.memory_space<vmem>>[vector<16xi32>], vector<16xf32>,
        %gt3A_1100 = arith.cmpf ogt, %gather3A_1099, %select_n3A_1073 : vector<16xf32>
        %select_n3A_1101 = arith.select %gt3A_1100, %gather3A_1099, %select_n3A_1073 : vector<16xi1>, vector<16xf32>
        %select_n3A_1102 = arith.select %gt3A_1100, %add3A_1098, %select_n3A_1074 : vector<16xi1>, vector<16xi32>
        %add3A_1103 = arith.constant 13 : i32
        %add3A_1104 = vector.broadcast %add3A_1103 : i32 to vector<16xi32>
        %add3A_1105 = arith.addi %add3A_1012, %add3A_1104 : vector<16xi32>
        %gather3A_1106 = tpu.vector_load_idx %arg7[%add3A_1105] : memref<25088xf32, #tpu.memory_space<vmem>>[vector<16xi32>], vector<16xf32>,
        %gt3A_1107 = arith.cmpf ogt, %gather3A_1106, %select_n3A_1080 : vector<16xf32>
        %select_n3A_1108 = arith.select %gt3A_1107, %gather3A_1106, %select_n3A_1080 : vector<16xi1>, vector<16xf32>
        %select_n3A_1109 = arith.select %gt3A_1107, %add3A_1105, %select_n3A_1081 : vector<16xi1>, vector<16xi32>
        %add3A_1110 = arith.constant 14 : i32
        %add3A_1111 = vector.broadcast %add3A_1110 : i32 to vector<16xi32>
        %add3A_1112 = arith.addi %add3A_1012, %add3A_1111 : vector<16xi32>
        %gather3A_1113 = tpu.vector_load_idx %arg7[%add3A_1112] : memref<25088xf32, #tpu.memory_space<vmem>>[vector<16xi32>], vector<16xf32>,
        %gt3A_1114 = arith.cmpf ogt, %gather3A_1113, %select_n3A_1087 : vector<16xf32>
        %select_n3A_1115 = arith.select %gt3A_1114, %gather3A_1113, %select_n3A_1087 : vector<16xi1>, vector<16xf32>
        %select_n3A_1116 = arith.select %gt3A_1114, %add3A_1112, %select_n3A_1088 : vector<16xi1>, vector<16xi32>
        %add3A_1117 = arith.constant 15 : i32
        %add3A_1118 = vector.broadcast %add3A_1117 : i32 to vector<16xi32>
        %add3A_1119 = arith.addi %add3A_1012, %add3A_1118 : vector<16xi32>
        %gather3A_1120 = tpu.vector_load_idx %arg7[%add3A_1119] : memref<25088xf32, #tpu.memory_space<vmem>>[vector<16xi32>], vector<16xf32>,
        %gt3A_1121 = arith.cmpf ogt, %gather3A_1120, %select_n3A_1094 : vector<16xf32>
        %select_n3A_1122 = arith.select %gt3A_1121, %gather3A_1120, %select_n3A_1094 : vector<16xi1>, vector<16xf32>
        %select_n3A_1123 = arith.select %gt3A_1121, %add3A_1119, %select_n3A_1095 : vector<16xi1>, vector<16xi32>
        %add3A_1124 = arith.constant 16 : i32
        %add3A_1125 = vector.broadcast %add3A_1124 : i32 to vector<16xi32>
        %add3A_1126 = arith.addi %add3A_1012, %add3A_1125 : vector<16xi32>
        %gather3A_1127 = tpu.vector_load_idx %arg7[%add3A_1126] : memref<25088xf32, #tpu.memory_space<vmem>>[vector<16xi32>], vector<16xf32>,
        %gt3A_1128 = arith.cmpf ogt, %gather3A_1127, %select_n3A_1101 : vector<16xf32>
        %select_n3A_1129 = arith.select %gt3A_1128, %gather3A_1127, %select_n3A_1101 : vector<16xi1>, vector<16xf32>
        %select_n3A_1130 = arith.select %gt3A_1128, %add3A_1126, %select_n3A_1102 : vector<16xi1>, vector<16xi32>
        %add3A_1131 = arith.constant 17 : i32
        %add3A_1132 = vector.broadcast %add3A_1131 : i32 to vector<16xi32>
        %add3A_1133 = arith.addi %add3A_1012, %add3A_1132 : vector<16xi32>
        %gather3A_1134 = tpu.vector_load_idx %arg7[%add3A_1133] : memref<25088xf32, #tpu.memory_space<vmem>>[vector<16xi32>], vector<16xf32>,
        %gt3A_1135 = arith.cmpf ogt, %gather3A_1134, %select_n3A_1108 : vector<16xf32>
        %select_n3A_1136 = arith.select %gt3A_1135, %gather3A_1134, %select_n3A_1108 : vector<16xi1>, vector<16xf32>
        %select_n3A_1137 = arith.select %gt3A_1135, %add3A_1133, %select_n3A_1109 : vector<16xi1>, vector<16xi32>
        %add3A_1138 = arith.constant 18 : i32
        %add3A_1139 = vector.broadcast %add3A_1138 : i32 to vector<16xi32>
        %add3A_1140 = arith.addi %add3A_1012, %add3A_1139 : vector<16xi32>
        %gather3A_1141 = tpu.vector_load_idx %arg7[%add3A_1140] : memref<25088xf32, #tpu.memory_space<vmem>>[vector<16xi32>], vector<16xf32>,
        %gt3A_1142 = arith.cmpf ogt, %gather3A_1141, %select_n3A_1115 : vector<16xf32>
        %select_n3A_1143 = arith.select %gt3A_1142, %gather3A_1141, %select_n3A_1115 : vector<16xi1>, vector<16xf32>
        %select_n3A_1144 = arith.select %gt3A_1142, %add3A_1140, %select_n3A_1116 : vector<16xi1>, vector<16xi32>
        %add3A_1145 = arith.constant 19 : i32
        %add3A_1146 = vector.broadcast %add3A_1145 : i32 to vector<16xi32>
        %add3A_1147 = arith.addi %add3A_1012, %add3A_1146 : vector<16xi32>
        %gather3A_1148 = tpu.vector_load_idx %arg7[%add3A_1147] : memref<25088xf32, #tpu.memory_space<vmem>>[vector<16xi32>], vector<16xf32>,
        %gt3A_1149 = arith.cmpf ogt, %gather3A_1148, %select_n3A_1122 : vector<16xf32>
        %select_n3A_1150 = arith.select %gt3A_1149, %gather3A_1148, %select_n3A_1122 : vector<16xi1>, vector<16xf32>
        %select_n3A_1151 = arith.select %gt3A_1149, %add3A_1147, %select_n3A_1123 : vector<16xi1>, vector<16xi32>
        %add3A_1152 = arith.constant 20 : i32
        %add3A_1153 = vector.broadcast %add3A_1152 : i32 to vector<16xi32>
        %add3A_1154 = arith.addi %add3A_1012, %add3A_1153 : vector<16xi32>
        %gather3A_1155 = tpu.vector_load_idx %arg7[%add3A_1154] : memref<25088xf32, #tpu.memory_space<vmem>>[vector<16xi32>], vector<16xf32>,
        %gt3A_1156 = arith.cmpf ogt, %gather3A_1155, %select_n3A_1129 : vector<16xf32>
        %select_n3A_1157 = arith.select %gt3A_1156, %gather3A_1155, %select_n3A_1129 : vector<16xi1>, vector<16xf32>
        %select_n3A_1158 = arith.select %gt3A_1156, %add3A_1154, %select_n3A_1130 : vector<16xi1>, vector<16xi32>
        %add3A_1159 = arith.constant 21 : i32
        %add3A_1160 = vector.broadcast %add3A_1159 : i32 to vector<16xi32>
        %add3A_1161 = arith.addi %add3A_1012, %add3A_1160 : vector<16xi32>
        %gather3A_1162 = tpu.vector_load_idx %arg7[%add3A_1161] : memref<25088xf32, #tpu.memory_space<vmem>>[vector<16xi32>], vector<16xf32>,
        %gt3A_1163 = arith.cmpf ogt, %gather3A_1162, %select_n3A_1136 : vector<16xf32>
        %select_n3A_1164 = arith.select %gt3A_1163, %gather3A_1162, %select_n3A_1136 : vector<16xi1>, vector<16xf32>
        %select_n3A_1165 = arith.select %gt3A_1163, %add3A_1161, %select_n3A_1137 : vector<16xi1>, vector<16xi32>
        %add3A_1166 = arith.constant 22 : i32
        %add3A_1167 = vector.broadcast %add3A_1166 : i32 to vector<16xi32>
        %add3A_1168 = arith.addi %add3A_1012, %add3A_1167 : vector<16xi32>
        %gather3A_1169 = tpu.vector_load_idx %arg7[%add3A_1168] : memref<25088xf32, #tpu.memory_space<vmem>>[vector<16xi32>], vector<16xf32>,
        %gt3A_1170 = arith.cmpf ogt, %gather3A_1169, %select_n3A_1143 : vector<16xf32>
        %select_n3A_1171 = arith.select %gt3A_1170, %gather3A_1169, %select_n3A_1143 : vector<16xi1>, vector<16xf32>
        %select_n3A_1172 = arith.select %gt3A_1170, %add3A_1168, %select_n3A_1144 : vector<16xi1>, vector<16xi32>
        %add3A_1173 = arith.constant 23 : i32
        %add3A_1174 = vector.broadcast %add3A_1173 : i32 to vector<16xi32>
        %add3A_1175 = arith.addi %add3A_1012, %add3A_1174 : vector<16xi32>
        %gather3A_1176 = tpu.vector_load_idx %arg7[%add3A_1175] : memref<25088xf32, #tpu.memory_space<vmem>>[vector<16xi32>], vector<16xf32>,
        %gt3A_1177 = arith.cmpf ogt, %gather3A_1176, %select_n3A_1150 : vector<16xf32>
        %select_n3A_1178 = arith.select %gt3A_1177, %gather3A_1176, %select_n3A_1150 : vector<16xi1>, vector<16xf32>
        %select_n3A_1179 = arith.select %gt3A_1177, %add3A_1175, %select_n3A_1151 : vector<16xi1>, vector<16xi32>
        %add3A_1180 = arith.constant 24 : i32
        %add3A_1181 = vector.broadcast %add3A_1180 : i32 to vector<16xi32>
        %add3A_1182 = arith.addi %add3A_1012, %add3A_1181 : vector<16xi32>
        %gather3A_1183 = tpu.vector_load_idx %arg7[%add3A_1182] : memref<25088xf32, #tpu.memory_space<vmem>>[vector<16xi32>], vector<16xf32>,
        %gt3A_1184 = arith.cmpf ogt, %gather3A_1183, %select_n3A_1157 : vector<16xf32>
        %select_n3A_1185 = arith.select %gt3A_1184, %gather3A_1183, %select_n3A_1157 : vector<16xi1>, vector<16xf32>
        %select_n3A_1186 = arith.select %gt3A_1184, %add3A_1182, %select_n3A_1158 : vector<16xi1>, vector<16xi32>
        %add3A_1187 = arith.constant 25 : i32
        %add3A_1188 = vector.broadcast %add3A_1187 : i32 to vector<16xi32>
        %add3A_1189 = arith.addi %add3A_1012, %add3A_1188 : vector<16xi32>
        %gather3A_1190 = tpu.vector_load_idx %arg7[%add3A_1189] : memref<25088xf32, #tpu.memory_space<vmem>>[vector<16xi32>], vector<16xf32>,
        %gt3A_1191 = arith.cmpf ogt, %gather3A_1190, %select_n3A_1164 : vector<16xf32>
        %select_n3A_1192 = arith.select %gt3A_1191, %gather3A_1190, %select_n3A_1164 : vector<16xi1>, vector<16xf32>
        %select_n3A_1193 = arith.select %gt3A_1191, %add3A_1189, %select_n3A_1165 : vector<16xi1>, vector<16xi32>
        %add3A_1194 = arith.constant 26 : i32
        %add3A_1195 = vector.broadcast %add3A_1194 : i32 to vector<16xi32>
        %add3A_1196 = arith.addi %add3A_1012, %add3A_1195 : vector<16xi32>
        %gather3A_1197 = tpu.vector_load_idx %arg7[%add3A_1196] : memref<25088xf32, #tpu.memory_space<vmem>>[vector<16xi32>], vector<16xf32>,
        %gt3A_1198 = arith.cmpf ogt, %gather3A_1197, %select_n3A_1171 : vector<16xf32>
        %select_n3A_1199 = arith.select %gt3A_1198, %gather3A_1197, %select_n3A_1171 : vector<16xi1>, vector<16xf32>
        %select_n3A_1200 = arith.select %gt3A_1198, %add3A_1196, %select_n3A_1172 : vector<16xi1>, vector<16xi32>
        %add3A_1201 = arith.constant 27 : i32
        %add3A_1202 = vector.broadcast %add3A_1201 : i32 to vector<16xi32>
        %add3A_1203 = arith.addi %add3A_1012, %add3A_1202 : vector<16xi32>
        %gather3A_1204 = tpu.vector_load_idx %arg7[%add3A_1203] : memref<25088xf32, #tpu.memory_space<vmem>>[vector<16xi32>], vector<16xf32>,
        %gt3A_1205 = arith.cmpf ogt, %gather3A_1204, %select_n3A_1178 : vector<16xf32>
        %select_n3A_1206 = arith.select %gt3A_1205, %gather3A_1204, %select_n3A_1178 : vector<16xi1>, vector<16xf32>
        %select_n3A_1207 = arith.select %gt3A_1205, %add3A_1203, %select_n3A_1179 : vector<16xi1>, vector<16xi32>
        scf.yield %select_n3A_1185, %select_n3A_1186, %select_n3A_1192, %select_n3A_1193, %select_n3A_1199, %select_n3A_1200, %select_n3A_1206, %select_n3A_1207 : vector<16xf32>, vector<16xi32>, vector<16xf32>, vector<16xi32>, vector<16xf32>, vector<16xi32>, vector<16xf32>, vector<16xi32>
      }
      %scan3A_74 = arith.constant 7 : i32
      %gt3A = arith.cmpf ogt, %scan3A_73#2, %scan3A_73#0 : vector<16xf32>
      %eq3A = arith.cmpf oeq, %scan3A_73#2, %scan3A_73#0 : vector<16xf32>
      %lt3A = arith.cmpi slt, %scan3A_73#3, %scan3A_73#1 : vector<16xi32>
      %and3A_75 = arith.andi %eq3A, %lt3A : vector<16xi1>
      %or3A = arith.ori %gt3A, %and3A_75 : vector<16xi1>
      %select_n3A_76 = arith.select %or3A, %scan3A_73#2, %scan3A_73#0 : vector<16xi1>, vector<16xf32>
      %select_n3A_77 = arith.select %or3A, %scan3A_73#3, %scan3A_73#1 : vector<16xi1>, vector<16xi32>
      %gt3A_78 = arith.cmpf ogt, %scan3A_73#6, %scan3A_73#4 : vector<16xf32>
      %eq3A_79 = arith.cmpf oeq, %scan3A_73#6, %scan3A_73#4 : vector<16xf32>
      %lt3A_80 = arith.cmpi slt, %scan3A_73#7, %scan3A_73#5 : vector<16xi32>
      %and3A_81 = arith.andi %eq3A_79, %lt3A_80 : vector<16xi1>
      %or3A_82 = arith.ori %gt3A_78, %and3A_81 : vector<16xi1>
      %select_n3A_83 = arith.select %or3A_82, %scan3A_73#6, %scan3A_73#4 : vector<16xi1>, vector<16xf32>
      %select_n3A_84 = arith.select %or3A_82, %scan3A_73#7, %scan3A_73#5 : vector<16xi1>, vector<16xi32>
      %gt3A_85 = arith.cmpf ogt, %select_n3A_83, %select_n3A_76 : vector<16xf32>
      %eq3A_86 = arith.cmpf oeq, %select_n3A_83, %select_n3A_76 : vector<16xf32>
      %lt3A_87 = arith.cmpi slt, %select_n3A_84, %select_n3A_77 : vector<16xi32>
      %and3A_88 = arith.andi %eq3A_86, %lt3A_87 : vector<16xi1>
      %or3A_89 = arith.ori %gt3A_85, %and3A_88 : vector<16xi1>
      %select_n3A_90 = arith.select %or3A_89, %select_n3A_83, %select_n3A_76 : vector<16xi1>, vector<16xf32>
      %select_n3A_91 = arith.select %or3A_89, %select_n3A_84, %select_n3A_77 : vector<16xi1>, vector<16xi32>
      %sub3A_92 = arith.subi %select_n3A_91, %mul3A_60 : vector<16xi32>
      %jit3A_93 = arith.constant 14 : i32
      %div3A_94 = vector.broadcast %jit3A_93 : i32 to vector<16xi32>
      %div3A_95 = arith.divsi %sub3A_92, %div3A_94 : vector<16xi32>
      %sign3A_96 = arith.constant 0 : i32
      %sign3A_97 = vector.broadcast %sign3A_96 : i32 to vector<16xi32>
      %sign3A_98 = arith.cmpi sgt, %sub3A_92, %sign3A_97 : vector<16xi32>
      %sign3A_99 = arith.extui %sign3A_98 : vector<16xi1> to vector<16xi32>
      %sign3A_100 = arith.constant 0 : i32
      %sign3A_101 = vector.broadcast %sign3A_100 : i32 to vector<16xi32>
      %sign3A_102 = arith.cmpi slt, %sub3A_92, %sign3A_101 : vector<16xi32>
      %sign3A_103 = arith.extui %sign3A_102 : vector<16xi1> to vector<16xi32>
      %sign3A_104 = arith.subi %sign3A_99, %sign3A_103 : vector<16xi32>
      %sign3A_105 = arith.constant 0 : i32
      %sign3A_106 = arith.cmpi sgt, %jit3A_93, %sign3A_105 : i32
      %sign3A_107 = arith.extui %sign3A_106 : i1 to i32
      %sign3A_108 = arith.constant 0 : i32
      %sign3A_109 = arith.cmpi slt, %jit3A_93, %sign3A_108 : i32
      %sign3A_110 = arith.extui %sign3A_109 : i1 to i32
      %sign3A_111 = arith.subi %sign3A_107, %sign3A_110 : i32
      %ne3A_112 = vector.broadcast %sign3A_111 : i32 to vector<16xi32>
      %ne3A_113 = arith.cmpi ne, %sign3A_104, %ne3A_112 : vector<16xi32>
      %rem3A_114 = vector.broadcast %jit3A_93 : i32 to vector<16xi32>
      %rem3A_115 = arith.remsi %sub3A_92, %rem3A_114 : vector<16xi32>
      %ne3A_116 = arith.constant 0 : i32
      %ne3A_117 = vector.broadcast %ne3A_116 : i32 to vector<16xi32>
      %ne3A_118 = arith.cmpi ne, %rem3A_115, %ne3A_117 : vector<16xi32>
      %and3A_119 = arith.andi %ne3A_113, %ne3A_118 : vector<16xi1>
      %sub3A_120 = arith.constant 1 : i32
      %sub3A_121 = vector.broadcast %sub3A_120 : i32 to vector<16xi32>
      %sub3A_122 = arith.subi %div3A_95, %sub3A_121 : vector<16xi32>
      %select_n3A_123 = arith.select %and3A_119, %sub3A_122, %div3A_95 : vector<16xi1>, vector<16xi32>
      %mul3A_124 = arith.constant 14 : i32
      %mul3A_125 = vector.broadcast %mul3A_124 : i32 to vector<16xi32>
      %mul3A_126 = arith.muli %select_n3A_123, %mul3A_125 : vector<16xi32>
      %sub3A_127 = arith.subi %sub3A_92, %mul3A_126 : vector<16xi32>
      %add3A_128 = arith.constant -5 : i32
      %add3A_129 = vector.broadcast %add3A_128 : i32 to vector<16xi32>
      %add3A_130 = arith.addi %sub3A_127, %add3A_129 : vector<16xi32>
      %ge3A = arith.constant 0 : i32
      %ge3A_131 = vector.broadcast %ge3A : i32 to vector<16xi32>
      %ge3A_132 = arith.cmpi sge, %add3A_130, %ge3A_131 : vector<16xi32>
      %lt3A_133 = arith.constant 14 : i32
      %lt3A_134 = vector.broadcast %lt3A_133 : i32 to vector<16xi32>
      %lt3A_135 = arith.cmpi slt, %add3A_130, %lt3A_134 : vector<16xi32>
      %and3A_136 = arith.andi %ge3A_132, %lt3A_135 : vector<16xi1>
      %add3A_137 = arith.constant -4 : i32
      %add3A_138 = vector.broadcast %add3A_137 : i32 to vector<16xi32>
      %add3A_139 = arith.addi %sub3A_127, %add3A_138 : vector<16xi32>
      %ge3A_140 = arith.constant 0 : i32
      %ge3A_141 = vector.broadcast %ge3A_140 : i32 to vector<16xi32>
      %ge3A_142 = arith.cmpi sge, %add3A_139, %ge3A_141 : vector<16xi32>
      %lt3A_143 = arith.constant 14 : i32
      %lt3A_144 = vector.broadcast %lt3A_143 : i32 to vector<16xi32>
      %lt3A_145 = arith.cmpi slt, %add3A_139, %lt3A_144 : vector<16xi32>
      %and3A_146 = arith.andi %ge3A_142, %lt3A_145 : vector<16xi1>
      %add3A_147 = arith.constant -3 : i32
      %add3A_148 = vector.broadcast %add3A_147 : i32 to vector<16xi32>
      %add3A_149 = arith.addi %sub3A_127, %add3A_148 : vector<16xi32>
      %ge3A_150 = arith.constant 0 : i32
      %ge3A_151 = vector.broadcast %ge3A_150 : i32 to vector<16xi32>
      %ge3A_152 = arith.cmpi sge, %add3A_149, %ge3A_151 : vector<16xi32>
      %lt3A_153 = arith.constant 14 : i32
      %lt3A_154 = vector.broadcast %lt3A_153 : i32 to vector<16xi32>
      %lt3A_155 = arith.cmpi slt, %add3A_149, %lt3A_154 : vector<16xi32>
      %and3A_156 = arith.andi %ge3A_152, %lt3A_155 : vector<16xi1>
      %add3A_157 = arith.constant -2 : i32
      %add3A_158 = vector.broadcast %add3A_157 : i32 to vector<16xi32>
      %add3A_159 = arith.addi %sub3A_127, %add3A_158 : vector<16xi32>
      %ge3A_160 = arith.constant 0 : i32
      %ge3A_161 = vector.broadcast %ge3A_160 : i32 to vector<16xi32>
      %ge3A_162 = arith.cmpi sge, %add3A_159, %ge3A_161 : vector<16xi32>
      %lt3A_163 = arith.constant 14 : i32
      %lt3A_164 = vector.broadcast %lt3A_163 : i32 to vector<16xi32>
      %lt3A_165 = arith.cmpi slt, %add3A_159, %lt3A_164 : vector<16xi32>
      %and3A_166 = arith.andi %ge3A_162, %lt3A_165 : vector<16xi1>
      %add3A_167 = arith.constant -1 : i32
      %add3A_168 = vector.broadcast %add3A_167 : i32 to vector<16xi32>
      %add3A_169 = arith.addi %sub3A_127, %add3A_168 : vector<16xi32>
      %ge3A_170 = arith.constant 0 : i32
      %ge3A_171 = vector.broadcast %ge3A_170 : i32 to vector<16xi32>
      %ge3A_172 = arith.cmpi sge, %add3A_169, %ge3A_171 : vector<16xi32>
      %lt3A_173 = arith.constant 14 : i32
      %lt3A_174 = vector.broadcast %lt3A_173 : i32 to vector<16xi32>
      %lt3A_175 = arith.cmpi slt, %add3A_169, %lt3A_174 : vector<16xi32>
      %and3A_176 = arith.andi %ge3A_172, %lt3A_175 : vector<16xi1>
      %add3A_177 = arith.constant 0 : i32
      %add3A_178 = vector.broadcast %add3A_177 : i32 to vector<16xi32>
      %add3A_179 = arith.addi %sub3A_127, %add3A_178 : vector<16xi32>
      %ge3A_180 = arith.constant 0 : i32
      %ge3A_181 = vector.broadcast %ge3A_180 : i32 to vector<16xi32>
      %ge3A_182 = arith.cmpi sge, %add3A_179, %ge3A_181 : vector<16xi32>
      %lt3A_183 = arith.constant 14 : i32
      %lt3A_184 = vector.broadcast %lt3A_183 : i32 to vector<16xi32>
      %lt3A_185 = arith.cmpi slt, %add3A_179, %lt3A_184 : vector<16xi32>
      %and3A_186 = arith.andi %ge3A_182, %lt3A_185 : vector<16xi1>
      %add3A_187 = arith.constant 1 : i32
      %add3A_188 = vector.broadcast %add3A_187 : i32 to vector<16xi32>
      %add3A_189 = arith.addi %sub3A_127, %add3A_188 : vector<16xi32>
      %ge3A_190 = arith.constant 0 : i32
      %ge3A_191 = vector.broadcast %ge3A_190 : i32 to vector<16xi32>
      %ge3A_192 = arith.cmpi sge, %add3A_189, %ge3A_191 : vector<16xi32>
      %lt3A_193 = arith.constant 14 : i32
      %lt3A_194 = vector.broadcast %lt3A_193 : i32 to vector<16xi32>
      %lt3A_195 = arith.cmpi slt, %add3A_189, %lt3A_194 : vector<16xi32>
      %and3A_196 = arith.andi %ge3A_192, %lt3A_195 : vector<16xi1>
      %add3A_197 = arith.constant 2 : i32
      %add3A_198 = vector.broadcast %add3A_197 : i32 to vector<16xi32>
      %add3A_199 = arith.addi %sub3A_127, %add3A_198 : vector<16xi32>
      %ge3A_200 = arith.constant 0 : i32
      %ge3A_201 = vector.broadcast %ge3A_200 : i32 to vector<16xi32>
      %ge3A_202 = arith.cmpi sge, %add3A_199, %ge3A_201 : vector<16xi32>
      %lt3A_203 = arith.constant 14 : i32
      %lt3A_204 = vector.broadcast %lt3A_203 : i32 to vector<16xi32>
      %lt3A_205 = arith.cmpi slt, %add3A_199, %lt3A_204 : vector<16xi32>
      %and3A_206 = arith.andi %ge3A_202, %lt3A_205 : vector<16xi1>
      %add3A_207 = arith.constant 3 : i32
      %add3A_208 = vector.broadcast %add3A_207 : i32 to vector<16xi32>
      %add3A_209 = arith.addi %sub3A_127, %add3A_208 : vector<16xi32>
      %ge3A_210 = arith.constant 0 : i32
      %ge3A_211 = vector.broadcast %ge3A_210 : i32 to vector<16xi32>
      %ge3A_212 = arith.cmpi sge, %add3A_209, %ge3A_211 : vector<16xi32>
      %lt3A_213 = arith.constant 14 : i32
      %lt3A_214 = vector.broadcast %lt3A_213 : i32 to vector<16xi32>
      %lt3A_215 = arith.cmpi slt, %add3A_209, %lt3A_214 : vector<16xi32>
      %and3A_216 = arith.andi %ge3A_212, %lt3A_215 : vector<16xi1>
      %add3A_217 = arith.constant 4 : i32
      %add3A_218 = vector.broadcast %add3A_217 : i32 to vector<16xi32>
      %add3A_219 = arith.addi %sub3A_127, %add3A_218 : vector<16xi32>
      %ge3A_220 = arith.constant 0 : i32
      %ge3A_221 = vector.broadcast %ge3A_220 : i32 to vector<16xi32>
      %ge3A_222 = arith.cmpi sge, %add3A_219, %ge3A_221 : vector<16xi32>
      %lt3A_223 = arith.constant 14 : i32
      %lt3A_224 = vector.broadcast %lt3A_223 : i32 to vector<16xi32>
      %lt3A_225 = arith.cmpi slt, %add3A_219, %lt3A_224 : vector<16xi32>
      %and3A_226 = arith.andi %ge3A_222, %lt3A_225 : vector<16xi1>
      %scan3A_227 = arith.constant 0 : i32
      %scan3A_228 = arith.constant 10 : i32
      %scan3A_229 = arith.addi %scan3A_227, %scan3A_228 : i32
      %scan3A_230 = arith.constant 1 : i32
      scf.for %scan3A_1000 = %scan3A_227 to %scan3A_229 step %scan3A_230  : i32 {
        %sub3A_1001 = arith.constant 5 : i32
        %sub3A_1002 = arith.subi %scan3A_1000, %sub3A_1001 : i32
        %add3A_1003 = vector.broadcast %sub3A_1002 : i32 to vector<16xi32>
        %add3A_1004 = arith.addi %select_n3A_123, %add3A_1003 : vector<16xi32>
        %ge3A_1005 = arith.constant 0 : i32
        %ge3A_1006 = vector.broadcast %ge3A_1005 : i32 to vector<16xi32>
        %ge3A_1007 = arith.cmpi sge, %add3A_1004, %ge3A_1006 : vector<16xi32>
        %lt3A_1008 = arith.constant 14 : i32
        %lt3A_1009 = vector.broadcast %lt3A_1008 : i32 to vector<16xi32>
        %lt3A_1010 = arith.cmpi slt, %add3A_1004, %lt3A_1009 : vector<16xi32>
        %and3A_1011 = arith.andi %ge3A_1007, %lt3A_1010 : vector<16xi1>
        %mul3A_1012 = arith.constant 14 : i32
        %mul3A_1013 = arith.muli %sub3A_1002, %mul3A_1012 : i32
        %add3A_1014 = vector.broadcast %mul3A_1013 : i32 to vector<16xi32>
        %add3A_1015 = arith.addi %select_n3A_91, %add3A_1014 : vector<16xi32>
        %and3A_1016 = arith.andi %and3A_1011, %and3A_136 : vector<16xi1>
        %add3A_1017 = arith.constant -5 : i32
        %add3A_1018 = vector.broadcast %add3A_1017 : i32 to vector<16xi32>
        %add3A_1019 = arith.addi %add3A_1015, %add3A_1018 : vector<16xi32>
        tpu.vector_store_idx %arg7[%add3A_1019], %broadcast_in_dim3A_3 masked %and3A_1016 : memref<25088xf32, #tpu.memory_space<vmem>>[vector<16xi32>], vector<16xf32>, vector<16xi1>
        %and3A_1020 = arith.andi %and3A_1011, %and3A_146 : vector<16xi1>
        %add3A_1021 = arith.constant -4 : i32
        %add3A_1022 = vector.broadcast %add3A_1021 : i32 to vector<16xi32>
        %add3A_1023 = arith.addi %add3A_1015, %add3A_1022 : vector<16xi32>
        tpu.vector_store_idx %arg7[%add3A_1023], %broadcast_in_dim3A_3 masked %and3A_1020 : memref<25088xf32, #tpu.memory_space<vmem>>[vector<16xi32>], vector<16xf32>, vector<16xi1>
        %and3A_1024 = arith.andi %and3A_1011, %and3A_156 : vector<16xi1>
        %add3A_1025 = arith.constant -3 : i32
        %add3A_1026 = vector.broadcast %add3A_1025 : i32 to vector<16xi32>
        %add3A_1027 = arith.addi %add3A_1015, %add3A_1026 : vector<16xi32>
        tpu.vector_store_idx %arg7[%add3A_1027], %broadcast_in_dim3A_3 masked %and3A_1024 : memref<25088xf32, #tpu.memory_space<vmem>>[vector<16xi32>], vector<16xf32>, vector<16xi1>
        %and3A_1028 = arith.andi %and3A_1011, %and3A_166 : vector<16xi1>
        %add3A_1029 = arith.constant -2 : i32
        %add3A_1030 = vector.broadcast %add3A_1029 : i32 to vector<16xi32>
        %add3A_1031 = arith.addi %add3A_1015, %add3A_1030 : vector<16xi32>
        tpu.vector_store_idx %arg7[%add3A_1031], %broadcast_in_dim3A_3 masked %and3A_1028 : memref<25088xf32, #tpu.memory_space<vmem>>[vector<16xi32>], vector<16xf32>, vector<16xi1>
        %and3A_1032 = arith.andi %and3A_1011, %and3A_176 : vector<16xi1>
        %add3A_1033 = arith.constant -1 : i32
        %add3A_1034 = vector.broadcast %add3A_1033 : i32 to vector<16xi32>
        %add3A_1035 = arith.addi %add3A_1015, %add3A_1034 : vector<16xi32>
        tpu.vector_store_idx %arg7[%add3A_1035], %broadcast_in_dim3A_3 masked %and3A_1032 : memref<25088xf32, #tpu.memory_space<vmem>>[vector<16xi32>], vector<16xf32>, vector<16xi1>
        %and3A_1036 = arith.andi %and3A_1011, %and3A_186 : vector<16xi1>
        %add3A_1037 = arith.constant 0 : i32
        %add3A_1038 = vector.broadcast %add3A_1037 : i32 to vector<16xi32>
        %add3A_1039 = arith.addi %add3A_1015, %add3A_1038 : vector<16xi32>
        tpu.vector_store_idx %arg7[%add3A_1039], %broadcast_in_dim3A_3 masked %and3A_1036 : memref<25088xf32, #tpu.memory_space<vmem>>[vector<16xi32>], vector<16xf32>, vector<16xi1>
        %and3A_1040 = arith.andi %and3A_1011, %and3A_196 : vector<16xi1>
        %add3A_1041 = arith.constant 1 : i32
        %add3A_1042 = vector.broadcast %add3A_1041 : i32 to vector<16xi32>
        %add3A_1043 = arith.addi %add3A_1015, %add3A_1042 : vector<16xi32>
        tpu.vector_store_idx %arg7[%add3A_1043], %broadcast_in_dim3A_3 masked %and3A_1040 : memref<25088xf32, #tpu.memory_space<vmem>>[vector<16xi32>], vector<16xf32>, vector<16xi1>
        %and3A_1044 = arith.andi %and3A_1011, %and3A_206 : vector<16xi1>
        %add3A_1045 = arith.constant 2 : i32
        %add3A_1046 = vector.broadcast %add3A_1045 : i32 to vector<16xi32>
        %add3A_1047 = arith.addi %add3A_1015, %add3A_1046 : vector<16xi32>
        tpu.vector_store_idx %arg7[%add3A_1047], %broadcast_in_dim3A_3 masked %and3A_1044 : memref<25088xf32, #tpu.memory_space<vmem>>[vector<16xi32>], vector<16xf32>, vector<16xi1>
        %and3A_1048 = arith.andi %and3A_1011, %and3A_216 : vector<16xi1>
        %add3A_1049 = arith.constant 3 : i32
        %add3A_1050 = vector.broadcast %add3A_1049 : i32 to vector<16xi32>
        %add3A_1051 = arith.addi %add3A_1015, %add3A_1050 : vector<16xi32>
        tpu.vector_store_idx %arg7[%add3A_1051], %broadcast_in_dim3A_3 masked %and3A_1048 : memref<25088xf32, #tpu.memory_space<vmem>>[vector<16xi32>], vector<16xf32>, vector<16xi1>
        %and3A_1052 = arith.andi %and3A_1011, %and3A_226 : vector<16xi1>
        %add3A_1053 = arith.constant 4 : i32
        %add3A_1054 = vector.broadcast %add3A_1053 : i32 to vector<16xi32>
        %add3A_1055 = arith.addi %add3A_1015, %add3A_1054 : vector<16xi32>
        tpu.vector_store_idx %arg7[%add3A_1055], %broadcast_in_dim3A_3 masked %and3A_1052 : memref<25088xf32, #tpu.memory_space<vmem>>[vector<16xi32>], vector<16xf32>, vector<16xi1>
      }
      %scan3A_231 = arith.constant 10 : i32
      %broadcast_in_dim3A_232 = arith.constant 6.000000e-01 : f32
      %broadcast_in_dim3A_233 = vector.broadcast %broadcast_in_dim3A_232 : f32 to vector<16xf32>
      %broadcast_in_dim3A_234 = arith.constant 6.000000e-01 : f32
      %broadcast_in_dim3A_235 = vector.broadcast %broadcast_in_dim3A_234 : f32 to vector<16xf32>
      %broadcast_in_dim3A_236 = arith.constant 6.000000e-01 : f32
      %broadcast_in_dim3A_237 = vector.broadcast %broadcast_in_dim3A_236 : f32 to vector<16xf32>
      %broadcast_in_dim3A_238 = arith.constant 6.000000e-01 : f32
      %broadcast_in_dim3A_239 = vector.broadcast %broadcast_in_dim3A_238 : f32 to vector<16xf32>
      %scan3A_240 = arith.constant 0 : i32
      %scan3A_241 = arith.constant 7 : i32
      %scan3A_242 = arith.addi %scan3A_240, %scan3A_241 : i32
      %scan3A_243 = arith.constant 1 : i32
      %scan3A_244:8 = scf.for %scan3A_1000 = %scan3A_240 to %scan3A_242 step %scan3A_243 iter_args(%scan3A_1001 = %broadcast_in_dim3A_233, %scan3A_1002 = %mul3A_60, %scan3A_1003 = %broadcast_in_dim3A_235, %scan3A_1004 = %mul3A_60, %scan3A_1005 = %broadcast_in_dim3A_237, %scan3A_1006 = %mul3A_60, %scan3A_1007 = %broadcast_in_dim3A_239, %scan3A_1008 = %mul3A_60) -> (vector<16xf32>, vector<16xi32>, vector<16xf32>, vector<16xi32>, vector<16xf32>, vector<16xi32>, vector<16xf32>, vector<16xi32>)  : i32 {
        %mul3A_1009 = arith.constant 28 : i32
        %mul3A_1010 = arith.muli %scan3A_1000, %mul3A_1009 : i32
        %add3A_1011 = vector.broadcast %mul3A_1010 : i32 to vector<16xi32>
        %add3A_1012 = arith.addi %mul3A_60, %add3A_1011 : vector<16xi32>
        %add3A_1013 = arith.constant 0 : i32
        %add3A_1014 = vector.broadcast %add3A_1013 : i32 to vector<16xi32>
        %add3A_1015 = arith.addi %add3A_1012, %add3A_1014 : vector<16xi32>
        %gather3A = tpu.vector_load_idx %arg7[%add3A_1015] : memref<25088xf32, #tpu.memory_space<vmem>>[vector<16xi32>], vector<16xf32>,
        %gt3A_1016 = arith.cmpf ogt, %gather3A, %scan3A_1001 : vector<16xf32>
        %select_n3A_1017 = arith.select %gt3A_1016, %gather3A, %scan3A_1001 : vector<16xi1>, vector<16xf32>
        %select_n3A_1018 = arith.select %gt3A_1016, %add3A_1015, %scan3A_1002 : vector<16xi1>, vector<16xi32>
        %add3A_1019 = arith.constant 1 : i32
        %add3A_1020 = vector.broadcast %add3A_1019 : i32 to vector<16xi32>
        %add3A_1021 = arith.addi %add3A_1012, %add3A_1020 : vector<16xi32>
        %gather3A_1022 = tpu.vector_load_idx %arg7[%add3A_1021] : memref<25088xf32, #tpu.memory_space<vmem>>[vector<16xi32>], vector<16xf32>,
        %gt3A_1023 = arith.cmpf ogt, %gather3A_1022, %scan3A_1003 : vector<16xf32>
        %select_n3A_1024 = arith.select %gt3A_1023, %gather3A_1022, %scan3A_1003 : vector<16xi1>, vector<16xf32>
        %select_n3A_1025 = arith.select %gt3A_1023, %add3A_1021, %scan3A_1004 : vector<16xi1>, vector<16xi32>
        %add3A_1026 = arith.constant 2 : i32
        %add3A_1027 = vector.broadcast %add3A_1026 : i32 to vector<16xi32>
        %add3A_1028 = arith.addi %add3A_1012, %add3A_1027 : vector<16xi32>
        %gather3A_1029 = tpu.vector_load_idx %arg7[%add3A_1028] : memref<25088xf32, #tpu.memory_space<vmem>>[vector<16xi32>], vector<16xf32>,
        %gt3A_1030 = arith.cmpf ogt, %gather3A_1029, %scan3A_1005 : vector<16xf32>
        %select_n3A_1031 = arith.select %gt3A_1030, %gather3A_1029, %scan3A_1005 : vector<16xi1>, vector<16xf32>
        %select_n3A_1032 = arith.select %gt3A_1030, %add3A_1028, %scan3A_1006 : vector<16xi1>, vector<16xi32>
        %add3A_1033 = arith.constant 3 : i32
        %add3A_1034 = vector.broadcast %add3A_1033 : i32 to vector<16xi32>
        %add3A_1035 = arith.addi %add3A_1012, %add3A_1034 : vector<16xi32>
        %gather3A_1036 = tpu.vector_load_idx %arg7[%add3A_1035] : memref<25088xf32, #tpu.memory_space<vmem>>[vector<16xi32>], vector<16xf32>,
        %gt3A_1037 = arith.cmpf ogt, %gather3A_1036, %scan3A_1007 : vector<16xf32>
        %select_n3A_1038 = arith.select %gt3A_1037, %gather3A_1036, %scan3A_1007 : vector<16xi1>, vector<16xf32>
        %select_n3A_1039 = arith.select %gt3A_1037, %add3A_1035, %scan3A_1008 : vector<16xi1>, vector<16xi32>
        %add3A_1040 = arith.constant 4 : i32
        %add3A_1041 = vector.broadcast %add3A_1040 : i32 to vector<16xi32>
        %add3A_1042 = arith.addi %add3A_1012, %add3A_1041 : vector<16xi32>
        %gather3A_1043 = tpu.vector_load_idx %arg7[%add3A_1042] : memref<25088xf32, #tpu.memory_space<vmem>>[vector<16xi32>], vector<16xf32>,
        %gt3A_1044 = arith.cmpf ogt, %gather3A_1043, %select_n3A_1017 : vector<16xf32>
        %select_n3A_1045 = arith.select %gt3A_1044, %gather3A_1043, %select_n3A_1017 : vector<16xi1>, vector<16xf32>
        %select_n3A_1046 = arith.select %gt3A_1044, %add3A_1042, %select_n3A_1018 : vector<16xi1>, vector<16xi32>
        %add3A_1047 = arith.constant 5 : i32
        %add3A_1048 = vector.broadcast %add3A_1047 : i32 to vector<16xi32>
        %add3A_1049 = arith.addi %add3A_1012, %add3A_1048 : vector<16xi32>
        %gather3A_1050 = tpu.vector_load_idx %arg7[%add3A_1049] : memref<25088xf32, #tpu.memory_space<vmem>>[vector<16xi32>], vector<16xf32>,
        %gt3A_1051 = arith.cmpf ogt, %gather3A_1050, %select_n3A_1024 : vector<16xf32>
        %select_n3A_1052 = arith.select %gt3A_1051, %gather3A_1050, %select_n3A_1024 : vector<16xi1>, vector<16xf32>
        %select_n3A_1053 = arith.select %gt3A_1051, %add3A_1049, %select_n3A_1025 : vector<16xi1>, vector<16xi32>
        %add3A_1054 = arith.constant 6 : i32
        %add3A_1055 = vector.broadcast %add3A_1054 : i32 to vector<16xi32>
        %add3A_1056 = arith.addi %add3A_1012, %add3A_1055 : vector<16xi32>
        %gather3A_1057 = tpu.vector_load_idx %arg7[%add3A_1056] : memref<25088xf32, #tpu.memory_space<vmem>>[vector<16xi32>], vector<16xf32>,
        %gt3A_1058 = arith.cmpf ogt, %gather3A_1057, %select_n3A_1031 : vector<16xf32>
        %select_n3A_1059 = arith.select %gt3A_1058, %gather3A_1057, %select_n3A_1031 : vector<16xi1>, vector<16xf32>
        %select_n3A_1060 = arith.select %gt3A_1058, %add3A_1056, %select_n3A_1032 : vector<16xi1>, vector<16xi32>
        %add3A_1061 = arith.constant 7 : i32
        %add3A_1062 = vector.broadcast %add3A_1061 : i32 to vector<16xi32>
        %add3A_1063 = arith.addi %add3A_1012, %add3A_1062 : vector<16xi32>
        %gather3A_1064 = tpu.vector_load_idx %arg7[%add3A_1063] : memref<25088xf32, #tpu.memory_space<vmem>>[vector<16xi32>], vector<16xf32>,
        %gt3A_1065 = arith.cmpf ogt, %gather3A_1064, %select_n3A_1038 : vector<16xf32>
        %select_n3A_1066 = arith.select %gt3A_1065, %gather3A_1064, %select_n3A_1038 : vector<16xi1>, vector<16xf32>
        %select_n3A_1067 = arith.select %gt3A_1065, %add3A_1063, %select_n3A_1039 : vector<16xi1>, vector<16xi32>
        %add3A_1068 = arith.constant 8 : i32
        %add3A_1069 = vector.broadcast %add3A_1068 : i32 to vector<16xi32>
        %add3A_1070 = arith.addi %add3A_1012, %add3A_1069 : vector<16xi32>
        %gather3A_1071 = tpu.vector_load_idx %arg7[%add3A_1070] : memref<25088xf32, #tpu.memory_space<vmem>>[vector<16xi32>], vector<16xf32>,
        %gt3A_1072 = arith.cmpf ogt, %gather3A_1071, %select_n3A_1045 : vector<16xf32>
        %select_n3A_1073 = arith.select %gt3A_1072, %gather3A_1071, %select_n3A_1045 : vector<16xi1>, vector<16xf32>
        %select_n3A_1074 = arith.select %gt3A_1072, %add3A_1070, %select_n3A_1046 : vector<16xi1>, vector<16xi32>
        %add3A_1075 = arith.constant 9 : i32
        %add3A_1076 = vector.broadcast %add3A_1075 : i32 to vector<16xi32>
        %add3A_1077 = arith.addi %add3A_1012, %add3A_1076 : vector<16xi32>
        %gather3A_1078 = tpu.vector_load_idx %arg7[%add3A_1077] : memref<25088xf32, #tpu.memory_space<vmem>>[vector<16xi32>], vector<16xf32>,
        %gt3A_1079 = arith.cmpf ogt, %gather3A_1078, %select_n3A_1052 : vector<16xf32>
        %select_n3A_1080 = arith.select %gt3A_1079, %gather3A_1078, %select_n3A_1052 : vector<16xi1>, vector<16xf32>
        %select_n3A_1081 = arith.select %gt3A_1079, %add3A_1077, %select_n3A_1053 : vector<16xi1>, vector<16xi32>
        %add3A_1082 = arith.constant 10 : i32
        %add3A_1083 = vector.broadcast %add3A_1082 : i32 to vector<16xi32>
        %add3A_1084 = arith.addi %add3A_1012, %add3A_1083 : vector<16xi32>
        %gather3A_1085 = tpu.vector_load_idx %arg7[%add3A_1084] : memref<25088xf32, #tpu.memory_space<vmem>>[vector<16xi32>], vector<16xf32>,
        %gt3A_1086 = arith.cmpf ogt, %gather3A_1085, %select_n3A_1059 : vector<16xf32>
        %select_n3A_1087 = arith.select %gt3A_1086, %gather3A_1085, %select_n3A_1059 : vector<16xi1>, vector<16xf32>
        %select_n3A_1088 = arith.select %gt3A_1086, %add3A_1084, %select_n3A_1060 : vector<16xi1>, vector<16xi32>
        %add3A_1089 = arith.constant 11 : i32
        %add3A_1090 = vector.broadcast %add3A_1089 : i32 to vector<16xi32>
        %add3A_1091 = arith.addi %add3A_1012, %add3A_1090 : vector<16xi32>
        %gather3A_1092 = tpu.vector_load_idx %arg7[%add3A_1091] : memref<25088xf32, #tpu.memory_space<vmem>>[vector<16xi32>], vector<16xf32>,
        %gt3A_1093 = arith.cmpf ogt, %gather3A_1092, %select_n3A_1066 : vector<16xf32>
        %select_n3A_1094 = arith.select %gt3A_1093, %gather3A_1092, %select_n3A_1066 : vector<16xi1>, vector<16xf32>
        %select_n3A_1095 = arith.select %gt3A_1093, %add3A_1091, %select_n3A_1067 : vector<16xi1>, vector<16xi32>
        %add3A_1096 = arith.constant 12 : i32
        %add3A_1097 = vector.broadcast %add3A_1096 : i32 to vector<16xi32>
        %add3A_1098 = arith.addi %add3A_1012, %add3A_1097 : vector<16xi32>
        %gather3A_1099 = tpu.vector_load_idx %arg7[%add3A_1098] : memref<25088xf32, #tpu.memory_space<vmem>>[vector<16xi32>], vector<16xf32>,
        %gt3A_1100 = arith.cmpf ogt, %gather3A_1099, %select_n3A_1073 : vector<16xf32>
        %select_n3A_1101 = arith.select %gt3A_1100, %gather3A_1099, %select_n3A_1073 : vector<16xi1>, vector<16xf32>
        %select_n3A_1102 = arith.select %gt3A_1100, %add3A_1098, %select_n3A_1074 : vector<16xi1>, vector<16xi32>
        %add3A_1103 = arith.constant 13 : i32
        %add3A_1104 = vector.broadcast %add3A_1103 : i32 to vector<16xi32>
        %add3A_1105 = arith.addi %add3A_1012, %add3A_1104 : vector<16xi32>
        %gather3A_1106 = tpu.vector_load_idx %arg7[%add3A_1105] : memref<25088xf32, #tpu.memory_space<vmem>>[vector<16xi32>], vector<16xf32>,
        %gt3A_1107 = arith.cmpf ogt, %gather3A_1106, %select_n3A_1080 : vector<16xf32>
        %select_n3A_1108 = arith.select %gt3A_1107, %gather3A_1106, %select_n3A_1080 : vector<16xi1>, vector<16xf32>
        %select_n3A_1109 = arith.select %gt3A_1107, %add3A_1105, %select_n3A_1081 : vector<16xi1>, vector<16xi32>
        %add3A_1110 = arith.constant 14 : i32
        %add3A_1111 = vector.broadcast %add3A_1110 : i32 to vector<16xi32>
        %add3A_1112 = arith.addi %add3A_1012, %add3A_1111 : vector<16xi32>
        %gather3A_1113 = tpu.vector_load_idx %arg7[%add3A_1112] : memref<25088xf32, #tpu.memory_space<vmem>>[vector<16xi32>], vector<16xf32>,
        %gt3A_1114 = arith.cmpf ogt, %gather3A_1113, %select_n3A_1087 : vector<16xf32>
        %select_n3A_1115 = arith.select %gt3A_1114, %gather3A_1113, %select_n3A_1087 : vector<16xi1>, vector<16xf32>
        %select_n3A_1116 = arith.select %gt3A_1114, %add3A_1112, %select_n3A_1088 : vector<16xi1>, vector<16xi32>
        %add3A_1117 = arith.constant 15 : i32
        %add3A_1118 = vector.broadcast %add3A_1117 : i32 to vector<16xi32>
        %add3A_1119 = arith.addi %add3A_1012, %add3A_1118 : vector<16xi32>
        %gather3A_1120 = tpu.vector_load_idx %arg7[%add3A_1119] : memref<25088xf32, #tpu.memory_space<vmem>>[vector<16xi32>], vector<16xf32>,
        %gt3A_1121 = arith.cmpf ogt, %gather3A_1120, %select_n3A_1094 : vector<16xf32>
        %select_n3A_1122 = arith.select %gt3A_1121, %gather3A_1120, %select_n3A_1094 : vector<16xi1>, vector<16xf32>
        %select_n3A_1123 = arith.select %gt3A_1121, %add3A_1119, %select_n3A_1095 : vector<16xi1>, vector<16xi32>
        %add3A_1124 = arith.constant 16 : i32
        %add3A_1125 = vector.broadcast %add3A_1124 : i32 to vector<16xi32>
        %add3A_1126 = arith.addi %add3A_1012, %add3A_1125 : vector<16xi32>
        %gather3A_1127 = tpu.vector_load_idx %arg7[%add3A_1126] : memref<25088xf32, #tpu.memory_space<vmem>>[vector<16xi32>], vector<16xf32>,
        %gt3A_1128 = arith.cmpf ogt, %gather3A_1127, %select_n3A_1101 : vector<16xf32>
        %select_n3A_1129 = arith.select %gt3A_1128, %gather3A_1127, %select_n3A_1101 : vector<16xi1>, vector<16xf32>
        %select_n3A_1130 = arith.select %gt3A_1128, %add3A_1126, %select_n3A_1102 : vector<16xi1>, vector<16xi32>
        %add3A_1131 = arith.constant 17 : i32
        %add3A_1132 = vector.broadcast %add3A_1131 : i32 to vector<16xi32>
        %add3A_1133 = arith.addi %add3A_1012, %add3A_1132 : vector<16xi32>
        %gather3A_1134 = tpu.vector_load_idx %arg7[%add3A_1133] : memref<25088xf32, #tpu.memory_space<vmem>>[vector<16xi32>], vector<16xf32>,
        %gt3A_1135 = arith.cmpf ogt, %gather3A_1134, %select_n3A_1108 : vector<16xf32>
        %select_n3A_1136 = arith.select %gt3A_1135, %gather3A_1134, %select_n3A_1108 : vector<16xi1>, vector<16xf32>
        %select_n3A_1137 = arith.select %gt3A_1135, %add3A_1133, %select_n3A_1109 : vector<16xi1>, vector<16xi32>
        %add3A_1138 = arith.constant 18 : i32
        %add3A_1139 = vector.broadcast %add3A_1138 : i32 to vector<16xi32>
        %add3A_1140 = arith.addi %add3A_1012, %add3A_1139 : vector<16xi32>
        %gather3A_1141 = tpu.vector_load_idx %arg7[%add3A_1140] : memref<25088xf32, #tpu.memory_space<vmem>>[vector<16xi32>], vector<16xf32>,
        %gt3A_1142 = arith.cmpf ogt, %gather3A_1141, %select_n3A_1115 : vector<16xf32>
        %select_n3A_1143 = arith.select %gt3A_1142, %gather3A_1141, %select_n3A_1115 : vector<16xi1>, vector<16xf32>
        %select_n3A_1144 = arith.select %gt3A_1142, %add3A_1140, %select_n3A_1116 : vector<16xi1>, vector<16xi32>
        %add3A_1145 = arith.constant 19 : i32
        %add3A_1146 = vector.broadcast %add3A_1145 : i32 to vector<16xi32>
        %add3A_1147 = arith.addi %add3A_1012, %add3A_1146 : vector<16xi32>
        %gather3A_1148 = tpu.vector_load_idx %arg7[%add3A_1147] : memref<25088xf32, #tpu.memory_space<vmem>>[vector<16xi32>], vector<16xf32>,
        %gt3A_1149 = arith.cmpf ogt, %gather3A_1148, %select_n3A_1122 : vector<16xf32>
        %select_n3A_1150 = arith.select %gt3A_1149, %gather3A_1148, %select_n3A_1122 : vector<16xi1>, vector<16xf32>
        %select_n3A_1151 = arith.select %gt3A_1149, %add3A_1147, %select_n3A_1123 : vector<16xi1>, vector<16xi32>
        %add3A_1152 = arith.constant 20 : i32
        %add3A_1153 = vector.broadcast %add3A_1152 : i32 to vector<16xi32>
        %add3A_1154 = arith.addi %add3A_1012, %add3A_1153 : vector<16xi32>
        %gather3A_1155 = tpu.vector_load_idx %arg7[%add3A_1154] : memref<25088xf32, #tpu.memory_space<vmem>>[vector<16xi32>], vector<16xf32>,
        %gt3A_1156 = arith.cmpf ogt, %gather3A_1155, %select_n3A_1129 : vector<16xf32>
        %select_n3A_1157 = arith.select %gt3A_1156, %gather3A_1155, %select_n3A_1129 : vector<16xi1>, vector<16xf32>
        %select_n3A_1158 = arith.select %gt3A_1156, %add3A_1154, %select_n3A_1130 : vector<16xi1>, vector<16xi32>
        %add3A_1159 = arith.constant 21 : i32
        %add3A_1160 = vector.broadcast %add3A_1159 : i32 to vector<16xi32>
        %add3A_1161 = arith.addi %add3A_1012, %add3A_1160 : vector<16xi32>
        %gather3A_1162 = tpu.vector_load_idx %arg7[%add3A_1161] : memref<25088xf32, #tpu.memory_space<vmem>>[vector<16xi32>], vector<16xf32>,
        %gt3A_1163 = arith.cmpf ogt, %gather3A_1162, %select_n3A_1136 : vector<16xf32>
        %select_n3A_1164 = arith.select %gt3A_1163, %gather3A_1162, %select_n3A_1136 : vector<16xi1>, vector<16xf32>
        %select_n3A_1165 = arith.select %gt3A_1163, %add3A_1161, %select_n3A_1137 : vector<16xi1>, vector<16xi32>
        %add3A_1166 = arith.constant 22 : i32
        %add3A_1167 = vector.broadcast %add3A_1166 : i32 to vector<16xi32>
        %add3A_1168 = arith.addi %add3A_1012, %add3A_1167 : vector<16xi32>
        %gather3A_1169 = tpu.vector_load_idx %arg7[%add3A_1168] : memref<25088xf32, #tpu.memory_space<vmem>>[vector<16xi32>], vector<16xf32>,
        %gt3A_1170 = arith.cmpf ogt, %gather3A_1169, %select_n3A_1143 : vector<16xf32>
        %select_n3A_1171 = arith.select %gt3A_1170, %gather3A_1169, %select_n3A_1143 : vector<16xi1>, vector<16xf32>
        %select_n3A_1172 = arith.select %gt3A_1170, %add3A_1168, %select_n3A_1144 : vector<16xi1>, vector<16xi32>
        %add3A_1173 = arith.constant 23 : i32
        %add3A_1174 = vector.broadcast %add3A_1173 : i32 to vector<16xi32>
        %add3A_1175 = arith.addi %add3A_1012, %add3A_1174 : vector<16xi32>
        %gather3A_1176 = tpu.vector_load_idx %arg7[%add3A_1175] : memref<25088xf32, #tpu.memory_space<vmem>>[vector<16xi32>], vector<16xf32>,
        %gt3A_1177 = arith.cmpf ogt, %gather3A_1176, %select_n3A_1150 : vector<16xf32>
        %select_n3A_1178 = arith.select %gt3A_1177, %gather3A_1176, %select_n3A_1150 : vector<16xi1>, vector<16xf32>
        %select_n3A_1179 = arith.select %gt3A_1177, %add3A_1175, %select_n3A_1151 : vector<16xi1>, vector<16xi32>
        %add3A_1180 = arith.constant 24 : i32
        %add3A_1181 = vector.broadcast %add3A_1180 : i32 to vector<16xi32>
        %add3A_1182 = arith.addi %add3A_1012, %add3A_1181 : vector<16xi32>
        %gather3A_1183 = tpu.vector_load_idx %arg7[%add3A_1182] : memref<25088xf32, #tpu.memory_space<vmem>>[vector<16xi32>], vector<16xf32>,
        %gt3A_1184 = arith.cmpf ogt, %gather3A_1183, %select_n3A_1157 : vector<16xf32>
        %select_n3A_1185 = arith.select %gt3A_1184, %gather3A_1183, %select_n3A_1157 : vector<16xi1>, vector<16xf32>
        %select_n3A_1186 = arith.select %gt3A_1184, %add3A_1182, %select_n3A_1158 : vector<16xi1>, vector<16xi32>
        %add3A_1187 = arith.constant 25 : i32
        %add3A_1188 = vector.broadcast %add3A_1187 : i32 to vector<16xi32>
        %add3A_1189 = arith.addi %add3A_1012, %add3A_1188 : vector<16xi32>
        %gather3A_1190 = tpu.vector_load_idx %arg7[%add3A_1189] : memref<25088xf32, #tpu.memory_space<vmem>>[vector<16xi32>], vector<16xf32>,
        %gt3A_1191 = arith.cmpf ogt, %gather3A_1190, %select_n3A_1164 : vector<16xf32>
        %select_n3A_1192 = arith.select %gt3A_1191, %gather3A_1190, %select_n3A_1164 : vector<16xi1>, vector<16xf32>
        %select_n3A_1193 = arith.select %gt3A_1191, %add3A_1189, %select_n3A_1165 : vector<16xi1>, vector<16xi32>
        %add3A_1194 = arith.constant 26 : i32
        %add3A_1195 = vector.broadcast %add3A_1194 : i32 to vector<16xi32>
        %add3A_1196 = arith.addi %add3A_1012, %add3A_1195 : vector<16xi32>
        %gather3A_1197 = tpu.vector_load_idx %arg7[%add3A_1196] : memref<25088xf32, #tpu.memory_space<vmem>>[vector<16xi32>], vector<16xf32>,
        %gt3A_1198 = arith.cmpf ogt, %gather3A_1197, %select_n3A_1171 : vector<16xf32>
        %select_n3A_1199 = arith.select %gt3A_1198, %gather3A_1197, %select_n3A_1171 : vector<16xi1>, vector<16xf32>
        %select_n3A_1200 = arith.select %gt3A_1198, %add3A_1196, %select_n3A_1172 : vector<16xi1>, vector<16xi32>
        %add3A_1201 = arith.constant 27 : i32
        %add3A_1202 = vector.broadcast %add3A_1201 : i32 to vector<16xi32>
        %add3A_1203 = arith.addi %add3A_1012, %add3A_1202 : vector<16xi32>
        %gather3A_1204 = tpu.vector_load_idx %arg7[%add3A_1203] : memref<25088xf32, #tpu.memory_space<vmem>>[vector<16xi32>], vector<16xf32>,
        %gt3A_1205 = arith.cmpf ogt, %gather3A_1204, %select_n3A_1178 : vector<16xf32>
        %select_n3A_1206 = arith.select %gt3A_1205, %gather3A_1204, %select_n3A_1178 : vector<16xi1>, vector<16xf32>
        %select_n3A_1207 = arith.select %gt3A_1205, %add3A_1203, %select_n3A_1179 : vector<16xi1>, vector<16xi32>
        scf.yield %select_n3A_1185, %select_n3A_1186, %select_n3A_1192, %select_n3A_1193, %select_n3A_1199, %select_n3A_1200, %select_n3A_1206, %select_n3A_1207 : vector<16xf32>, vector<16xi32>, vector<16xf32>, vector<16xi32>, vector<16xf32>, vector<16xi32>, vector<16xf32>, vector<16xi32>
      }
      %scan3A_245 = arith.constant 7 : i32
      %gt3A_246 = arith.cmpf ogt, %scan3A_244#2, %scan3A_244#0 : vector<16xf32>
      %eq3A_247 = arith.cmpf oeq, %scan3A_244#2, %scan3A_244#0 : vector<16xf32>
      %lt3A_248 = arith.cmpi slt, %scan3A_244#3, %scan3A_244#1 : vector<16xi32>
      %and3A_249 = arith.andi %eq3A_247, %lt3A_248 : vector<16xi1>
      %or3A_250 = arith.ori %gt3A_246, %and3A_249 : vector<16xi1>
      %select_n3A_251 = arith.select %or3A_250, %scan3A_244#2, %scan3A_244#0 : vector<16xi1>, vector<16xf32>
      %select_n3A_252 = arith.select %or3A_250, %scan3A_244#3, %scan3A_244#1 : vector<16xi1>, vector<16xi32>
      %gt3A_253 = arith.cmpf ogt, %scan3A_244#6, %scan3A_244#4 : vector<16xf32>
      %eq3A_254 = arith.cmpf oeq, %scan3A_244#6, %scan3A_244#4 : vector<16xf32>
      %lt3A_255 = arith.cmpi slt, %scan3A_244#7, %scan3A_244#5 : vector<16xi32>
      %and3A_256 = arith.andi %eq3A_254, %lt3A_255 : vector<16xi1>
      %or3A_257 = arith.ori %gt3A_253, %and3A_256 : vector<16xi1>
      %select_n3A_258 = arith.select %or3A_257, %scan3A_244#6, %scan3A_244#4 : vector<16xi1>, vector<16xf32>
      %select_n3A_259 = arith.select %or3A_257, %scan3A_244#7, %scan3A_244#5 : vector<16xi1>, vector<16xi32>
      %gt3A_260 = arith.cmpf ogt, %select_n3A_258, %select_n3A_251 : vector<16xf32>
      %eq3A_261 = arith.cmpf oeq, %select_n3A_258, %select_n3A_251 : vector<16xf32>
      %lt3A_262 = arith.cmpi slt, %select_n3A_259, %select_n3A_252 : vector<16xi32>
      %and3A_263 = arith.andi %eq3A_261, %lt3A_262 : vector<16xi1>
      %or3A_264 = arith.ori %gt3A_260, %and3A_263 : vector<16xi1>
      %select_n3A_265 = arith.select %or3A_264, %select_n3A_258, %select_n3A_251 : vector<16xi1>, vector<16xf32>
      %select_n3A_266 = arith.select %or3A_264, %select_n3A_259, %select_n3A_252 : vector<16xi1>, vector<16xi32>
      %sub3A_267 = arith.subi %select_n3A_266, %mul3A_60 : vector<16xi32>
      %jit3A_268 = arith.constant 14 : i32
      %div3A_269 = vector.broadcast %jit3A_268 : i32 to vector<16xi32>
      %div3A_270 = arith.divsi %sub3A_267, %div3A_269 : vector<16xi32>
      %sign3A_271 = arith.constant 0 : i32
      %sign3A_272 = vector.broadcast %sign3A_271 : i32 to vector<16xi32>
      %sign3A_273 = arith.cmpi sgt, %sub3A_267, %sign3A_272 : vector<16xi32>
      %sign3A_274 = arith.extui %sign3A_273 : vector<16xi1> to vector<16xi32>
      %sign3A_275 = arith.constant 0 : i32
      %sign3A_276 = vector.broadcast %sign3A_275 : i32 to vector<16xi32>
      %sign3A_277 = arith.cmpi slt, %sub3A_267, %sign3A_276 : vector<16xi32>
      %sign3A_278 = arith.extui %sign3A_277 : vector<16xi1> to vector<16xi32>
      %sign3A_279 = arith.subi %sign3A_274, %sign3A_278 : vector<16xi32>
      %sign3A_280 = arith.constant 0 : i32
      %sign3A_281 = arith.cmpi sgt, %jit3A_268, %sign3A_280 : i32
      %sign3A_282 = arith.extui %sign3A_281 : i1 to i32
      %sign3A_283 = arith.constant 0 : i32
      %sign3A_284 = arith.cmpi slt, %jit3A_268, %sign3A_283 : i32
      %sign3A_285 = arith.extui %sign3A_284 : i1 to i32
      %sign3A_286 = arith.subi %sign3A_282, %sign3A_285 : i32
      %ne3A_287 = vector.broadcast %sign3A_286 : i32 to vector<16xi32>
      %ne3A_288 = arith.cmpi ne, %sign3A_279, %ne3A_287 : vector<16xi32>
      %rem3A_289 = vector.broadcast %jit3A_268 : i32 to vector<16xi32>
      %rem3A_290 = arith.remsi %sub3A_267, %rem3A_289 : vector<16xi32>
      %ne3A_291 = arith.constant 0 : i32
      %ne3A_292 = vector.broadcast %ne3A_291 : i32 to vector<16xi32>
      %ne3A_293 = arith.cmpi ne, %rem3A_290, %ne3A_292 : vector<16xi32>
      %and3A_294 = arith.andi %ne3A_288, %ne3A_293 : vector<16xi1>
      %sub3A_295 = arith.constant 1 : i32
      %sub3A_296 = vector.broadcast %sub3A_295 : i32 to vector<16xi32>
      %sub3A_297 = arith.subi %div3A_270, %sub3A_296 : vector<16xi32>
      %select_n3A_298 = arith.select %and3A_294, %sub3A_297, %div3A_270 : vector<16xi1>, vector<16xi32>
      %mul3A_299 = arith.constant 14 : i32
      %mul3A_300 = vector.broadcast %mul3A_299 : i32 to vector<16xi32>
      %mul3A_301 = arith.muli %select_n3A_298, %mul3A_300 : vector<16xi32>
      %sub3A_302 = arith.subi %sub3A_267, %mul3A_301 : vector<16xi32>
      %add3A_303 = arith.constant -5 : i32
      %add3A_304 = vector.broadcast %add3A_303 : i32 to vector<16xi32>
      %add3A_305 = arith.addi %sub3A_302, %add3A_304 : vector<16xi32>
      %ge3A_306 = arith.constant 0 : i32
      %ge3A_307 = vector.broadcast %ge3A_306 : i32 to vector<16xi32>
      %ge3A_308 = arith.cmpi sge, %add3A_305, %ge3A_307 : vector<16xi32>
      %lt3A_309 = arith.constant 14 : i32
      %lt3A_310 = vector.broadcast %lt3A_309 : i32 to vector<16xi32>
      %lt3A_311 = arith.cmpi slt, %add3A_305, %lt3A_310 : vector<16xi32>
      %and3A_312 = arith.andi %ge3A_308, %lt3A_311 : vector<16xi1>
      %add3A_313 = arith.constant -4 : i32
      %add3A_314 = vector.broadcast %add3A_313 : i32 to vector<16xi32>
      %add3A_315 = arith.addi %sub3A_302, %add3A_314 : vector<16xi32>
      %ge3A_316 = arith.constant 0 : i32
      %ge3A_317 = vector.broadcast %ge3A_316 : i32 to vector<16xi32>
      %ge3A_318 = arith.cmpi sge, %add3A_315, %ge3A_317 : vector<16xi32>
      %lt3A_319 = arith.constant 14 : i32
      %lt3A_320 = vector.broadcast %lt3A_319 : i32 to vector<16xi32>
      %lt3A_321 = arith.cmpi slt, %add3A_315, %lt3A_320 : vector<16xi32>
      %and3A_322 = arith.andi %ge3A_318, %lt3A_321 : vector<16xi1>
      %add3A_323 = arith.constant -3 : i32
      %add3A_324 = vector.broadcast %add3A_323 : i32 to vector<16xi32>
      %add3A_325 = arith.addi %sub3A_302, %add3A_324 : vector<16xi32>
      %ge3A_326 = arith.constant 0 : i32
      %ge3A_327 = vector.broadcast %ge3A_326 : i32 to vector<16xi32>
      %ge3A_328 = arith.cmpi sge, %add3A_325, %ge3A_327 : vector<16xi32>
      %lt3A_329 = arith.constant 14 : i32
      %lt3A_330 = vector.broadcast %lt3A_329 : i32 to vector<16xi32>
      %lt3A_331 = arith.cmpi slt, %add3A_325, %lt3A_330 : vector<16xi32>
      %and3A_332 = arith.andi %ge3A_328, %lt3A_331 : vector<16xi1>
      %add3A_333 = arith.constant -2 : i32
      %add3A_334 = vector.broadcast %add3A_333 : i32 to vector<16xi32>
      %add3A_335 = arith.addi %sub3A_302, %add3A_334 : vector<16xi32>
      %ge3A_336 = arith.constant 0 : i32
      %ge3A_337 = vector.broadcast %ge3A_336 : i32 to vector<16xi32>
      %ge3A_338 = arith.cmpi sge, %add3A_335, %ge3A_337 : vector<16xi32>
      %lt3A_339 = arith.constant 14 : i32
      %lt3A_340 = vector.broadcast %lt3A_339 : i32 to vector<16xi32>
      %lt3A_341 = arith.cmpi slt, %add3A_335, %lt3A_340 : vector<16xi32>
      %and3A_342 = arith.andi %ge3A_338, %lt3A_341 : vector<16xi1>
      %add3A_343 = arith.constant -1 : i32
      %add3A_344 = vector.broadcast %add3A_343 : i32 to vector<16xi32>
      %add3A_345 = arith.addi %sub3A_302, %add3A_344 : vector<16xi32>
      %ge3A_346 = arith.constant 0 : i32
      %ge3A_347 = vector.broadcast %ge3A_346 : i32 to vector<16xi32>
      %ge3A_348 = arith.cmpi sge, %add3A_345, %ge3A_347 : vector<16xi32>
      %lt3A_349 = arith.constant 14 : i32
      %lt3A_350 = vector.broadcast %lt3A_349 : i32 to vector<16xi32>
      %lt3A_351 = arith.cmpi slt, %add3A_345, %lt3A_350 : vector<16xi32>
      %and3A_352 = arith.andi %ge3A_348, %lt3A_351 : vector<16xi1>
      %add3A_353 = arith.constant 0 : i32
      %add3A_354 = vector.broadcast %add3A_353 : i32 to vector<16xi32>
      %add3A_355 = arith.addi %sub3A_302, %add3A_354 : vector<16xi32>
      %ge3A_356 = arith.constant 0 : i32
      %ge3A_357 = vector.broadcast %ge3A_356 : i32 to vector<16xi32>
      %ge3A_358 = arith.cmpi sge, %add3A_355, %ge3A_357 : vector<16xi32>
      %lt3A_359 = arith.constant 14 : i32
      %lt3A_360 = vector.broadcast %lt3A_359 : i32 to vector<16xi32>
      %lt3A_361 = arith.cmpi slt, %add3A_355, %lt3A_360 : vector<16xi32>
      %and3A_362 = arith.andi %ge3A_358, %lt3A_361 : vector<16xi1>
      %add3A_363 = arith.constant 1 : i32
      %add3A_364 = vector.broadcast %add3A_363 : i32 to vector<16xi32>
      %add3A_365 = arith.addi %sub3A_302, %add3A_364 : vector<16xi32>
      %ge3A_366 = arith.constant 0 : i32
      %ge3A_367 = vector.broadcast %ge3A_366 : i32 to vector<16xi32>
      %ge3A_368 = arith.cmpi sge, %add3A_365, %ge3A_367 : vector<16xi32>
      %lt3A_369 = arith.constant 14 : i32
      %lt3A_370 = vector.broadcast %lt3A_369 : i32 to vector<16xi32>
      %lt3A_371 = arith.cmpi slt, %add3A_365, %lt3A_370 : vector<16xi32>
      %and3A_372 = arith.andi %ge3A_368, %lt3A_371 : vector<16xi1>
      %add3A_373 = arith.constant 2 : i32
      %add3A_374 = vector.broadcast %add3A_373 : i32 to vector<16xi32>
      %add3A_375 = arith.addi %sub3A_302, %add3A_374 : vector<16xi32>
      %ge3A_376 = arith.constant 0 : i32
      %ge3A_377 = vector.broadcast %ge3A_376 : i32 to vector<16xi32>
      %ge3A_378 = arith.cmpi sge, %add3A_375, %ge3A_377 : vector<16xi32>
      %lt3A_379 = arith.constant 14 : i32
      %lt3A_380 = vector.broadcast %lt3A_379 : i32 to vector<16xi32>
      %lt3A_381 = arith.cmpi slt, %add3A_375, %lt3A_380 : vector<16xi32>
      %and3A_382 = arith.andi %ge3A_378, %lt3A_381 : vector<16xi1>
      %add3A_383 = arith.constant 3 : i32
      %add3A_384 = vector.broadcast %add3A_383 : i32 to vector<16xi32>
      %add3A_385 = arith.addi %sub3A_302, %add3A_384 : vector<16xi32>
      %ge3A_386 = arith.constant 0 : i32
      %ge3A_387 = vector.broadcast %ge3A_386 : i32 to vector<16xi32>
      %ge3A_388 = arith.cmpi sge, %add3A_385, %ge3A_387 : vector<16xi32>
      %lt3A_389 = arith.constant 14 : i32
      %lt3A_390 = vector.broadcast %lt3A_389 : i32 to vector<16xi32>
      %lt3A_391 = arith.cmpi slt, %add3A_385, %lt3A_390 : vector<16xi32>
      %and3A_392 = arith.andi %ge3A_388, %lt3A_391 : vector<16xi1>
      %add3A_393 = arith.constant 4 : i32
      %add3A_394 = vector.broadcast %add3A_393 : i32 to vector<16xi32>
      %add3A_395 = arith.addi %sub3A_302, %add3A_394 : vector<16xi32>
      %ge3A_396 = arith.constant 0 : i32
      %ge3A_397 = vector.broadcast %ge3A_396 : i32 to vector<16xi32>
      %ge3A_398 = arith.cmpi sge, %add3A_395, %ge3A_397 : vector<16xi32>
      %lt3A_399 = arith.constant 14 : i32
      %lt3A_400 = vector.broadcast %lt3A_399 : i32 to vector<16xi32>
      %lt3A_401 = arith.cmpi slt, %add3A_395, %lt3A_400 : vector<16xi32>
      %and3A_402 = arith.andi %ge3A_398, %lt3A_401 : vector<16xi1>
      %scan3A_403 = arith.constant 0 : i32
      %scan3A_404 = arith.constant 10 : i32
      %scan3A_405 = arith.addi %scan3A_403, %scan3A_404 : i32
      %scan3A_406 = arith.constant 1 : i32
      scf.for %scan3A_1000 = %scan3A_403 to %scan3A_405 step %scan3A_406  : i32 {
        %sub3A_1001 = arith.constant 5 : i32
        %sub3A_1002 = arith.subi %scan3A_1000, %sub3A_1001 : i32
        %add3A_1003 = vector.broadcast %sub3A_1002 : i32 to vector<16xi32>
        %add3A_1004 = arith.addi %select_n3A_298, %add3A_1003 : vector<16xi32>
        %ge3A_1005 = arith.constant 0 : i32
        %ge3A_1006 = vector.broadcast %ge3A_1005 : i32 to vector<16xi32>
        %ge3A_1007 = arith.cmpi sge, %add3A_1004, %ge3A_1006 : vector<16xi32>
        %lt3A_1008 = arith.constant 14 : i32
        %lt3A_1009 = vector.broadcast %lt3A_1008 : i32 to vector<16xi32>
        %lt3A_1010 = arith.cmpi slt, %add3A_1004, %lt3A_1009 : vector<16xi32>
        %and3A_1011 = arith.andi %ge3A_1007, %lt3A_1010 : vector<16xi1>
        %mul3A_1012 = arith.constant 14 : i32
        %mul3A_1013 = arith.muli %sub3A_1002, %mul3A_1012 : i32
        %add3A_1014 = vector.broadcast %mul3A_1013 : i32 to vector<16xi32>
        %add3A_1015 = arith.addi %select_n3A_266, %add3A_1014 : vector<16xi32>
        %and3A_1016 = arith.andi %and3A_1011, %and3A_312 : vector<16xi1>
        %add3A_1017 = arith.constant -5 : i32
        %add3A_1018 = vector.broadcast %add3A_1017 : i32 to vector<16xi32>
        %add3A_1019 = arith.addi %add3A_1015, %add3A_1018 : vector<16xi32>
        tpu.vector_store_idx %arg7[%add3A_1019], %broadcast_in_dim3A_3 masked %and3A_1016 : memref<25088xf32, #tpu.memory_space<vmem>>[vector<16xi32>], vector<16xf32>, vector<16xi1>
        %and3A_1020 = arith.andi %and3A_1011, %and3A_322 : vector<16xi1>
        %add3A_1021 = arith.constant -4 : i32
        %add3A_1022 = vector.broadcast %add3A_1021 : i32 to vector<16xi32>
        %add3A_1023 = arith.addi %add3A_1015, %add3A_1022 : vector<16xi32>
        tpu.vector_store_idx %arg7[%add3A_1023], %broadcast_in_dim3A_3 masked %and3A_1020 : memref<25088xf32, #tpu.memory_space<vmem>>[vector<16xi32>], vector<16xf32>, vector<16xi1>
        %and3A_1024 = arith.andi %and3A_1011, %and3A_332 : vector<16xi1>
        %add3A_1025 = arith.constant -3 : i32
        %add3A_1026 = vector.broadcast %add3A_1025 : i32 to vector<16xi32>
        %add3A_1027 = arith.addi %add3A_1015, %add3A_1026 : vector<16xi32>
        tpu.vector_store_idx %arg7[%add3A_1027], %broadcast_in_dim3A_3 masked %and3A_1024 : memref<25088xf32, #tpu.memory_space<vmem>>[vector<16xi32>], vector<16xf32>, vector<16xi1>
        %and3A_1028 = arith.andi %and3A_1011, %and3A_342 : vector<16xi1>
        %add3A_1029 = arith.constant -2 : i32
        %add3A_1030 = vector.broadcast %add3A_1029 : i32 to vector<16xi32>
        %add3A_1031 = arith.addi %add3A_1015, %add3A_1030 : vector<16xi32>
        tpu.vector_store_idx %arg7[%add3A_1031], %broadcast_in_dim3A_3 masked %and3A_1028 : memref<25088xf32, #tpu.memory_space<vmem>>[vector<16xi32>], vector<16xf32>, vector<16xi1>
        %and3A_1032 = arith.andi %and3A_1011, %and3A_352 : vector<16xi1>
        %add3A_1033 = arith.constant -1 : i32
        %add3A_1034 = vector.broadcast %add3A_1033 : i32 to vector<16xi32>
        %add3A_1035 = arith.addi %add3A_1015, %add3A_1034 : vector<16xi32>
        tpu.vector_store_idx %arg7[%add3A_1035], %broadcast_in_dim3A_3 masked %and3A_1032 : memref<25088xf32, #tpu.memory_space<vmem>>[vector<16xi32>], vector<16xf32>, vector<16xi1>
        %and3A_1036 = arith.andi %and3A_1011, %and3A_362 : vector<16xi1>
        %add3A_1037 = arith.constant 0 : i32
        %add3A_1038 = vector.broadcast %add3A_1037 : i32 to vector<16xi32>
        %add3A_1039 = arith.addi %add3A_1015, %add3A_1038 : vector<16xi32>
        tpu.vector_store_idx %arg7[%add3A_1039], %broadcast_in_dim3A_3 masked %and3A_1036 : memref<25088xf32, #tpu.memory_space<vmem>>[vector<16xi32>], vector<16xf32>, vector<16xi1>
        %and3A_1040 = arith.andi %and3A_1011, %and3A_372 : vector<16xi1>
        %add3A_1041 = arith.constant 1 : i32
        %add3A_1042 = vector.broadcast %add3A_1041 : i32 to vector<16xi32>
        %add3A_1043 = arith.addi %add3A_1015, %add3A_1042 : vector<16xi32>
        tpu.vector_store_idx %arg7[%add3A_1043], %broadcast_in_dim3A_3 masked %and3A_1040 : memref<25088xf32, #tpu.memory_space<vmem>>[vector<16xi32>], vector<16xf32>, vector<16xi1>
        %and3A_1044 = arith.andi %and3A_1011, %and3A_382 : vector<16xi1>
        %add3A_1045 = arith.constant 2 : i32
        %add3A_1046 = vector.broadcast %add3A_1045 : i32 to vector<16xi32>
        %add3A_1047 = arith.addi %add3A_1015, %add3A_1046 : vector<16xi32>
        tpu.vector_store_idx %arg7[%add3A_1047], %broadcast_in_dim3A_3 masked %and3A_1044 : memref<25088xf32, #tpu.memory_space<vmem>>[vector<16xi32>], vector<16xf32>, vector<16xi1>
        %and3A_1048 = arith.andi %and3A_1011, %and3A_392 : vector<16xi1>
        %add3A_1049 = arith.constant 3 : i32
        %add3A_1050 = vector.broadcast %add3A_1049 : i32 to vector<16xi32>
        %add3A_1051 = arith.addi %add3A_1015, %add3A_1050 : vector<16xi32>
        tpu.vector_store_idx %arg7[%add3A_1051], %broadcast_in_dim3A_3 masked %and3A_1048 : memref<25088xf32, #tpu.memory_space<vmem>>[vector<16xi32>], vector<16xf32>, vector<16xi1>
        %and3A_1052 = arith.andi %and3A_1011, %and3A_402 : vector<16xi1>
        %add3A_1053 = arith.constant 4 : i32
        %add3A_1054 = vector.broadcast %add3A_1053 : i32 to vector<16xi32>
        %add3A_1055 = arith.addi %add3A_1015, %add3A_1054 : vector<16xi32>
        tpu.vector_store_idx %arg7[%add3A_1055], %broadcast_in_dim3A_3 masked %and3A_1052 : memref<25088xf32, #tpu.memory_space<vmem>>[vector<16xi32>], vector<16xf32>, vector<16xi1>
      }
      %scan3A_407 = arith.constant 10 : i32
      %broadcast_in_dim3A_408 = arith.constant 6.000000e-01 : f32
      %broadcast_in_dim3A_409 = vector.broadcast %broadcast_in_dim3A_408 : f32 to vector<16xf32>
      %broadcast_in_dim3A_410 = arith.constant 6.000000e-01 : f32
      %broadcast_in_dim3A_411 = vector.broadcast %broadcast_in_dim3A_410 : f32 to vector<16xf32>
      %broadcast_in_dim3A_412 = arith.constant 6.000000e-01 : f32
      %broadcast_in_dim3A_413 = vector.broadcast %broadcast_in_dim3A_412 : f32 to vector<16xf32>
      %broadcast_in_dim3A_414 = arith.constant 6.000000e-01 : f32
      %broadcast_in_dim3A_415 = vector.broadcast %broadcast_in_dim3A_414 : f32 to vector<16xf32>
      %scan3A_416 = arith.constant 0 : i32
      %scan3A_417 = arith.constant 7 : i32
      %scan3A_418 = arith.addi %scan3A_416, %scan3A_417 : i32
      %scan3A_419 = arith.constant 1 : i32
      %scan3A_420:8 = scf.for %scan3A_1000 = %scan3A_416 to %scan3A_418 step %scan3A_419 iter_args(%scan3A_1001 = %broadcast_in_dim3A_409, %scan3A_1002 = %mul3A_60, %scan3A_1003 = %broadcast_in_dim3A_411, %scan3A_1004 = %mul3A_60, %scan3A_1005 = %broadcast_in_dim3A_413, %scan3A_1006 = %mul3A_60, %scan3A_1007 = %broadcast_in_dim3A_415, %scan3A_1008 = %mul3A_60) -> (vector<16xf32>, vector<16xi32>, vector<16xf32>, vector<16xi32>, vector<16xf32>, vector<16xi32>, vector<16xf32>, vector<16xi32>)  : i32 {
        %mul3A_1009 = arith.constant 28 : i32
        %mul3A_1010 = arith.muli %scan3A_1000, %mul3A_1009 : i32
        %add3A_1011 = vector.broadcast %mul3A_1010 : i32 to vector<16xi32>
        %add3A_1012 = arith.addi %mul3A_60, %add3A_1011 : vector<16xi32>
        %add3A_1013 = arith.constant 0 : i32
        %add3A_1014 = vector.broadcast %add3A_1013 : i32 to vector<16xi32>
        %add3A_1015 = arith.addi %add3A_1012, %add3A_1014 : vector<16xi32>
        %gather3A = tpu.vector_load_idx %arg7[%add3A_1015] : memref<25088xf32, #tpu.memory_space<vmem>>[vector<16xi32>], vector<16xf32>,
        %gt3A_1016 = arith.cmpf ogt, %gather3A, %scan3A_1001 : vector<16xf32>
        %select_n3A_1017 = arith.select %gt3A_1016, %gather3A, %scan3A_1001 : vector<16xi1>, vector<16xf32>
        %select_n3A_1018 = arith.select %gt3A_1016, %add3A_1015, %scan3A_1002 : vector<16xi1>, vector<16xi32>
        %add3A_1019 = arith.constant 1 : i32
        %add3A_1020 = vector.broadcast %add3A_1019 : i32 to vector<16xi32>
        %add3A_1021 = arith.addi %add3A_1012, %add3A_1020 : vector<16xi32>
        %gather3A_1022 = tpu.vector_load_idx %arg7[%add3A_1021] : memref<25088xf32, #tpu.memory_space<vmem>>[vector<16xi32>], vector<16xf32>,
        %gt3A_1023 = arith.cmpf ogt, %gather3A_1022, %scan3A_1003 : vector<16xf32>
        %select_n3A_1024 = arith.select %gt3A_1023, %gather3A_1022, %scan3A_1003 : vector<16xi1>, vector<16xf32>
        %select_n3A_1025 = arith.select %gt3A_1023, %add3A_1021, %scan3A_1004 : vector<16xi1>, vector<16xi32>
        %add3A_1026 = arith.constant 2 : i32
        %add3A_1027 = vector.broadcast %add3A_1026 : i32 to vector<16xi32>
        %add3A_1028 = arith.addi %add3A_1012, %add3A_1027 : vector<16xi32>
        %gather3A_1029 = tpu.vector_load_idx %arg7[%add3A_1028] : memref<25088xf32, #tpu.memory_space<vmem>>[vector<16xi32>], vector<16xf32>,
        %gt3A_1030 = arith.cmpf ogt, %gather3A_1029, %scan3A_1005 : vector<16xf32>
        %select_n3A_1031 = arith.select %gt3A_1030, %gather3A_1029, %scan3A_1005 : vector<16xi1>, vector<16xf32>
        %select_n3A_1032 = arith.select %gt3A_1030, %add3A_1028, %scan3A_1006 : vector<16xi1>, vector<16xi32>
        %add3A_1033 = arith.constant 3 : i32
        %add3A_1034 = vector.broadcast %add3A_1033 : i32 to vector<16xi32>
        %add3A_1035 = arith.addi %add3A_1012, %add3A_1034 : vector<16xi32>
        %gather3A_1036 = tpu.vector_load_idx %arg7[%add3A_1035] : memref<25088xf32, #tpu.memory_space<vmem>>[vector<16xi32>], vector<16xf32>,
        %gt3A_1037 = arith.cmpf ogt, %gather3A_1036, %scan3A_1007 : vector<16xf32>
        %select_n3A_1038 = arith.select %gt3A_1037, %gather3A_1036, %scan3A_1007 : vector<16xi1>, vector<16xf32>
        %select_n3A_1039 = arith.select %gt3A_1037, %add3A_1035, %scan3A_1008 : vector<16xi1>, vector<16xi32>
        %add3A_1040 = arith.constant 4 : i32
        %add3A_1041 = vector.broadcast %add3A_1040 : i32 to vector<16xi32>
        %add3A_1042 = arith.addi %add3A_1012, %add3A_1041 : vector<16xi32>
        %gather3A_1043 = tpu.vector_load_idx %arg7[%add3A_1042] : memref<25088xf32, #tpu.memory_space<vmem>>[vector<16xi32>], vector<16xf32>,
        %gt3A_1044 = arith.cmpf ogt, %gather3A_1043, %select_n3A_1017 : vector<16xf32>
        %select_n3A_1045 = arith.select %gt3A_1044, %gather3A_1043, %select_n3A_1017 : vector<16xi1>, vector<16xf32>
        %select_n3A_1046 = arith.select %gt3A_1044, %add3A_1042, %select_n3A_1018 : vector<16xi1>, vector<16xi32>
        %add3A_1047 = arith.constant 5 : i32
        %add3A_1048 = vector.broadcast %add3A_1047 : i32 to vector<16xi32>
        %add3A_1049 = arith.addi %add3A_1012, %add3A_1048 : vector<16xi32>
        %gather3A_1050 = tpu.vector_load_idx %arg7[%add3A_1049] : memref<25088xf32, #tpu.memory_space<vmem>>[vector<16xi32>], vector<16xf32>,
        %gt3A_1051 = arith.cmpf ogt, %gather3A_1050, %select_n3A_1024 : vector<16xf32>
        %select_n3A_1052 = arith.select %gt3A_1051, %gather3A_1050, %select_n3A_1024 : vector<16xi1>, vector<16xf32>
        %select_n3A_1053 = arith.select %gt3A_1051, %add3A_1049, %select_n3A_1025 : vector<16xi1>, vector<16xi32>
        %add3A_1054 = arith.constant 6 : i32
        %add3A_1055 = vector.broadcast %add3A_1054 : i32 to vector<16xi32>
        %add3A_1056 = arith.addi %add3A_1012, %add3A_1055 : vector<16xi32>
        %gather3A_1057 = tpu.vector_load_idx %arg7[%add3A_1056] : memref<25088xf32, #tpu.memory_space<vmem>>[vector<16xi32>], vector<16xf32>,
        %gt3A_1058 = arith.cmpf ogt, %gather3A_1057, %select_n3A_1031 : vector<16xf32>
        %select_n3A_1059 = arith.select %gt3A_1058, %gather3A_1057, %select_n3A_1031 : vector<16xi1>, vector<16xf32>
        %select_n3A_1060 = arith.select %gt3A_1058, %add3A_1056, %select_n3A_1032 : vector<16xi1>, vector<16xi32>
        %add3A_1061 = arith.constant 7 : i32
        %add3A_1062 = vector.broadcast %add3A_1061 : i32 to vector<16xi32>
        %add3A_1063 = arith.addi %add3A_1012, %add3A_1062 : vector<16xi32>
        %gather3A_1064 = tpu.vector_load_idx %arg7[%add3A_1063] : memref<25088xf32, #tpu.memory_space<vmem>>[vector<16xi32>], vector<16xf32>,
        %gt3A_1065 = arith.cmpf ogt, %gather3A_1064, %select_n3A_1038 : vector<16xf32>
        %select_n3A_1066 = arith.select %gt3A_1065, %gather3A_1064, %select_n3A_1038 : vector<16xi1>, vector<16xf32>
        %select_n3A_1067 = arith.select %gt3A_1065, %add3A_1063, %select_n3A_1039 : vector<16xi1>, vector<16xi32>
        %add3A_1068 = arith.constant 8 : i32
        %add3A_1069 = vector.broadcast %add3A_1068 : i32 to vector<16xi32>
        %add3A_1070 = arith.addi %add3A_1012, %add3A_1069 : vector<16xi32>
        %gather3A_1071 = tpu.vector_load_idx %arg7[%add3A_1070] : memref<25088xf32, #tpu.memory_space<vmem>>[vector<16xi32>], vector<16xf32>,
        %gt3A_1072 = arith.cmpf ogt, %gather3A_1071, %select_n3A_1045 : vector<16xf32>
        %select_n3A_1073 = arith.select %gt3A_1072, %gather3A_1071, %select_n3A_1045 : vector<16xi1>, vector<16xf32>
        %select_n3A_1074 = arith.select %gt3A_1072, %add3A_1070, %select_n3A_1046 : vector<16xi1>, vector<16xi32>
        %add3A_1075 = arith.constant 9 : i32
        %add3A_1076 = vector.broadcast %add3A_1075 : i32 to vector<16xi32>
        %add3A_1077 = arith.addi %add3A_1012, %add3A_1076 : vector<16xi32>
        %gather3A_1078 = tpu.vector_load_idx %arg7[%add3A_1077] : memref<25088xf32, #tpu.memory_space<vmem>>[vector<16xi32>], vector<16xf32>,
        %gt3A_1079 = arith.cmpf ogt, %gather3A_1078, %select_n3A_1052 : vector<16xf32>
        %select_n3A_1080 = arith.select %gt3A_1079, %gather3A_1078, %select_n3A_1052 : vector<16xi1>, vector<16xf32>
        %select_n3A_1081 = arith.select %gt3A_1079, %add3A_1077, %select_n3A_1053 : vector<16xi1>, vector<16xi32>
        %add3A_1082 = arith.constant 10 : i32
        %add3A_1083 = vector.broadcast %add3A_1082 : i32 to vector<16xi32>
        %add3A_1084 = arith.addi %add3A_1012, %add3A_1083 : vector<16xi32>
        %gather3A_1085 = tpu.vector_load_idx %arg7[%add3A_1084] : memref<25088xf32, #tpu.memory_space<vmem>>[vector<16xi32>], vector<16xf32>,
        %gt3A_1086 = arith.cmpf ogt, %gather3A_1085, %select_n3A_1059 : vector<16xf32>
        %select_n3A_1087 = arith.select %gt3A_1086, %gather3A_1085, %select_n3A_1059 : vector<16xi1>, vector<16xf32>
        %select_n3A_1088 = arith.select %gt3A_1086, %add3A_1084, %select_n3A_1060 : vector<16xi1>, vector<16xi32>
        %add3A_1089 = arith.constant 11 : i32
        %add3A_1090 = vector.broadcast %add3A_1089 : i32 to vector<16xi32>
        %add3A_1091 = arith.addi %add3A_1012, %add3A_1090 : vector<16xi32>
        %gather3A_1092 = tpu.vector_load_idx %arg7[%add3A_1091] : memref<25088xf32, #tpu.memory_space<vmem>>[vector<16xi32>], vector<16xf32>,
        %gt3A_1093 = arith.cmpf ogt, %gather3A_1092, %select_n3A_1066 : vector<16xf32>
        %select_n3A_1094 = arith.select %gt3A_1093, %gather3A_1092, %select_n3A_1066 : vector<16xi1>, vector<16xf32>
        %select_n3A_1095 = arith.select %gt3A_1093, %add3A_1091, %select_n3A_1067 : vector<16xi1>, vector<16xi32>
        %add3A_1096 = arith.constant 12 : i32
        %add3A_1097 = vector.broadcast %add3A_1096 : i32 to vector<16xi32>
        %add3A_1098 = arith.addi %add3A_1012, %add3A_1097 : vector<16xi32>
        %gather3A_1099 = tpu.vector_load_idx %arg7[%add3A_1098] : memref<25088xf32, #tpu.memory_space<vmem>>[vector<16xi32>], vector<16xf32>,
        %gt3A_1100 = arith.cmpf ogt, %gather3A_1099, %select_n3A_1073 : vector<16xf32>
        %select_n3A_1101 = arith.select %gt3A_1100, %gather3A_1099, %select_n3A_1073 : vector<16xi1>, vector<16xf32>
        %select_n3A_1102 = arith.select %gt3A_1100, %add3A_1098, %select_n3A_1074 : vector<16xi1>, vector<16xi32>
        %add3A_1103 = arith.constant 13 : i32
        %add3A_1104 = vector.broadcast %add3A_1103 : i32 to vector<16xi32>
        %add3A_1105 = arith.addi %add3A_1012, %add3A_1104 : vector<16xi32>
        %gather3A_1106 = tpu.vector_load_idx %arg7[%add3A_1105] : memref<25088xf32, #tpu.memory_space<vmem>>[vector<16xi32>], vector<16xf32>,
        %gt3A_1107 = arith.cmpf ogt, %gather3A_1106, %select_n3A_1080 : vector<16xf32>
        %select_n3A_1108 = arith.select %gt3A_1107, %gather3A_1106, %select_n3A_1080 : vector<16xi1>, vector<16xf32>
        %select_n3A_1109 = arith.select %gt3A_1107, %add3A_1105, %select_n3A_1081 : vector<16xi1>, vector<16xi32>
        %add3A_1110 = arith.constant 14 : i32
        %add3A_1111 = vector.broadcast %add3A_1110 : i32 to vector<16xi32>
        %add3A_1112 = arith.addi %add3A_1012, %add3A_1111 : vector<16xi32>
        %gather3A_1113 = tpu.vector_load_idx %arg7[%add3A_1112] : memref<25088xf32, #tpu.memory_space<vmem>>[vector<16xi32>], vector<16xf32>,
        %gt3A_1114 = arith.cmpf ogt, %gather3A_1113, %select_n3A_1087 : vector<16xf32>
        %select_n3A_1115 = arith.select %gt3A_1114, %gather3A_1113, %select_n3A_1087 : vector<16xi1>, vector<16xf32>
        %select_n3A_1116 = arith.select %gt3A_1114, %add3A_1112, %select_n3A_1088 : vector<16xi1>, vector<16xi32>
        %add3A_1117 = arith.constant 15 : i32
        %add3A_1118 = vector.broadcast %add3A_1117 : i32 to vector<16xi32>
        %add3A_1119 = arith.addi %add3A_1012, %add3A_1118 : vector<16xi32>
        %gather3A_1120 = tpu.vector_load_idx %arg7[%add3A_1119] : memref<25088xf32, #tpu.memory_space<vmem>>[vector<16xi32>], vector<16xf32>,
        %gt3A_1121 = arith.cmpf ogt, %gather3A_1120, %select_n3A_1094 : vector<16xf32>
        %select_n3A_1122 = arith.select %gt3A_1121, %gather3A_1120, %select_n3A_1094 : vector<16xi1>, vector<16xf32>
        %select_n3A_1123 = arith.select %gt3A_1121, %add3A_1119, %select_n3A_1095 : vector<16xi1>, vector<16xi32>
        %add3A_1124 = arith.constant 16 : i32
        %add3A_1125 = vector.broadcast %add3A_1124 : i32 to vector<16xi32>
        %add3A_1126 = arith.addi %add3A_1012, %add3A_1125 : vector<16xi32>
        %gather3A_1127 = tpu.vector_load_idx %arg7[%add3A_1126] : memref<25088xf32, #tpu.memory_space<vmem>>[vector<16xi32>], vector<16xf32>,
        %gt3A_1128 = arith.cmpf ogt, %gather3A_1127, %select_n3A_1101 : vector<16xf32>
        %select_n3A_1129 = arith.select %gt3A_1128, %gather3A_1127, %select_n3A_1101 : vector<16xi1>, vector<16xf32>
        %select_n3A_1130 = arith.select %gt3A_1128, %add3A_1126, %select_n3A_1102 : vector<16xi1>, vector<16xi32>
        %add3A_1131 = arith.constant 17 : i32
        %add3A_1132 = vector.broadcast %add3A_1131 : i32 to vector<16xi32>
        %add3A_1133 = arith.addi %add3A_1012, %add3A_1132 : vector<16xi32>
        %gather3A_1134 = tpu.vector_load_idx %arg7[%add3A_1133] : memref<25088xf32, #tpu.memory_space<vmem>>[vector<16xi32>], vector<16xf32>,
        %gt3A_1135 = arith.cmpf ogt, %gather3A_1134, %select_n3A_1108 : vector<16xf32>
        %select_n3A_1136 = arith.select %gt3A_1135, %gather3A_1134, %select_n3A_1108 : vector<16xi1>, vector<16xf32>
        %select_n3A_1137 = arith.select %gt3A_1135, %add3A_1133, %select_n3A_1109 : vector<16xi1>, vector<16xi32>
        %add3A_1138 = arith.constant 18 : i32
        %add3A_1139 = vector.broadcast %add3A_1138 : i32 to vector<16xi32>
        %add3A_1140 = arith.addi %add3A_1012, %add3A_1139 : vector<16xi32>
        %gather3A_1141 = tpu.vector_load_idx %arg7[%add3A_1140] : memref<25088xf32, #tpu.memory_space<vmem>>[vector<16xi32>], vector<16xf32>,
        %gt3A_1142 = arith.cmpf ogt, %gather3A_1141, %select_n3A_1115 : vector<16xf32>
        %select_n3A_1143 = arith.select %gt3A_1142, %gather3A_1141, %select_n3A_1115 : vector<16xi1>, vector<16xf32>
        %select_n3A_1144 = arith.select %gt3A_1142, %add3A_1140, %select_n3A_1116 : vector<16xi1>, vector<16xi32>
        %add3A_1145 = arith.constant 19 : i32
        %add3A_1146 = vector.broadcast %add3A_1145 : i32 to vector<16xi32>
        %add3A_1147 = arith.addi %add3A_1012, %add3A_1146 : vector<16xi32>
        %gather3A_1148 = tpu.vector_load_idx %arg7[%add3A_1147] : memref<25088xf32, #tpu.memory_space<vmem>>[vector<16xi32>], vector<16xf32>,
        %gt3A_1149 = arith.cmpf ogt, %gather3A_1148, %select_n3A_1122 : vector<16xf32>
        %select_n3A_1150 = arith.select %gt3A_1149, %gather3A_1148, %select_n3A_1122 : vector<16xi1>, vector<16xf32>
        %select_n3A_1151 = arith.select %gt3A_1149, %add3A_1147, %select_n3A_1123 : vector<16xi1>, vector<16xi32>
        %add3A_1152 = arith.constant 20 : i32
        %add3A_1153 = vector.broadcast %add3A_1152 : i32 to vector<16xi32>
        %add3A_1154 = arith.addi %add3A_1012, %add3A_1153 : vector<16xi32>
        %gather3A_1155 = tpu.vector_load_idx %arg7[%add3A_1154] : memref<25088xf32, #tpu.memory_space<vmem>>[vector<16xi32>], vector<16xf32>,
        %gt3A_1156 = arith.cmpf ogt, %gather3A_1155, %select_n3A_1129 : vector<16xf32>
        %select_n3A_1157 = arith.select %gt3A_1156, %gather3A_1155, %select_n3A_1129 : vector<16xi1>, vector<16xf32>
        %select_n3A_1158 = arith.select %gt3A_1156, %add3A_1154, %select_n3A_1130 : vector<16xi1>, vector<16xi32>
        %add3A_1159 = arith.constant 21 : i32
        %add3A_1160 = vector.broadcast %add3A_1159 : i32 to vector<16xi32>
        %add3A_1161 = arith.addi %add3A_1012, %add3A_1160 : vector<16xi32>
        %gather3A_1162 = tpu.vector_load_idx %arg7[%add3A_1161] : memref<25088xf32, #tpu.memory_space<vmem>>[vector<16xi32>], vector<16xf32>,
        %gt3A_1163 = arith.cmpf ogt, %gather3A_1162, %select_n3A_1136 : vector<16xf32>
        %select_n3A_1164 = arith.select %gt3A_1163, %gather3A_1162, %select_n3A_1136 : vector<16xi1>, vector<16xf32>
        %select_n3A_1165 = arith.select %gt3A_1163, %add3A_1161, %select_n3A_1137 : vector<16xi1>, vector<16xi32>
        %add3A_1166 = arith.constant 22 : i32
        %add3A_1167 = vector.broadcast %add3A_1166 : i32 to vector<16xi32>
        %add3A_1168 = arith.addi %add3A_1012, %add3A_1167 : vector<16xi32>
        %gather3A_1169 = tpu.vector_load_idx %arg7[%add3A_1168] : memref<25088xf32, #tpu.memory_space<vmem>>[vector<16xi32>], vector<16xf32>,
        %gt3A_1170 = arith.cmpf ogt, %gather3A_1169, %select_n3A_1143 : vector<16xf32>
        %select_n3A_1171 = arith.select %gt3A_1170, %gather3A_1169, %select_n3A_1143 : vector<16xi1>, vector<16xf32>
        %select_n3A_1172 = arith.select %gt3A_1170, %add3A_1168, %select_n3A_1144 : vector<16xi1>, vector<16xi32>
        %add3A_1173 = arith.constant 23 : i32
        %add3A_1174 = vector.broadcast %add3A_1173 : i32 to vector<16xi32>
        %add3A_1175 = arith.addi %add3A_1012, %add3A_1174 : vector<16xi32>
        %gather3A_1176 = tpu.vector_load_idx %arg7[%add3A_1175] : memref<25088xf32, #tpu.memory_space<vmem>>[vector<16xi32>], vector<16xf32>,
        %gt3A_1177 = arith.cmpf ogt, %gather3A_1176, %select_n3A_1150 : vector<16xf32>
        %select_n3A_1178 = arith.select %gt3A_1177, %gather3A_1176, %select_n3A_1150 : vector<16xi1>, vector<16xf32>
        %select_n3A_1179 = arith.select %gt3A_1177, %add3A_1175, %select_n3A_1151 : vector<16xi1>, vector<16xi32>
        %add3A_1180 = arith.constant 24 : i32
        %add3A_1181 = vector.broadcast %add3A_1180 : i32 to vector<16xi32>
        %add3A_1182 = arith.addi %add3A_1012, %add3A_1181 : vector<16xi32>
        %gather3A_1183 = tpu.vector_load_idx %arg7[%add3A_1182] : memref<25088xf32, #tpu.memory_space<vmem>>[vector<16xi32>], vector<16xf32>,
        %gt3A_1184 = arith.cmpf ogt, %gather3A_1183, %select_n3A_1157 : vector<16xf32>
        %select_n3A_1185 = arith.select %gt3A_1184, %gather3A_1183, %select_n3A_1157 : vector<16xi1>, vector<16xf32>
        %select_n3A_1186 = arith.select %gt3A_1184, %add3A_1182, %select_n3A_1158 : vector<16xi1>, vector<16xi32>
        %add3A_1187 = arith.constant 25 : i32
        %add3A_1188 = vector.broadcast %add3A_1187 : i32 to vector<16xi32>
        %add3A_1189 = arith.addi %add3A_1012, %add3A_1188 : vector<16xi32>
        %gather3A_1190 = tpu.vector_load_idx %arg7[%add3A_1189] : memref<25088xf32, #tpu.memory_space<vmem>>[vector<16xi32>], vector<16xf32>,
        %gt3A_1191 = arith.cmpf ogt, %gather3A_1190, %select_n3A_1164 : vector<16xf32>
        %select_n3A_1192 = arith.select %gt3A_1191, %gather3A_1190, %select_n3A_1164 : vector<16xi1>, vector<16xf32>
        %select_n3A_1193 = arith.select %gt3A_1191, %add3A_1189, %select_n3A_1165 : vector<16xi1>, vector<16xi32>
        %add3A_1194 = arith.constant 26 : i32
        %add3A_1195 = vector.broadcast %add3A_1194 : i32 to vector<16xi32>
        %add3A_1196 = arith.addi %add3A_1012, %add3A_1195 : vector<16xi32>
        %gather3A_1197 = tpu.vector_load_idx %arg7[%add3A_1196] : memref<25088xf32, #tpu.memory_space<vmem>>[vector<16xi32>], vector<16xf32>,
        %gt3A_1198 = arith.cmpf ogt, %gather3A_1197, %select_n3A_1171 : vector<16xf32>
        %select_n3A_1199 = arith.select %gt3A_1198, %gather3A_1197, %select_n3A_1171 : vector<16xi1>, vector<16xf32>
        %select_n3A_1200 = arith.select %gt3A_1198, %add3A_1196, %select_n3A_1172 : vector<16xi1>, vector<16xi32>
        %add3A_1201 = arith.constant 27 : i32
        %add3A_1202 = vector.broadcast %add3A_1201 : i32 to vector<16xi32>
        %add3A_1203 = arith.addi %add3A_1012, %add3A_1202 : vector<16xi32>
        %gather3A_1204 = tpu.vector_load_idx %arg7[%add3A_1203] : memref<25088xf32, #tpu.memory_space<vmem>>[vector<16xi32>], vector<16xf32>,
        %gt3A_1205 = arith.cmpf ogt, %gather3A_1204, %select_n3A_1178 : vector<16xf32>
        %select_n3A_1206 = arith.select %gt3A_1205, %gather3A_1204, %select_n3A_1178 : vector<16xi1>, vector<16xf32>
        %select_n3A_1207 = arith.select %gt3A_1205, %add3A_1203, %select_n3A_1179 : vector<16xi1>, vector<16xi32>
        scf.yield %select_n3A_1185, %select_n3A_1186, %select_n3A_1192, %select_n3A_1193, %select_n3A_1199, %select_n3A_1200, %select_n3A_1206, %select_n3A_1207 : vector<16xf32>, vector<16xi32>, vector<16xf32>, vector<16xi32>, vector<16xf32>, vector<16xi32>, vector<16xf32>, vector<16xi32>
      }
      %scan3A_421 = arith.constant 7 : i32
      %gt3A_422 = arith.cmpf ogt, %scan3A_420#2, %scan3A_420#0 : vector<16xf32>
      %eq3A_423 = arith.cmpf oeq, %scan3A_420#2, %scan3A_420#0 : vector<16xf32>
      %lt3A_424 = arith.cmpi slt, %scan3A_420#3, %scan3A_420#1 : vector<16xi32>
      %and3A_425 = arith.andi %eq3A_423, %lt3A_424 : vector<16xi1>
      %or3A_426 = arith.ori %gt3A_422, %and3A_425 : vector<16xi1>
      %select_n3A_427 = arith.select %or3A_426, %scan3A_420#2, %scan3A_420#0 : vector<16xi1>, vector<16xf32>
      %select_n3A_428 = arith.select %or3A_426, %scan3A_420#3, %scan3A_420#1 : vector<16xi1>, vector<16xi32>
      %gt3A_429 = arith.cmpf ogt, %scan3A_420#6, %scan3A_420#4 : vector<16xf32>
      %eq3A_430 = arith.cmpf oeq, %scan3A_420#6, %scan3A_420#4 : vector<16xf32>
      %lt3A_431 = arith.cmpi slt, %scan3A_420#7, %scan3A_420#5 : vector<16xi32>
      %and3A_432 = arith.andi %eq3A_430, %lt3A_431 : vector<16xi1>
      %or3A_433 = arith.ori %gt3A_429, %and3A_432 : vector<16xi1>
      %select_n3A_434 = arith.select %or3A_433, %scan3A_420#6, %scan3A_420#4 : vector<16xi1>, vector<16xf32>
      %select_n3A_435 = arith.select %or3A_433, %scan3A_420#7, %scan3A_420#5 : vector<16xi1>, vector<16xi32>
      %gt3A_436 = arith.cmpf ogt, %select_n3A_434, %select_n3A_427 : vector<16xf32>
      %eq3A_437 = arith.cmpf oeq, %select_n3A_434, %select_n3A_427 : vector<16xf32>
      %lt3A_438 = arith.cmpi slt, %select_n3A_435, %select_n3A_428 : vector<16xi32>
      %and3A_439 = arith.andi %eq3A_437, %lt3A_438 : vector<16xi1>
      %or3A_440 = arith.ori %gt3A_436, %and3A_439 : vector<16xi1>
      %select_n3A_441 = arith.select %or3A_440, %select_n3A_434, %select_n3A_427 : vector<16xi1>, vector<16xf32>
      %select_n3A_442 = arith.select %or3A_440, %select_n3A_435, %select_n3A_428 : vector<16xi1>, vector<16xi32>
      %sub3A_443 = arith.subi %select_n3A_442, %mul3A_60 : vector<16xi32>
      %jit3A_444 = arith.constant 14 : i32
      %div3A_445 = vector.broadcast %jit3A_444 : i32 to vector<16xi32>
      %div3A_446 = arith.divsi %sub3A_443, %div3A_445 : vector<16xi32>
      %sign3A_447 = arith.constant 0 : i32
      %sign3A_448 = vector.broadcast %sign3A_447 : i32 to vector<16xi32>
      %sign3A_449 = arith.cmpi sgt, %sub3A_443, %sign3A_448 : vector<16xi32>
      %sign3A_450 = arith.extui %sign3A_449 : vector<16xi1> to vector<16xi32>
      %sign3A_451 = arith.constant 0 : i32
      %sign3A_452 = vector.broadcast %sign3A_451 : i32 to vector<16xi32>
      %sign3A_453 = arith.cmpi slt, %sub3A_443, %sign3A_452 : vector<16xi32>
      %sign3A_454 = arith.extui %sign3A_453 : vector<16xi1> to vector<16xi32>
      %sign3A_455 = arith.subi %sign3A_450, %sign3A_454 : vector<16xi32>
      %sign3A_456 = arith.constant 0 : i32
      %sign3A_457 = arith.cmpi sgt, %jit3A_444, %sign3A_456 : i32
      %sign3A_458 = arith.extui %sign3A_457 : i1 to i32
      %sign3A_459 = arith.constant 0 : i32
      %sign3A_460 = arith.cmpi slt, %jit3A_444, %sign3A_459 : i32
      %sign3A_461 = arith.extui %sign3A_460 : i1 to i32
      %sign3A_462 = arith.subi %sign3A_458, %sign3A_461 : i32
      %ne3A_463 = vector.broadcast %sign3A_462 : i32 to vector<16xi32>
      %ne3A_464 = arith.cmpi ne, %sign3A_455, %ne3A_463 : vector<16xi32>
      %rem3A_465 = vector.broadcast %jit3A_444 : i32 to vector<16xi32>
      %rem3A_466 = arith.remsi %sub3A_443, %rem3A_465 : vector<16xi32>
      %ne3A_467 = arith.constant 0 : i32
      %ne3A_468 = vector.broadcast %ne3A_467 : i32 to vector<16xi32>
      %ne3A_469 = arith.cmpi ne, %rem3A_466, %ne3A_468 : vector<16xi32>
      %and3A_470 = arith.andi %ne3A_464, %ne3A_469 : vector<16xi1>
      %sub3A_471 = arith.constant 1 : i32
      %sub3A_472 = vector.broadcast %sub3A_471 : i32 to vector<16xi32>
      %sub3A_473 = arith.subi %div3A_446, %sub3A_472 : vector<16xi32>
      %select_n3A_474 = arith.select %and3A_470, %sub3A_473, %div3A_446 : vector<16xi1>, vector<16xi32>
      %mul3A_475 = arith.constant 14 : i32
      %mul3A_476 = vector.broadcast %mul3A_475 : i32 to vector<16xi32>
      %mul3A_477 = arith.muli %select_n3A_474, %mul3A_476 : vector<16xi32>
      %sub3A_478 = arith.subi %sub3A_443, %mul3A_477 : vector<16xi32>
      %add3A_479 = arith.constant -5 : i32
      %add3A_480 = vector.broadcast %add3A_479 : i32 to vector<16xi32>
      %add3A_481 = arith.addi %sub3A_478, %add3A_480 : vector<16xi32>
      %ge3A_482 = arith.constant 0 : i32
      %ge3A_483 = vector.broadcast %ge3A_482 : i32 to vector<16xi32>
      %ge3A_484 = arith.cmpi sge, %add3A_481, %ge3A_483 : vector<16xi32>
      %lt3A_485 = arith.constant 14 : i32
      %lt3A_486 = vector.broadcast %lt3A_485 : i32 to vector<16xi32>
      %lt3A_487 = arith.cmpi slt, %add3A_481, %lt3A_486 : vector<16xi32>
      %and3A_488 = arith.andi %ge3A_484, %lt3A_487 : vector<16xi1>
      %add3A_489 = arith.constant -4 : i32
      %add3A_490 = vector.broadcast %add3A_489 : i32 to vector<16xi32>
      %add3A_491 = arith.addi %sub3A_478, %add3A_490 : vector<16xi32>
      %ge3A_492 = arith.constant 0 : i32
      %ge3A_493 = vector.broadcast %ge3A_492 : i32 to vector<16xi32>
      %ge3A_494 = arith.cmpi sge, %add3A_491, %ge3A_493 : vector<16xi32>
      %lt3A_495 = arith.constant 14 : i32
      %lt3A_496 = vector.broadcast %lt3A_495 : i32 to vector<16xi32>
      %lt3A_497 = arith.cmpi slt, %add3A_491, %lt3A_496 : vector<16xi32>
      %and3A_498 = arith.andi %ge3A_494, %lt3A_497 : vector<16xi1>
      %add3A_499 = arith.constant -3 : i32
      %add3A_500 = vector.broadcast %add3A_499 : i32 to vector<16xi32>
      %add3A_501 = arith.addi %sub3A_478, %add3A_500 : vector<16xi32>
      %ge3A_502 = arith.constant 0 : i32
      %ge3A_503 = vector.broadcast %ge3A_502 : i32 to vector<16xi32>
      %ge3A_504 = arith.cmpi sge, %add3A_501, %ge3A_503 : vector<16xi32>
      %lt3A_505 = arith.constant 14 : i32
      %lt3A_506 = vector.broadcast %lt3A_505 : i32 to vector<16xi32>
      %lt3A_507 = arith.cmpi slt, %add3A_501, %lt3A_506 : vector<16xi32>
      %and3A_508 = arith.andi %ge3A_504, %lt3A_507 : vector<16xi1>
      %add3A_509 = arith.constant -2 : i32
      %add3A_510 = vector.broadcast %add3A_509 : i32 to vector<16xi32>
      %add3A_511 = arith.addi %sub3A_478, %add3A_510 : vector<16xi32>
      %ge3A_512 = arith.constant 0 : i32
      %ge3A_513 = vector.broadcast %ge3A_512 : i32 to vector<16xi32>
      %ge3A_514 = arith.cmpi sge, %add3A_511, %ge3A_513 : vector<16xi32>
      %lt3A_515 = arith.constant 14 : i32
      %lt3A_516 = vector.broadcast %lt3A_515 : i32 to vector<16xi32>
      %lt3A_517 = arith.cmpi slt, %add3A_511, %lt3A_516 : vector<16xi32>
      %and3A_518 = arith.andi %ge3A_514, %lt3A_517 : vector<16xi1>
      %add3A_519 = arith.constant -1 : i32
      %add3A_520 = vector.broadcast %add3A_519 : i32 to vector<16xi32>
      %add3A_521 = arith.addi %sub3A_478, %add3A_520 : vector<16xi32>
      %ge3A_522 = arith.constant 0 : i32
      %ge3A_523 = vector.broadcast %ge3A_522 : i32 to vector<16xi32>
      %ge3A_524 = arith.cmpi sge, %add3A_521, %ge3A_523 : vector<16xi32>
      %lt3A_525 = arith.constant 14 : i32
      %lt3A_526 = vector.broadcast %lt3A_525 : i32 to vector<16xi32>
      %lt3A_527 = arith.cmpi slt, %add3A_521, %lt3A_526 : vector<16xi32>
      %and3A_528 = arith.andi %ge3A_524, %lt3A_527 : vector<16xi1>
      %add3A_529 = arith.constant 0 : i32
      %add3A_530 = vector.broadcast %add3A_529 : i32 to vector<16xi32>
      %add3A_531 = arith.addi %sub3A_478, %add3A_530 : vector<16xi32>
      %ge3A_532 = arith.constant 0 : i32
      %ge3A_533 = vector.broadcast %ge3A_532 : i32 to vector<16xi32>
      %ge3A_534 = arith.cmpi sge, %add3A_531, %ge3A_533 : vector<16xi32>
      %lt3A_535 = arith.constant 14 : i32
      %lt3A_536 = vector.broadcast %lt3A_535 : i32 to vector<16xi32>
      %lt3A_537 = arith.cmpi slt, %add3A_531, %lt3A_536 : vector<16xi32>
      %and3A_538 = arith.andi %ge3A_534, %lt3A_537 : vector<16xi1>
      %add3A_539 = arith.constant 1 : i32
      %add3A_540 = vector.broadcast %add3A_539 : i32 to vector<16xi32>
      %add3A_541 = arith.addi %sub3A_478, %add3A_540 : vector<16xi32>
      %ge3A_542 = arith.constant 0 : i32
      %ge3A_543 = vector.broadcast %ge3A_542 : i32 to vector<16xi32>
      %ge3A_544 = arith.cmpi sge, %add3A_541, %ge3A_543 : vector<16xi32>
      %lt3A_545 = arith.constant 14 : i32
      %lt3A_546 = vector.broadcast %lt3A_545 : i32 to vector<16xi32>
      %lt3A_547 = arith.cmpi slt, %add3A_541, %lt3A_546 : vector<16xi32>
      %and3A_548 = arith.andi %ge3A_544, %lt3A_547 : vector<16xi1>
      %add3A_549 = arith.constant 2 : i32
      %add3A_550 = vector.broadcast %add3A_549 : i32 to vector<16xi32>
      %add3A_551 = arith.addi %sub3A_478, %add3A_550 : vector<16xi32>
      %ge3A_552 = arith.constant 0 : i32
      %ge3A_553 = vector.broadcast %ge3A_552 : i32 to vector<16xi32>
      %ge3A_554 = arith.cmpi sge, %add3A_551, %ge3A_553 : vector<16xi32>
      %lt3A_555 = arith.constant 14 : i32
      %lt3A_556 = vector.broadcast %lt3A_555 : i32 to vector<16xi32>
      %lt3A_557 = arith.cmpi slt, %add3A_551, %lt3A_556 : vector<16xi32>
      %and3A_558 = arith.andi %ge3A_554, %lt3A_557 : vector<16xi1>
      %add3A_559 = arith.constant 3 : i32
      %add3A_560 = vector.broadcast %add3A_559 : i32 to vector<16xi32>
      %add3A_561 = arith.addi %sub3A_478, %add3A_560 : vector<16xi32>
      %ge3A_562 = arith.constant 0 : i32
      %ge3A_563 = vector.broadcast %ge3A_562 : i32 to vector<16xi32>
      %ge3A_564 = arith.cmpi sge, %add3A_561, %ge3A_563 : vector<16xi32>
      %lt3A_565 = arith.constant 14 : i32
      %lt3A_566 = vector.broadcast %lt3A_565 : i32 to vector<16xi32>
      %lt3A_567 = arith.cmpi slt, %add3A_561, %lt3A_566 : vector<16xi32>
      %and3A_568 = arith.andi %ge3A_564, %lt3A_567 : vector<16xi1>
      %add3A_569 = arith.constant 4 : i32
      %add3A_570 = vector.broadcast %add3A_569 : i32 to vector<16xi32>
      %add3A_571 = arith.addi %sub3A_478, %add3A_570 : vector<16xi32>
      %ge3A_572 = arith.constant 0 : i32
      %ge3A_573 = vector.broadcast %ge3A_572 : i32 to vector<16xi32>
      %ge3A_574 = arith.cmpi sge, %add3A_571, %ge3A_573 : vector<16xi32>
      %lt3A_575 = arith.constant 14 : i32
      %lt3A_576 = vector.broadcast %lt3A_575 : i32 to vector<16xi32>
      %lt3A_577 = arith.cmpi slt, %add3A_571, %lt3A_576 : vector<16xi32>
      %and3A_578 = arith.andi %ge3A_574, %lt3A_577 : vector<16xi1>
      %scan3A_579 = arith.constant 0 : i32
      %scan3A_580 = arith.constant 10 : i32
      %scan3A_581 = arith.addi %scan3A_579, %scan3A_580 : i32
      %scan3A_582 = arith.constant 1 : i32
      scf.for %scan3A_1000 = %scan3A_579 to %scan3A_581 step %scan3A_582  : i32 {
        %sub3A_1001 = arith.constant 5 : i32
        %sub3A_1002 = arith.subi %scan3A_1000, %sub3A_1001 : i32
        %add3A_1003 = vector.broadcast %sub3A_1002 : i32 to vector<16xi32>
        %add3A_1004 = arith.addi %select_n3A_474, %add3A_1003 : vector<16xi32>
        %ge3A_1005 = arith.constant 0 : i32
        %ge3A_1006 = vector.broadcast %ge3A_1005 : i32 to vector<16xi32>
        %ge3A_1007 = arith.cmpi sge, %add3A_1004, %ge3A_1006 : vector<16xi32>
        %lt3A_1008 = arith.constant 14 : i32
        %lt3A_1009 = vector.broadcast %lt3A_1008 : i32 to vector<16xi32>
        %lt3A_1010 = arith.cmpi slt, %add3A_1004, %lt3A_1009 : vector<16xi32>
        %and3A_1011 = arith.andi %ge3A_1007, %lt3A_1010 : vector<16xi1>
        %mul3A_1012 = arith.constant 14 : i32
        %mul3A_1013 = arith.muli %sub3A_1002, %mul3A_1012 : i32
        %add3A_1014 = vector.broadcast %mul3A_1013 : i32 to vector<16xi32>
        %add3A_1015 = arith.addi %select_n3A_442, %add3A_1014 : vector<16xi32>
        %and3A_1016 = arith.andi %and3A_1011, %and3A_488 : vector<16xi1>
        %add3A_1017 = arith.constant -5 : i32
        %add3A_1018 = vector.broadcast %add3A_1017 : i32 to vector<16xi32>
        %add3A_1019 = arith.addi %add3A_1015, %add3A_1018 : vector<16xi32>
        tpu.vector_store_idx %arg7[%add3A_1019], %broadcast_in_dim3A_3 masked %and3A_1016 : memref<25088xf32, #tpu.memory_space<vmem>>[vector<16xi32>], vector<16xf32>, vector<16xi1>
        %and3A_1020 = arith.andi %and3A_1011, %and3A_498 : vector<16xi1>
        %add3A_1021 = arith.constant -4 : i32
        %add3A_1022 = vector.broadcast %add3A_1021 : i32 to vector<16xi32>
        %add3A_1023 = arith.addi %add3A_1015, %add3A_1022 : vector<16xi32>
        tpu.vector_store_idx %arg7[%add3A_1023], %broadcast_in_dim3A_3 masked %and3A_1020 : memref<25088xf32, #tpu.memory_space<vmem>>[vector<16xi32>], vector<16xf32>, vector<16xi1>
        %and3A_1024 = arith.andi %and3A_1011, %and3A_508 : vector<16xi1>
        %add3A_1025 = arith.constant -3 : i32
        %add3A_1026 = vector.broadcast %add3A_1025 : i32 to vector<16xi32>
        %add3A_1027 = arith.addi %add3A_1015, %add3A_1026 : vector<16xi32>
        tpu.vector_store_idx %arg7[%add3A_1027], %broadcast_in_dim3A_3 masked %and3A_1024 : memref<25088xf32, #tpu.memory_space<vmem>>[vector<16xi32>], vector<16xf32>, vector<16xi1>
        %and3A_1028 = arith.andi %and3A_1011, %and3A_518 : vector<16xi1>
        %add3A_1029 = arith.constant -2 : i32
        %add3A_1030 = vector.broadcast %add3A_1029 : i32 to vector<16xi32>
        %add3A_1031 = arith.addi %add3A_1015, %add3A_1030 : vector<16xi32>
        tpu.vector_store_idx %arg7[%add3A_1031], %broadcast_in_dim3A_3 masked %and3A_1028 : memref<25088xf32, #tpu.memory_space<vmem>>[vector<16xi32>], vector<16xf32>, vector<16xi1>
        %and3A_1032 = arith.andi %and3A_1011, %and3A_528 : vector<16xi1>
        %add3A_1033 = arith.constant -1 : i32
        %add3A_1034 = vector.broadcast %add3A_1033 : i32 to vector<16xi32>
        %add3A_1035 = arith.addi %add3A_1015, %add3A_1034 : vector<16xi32>
        tpu.vector_store_idx %arg7[%add3A_1035], %broadcast_in_dim3A_3 masked %and3A_1032 : memref<25088xf32, #tpu.memory_space<vmem>>[vector<16xi32>], vector<16xf32>, vector<16xi1>
        %and3A_1036 = arith.andi %and3A_1011, %and3A_538 : vector<16xi1>
        %add3A_1037 = arith.constant 0 : i32
        %add3A_1038 = vector.broadcast %add3A_1037 : i32 to vector<16xi32>
        %add3A_1039 = arith.addi %add3A_1015, %add3A_1038 : vector<16xi32>
        tpu.vector_store_idx %arg7[%add3A_1039], %broadcast_in_dim3A_3 masked %and3A_1036 : memref<25088xf32, #tpu.memory_space<vmem>>[vector<16xi32>], vector<16xf32>, vector<16xi1>
        %and3A_1040 = arith.andi %and3A_1011, %and3A_548 : vector<16xi1>
        %add3A_1041 = arith.constant 1 : i32
        %add3A_1042 = vector.broadcast %add3A_1041 : i32 to vector<16xi32>
        %add3A_1043 = arith.addi %add3A_1015, %add3A_1042 : vector<16xi32>
        tpu.vector_store_idx %arg7[%add3A_1043], %broadcast_in_dim3A_3 masked %and3A_1040 : memref<25088xf32, #tpu.memory_space<vmem>>[vector<16xi32>], vector<16xf32>, vector<16xi1>
        %and3A_1044 = arith.andi %and3A_1011, %and3A_558 : vector<16xi1>
        %add3A_1045 = arith.constant 2 : i32
        %add3A_1046 = vector.broadcast %add3A_1045 : i32 to vector<16xi32>
        %add3A_1047 = arith.addi %add3A_1015, %add3A_1046 : vector<16xi32>
        tpu.vector_store_idx %arg7[%add3A_1047], %broadcast_in_dim3A_3 masked %and3A_1044 : memref<25088xf32, #tpu.memory_space<vmem>>[vector<16xi32>], vector<16xf32>, vector<16xi1>
        %and3A_1048 = arith.andi %and3A_1011, %and3A_568 : vector<16xi1>
        %add3A_1049 = arith.constant 3 : i32
        %add3A_1050 = vector.broadcast %add3A_1049 : i32 to vector<16xi32>
        %add3A_1051 = arith.addi %add3A_1015, %add3A_1050 : vector<16xi32>
        tpu.vector_store_idx %arg7[%add3A_1051], %broadcast_in_dim3A_3 masked %and3A_1048 : memref<25088xf32, #tpu.memory_space<vmem>>[vector<16xi32>], vector<16xf32>, vector<16xi1>
        %and3A_1052 = arith.andi %and3A_1011, %and3A_578 : vector<16xi1>
        %add3A_1053 = arith.constant 4 : i32
        %add3A_1054 = vector.broadcast %add3A_1053 : i32 to vector<16xi32>
        %add3A_1055 = arith.addi %add3A_1015, %add3A_1054 : vector<16xi32>
        tpu.vector_store_idx %arg7[%add3A_1055], %broadcast_in_dim3A_3 masked %and3A_1052 : memref<25088xf32, #tpu.memory_space<vmem>>[vector<16xi32>], vector<16xf32>, vector<16xi1>
      }
      %scan3A_583 = arith.constant 10 : i32
      %broadcast_in_dim3A_584 = arith.constant 6.000000e-01 : f32
      %broadcast_in_dim3A_585 = vector.broadcast %broadcast_in_dim3A_584 : f32 to vector<16xf32>
      %broadcast_in_dim3A_586 = arith.constant 6.000000e-01 : f32
      %broadcast_in_dim3A_587 = vector.broadcast %broadcast_in_dim3A_586 : f32 to vector<16xf32>
      %broadcast_in_dim3A_588 = arith.constant 6.000000e-01 : f32
      %broadcast_in_dim3A_589 = vector.broadcast %broadcast_in_dim3A_588 : f32 to vector<16xf32>
      %broadcast_in_dim3A_590 = arith.constant 6.000000e-01 : f32
      %broadcast_in_dim3A_591 = vector.broadcast %broadcast_in_dim3A_590 : f32 to vector<16xf32>
      %scan3A_592 = arith.constant 0 : i32
      %scan3A_593 = arith.constant 7 : i32
      %scan3A_594 = arith.addi %scan3A_592, %scan3A_593 : i32
      %scan3A_595 = arith.constant 1 : i32
      %scan3A_596:8 = scf.for %scan3A_1000 = %scan3A_592 to %scan3A_594 step %scan3A_595 iter_args(%scan3A_1001 = %broadcast_in_dim3A_585, %scan3A_1002 = %mul3A_60, %scan3A_1003 = %broadcast_in_dim3A_587, %scan3A_1004 = %mul3A_60, %scan3A_1005 = %broadcast_in_dim3A_589, %scan3A_1006 = %mul3A_60, %scan3A_1007 = %broadcast_in_dim3A_591, %scan3A_1008 = %mul3A_60) -> (vector<16xf32>, vector<16xi32>, vector<16xf32>, vector<16xi32>, vector<16xf32>, vector<16xi32>, vector<16xf32>, vector<16xi32>)  : i32 {
        %mul3A_1009 = arith.constant 28 : i32
        %mul3A_1010 = arith.muli %scan3A_1000, %mul3A_1009 : i32
        %add3A_1011 = vector.broadcast %mul3A_1010 : i32 to vector<16xi32>
        %add3A_1012 = arith.addi %mul3A_60, %add3A_1011 : vector<16xi32>
        %add3A_1013 = arith.constant 0 : i32
        %add3A_1014 = vector.broadcast %add3A_1013 : i32 to vector<16xi32>
        %add3A_1015 = arith.addi %add3A_1012, %add3A_1014 : vector<16xi32>
        %gather3A = tpu.vector_load_idx %arg7[%add3A_1015] : memref<25088xf32, #tpu.memory_space<vmem>>[vector<16xi32>], vector<16xf32>,
        %gt3A_1016 = arith.cmpf ogt, %gather3A, %scan3A_1001 : vector<16xf32>
        %select_n3A_1017 = arith.select %gt3A_1016, %gather3A, %scan3A_1001 : vector<16xi1>, vector<16xf32>
        %select_n3A_1018 = arith.select %gt3A_1016, %add3A_1015, %scan3A_1002 : vector<16xi1>, vector<16xi32>
        %add3A_1019 = arith.constant 1 : i32
        %add3A_1020 = vector.broadcast %add3A_1019 : i32 to vector<16xi32>
        %add3A_1021 = arith.addi %add3A_1012, %add3A_1020 : vector<16xi32>
        %gather3A_1022 = tpu.vector_load_idx %arg7[%add3A_1021] : memref<25088xf32, #tpu.memory_space<vmem>>[vector<16xi32>], vector<16xf32>,
        %gt3A_1023 = arith.cmpf ogt, %gather3A_1022, %scan3A_1003 : vector<16xf32>
        %select_n3A_1024 = arith.select %gt3A_1023, %gather3A_1022, %scan3A_1003 : vector<16xi1>, vector<16xf32>
        %select_n3A_1025 = arith.select %gt3A_1023, %add3A_1021, %scan3A_1004 : vector<16xi1>, vector<16xi32>
        %add3A_1026 = arith.constant 2 : i32
        %add3A_1027 = vector.broadcast %add3A_1026 : i32 to vector<16xi32>
        %add3A_1028 = arith.addi %add3A_1012, %add3A_1027 : vector<16xi32>
        %gather3A_1029 = tpu.vector_load_idx %arg7[%add3A_1028] : memref<25088xf32, #tpu.memory_space<vmem>>[vector<16xi32>], vector<16xf32>,
        %gt3A_1030 = arith.cmpf ogt, %gather3A_1029, %scan3A_1005 : vector<16xf32>
        %select_n3A_1031 = arith.select %gt3A_1030, %gather3A_1029, %scan3A_1005 : vector<16xi1>, vector<16xf32>
        %select_n3A_1032 = arith.select %gt3A_1030, %add3A_1028, %scan3A_1006 : vector<16xi1>, vector<16xi32>
        %add3A_1033 = arith.constant 3 : i32
        %add3A_1034 = vector.broadcast %add3A_1033 : i32 to vector<16xi32>
        %add3A_1035 = arith.addi %add3A_1012, %add3A_1034 : vector<16xi32>
        %gather3A_1036 = tpu.vector_load_idx %arg7[%add3A_1035] : memref<25088xf32, #tpu.memory_space<vmem>>[vector<16xi32>], vector<16xf32>,
        %gt3A_1037 = arith.cmpf ogt, %gather3A_1036, %scan3A_1007 : vector<16xf32>
        %select_n3A_1038 = arith.select %gt3A_1037, %gather3A_1036, %scan3A_1007 : vector<16xi1>, vector<16xf32>
        %select_n3A_1039 = arith.select %gt3A_1037, %add3A_1035, %scan3A_1008 : vector<16xi1>, vector<16xi32>
        %add3A_1040 = arith.constant 4 : i32
        %add3A_1041 = vector.broadcast %add3A_1040 : i32 to vector<16xi32>
        %add3A_1042 = arith.addi %add3A_1012, %add3A_1041 : vector<16xi32>
        %gather3A_1043 = tpu.vector_load_idx %arg7[%add3A_1042] : memref<25088xf32, #tpu.memory_space<vmem>>[vector<16xi32>], vector<16xf32>,
        %gt3A_1044 = arith.cmpf ogt, %gather3A_1043, %select_n3A_1017 : vector<16xf32>
        %select_n3A_1045 = arith.select %gt3A_1044, %gather3A_1043, %select_n3A_1017 : vector<16xi1>, vector<16xf32>
        %select_n3A_1046 = arith.select %gt3A_1044, %add3A_1042, %select_n3A_1018 : vector<16xi1>, vector<16xi32>
        %add3A_1047 = arith.constant 5 : i32
        %add3A_1048 = vector.broadcast %add3A_1047 : i32 to vector<16xi32>
        %add3A_1049 = arith.addi %add3A_1012, %add3A_1048 : vector<16xi32>
        %gather3A_1050 = tpu.vector_load_idx %arg7[%add3A_1049] : memref<25088xf32, #tpu.memory_space<vmem>>[vector<16xi32>], vector<16xf32>,
        %gt3A_1051 = arith.cmpf ogt, %gather3A_1050, %select_n3A_1024 : vector<16xf32>
        %select_n3A_1052 = arith.select %gt3A_1051, %gather3A_1050, %select_n3A_1024 : vector<16xi1>, vector<16xf32>
        %select_n3A_1053 = arith.select %gt3A_1051, %add3A_1049, %select_n3A_1025 : vector<16xi1>, vector<16xi32>
        %add3A_1054 = arith.constant 6 : i32
        %add3A_1055 = vector.broadcast %add3A_1054 : i32 to vector<16xi32>
        %add3A_1056 = arith.addi %add3A_1012, %add3A_1055 : vector<16xi32>
        %gather3A_1057 = tpu.vector_load_idx %arg7[%add3A_1056] : memref<25088xf32, #tpu.memory_space<vmem>>[vector<16xi32>], vector<16xf32>,
        %gt3A_1058 = arith.cmpf ogt, %gather3A_1057, %select_n3A_1031 : vector<16xf32>
        %select_n3A_1059 = arith.select %gt3A_1058, %gather3A_1057, %select_n3A_1031 : vector<16xi1>, vector<16xf32>
        %select_n3A_1060 = arith.select %gt3A_1058, %add3A_1056, %select_n3A_1032 : vector<16xi1>, vector<16xi32>
        %add3A_1061 = arith.constant 7 : i32
        %add3A_1062 = vector.broadcast %add3A_1061 : i32 to vector<16xi32>
        %add3A_1063 = arith.addi %add3A_1012, %add3A_1062 : vector<16xi32>
        %gather3A_1064 = tpu.vector_load_idx %arg7[%add3A_1063] : memref<25088xf32, #tpu.memory_space<vmem>>[vector<16xi32>], vector<16xf32>,
        %gt3A_1065 = arith.cmpf ogt, %gather3A_1064, %select_n3A_1038 : vector<16xf32>
        %select_n3A_1066 = arith.select %gt3A_1065, %gather3A_1064, %select_n3A_1038 : vector<16xi1>, vector<16xf32>
        %select_n3A_1067 = arith.select %gt3A_1065, %add3A_1063, %select_n3A_1039 : vector<16xi1>, vector<16xi32>
        %add3A_1068 = arith.constant 8 : i32
        %add3A_1069 = vector.broadcast %add3A_1068 : i32 to vector<16xi32>
        %add3A_1070 = arith.addi %add3A_1012, %add3A_1069 : vector<16xi32>
        %gather3A_1071 = tpu.vector_load_idx %arg7[%add3A_1070] : memref<25088xf32, #tpu.memory_space<vmem>>[vector<16xi32>], vector<16xf32>,
        %gt3A_1072 = arith.cmpf ogt, %gather3A_1071, %select_n3A_1045 : vector<16xf32>
        %select_n3A_1073 = arith.select %gt3A_1072, %gather3A_1071, %select_n3A_1045 : vector<16xi1>, vector<16xf32>
        %select_n3A_1074 = arith.select %gt3A_1072, %add3A_1070, %select_n3A_1046 : vector<16xi1>, vector<16xi32>
        %add3A_1075 = arith.constant 9 : i32
        %add3A_1076 = vector.broadcast %add3A_1075 : i32 to vector<16xi32>
        %add3A_1077 = arith.addi %add3A_1012, %add3A_1076 : vector<16xi32>
        %gather3A_1078 = tpu.vector_load_idx %arg7[%add3A_1077] : memref<25088xf32, #tpu.memory_space<vmem>>[vector<16xi32>], vector<16xf32>,
        %gt3A_1079 = arith.cmpf ogt, %gather3A_1078, %select_n3A_1052 : vector<16xf32>
        %select_n3A_1080 = arith.select %gt3A_1079, %gather3A_1078, %select_n3A_1052 : vector<16xi1>, vector<16xf32>
        %select_n3A_1081 = arith.select %gt3A_1079, %add3A_1077, %select_n3A_1053 : vector<16xi1>, vector<16xi32>
        %add3A_1082 = arith.constant 10 : i32
        %add3A_1083 = vector.broadcast %add3A_1082 : i32 to vector<16xi32>
        %add3A_1084 = arith.addi %add3A_1012, %add3A_1083 : vector<16xi32>
        %gather3A_1085 = tpu.vector_load_idx %arg7[%add3A_1084] : memref<25088xf32, #tpu.memory_space<vmem>>[vector<16xi32>], vector<16xf32>,
        %gt3A_1086 = arith.cmpf ogt, %gather3A_1085, %select_n3A_1059 : vector<16xf32>
        %select_n3A_1087 = arith.select %gt3A_1086, %gather3A_1085, %select_n3A_1059 : vector<16xi1>, vector<16xf32>
        %select_n3A_1088 = arith.select %gt3A_1086, %add3A_1084, %select_n3A_1060 : vector<16xi1>, vector<16xi32>
        %add3A_1089 = arith.constant 11 : i32
        %add3A_1090 = vector.broadcast %add3A_1089 : i32 to vector<16xi32>
        %add3A_1091 = arith.addi %add3A_1012, %add3A_1090 : vector<16xi32>
        %gather3A_1092 = tpu.vector_load_idx %arg7[%add3A_1091] : memref<25088xf32, #tpu.memory_space<vmem>>[vector<16xi32>], vector<16xf32>,
        %gt3A_1093 = arith.cmpf ogt, %gather3A_1092, %select_n3A_1066 : vector<16xf32>
        %select_n3A_1094 = arith.select %gt3A_1093, %gather3A_1092, %select_n3A_1066 : vector<16xi1>, vector<16xf32>
        %select_n3A_1095 = arith.select %gt3A_1093, %add3A_1091, %select_n3A_1067 : vector<16xi1>, vector<16xi32>
        %add3A_1096 = arith.constant 12 : i32
        %add3A_1097 = vector.broadcast %add3A_1096 : i32 to vector<16xi32>
        %add3A_1098 = arith.addi %add3A_1012, %add3A_1097 : vector<16xi32>
        %gather3A_1099 = tpu.vector_load_idx %arg7[%add3A_1098] : memref<25088xf32, #tpu.memory_space<vmem>>[vector<16xi32>], vector<16xf32>,
        %gt3A_1100 = arith.cmpf ogt, %gather3A_1099, %select_n3A_1073 : vector<16xf32>
        %select_n3A_1101 = arith.select %gt3A_1100, %gather3A_1099, %select_n3A_1073 : vector<16xi1>, vector<16xf32>
        %select_n3A_1102 = arith.select %gt3A_1100, %add3A_1098, %select_n3A_1074 : vector<16xi1>, vector<16xi32>
        %add3A_1103 = arith.constant 13 : i32
        %add3A_1104 = vector.broadcast %add3A_1103 : i32 to vector<16xi32>
        %add3A_1105 = arith.addi %add3A_1012, %add3A_1104 : vector<16xi32>
        %gather3A_1106 = tpu.vector_load_idx %arg7[%add3A_1105] : memref<25088xf32, #tpu.memory_space<vmem>>[vector<16xi32>], vector<16xf32>,
        %gt3A_1107 = arith.cmpf ogt, %gather3A_1106, %select_n3A_1080 : vector<16xf32>
        %select_n3A_1108 = arith.select %gt3A_1107, %gather3A_1106, %select_n3A_1080 : vector<16xi1>, vector<16xf32>
        %select_n3A_1109 = arith.select %gt3A_1107, %add3A_1105, %select_n3A_1081 : vector<16xi1>, vector<16xi32>
        %add3A_1110 = arith.constant 14 : i32
        %add3A_1111 = vector.broadcast %add3A_1110 : i32 to vector<16xi32>
        %add3A_1112 = arith.addi %add3A_1012, %add3A_1111 : vector<16xi32>
        %gather3A_1113 = tpu.vector_load_idx %arg7[%add3A_1112] : memref<25088xf32, #tpu.memory_space<vmem>>[vector<16xi32>], vector<16xf32>,
        %gt3A_1114 = arith.cmpf ogt, %gather3A_1113, %select_n3A_1087 : vector<16xf32>
        %select_n3A_1115 = arith.select %gt3A_1114, %gather3A_1113, %select_n3A_1087 : vector<16xi1>, vector<16xf32>
        %select_n3A_1116 = arith.select %gt3A_1114, %add3A_1112, %select_n3A_1088 : vector<16xi1>, vector<16xi32>
        %add3A_1117 = arith.constant 15 : i32
        %add3A_1118 = vector.broadcast %add3A_1117 : i32 to vector<16xi32>
        %add3A_1119 = arith.addi %add3A_1012, %add3A_1118 : vector<16xi32>
        %gather3A_1120 = tpu.vector_load_idx %arg7[%add3A_1119] : memref<25088xf32, #tpu.memory_space<vmem>>[vector<16xi32>], vector<16xf32>,
        %gt3A_1121 = arith.cmpf ogt, %gather3A_1120, %select_n3A_1094 : vector<16xf32>
        %select_n3A_1122 = arith.select %gt3A_1121, %gather3A_1120, %select_n3A_1094 : vector<16xi1>, vector<16xf32>
        %select_n3A_1123 = arith.select %gt3A_1121, %add3A_1119, %select_n3A_1095 : vector<16xi1>, vector<16xi32>
        %add3A_1124 = arith.constant 16 : i32
        %add3A_1125 = vector.broadcast %add3A_1124 : i32 to vector<16xi32>
        %add3A_1126 = arith.addi %add3A_1012, %add3A_1125 : vector<16xi32>
        %gather3A_1127 = tpu.vector_load_idx %arg7[%add3A_1126] : memref<25088xf32, #tpu.memory_space<vmem>>[vector<16xi32>], vector<16xf32>,
        %gt3A_1128 = arith.cmpf ogt, %gather3A_1127, %select_n3A_1101 : vector<16xf32>
        %select_n3A_1129 = arith.select %gt3A_1128, %gather3A_1127, %select_n3A_1101 : vector<16xi1>, vector<16xf32>
        %select_n3A_1130 = arith.select %gt3A_1128, %add3A_1126, %select_n3A_1102 : vector<16xi1>, vector<16xi32>
        %add3A_1131 = arith.constant 17 : i32
        %add3A_1132 = vector.broadcast %add3A_1131 : i32 to vector<16xi32>
        %add3A_1133 = arith.addi %add3A_1012, %add3A_1132 : vector<16xi32>
        %gather3A_1134 = tpu.vector_load_idx %arg7[%add3A_1133] : memref<25088xf32, #tpu.memory_space<vmem>>[vector<16xi32>], vector<16xf32>,
        %gt3A_1135 = arith.cmpf ogt, %gather3A_1134, %select_n3A_1108 : vector<16xf32>
        %select_n3A_1136 = arith.select %gt3A_1135, %gather3A_1134, %select_n3A_1108 : vector<16xi1>, vector<16xf32>
        %select_n3A_1137 = arith.select %gt3A_1135, %add3A_1133, %select_n3A_1109 : vector<16xi1>, vector<16xi32>
        %add3A_1138 = arith.constant 18 : i32
        %add3A_1139 = vector.broadcast %add3A_1138 : i32 to vector<16xi32>
        %add3A_1140 = arith.addi %add3A_1012, %add3A_1139 : vector<16xi32>
        %gather3A_1141 = tpu.vector_load_idx %arg7[%add3A_1140] : memref<25088xf32, #tpu.memory_space<vmem>>[vector<16xi32>], vector<16xf32>,
        %gt3A_1142 = arith.cmpf ogt, %gather3A_1141, %select_n3A_1115 : vector<16xf32>
        %select_n3A_1143 = arith.select %gt3A_1142, %gather3A_1141, %select_n3A_1115 : vector<16xi1>, vector<16xf32>
        %select_n3A_1144 = arith.select %gt3A_1142, %add3A_1140, %select_n3A_1116 : vector<16xi1>, vector<16xi32>
        %add3A_1145 = arith.constant 19 : i32
        %add3A_1146 = vector.broadcast %add3A_1145 : i32 to vector<16xi32>
        %add3A_1147 = arith.addi %add3A_1012, %add3A_1146 : vector<16xi32>
        %gather3A_1148 = tpu.vector_load_idx %arg7[%add3A_1147] : memref<25088xf32, #tpu.memory_space<vmem>>[vector<16xi32>], vector<16xf32>,
        %gt3A_1149 = arith.cmpf ogt, %gather3A_1148, %select_n3A_1122 : vector<16xf32>
        %select_n3A_1150 = arith.select %gt3A_1149, %gather3A_1148, %select_n3A_1122 : vector<16xi1>, vector<16xf32>
        %select_n3A_1151 = arith.select %gt3A_1149, %add3A_1147, %select_n3A_1123 : vector<16xi1>, vector<16xi32>
        %add3A_1152 = arith.constant 20 : i32
        %add3A_1153 = vector.broadcast %add3A_1152 : i32 to vector<16xi32>
        %add3A_1154 = arith.addi %add3A_1012, %add3A_1153 : vector<16xi32>
        %gather3A_1155 = tpu.vector_load_idx %arg7[%add3A_1154] : memref<25088xf32, #tpu.memory_space<vmem>>[vector<16xi32>], vector<16xf32>,
        %gt3A_1156 = arith.cmpf ogt, %gather3A_1155, %select_n3A_1129 : vector<16xf32>
        %select_n3A_1157 = arith.select %gt3A_1156, %gather3A_1155, %select_n3A_1129 : vector<16xi1>, vector<16xf32>
        %select_n3A_1158 = arith.select %gt3A_1156, %add3A_1154, %select_n3A_1130 : vector<16xi1>, vector<16xi32>
        %add3A_1159 = arith.constant 21 : i32
        %add3A_1160 = vector.broadcast %add3A_1159 : i32 to vector<16xi32>
        %add3A_1161 = arith.addi %add3A_1012, %add3A_1160 : vector<16xi32>
        %gather3A_1162 = tpu.vector_load_idx %arg7[%add3A_1161] : memref<25088xf32, #tpu.memory_space<vmem>>[vector<16xi32>], vector<16xf32>,
        %gt3A_1163 = arith.cmpf ogt, %gather3A_1162, %select_n3A_1136 : vector<16xf32>
        %select_n3A_1164 = arith.select %gt3A_1163, %gather3A_1162, %select_n3A_1136 : vector<16xi1>, vector<16xf32>
        %select_n3A_1165 = arith.select %gt3A_1163, %add3A_1161, %select_n3A_1137 : vector<16xi1>, vector<16xi32>
        %add3A_1166 = arith.constant 22 : i32
        %add3A_1167 = vector.broadcast %add3A_1166 : i32 to vector<16xi32>
        %add3A_1168 = arith.addi %add3A_1012, %add3A_1167 : vector<16xi32>
        %gather3A_1169 = tpu.vector_load_idx %arg7[%add3A_1168] : memref<25088xf32, #tpu.memory_space<vmem>>[vector<16xi32>], vector<16xf32>,
        %gt3A_1170 = arith.cmpf ogt, %gather3A_1169, %select_n3A_1143 : vector<16xf32>
        %select_n3A_1171 = arith.select %gt3A_1170, %gather3A_1169, %select_n3A_1143 : vector<16xi1>, vector<16xf32>
        %select_n3A_1172 = arith.select %gt3A_1170, %add3A_1168, %select_n3A_1144 : vector<16xi1>, vector<16xi32>
        %add3A_1173 = arith.constant 23 : i32
        %add3A_1174 = vector.broadcast %add3A_1173 : i32 to vector<16xi32>
        %add3A_1175 = arith.addi %add3A_1012, %add3A_1174 : vector<16xi32>
        %gather3A_1176 = tpu.vector_load_idx %arg7[%add3A_1175] : memref<25088xf32, #tpu.memory_space<vmem>>[vector<16xi32>], vector<16xf32>,
        %gt3A_1177 = arith.cmpf ogt, %gather3A_1176, %select_n3A_1150 : vector<16xf32>
        %select_n3A_1178 = arith.select %gt3A_1177, %gather3A_1176, %select_n3A_1150 : vector<16xi1>, vector<16xf32>
        %select_n3A_1179 = arith.select %gt3A_1177, %add3A_1175, %select_n3A_1151 : vector<16xi1>, vector<16xi32>
        %add3A_1180 = arith.constant 24 : i32
        %add3A_1181 = vector.broadcast %add3A_1180 : i32 to vector<16xi32>
        %add3A_1182 = arith.addi %add3A_1012, %add3A_1181 : vector<16xi32>
        %gather3A_1183 = tpu.vector_load_idx %arg7[%add3A_1182] : memref<25088xf32, #tpu.memory_space<vmem>>[vector<16xi32>], vector<16xf32>,
        %gt3A_1184 = arith.cmpf ogt, %gather3A_1183, %select_n3A_1157 : vector<16xf32>
        %select_n3A_1185 = arith.select %gt3A_1184, %gather3A_1183, %select_n3A_1157 : vector<16xi1>, vector<16xf32>
        %select_n3A_1186 = arith.select %gt3A_1184, %add3A_1182, %select_n3A_1158 : vector<16xi1>, vector<16xi32>
        %add3A_1187 = arith.constant 25 : i32
        %add3A_1188 = vector.broadcast %add3A_1187 : i32 to vector<16xi32>
        %add3A_1189 = arith.addi %add3A_1012, %add3A_1188 : vector<16xi32>
        %gather3A_1190 = tpu.vector_load_idx %arg7[%add3A_1189] : memref<25088xf32, #tpu.memory_space<vmem>>[vector<16xi32>], vector<16xf32>,
        %gt3A_1191 = arith.cmpf ogt, %gather3A_1190, %select_n3A_1164 : vector<16xf32>
        %select_n3A_1192 = arith.select %gt3A_1191, %gather3A_1190, %select_n3A_1164 : vector<16xi1>, vector<16xf32>
        %select_n3A_1193 = arith.select %gt3A_1191, %add3A_1189, %select_n3A_1165 : vector<16xi1>, vector<16xi32>
        %add3A_1194 = arith.constant 26 : i32
        %add3A_1195 = vector.broadcast %add3A_1194 : i32 to vector<16xi32>
        %add3A_1196 = arith.addi %add3A_1012, %add3A_1195 : vector<16xi32>
        %gather3A_1197 = tpu.vector_load_idx %arg7[%add3A_1196] : memref<25088xf32, #tpu.memory_space<vmem>>[vector<16xi32>], vector<16xf32>,
        %gt3A_1198 = arith.cmpf ogt, %gather3A_1197, %select_n3A_1171 : vector<16xf32>
        %select_n3A_1199 = arith.select %gt3A_1198, %gather3A_1197, %select_n3A_1171 : vector<16xi1>, vector<16xf32>
        %select_n3A_1200 = arith.select %gt3A_1198, %add3A_1196, %select_n3A_1172 : vector<16xi1>, vector<16xi32>
        %add3A_1201 = arith.constant 27 : i32
        %add3A_1202 = vector.broadcast %add3A_1201 : i32 to vector<16xi32>
        %add3A_1203 = arith.addi %add3A_1012, %add3A_1202 : vector<16xi32>
        %gather3A_1204 = tpu.vector_load_idx %arg7[%add3A_1203] : memref<25088xf32, #tpu.memory_space<vmem>>[vector<16xi32>], vector<16xf32>,
        %gt3A_1205 = arith.cmpf ogt, %gather3A_1204, %select_n3A_1178 : vector<16xf32>
        %select_n3A_1206 = arith.select %gt3A_1205, %gather3A_1204, %select_n3A_1178 : vector<16xi1>, vector<16xf32>
        %select_n3A_1207 = arith.select %gt3A_1205, %add3A_1203, %select_n3A_1179 : vector<16xi1>, vector<16xi32>
        scf.yield %select_n3A_1185, %select_n3A_1186, %select_n3A_1192, %select_n3A_1193, %select_n3A_1199, %select_n3A_1200, %select_n3A_1206, %select_n3A_1207 : vector<16xf32>, vector<16xi32>, vector<16xf32>, vector<16xi32>, vector<16xf32>, vector<16xi32>, vector<16xf32>, vector<16xi32>
      }
      %scan3A_597 = arith.constant 7 : i32
      %gt3A_598 = arith.cmpf ogt, %scan3A_596#2, %scan3A_596#0 : vector<16xf32>
      %eq3A_599 = arith.cmpf oeq, %scan3A_596#2, %scan3A_596#0 : vector<16xf32>
      %lt3A_600 = arith.cmpi slt, %scan3A_596#3, %scan3A_596#1 : vector<16xi32>
      %and3A_601 = arith.andi %eq3A_599, %lt3A_600 : vector<16xi1>
      %or3A_602 = arith.ori %gt3A_598, %and3A_601 : vector<16xi1>
      %select_n3A_603 = arith.select %or3A_602, %scan3A_596#2, %scan3A_596#0 : vector<16xi1>, vector<16xf32>
      %select_n3A_604 = arith.select %or3A_602, %scan3A_596#3, %scan3A_596#1 : vector<16xi1>, vector<16xi32>
      %gt3A_605 = arith.cmpf ogt, %scan3A_596#6, %scan3A_596#4 : vector<16xf32>
      %eq3A_606 = arith.cmpf oeq, %scan3A_596#6, %scan3A_596#4 : vector<16xf32>
      %lt3A_607 = arith.cmpi slt, %scan3A_596#7, %scan3A_596#5 : vector<16xi32>
      %and3A_608 = arith.andi %eq3A_606, %lt3A_607 : vector<16xi1>
      %or3A_609 = arith.ori %gt3A_605, %and3A_608 : vector<16xi1>
      %select_n3A_610 = arith.select %or3A_609, %scan3A_596#6, %scan3A_596#4 : vector<16xi1>, vector<16xf32>
      %select_n3A_611 = arith.select %or3A_609, %scan3A_596#7, %scan3A_596#5 : vector<16xi1>, vector<16xi32>
      %gt3A_612 = arith.cmpf ogt, %select_n3A_610, %select_n3A_603 : vector<16xf32>
      %eq3A_613 = arith.cmpf oeq, %select_n3A_610, %select_n3A_603 : vector<16xf32>
      %lt3A_614 = arith.cmpi slt, %select_n3A_611, %select_n3A_604 : vector<16xi32>
      %and3A_615 = arith.andi %eq3A_613, %lt3A_614 : vector<16xi1>
      %or3A_616 = arith.ori %gt3A_612, %and3A_615 : vector<16xi1>
      %select_n3A_617 = arith.select %or3A_616, %select_n3A_610, %select_n3A_603 : vector<16xi1>, vector<16xf32>
      %select_n3A_618 = arith.select %or3A_616, %select_n3A_611, %select_n3A_604 : vector<16xi1>, vector<16xi32>
      %sub3A_619 = arith.subi %select_n3A_618, %mul3A_60 : vector<16xi32>
      %jit3A_620 = arith.constant 14 : i32
      %div3A_621 = vector.broadcast %jit3A_620 : i32 to vector<16xi32>
      %div3A_622 = arith.divsi %sub3A_92, %div3A_621 : vector<16xi32>
      %sign3A_623 = arith.constant 0 : i32
      %sign3A_624 = vector.broadcast %sign3A_623 : i32 to vector<16xi32>
      %sign3A_625 = arith.cmpi sgt, %sub3A_92, %sign3A_624 : vector<16xi32>
      %sign3A_626 = arith.extui %sign3A_625 : vector<16xi1> to vector<16xi32>
      %sign3A_627 = arith.constant 0 : i32
      %sign3A_628 = vector.broadcast %sign3A_627 : i32 to vector<16xi32>
      %sign3A_629 = arith.cmpi slt, %sub3A_92, %sign3A_628 : vector<16xi32>
      %sign3A_630 = arith.extui %sign3A_629 : vector<16xi1> to vector<16xi32>
      %sign3A_631 = arith.subi %sign3A_626, %sign3A_630 : vector<16xi32>
      %sign3A_632 = arith.constant 0 : i32
      %sign3A_633 = arith.cmpi sgt, %jit3A_620, %sign3A_632 : i32
      %sign3A_634 = arith.extui %sign3A_633 : i1 to i32
      %sign3A_635 = arith.constant 0 : i32
      %sign3A_636 = arith.cmpi slt, %jit3A_620, %sign3A_635 : i32
      %sign3A_637 = arith.extui %sign3A_636 : i1 to i32
      %sign3A_638 = arith.subi %sign3A_634, %sign3A_637 : i32
      %ne3A_639 = vector.broadcast %sign3A_638 : i32 to vector<16xi32>
      %ne3A_640 = arith.cmpi ne, %sign3A_631, %ne3A_639 : vector<16xi32>
      %rem3A_641 = vector.broadcast %jit3A_620 : i32 to vector<16xi32>
      %rem3A_642 = arith.remsi %sub3A_92, %rem3A_641 : vector<16xi32>
      %ne3A_643 = arith.constant 0 : i32
      %ne3A_644 = vector.broadcast %ne3A_643 : i32 to vector<16xi32>
      %ne3A_645 = arith.cmpi ne, %rem3A_642, %ne3A_644 : vector<16xi32>
      %and3A_646 = arith.andi %ne3A_640, %ne3A_645 : vector<16xi1>
      %sub3A_647 = arith.constant 1 : i32
      %sub3A_648 = vector.broadcast %sub3A_647 : i32 to vector<16xi32>
      %sub3A_649 = arith.subi %div3A_622, %sub3A_648 : vector<16xi32>
      %select_n3A_650 = arith.select %and3A_646, %sub3A_649, %div3A_622 : vector<16xi1>, vector<16xi32>
      %jit3A_651 = arith.constant 14 : i32
      %div3A_652 = vector.broadcast %jit3A_651 : i32 to vector<16xi32>
      %div3A_653 = arith.divsi %sub3A_267, %div3A_652 : vector<16xi32>
      %sign3A_654 = arith.constant 0 : i32
      %sign3A_655 = vector.broadcast %sign3A_654 : i32 to vector<16xi32>
      %sign3A_656 = arith.cmpi sgt, %sub3A_267, %sign3A_655 : vector<16xi32>
      %sign3A_657 = arith.extui %sign3A_656 : vector<16xi1> to vector<16xi32>
      %sign3A_658 = arith.constant 0 : i32
      %sign3A_659 = vector.broadcast %sign3A_658 : i32 to vector<16xi32>
      %sign3A_660 = arith.cmpi slt, %sub3A_267, %sign3A_659 : vector<16xi32>
      %sign3A_661 = arith.extui %sign3A_660 : vector<16xi1> to vector<16xi32>
      %sign3A_662 = arith.subi %sign3A_657, %sign3A_661 : vector<16xi32>
      %sign3A_663 = arith.constant 0 : i32
      %sign3A_664 = arith.cmpi sgt, %jit3A_651, %sign3A_663 : i32
      %sign3A_665 = arith.extui %sign3A_664 : i1 to i32
      %sign3A_666 = arith.constant 0 : i32
      %sign3A_667 = arith.cmpi slt, %jit3A_651, %sign3A_666 : i32
      %sign3A_668 = arith.extui %sign3A_667 : i1 to i32
      %sign3A_669 = arith.subi %sign3A_665, %sign3A_668 : i32
      %ne3A_670 = vector.broadcast %sign3A_669 : i32 to vector<16xi32>
      %ne3A_671 = arith.cmpi ne, %sign3A_662, %ne3A_670 : vector<16xi32>
      %rem3A_672 = vector.broadcast %jit3A_651 : i32 to vector<16xi32>
      %rem3A_673 = arith.remsi %sub3A_267, %rem3A_672 : vector<16xi32>
      %ne3A_674 = arith.constant 0 : i32
      %ne3A_675 = vector.broadcast %ne3A_674 : i32 to vector<16xi32>
      %ne3A_676 = arith.cmpi ne, %rem3A_673, %ne3A_675 : vector<16xi32>
      %and3A_677 = arith.andi %ne3A_671, %ne3A_676 : vector<16xi1>
      %sub3A_678 = arith.constant 1 : i32
      %sub3A_679 = vector.broadcast %sub3A_678 : i32 to vector<16xi32>
      %sub3A_680 = arith.subi %div3A_653, %sub3A_679 : vector<16xi32>
      %select_n3A_681 = arith.select %and3A_677, %sub3A_680, %div3A_653 : vector<16xi1>, vector<16xi32>
      %jit3A_682 = arith.constant 14 : i32
      %div3A_683 = vector.broadcast %jit3A_682 : i32 to vector<16xi32>
      %div3A_684 = arith.divsi %sub3A_443, %div3A_683 : vector<16xi32>
      %sign3A_685 = arith.constant 0 : i32
      %sign3A_686 = vector.broadcast %sign3A_685 : i32 to vector<16xi32>
      %sign3A_687 = arith.cmpi sgt, %sub3A_443, %sign3A_686 : vector<16xi32>
      %sign3A_688 = arith.extui %sign3A_687 : vector<16xi1> to vector<16xi32>
      %sign3A_689 = arith.constant 0 : i32
      %sign3A_690 = vector.broadcast %sign3A_689 : i32 to vector<16xi32>
      %sign3A_691 = arith.cmpi slt, %sub3A_443, %sign3A_690 : vector<16xi32>
      %sign3A_692 = arith.extui %sign3A_691 : vector<16xi1> to vector<16xi32>
      %sign3A_693 = arith.subi %sign3A_688, %sign3A_692 : vector<16xi32>
      %sign3A_694 = arith.constant 0 : i32
      %sign3A_695 = arith.cmpi sgt, %jit3A_682, %sign3A_694 : i32
      %sign3A_696 = arith.extui %sign3A_695 : i1 to i32
      %sign3A_697 = arith.constant 0 : i32
      %sign3A_698 = arith.cmpi slt, %jit3A_682, %sign3A_697 : i32
      %sign3A_699 = arith.extui %sign3A_698 : i1 to i32
      %sign3A_700 = arith.subi %sign3A_696, %sign3A_699 : i32
      %ne3A_701 = vector.broadcast %sign3A_700 : i32 to vector<16xi32>
      %ne3A_702 = arith.cmpi ne, %sign3A_693, %ne3A_701 : vector<16xi32>
      %rem3A_703 = vector.broadcast %jit3A_682 : i32 to vector<16xi32>
      %rem3A_704 = arith.remsi %sub3A_443, %rem3A_703 : vector<16xi32>
      %ne3A_705 = arith.constant 0 : i32
      %ne3A_706 = vector.broadcast %ne3A_705 : i32 to vector<16xi32>
      %ne3A_707 = arith.cmpi ne, %rem3A_704, %ne3A_706 : vector<16xi32>
      %and3A_708 = arith.andi %ne3A_702, %ne3A_707 : vector<16xi1>
      %sub3A_709 = arith.constant 1 : i32
      %sub3A_710 = vector.broadcast %sub3A_709 : i32 to vector<16xi32>
      %sub3A_711 = arith.subi %div3A_684, %sub3A_710 : vector<16xi32>
      %select_n3A_712 = arith.select %and3A_708, %sub3A_711, %div3A_684 : vector<16xi1>, vector<16xi32>
      %jit3A_713 = arith.constant 14 : i32
      %div3A_714 = vector.broadcast %jit3A_713 : i32 to vector<16xi32>
      %div3A_715 = arith.divsi %sub3A_619, %div3A_714 : vector<16xi32>
      %sign3A_716 = arith.constant 0 : i32
      %sign3A_717 = vector.broadcast %sign3A_716 : i32 to vector<16xi32>
      %sign3A_718 = arith.cmpi sgt, %sub3A_619, %sign3A_717 : vector<16xi32>
      %sign3A_719 = arith.extui %sign3A_718 : vector<16xi1> to vector<16xi32>
      %sign3A_720 = arith.constant 0 : i32
      %sign3A_721 = vector.broadcast %sign3A_720 : i32 to vector<16xi32>
      %sign3A_722 = arith.cmpi slt, %sub3A_619, %sign3A_721 : vector<16xi32>
      %sign3A_723 = arith.extui %sign3A_722 : vector<16xi1> to vector<16xi32>
      %sign3A_724 = arith.subi %sign3A_719, %sign3A_723 : vector<16xi32>
      %sign3A_725 = arith.constant 0 : i32
      %sign3A_726 = arith.cmpi sgt, %jit3A_713, %sign3A_725 : i32
      %sign3A_727 = arith.extui %sign3A_726 : i1 to i32
      %sign3A_728 = arith.constant 0 : i32
      %sign3A_729 = arith.cmpi slt, %jit3A_713, %sign3A_728 : i32
      %sign3A_730 = arith.extui %sign3A_729 : i1 to i32
      %sign3A_731 = arith.subi %sign3A_727, %sign3A_730 : i32
      %ne3A_732 = vector.broadcast %sign3A_731 : i32 to vector<16xi32>
      %ne3A_733 = arith.cmpi ne, %sign3A_724, %ne3A_732 : vector<16xi32>
      %rem3A_734 = vector.broadcast %jit3A_713 : i32 to vector<16xi32>
      %rem3A_735 = arith.remsi %sub3A_619, %rem3A_734 : vector<16xi32>
      %ne3A_736 = arith.constant 0 : i32
      %ne3A_737 = vector.broadcast %ne3A_736 : i32 to vector<16xi32>
      %ne3A_738 = arith.cmpi ne, %rem3A_735, %ne3A_737 : vector<16xi32>
      %and3A_739 = arith.andi %ne3A_733, %ne3A_738 : vector<16xi1>
      %sub3A_740 = arith.constant 1 : i32
      %sub3A_741 = vector.broadcast %sub3A_740 : i32 to vector<16xi32>
      %sub3A_742 = arith.subi %div3A_715, %sub3A_741 : vector<16xi32>
      %select_n3A_743 = arith.select %and3A_739, %sub3A_742, %div3A_715 : vector<16xi1>, vector<16xi32>
      %jit3A_744 = arith.constant 14 : i32
      %div3A_745 = vector.broadcast %jit3A_744 : i32 to vector<16xi32>
      %div3A_746 = arith.divsi %sub3A_92, %div3A_745 : vector<16xi32>
      %sign3A_747 = arith.constant 0 : i32
      %sign3A_748 = vector.broadcast %sign3A_747 : i32 to vector<16xi32>
      %sign3A_749 = arith.cmpi sgt, %sub3A_92, %sign3A_748 : vector<16xi32>
      %sign3A_750 = arith.extui %sign3A_749 : vector<16xi1> to vector<16xi32>
      %sign3A_751 = arith.constant 0 : i32
      %sign3A_752 = vector.broadcast %sign3A_751 : i32 to vector<16xi32>
      %sign3A_753 = arith.cmpi slt, %sub3A_92, %sign3A_752 : vector<16xi32>
      %sign3A_754 = arith.extui %sign3A_753 : vector<16xi1> to vector<16xi32>
      %sign3A_755 = arith.subi %sign3A_750, %sign3A_754 : vector<16xi32>
      %sign3A_756 = arith.constant 0 : i32
      %sign3A_757 = arith.cmpi sgt, %jit3A_744, %sign3A_756 : i32
      %sign3A_758 = arith.extui %sign3A_757 : i1 to i32
      %sign3A_759 = arith.constant 0 : i32
      %sign3A_760 = arith.cmpi slt, %jit3A_744, %sign3A_759 : i32
      %sign3A_761 = arith.extui %sign3A_760 : i1 to i32
      %sign3A_762 = arith.subi %sign3A_758, %sign3A_761 : i32
      %ne3A_763 = vector.broadcast %sign3A_762 : i32 to vector<16xi32>
      %ne3A_764 = arith.cmpi ne, %sign3A_755, %ne3A_763 : vector<16xi32>
      %rem3A_765 = vector.broadcast %jit3A_744 : i32 to vector<16xi32>
      %rem3A_766 = arith.remsi %sub3A_92, %rem3A_765 : vector<16xi32>
      %ne3A_767 = arith.constant 0 : i32
      %ne3A_768 = vector.broadcast %ne3A_767 : i32 to vector<16xi32>
      %ne3A_769 = arith.cmpi ne, %rem3A_766, %ne3A_768 : vector<16xi32>
      %and3A_770 = arith.andi %ne3A_764, %ne3A_769 : vector<16xi1>
      %sub3A_771 = arith.constant 1 : i32
      %sub3A_772 = vector.broadcast %sub3A_771 : i32 to vector<16xi32>
      %sub3A_773 = arith.subi %div3A_746, %sub3A_772 : vector<16xi32>
      %select_n3A_774 = arith.select %and3A_770, %sub3A_773, %div3A_746 : vector<16xi1>, vector<16xi32>
      %mul3A_775 = arith.constant 14 : i32
      %mul3A_776 = vector.broadcast %mul3A_775 : i32 to vector<16xi32>
      %mul3A_777 = arith.muli %select_n3A_774, %mul3A_776 : vector<16xi32>
      %sub3A_778 = arith.subi %sub3A_92, %mul3A_777 : vector<16xi32>
      %jit3A_779 = arith.constant 14 : i32
      %div3A_780 = vector.broadcast %jit3A_779 : i32 to vector<16xi32>
      %div3A_781 = arith.divsi %sub3A_267, %div3A_780 : vector<16xi32>
      %sign3A_782 = arith.constant 0 : i32
      %sign3A_783 = vector.broadcast %sign3A_782 : i32 to vector<16xi32>
      %sign3A_784 = arith.cmpi sgt, %sub3A_267, %sign3A_783 : vector<16xi32>
      %sign3A_785 = arith.extui %sign3A_784 : vector<16xi1> to vector<16xi32>
      %sign3A_786 = arith.constant 0 : i32
      %sign3A_787 = vector.broadcast %sign3A_786 : i32 to vector<16xi32>
      %sign3A_788 = arith.cmpi slt, %sub3A_267, %sign3A_787 : vector<16xi32>
      %sign3A_789 = arith.extui %sign3A_788 : vector<16xi1> to vector<16xi32>
      %sign3A_790 = arith.subi %sign3A_785, %sign3A_789 : vector<16xi32>
      %sign3A_791 = arith.constant 0 : i32
      %sign3A_792 = arith.cmpi sgt, %jit3A_779, %sign3A_791 : i32
      %sign3A_793 = arith.extui %sign3A_792 : i1 to i32
      %sign3A_794 = arith.constant 0 : i32
      %sign3A_795 = arith.cmpi slt, %jit3A_779, %sign3A_794 : i32
      %sign3A_796 = arith.extui %sign3A_795 : i1 to i32
      %sign3A_797 = arith.subi %sign3A_793, %sign3A_796 : i32
      %ne3A_798 = vector.broadcast %sign3A_797 : i32 to vector<16xi32>
      %ne3A_799 = arith.cmpi ne, %sign3A_790, %ne3A_798 : vector<16xi32>
      %rem3A_800 = vector.broadcast %jit3A_779 : i32 to vector<16xi32>
      %rem3A_801 = arith.remsi %sub3A_267, %rem3A_800 : vector<16xi32>
      %ne3A_802 = arith.constant 0 : i32
      %ne3A_803 = vector.broadcast %ne3A_802 : i32 to vector<16xi32>
      %ne3A_804 = arith.cmpi ne, %rem3A_801, %ne3A_803 : vector<16xi32>
      %and3A_805 = arith.andi %ne3A_799, %ne3A_804 : vector<16xi1>
      %sub3A_806 = arith.constant 1 : i32
      %sub3A_807 = vector.broadcast %sub3A_806 : i32 to vector<16xi32>
      %sub3A_808 = arith.subi %div3A_781, %sub3A_807 : vector<16xi32>
      %select_n3A_809 = arith.select %and3A_805, %sub3A_808, %div3A_781 : vector<16xi1>, vector<16xi32>
      %mul3A_810 = arith.constant 14 : i32
      %mul3A_811 = vector.broadcast %mul3A_810 : i32 to vector<16xi32>
      %mul3A_812 = arith.muli %select_n3A_809, %mul3A_811 : vector<16xi32>
      %sub3A_813 = arith.subi %sub3A_267, %mul3A_812 : vector<16xi32>
      %jit3A_814 = arith.constant 14 : i32
      %div3A_815 = vector.broadcast %jit3A_814 : i32 to vector<16xi32>
      %div3A_816 = arith.divsi %sub3A_443, %div3A_815 : vector<16xi32>
      %sign3A_817 = arith.constant 0 : i32
      %sign3A_818 = vector.broadcast %sign3A_817 : i32 to vector<16xi32>
      %sign3A_819 = arith.cmpi sgt, %sub3A_443, %sign3A_818 : vector<16xi32>
      %sign3A_820 = arith.extui %sign3A_819 : vector<16xi1> to vector<16xi32>
      %sign3A_821 = arith.constant 0 : i32
      %sign3A_822 = vector.broadcast %sign3A_821 : i32 to vector<16xi32>
      %sign3A_823 = arith.cmpi slt, %sub3A_443, %sign3A_822 : vector<16xi32>
      %sign3A_824 = arith.extui %sign3A_823 : vector<16xi1> to vector<16xi32>
      %sign3A_825 = arith.subi %sign3A_820, %sign3A_824 : vector<16xi32>
      %sign3A_826 = arith.constant 0 : i32
      %sign3A_827 = arith.cmpi sgt, %jit3A_814, %sign3A_826 : i32
      %sign3A_828 = arith.extui %sign3A_827 : i1 to i32
      %sign3A_829 = arith.constant 0 : i32
      %sign3A_830 = arith.cmpi slt, %jit3A_814, %sign3A_829 : i32
      %sign3A_831 = arith.extui %sign3A_830 : i1 to i32
      %sign3A_832 = arith.subi %sign3A_828, %sign3A_831 : i32
      %ne3A_833 = vector.broadcast %sign3A_832 : i32 to vector<16xi32>
      %ne3A_834 = arith.cmpi ne, %sign3A_825, %ne3A_833 : vector<16xi32>
      %rem3A_835 = vector.broadcast %jit3A_814 : i32 to vector<16xi32>
      %rem3A_836 = arith.remsi %sub3A_443, %rem3A_835 : vector<16xi32>
      %ne3A_837 = arith.constant 0 : i32
      %ne3A_838 = vector.broadcast %ne3A_837 : i32 to vector<16xi32>
      %ne3A_839 = arith.cmpi ne, %rem3A_836, %ne3A_838 : vector<16xi32>
      %and3A_840 = arith.andi %ne3A_834, %ne3A_839 : vector<16xi1>
      %sub3A_841 = arith.constant 1 : i32
      %sub3A_842 = vector.broadcast %sub3A_841 : i32 to vector<16xi32>
      %sub3A_843 = arith.subi %div3A_816, %sub3A_842 : vector<16xi32>
      %select_n3A_844 = arith.select %and3A_840, %sub3A_843, %div3A_816 : vector<16xi1>, vector<16xi32>
      %mul3A_845 = arith.constant 14 : i32
      %mul3A_846 = vector.broadcast %mul3A_845 : i32 to vector<16xi32>
      %mul3A_847 = arith.muli %select_n3A_844, %mul3A_846 : vector<16xi32>
      %sub3A_848 = arith.subi %sub3A_443, %mul3A_847 : vector<16xi32>
      %jit3A_849 = arith.constant 14 : i32
      %div3A_850 = vector.broadcast %jit3A_849 : i32 to vector<16xi32>
      %div3A_851 = arith.divsi %sub3A_619, %div3A_850 : vector<16xi32>
      %sign3A_852 = arith.constant 0 : i32
      %sign3A_853 = vector.broadcast %sign3A_852 : i32 to vector<16xi32>
      %sign3A_854 = arith.cmpi sgt, %sub3A_619, %sign3A_853 : vector<16xi32>
      %sign3A_855 = arith.extui %sign3A_854 : vector<16xi1> to vector<16xi32>
      %sign3A_856 = arith.constant 0 : i32
      %sign3A_857 = vector.broadcast %sign3A_856 : i32 to vector<16xi32>
      %sign3A_858 = arith.cmpi slt, %sub3A_619, %sign3A_857 : vector<16xi32>
      %sign3A_859 = arith.extui %sign3A_858 : vector<16xi1> to vector<16xi32>
      %sign3A_860 = arith.subi %sign3A_855, %sign3A_859 : vector<16xi32>
      %sign3A_861 = arith.constant 0 : i32
      %sign3A_862 = arith.cmpi sgt, %jit3A_849, %sign3A_861 : i32
      %sign3A_863 = arith.extui %sign3A_862 : i1 to i32
      %sign3A_864 = arith.constant 0 : i32
      %sign3A_865 = arith.cmpi slt, %jit3A_849, %sign3A_864 : i32
      %sign3A_866 = arith.extui %sign3A_865 : i1 to i32
      %sign3A_867 = arith.subi %sign3A_863, %sign3A_866 : i32
      %ne3A_868 = vector.broadcast %sign3A_867 : i32 to vector<16xi32>
      %ne3A_869 = arith.cmpi ne, %sign3A_860, %ne3A_868 : vector<16xi32>
      %rem3A_870 = vector.broadcast %jit3A_849 : i32 to vector<16xi32>
      %rem3A_871 = arith.remsi %sub3A_619, %rem3A_870 : vector<16xi32>
      %ne3A_872 = arith.constant 0 : i32
      %ne3A_873 = vector.broadcast %ne3A_872 : i32 to vector<16xi32>
      %ne3A_874 = arith.cmpi ne, %rem3A_871, %ne3A_873 : vector<16xi32>
      %and3A_875 = arith.andi %ne3A_869, %ne3A_874 : vector<16xi1>
      %sub3A_876 = arith.constant 1 : i32
      %sub3A_877 = vector.broadcast %sub3A_876 : i32 to vector<16xi32>
      %sub3A_878 = arith.subi %div3A_851, %sub3A_877 : vector<16xi32>
      %select_n3A_879 = arith.select %and3A_875, %sub3A_878, %div3A_851 : vector<16xi1>, vector<16xi32>
      %mul3A_880 = arith.constant 14 : i32
      %mul3A_881 = vector.broadcast %mul3A_880 : i32 to vector<16xi32>
      %mul3A_882 = arith.muli %select_n3A_879, %mul3A_881 : vector<16xi32>
      %sub3A_883 = arith.subi %sub3A_619, %mul3A_882 : vector<16xi32>
      %broadcast_in_dim3A_884 = arith.constant -1 : i32
      %broadcast_in_dim3A_885 = vector.broadcast %broadcast_in_dim3A_884 : i32 to vector<16xi32>
      %sub3A_886 = arith.subi %select_n3A_681, %select_n3A_650 : vector<16xi32>
      %sub3A_887 = arith.subi %sub3A_813, %sub3A_778 : vector<16xi32>
      %mul3A_888 = arith.muli %sub3A_886, %sub3A_886 : vector<16xi32>
      %mul3A_889 = arith.muli %sub3A_887, %sub3A_887 : vector<16xi32>
      %add3A_890 = arith.addi %mul3A_888, %mul3A_889 : vector<16xi32>
      %gt3A_891 = arith.cmpi sgt, %add3A_890, %broadcast_in_dim3A_885 : vector<16xi32>
      %select_n3A_892 = arith.select %gt3A_891, %add3A_890, %broadcast_in_dim3A_885 : vector<16xi1>, vector<16xi32>
      %select_n3A_893 = arith.select %gt3A_891, %select_n3A_650, %select_n3A_650 : vector<16xi1>, vector<16xi32>
      %select_n3A_894 = arith.select %gt3A_891, %sub3A_778, %sub3A_778 : vector<16xi1>, vector<16xi32>
      %select_n3A_895 = arith.select %gt3A_891, %select_n3A_681, %select_n3A_681 : vector<16xi1>, vector<16xi32>
      %select_n3A_896 = arith.select %gt3A_891, %sub3A_813, %sub3A_813 : vector<16xi1>, vector<16xi32>
      %sub3A_897 = arith.subi %select_n3A_712, %select_n3A_650 : vector<16xi32>
      %sub3A_898 = arith.subi %sub3A_848, %sub3A_778 : vector<16xi32>
      %mul3A_899 = arith.muli %sub3A_897, %sub3A_897 : vector<16xi32>
      %mul3A_900 = arith.muli %sub3A_898, %sub3A_898 : vector<16xi32>
      %add3A_901 = arith.addi %mul3A_899, %mul3A_900 : vector<16xi32>
      %gt3A_902 = arith.cmpi sgt, %add3A_901, %select_n3A_892 : vector<16xi32>
      %select_n3A_903 = arith.select %gt3A_902, %add3A_901, %select_n3A_892 : vector<16xi1>, vector<16xi32>
      %select_n3A_904 = arith.select %gt3A_902, %select_n3A_650, %select_n3A_893 : vector<16xi1>, vector<16xi32>
      %select_n3A_905 = arith.select %gt3A_902, %sub3A_778, %select_n3A_894 : vector<16xi1>, vector<16xi32>
      %select_n3A_906 = arith.select %gt3A_902, %select_n3A_712, %select_n3A_895 : vector<16xi1>, vector<16xi32>
      %select_n3A_907 = arith.select %gt3A_902, %sub3A_848, %select_n3A_896 : vector<16xi1>, vector<16xi32>
      %sub3A_908 = arith.subi %select_n3A_743, %select_n3A_650 : vector<16xi32>
      %sub3A_909 = arith.subi %sub3A_883, %sub3A_778 : vector<16xi32>
      %mul3A_910 = arith.muli %sub3A_908, %sub3A_908 : vector<16xi32>
      %mul3A_911 = arith.muli %sub3A_909, %sub3A_909 : vector<16xi32>
      %add3A_912 = arith.addi %mul3A_910, %mul3A_911 : vector<16xi32>
      %gt3A_913 = arith.cmpi sgt, %add3A_912, %select_n3A_903 : vector<16xi32>
      %select_n3A_914 = arith.select %gt3A_913, %add3A_912, %select_n3A_903 : vector<16xi1>, vector<16xi32>
      %select_n3A_915 = arith.select %gt3A_913, %select_n3A_650, %select_n3A_904 : vector<16xi1>, vector<16xi32>
      %select_n3A_916 = arith.select %gt3A_913, %sub3A_778, %select_n3A_905 : vector<16xi1>, vector<16xi32>
      %select_n3A_917 = arith.select %gt3A_913, %select_n3A_743, %select_n3A_906 : vector<16xi1>, vector<16xi32>
      %select_n3A_918 = arith.select %gt3A_913, %sub3A_883, %select_n3A_907 : vector<16xi1>, vector<16xi32>
      %sub3A_919 = arith.subi %select_n3A_712, %select_n3A_681 : vector<16xi32>
      %sub3A_920 = arith.subi %sub3A_848, %sub3A_813 : vector<16xi32>
      %mul3A_921 = arith.muli %sub3A_919, %sub3A_919 : vector<16xi32>
      %mul3A_922 = arith.muli %sub3A_920, %sub3A_920 : vector<16xi32>
      %add3A_923 = arith.addi %mul3A_921, %mul3A_922 : vector<16xi32>
      %gt3A_924 = arith.cmpi sgt, %add3A_923, %select_n3A_914 : vector<16xi32>
      %select_n3A_925 = arith.select %gt3A_924, %add3A_923, %select_n3A_914 : vector<16xi1>, vector<16xi32>
      %select_n3A_926 = arith.select %gt3A_924, %select_n3A_681, %select_n3A_915 : vector<16xi1>, vector<16xi32>
      %select_n3A_927 = arith.select %gt3A_924, %sub3A_813, %select_n3A_916 : vector<16xi1>, vector<16xi32>
      %select_n3A_928 = arith.select %gt3A_924, %select_n3A_712, %select_n3A_917 : vector<16xi1>, vector<16xi32>
      %select_n3A_929 = arith.select %gt3A_924, %sub3A_848, %select_n3A_918 : vector<16xi1>, vector<16xi32>
      %sub3A_930 = arith.subi %select_n3A_743, %select_n3A_681 : vector<16xi32>
      %sub3A_931 = arith.subi %sub3A_883, %sub3A_813 : vector<16xi32>
      %mul3A_932 = arith.muli %sub3A_930, %sub3A_930 : vector<16xi32>
      %mul3A_933 = arith.muli %sub3A_931, %sub3A_931 : vector<16xi32>
      %add3A_934 = arith.addi %mul3A_932, %mul3A_933 : vector<16xi32>
      %gt3A_935 = arith.cmpi sgt, %add3A_934, %select_n3A_925 : vector<16xi32>
      %select_n3A_936 = arith.select %gt3A_935, %add3A_934, %select_n3A_925 : vector<16xi1>, vector<16xi32>
      %select_n3A_937 = arith.select %gt3A_935, %select_n3A_681, %select_n3A_926 : vector<16xi1>, vector<16xi32>
      %select_n3A_938 = arith.select %gt3A_935, %sub3A_813, %select_n3A_927 : vector<16xi1>, vector<16xi32>
      %select_n3A_939 = arith.select %gt3A_935, %select_n3A_743, %select_n3A_928 : vector<16xi1>, vector<16xi32>
      %select_n3A_940 = arith.select %gt3A_935, %sub3A_883, %select_n3A_929 : vector<16xi1>, vector<16xi32>
      %sub3A_941 = arith.subi %select_n3A_743, %select_n3A_712 : vector<16xi32>
      %sub3A_942 = arith.subi %sub3A_883, %sub3A_848 : vector<16xi32>
      %mul3A_943 = arith.muli %sub3A_941, %sub3A_941 : vector<16xi32>
      %mul3A_944 = arith.muli %sub3A_942, %sub3A_942 : vector<16xi32>
      %add3A_945 = arith.addi %mul3A_943, %mul3A_944 : vector<16xi32>
      %gt3A_946 = arith.cmpi sgt, %add3A_945, %select_n3A_936 : vector<16xi32>
      %select_n3A_947 = arith.select %gt3A_946, %add3A_945, %select_n3A_936 : vector<16xi1>, vector<16xi32>
      %select_n3A_948 = arith.select %gt3A_946, %select_n3A_712, %select_n3A_937 : vector<16xi1>, vector<16xi32>
      %select_n3A_949 = arith.select %gt3A_946, %sub3A_848, %select_n3A_938 : vector<16xi1>, vector<16xi32>
      %select_n3A_950 = arith.select %gt3A_946, %select_n3A_743, %select_n3A_939 : vector<16xi1>, vector<16xi32>
      %select_n3A_951 = arith.select %gt3A_946, %sub3A_883, %select_n3A_940 : vector<16xi1>, vector<16xi32>
      %sub3A_952 = arith.subi %select_n3A_950, %select_n3A_948 : vector<16xi32>
      %mul3A_953 = arith.constant 2 : i32
      %mul3A_954 = vector.broadcast %mul3A_953 : i32 to vector<16xi32>
      %mul3A_955 = arith.muli %mul3A_954, %sub3A_952 : vector<16xi32>
      %sub3A_956 = arith.subi %select_n3A_951, %select_n3A_949 : vector<16xi32>
      %mul3A_957 = arith.constant 2 : i32
      %mul3A_958 = vector.broadcast %mul3A_957 : i32 to vector<16xi32>
      %mul3A_959 = arith.muli %mul3A_958, %sub3A_956 : vector<16xi32>
      %mul3A_960 = arith.muli %select_n3A_950, %select_n3A_950 : vector<16xi32>
      %mul3A_961 = arith.muli %select_n3A_951, %select_n3A_951 : vector<16xi32>
      %add3A_962 = arith.addi %mul3A_960, %mul3A_961 : vector<16xi32>
      %mul3A_963 = arith.muli %select_n3A_948, %select_n3A_948 : vector<16xi32>
      %sub3A_964 = arith.subi %add3A_962, %mul3A_963 : vector<16xi32>
      %mul3A_965 = arith.muli %select_n3A_949, %select_n3A_949 : vector<16xi32>
      %sub3A_966 = arith.subi %sub3A_964, %mul3A_965 : vector<16xi32>
      %scan3A_967 = arith.constant 0 : i32
      %scan3A_968 = arith.constant 14 : i32
      %scan3A_969 = arith.addi %scan3A_967, %scan3A_968 : i32
      %scan3A_970 = arith.constant 1 : i32
      %scan3A_971:2 = scf.for %scan3A_1000 = %scan3A_967 to %scan3A_969 step %scan3A_970 iter_args(%scan3A_1001 = %select_n3A, %scan3A_1002 = %sub3A_40) -> (vector<16xi32>, vector<16xi32>)  : i32 {
        %mul3A_1003 = arith.muli %scan3A_1001, %mul3A_955 : vector<16xi32>
        %mul3A_1004 = arith.muli %scan3A_1002, %mul3A_959 : vector<16xi32>
        %add3A_1005 = arith.addi %mul3A_1003, %mul3A_1004 : vector<16xi32>
        %sub3A_1006 = arith.subi %add3A_1005, %sub3A_966 : vector<16xi32>
        %lt3A_1007 = arith.constant 0 : i32
        %lt3A_1008 = vector.broadcast %lt3A_1007 : i32 to vector<16xi32>
        %lt3A_1009 = arith.cmpi slt, %sub3A_1006, %lt3A_1008 : vector<16xi32>
        %select_n3A_1010 = arith.select %lt3A_1009, %broadcast_in_dim3A_5, %broadcast_in_dim3A_3 : vector<16xi1>, vector<16xf32>
        %sub3A_1011 = arith.subf %broadcast_in_dim3A_5, %select_n3A_1010 : vector<16xf32>
        %mul3A_1012 = arith.constant 14 : i32
        %mul3A_1013 = vector.broadcast %mul3A_1012 : i32 to vector<16xi32>
        %mul3A_1014 = arith.muli %scan3A_1001, %mul3A_1013 : vector<16xi32>
        %add3A_1015 = arith.addi %mul3A_1014, %scan3A_1002 : vector<16xi32>
        tpu.vector_store_idx %arg5[%add3A_57, %add3A_1015], %select_n3A_1010 : memref<128x256xf32, #tpu.memory_space<vmem>>[vector<16xi32>, vector<16xi32>], vector<16xf32>,
        tpu.vector_store_idx %arg6[%add3A_57, %add3A_1015], %sub3A_1011 : memref<128x256xf32, #tpu.memory_space<vmem>>[vector<16xi32>, vector<16xi32>], vector<16xf32>,
        %eq3A_1016 = arith.constant 0 : i32
        %eq3A_1017 = vector.broadcast %eq3A_1016 : i32 to vector<16xi32>
        %eq3A_1018 = arith.cmpi eq, %scan3A_1002, %eq3A_1017 : vector<16xi32>
        %sub3A_1019 = arith.constant 1 : i32
        %sub3A_1020 = vector.broadcast %sub3A_1019 : i32 to vector<16xi32>
        %sub3A_1021 = arith.subi %scan3A_1002, %sub3A_1020 : vector<16xi32>
        %jit3A_1022 = arith.constant 13 : i32
        %broadcast_in_dim3A_1023 = vector.broadcast %jit3A_1022 : i32 to vector<16xi32>
        %select_n3A_1024 = arith.select %eq3A_1018, %broadcast_in_dim3A_1023, %sub3A_1021 : vector<16xi1>, vector<16xi32>
        %add3A_1025 = arith.constant 1 : i32
        %add3A_1026 = vector.broadcast %add3A_1025 : i32 to vector<16xi32>
        %add3A_1027 = arith.addi %scan3A_1001, %add3A_1026 : vector<16xi32>
        %select_n3A_1028 = arith.select %eq3A_1018, %scan3A_1001, %add3A_1027 : vector<16xi1>, vector<16xi32>
        %ge3A_1029 = arith.constant 14 : i32
        %ge3A_1030 = vector.broadcast %ge3A_1029 : i32 to vector<16xi32>
        %ge3A_1031 = arith.cmpi sge, %select_n3A_1028, %ge3A_1030 : vector<16xi32>
        %sub3A_1032 = arith.constant 14 : i32
        %sub3A_1033 = vector.broadcast %sub3A_1032 : i32 to vector<16xi32>
        %sub3A_1034 = arith.subi %select_n3A_1028, %sub3A_1033 : vector<16xi32>
        %select_n3A_1035 = arith.select %ge3A_1031, %sub3A_1034, %select_n3A_1028 : vector<16xi1>, vector<16xi32>
        %mul3A_1036 = arith.muli %select_n3A_1035, %mul3A_955 : vector<16xi32>
        %mul3A_1037 = arith.muli %select_n3A_1024, %mul3A_959 : vector<16xi32>
        %add3A_1038 = arith.addi %mul3A_1036, %mul3A_1037 : vector<16xi32>
        %sub3A_1039 = arith.subi %add3A_1038, %sub3A_966 : vector<16xi32>
        %lt3A_1040 = arith.constant 0 : i32
        %lt3A_1041 = vector.broadcast %lt3A_1040 : i32 to vector<16xi32>
        %lt3A_1042 = arith.cmpi slt, %sub3A_1039, %lt3A_1041 : vector<16xi32>
        %select_n3A_1043 = arith.select %lt3A_1042, %broadcast_in_dim3A_5, %broadcast_in_dim3A_3 : vector<16xi1>, vector<16xf32>
        %sub3A_1044 = arith.subf %broadcast_in_dim3A_5, %select_n3A_1043 : vector<16xf32>
        %mul3A_1045 = arith.constant 14 : i32
        %mul3A_1046 = vector.broadcast %mul3A_1045 : i32 to vector<16xi32>
        %mul3A_1047 = arith.muli %select_n3A_1035, %mul3A_1046 : vector<16xi32>
        %add3A_1048 = arith.addi %mul3A_1047, %select_n3A_1024 : vector<16xi32>
        tpu.vector_store_idx %arg5[%add3A_57, %add3A_1048], %select_n3A_1043 : memref<128x256xf32, #tpu.memory_space<vmem>>[vector<16xi32>, vector<16xi32>], vector<16xf32>,
        tpu.vector_store_idx %arg6[%add3A_57, %add3A_1048], %sub3A_1044 : memref<128x256xf32, #tpu.memory_space<vmem>>[vector<16xi32>, vector<16xi32>], vector<16xf32>,
        %eq3A_1049 = arith.constant 0 : i32
        %eq3A_1050 = vector.broadcast %eq3A_1049 : i32 to vector<16xi32>
        %eq3A_1051 = arith.cmpi eq, %select_n3A_1024, %eq3A_1050 : vector<16xi32>
        %sub3A_1052 = arith.constant 1 : i32
        %sub3A_1053 = vector.broadcast %sub3A_1052 : i32 to vector<16xi32>
        %sub3A_1054 = arith.subi %select_n3A_1024, %sub3A_1053 : vector<16xi32>
        %jit3A_1055 = arith.constant 13 : i32
        %broadcast_in_dim3A_1056 = vector.broadcast %jit3A_1055 : i32 to vector<16xi32>
        %select_n3A_1057 = arith.select %eq3A_1051, %broadcast_in_dim3A_1056, %sub3A_1054 : vector<16xi1>, vector<16xi32>
        %add3A_1058 = arith.constant 1 : i32
        %add3A_1059 = vector.broadcast %add3A_1058 : i32 to vector<16xi32>
        %add3A_1060 = arith.addi %select_n3A_1035, %add3A_1059 : vector<16xi32>
        %select_n3A_1061 = arith.select %eq3A_1051, %select_n3A_1035, %add3A_1060 : vector<16xi1>, vector<16xi32>
        %ge3A_1062 = arith.constant 14 : i32
        %ge3A_1063 = vector.broadcast %ge3A_1062 : i32 to vector<16xi32>
        %ge3A_1064 = arith.cmpi sge, %select_n3A_1061, %ge3A_1063 : vector<16xi32>
        %sub3A_1065 = arith.constant 14 : i32
        %sub3A_1066 = vector.broadcast %sub3A_1065 : i32 to vector<16xi32>
        %sub3A_1067 = arith.subi %select_n3A_1061, %sub3A_1066 : vector<16xi32>
        %select_n3A_1068 = arith.select %ge3A_1064, %sub3A_1067, %select_n3A_1061 : vector<16xi1>, vector<16xi32>
        %mul3A_1069 = arith.muli %select_n3A_1068, %mul3A_955 : vector<16xi32>
        %mul3A_1070 = arith.muli %select_n3A_1057, %mul3A_959 : vector<16xi32>
        %add3A_1071 = arith.addi %mul3A_1069, %mul3A_1070 : vector<16xi32>
        %sub3A_1072 = arith.subi %add3A_1071, %sub3A_966 : vector<16xi32>
        %lt3A_1073 = arith.constant 0 : i32
        %lt3A_1074 = vector.broadcast %lt3A_1073 : i32 to vector<16xi32>
        %lt3A_1075 = arith.cmpi slt, %sub3A_1072, %lt3A_1074 : vector<16xi32>
        %select_n3A_1076 = arith.select %lt3A_1075, %broadcast_in_dim3A_5, %broadcast_in_dim3A_3 : vector<16xi1>, vector<16xf32>
        %sub3A_1077 = arith.subf %broadcast_in_dim3A_5, %select_n3A_1076 : vector<16xf32>
        %mul3A_1078 = arith.constant 14 : i32
        %mul3A_1079 = vector.broadcast %mul3A_1078 : i32 to vector<16xi32>
        %mul3A_1080 = arith.muli %select_n3A_1068, %mul3A_1079 : vector<16xi32>
        %add3A_1081 = arith.addi %mul3A_1080, %select_n3A_1057 : vector<16xi32>
        tpu.vector_store_idx %arg5[%add3A_57, %add3A_1081], %select_n3A_1076 : memref<128x256xf32, #tpu.memory_space<vmem>>[vector<16xi32>, vector<16xi32>], vector<16xf32>,
        tpu.vector_store_idx %arg6[%add3A_57, %add3A_1081], %sub3A_1077 : memref<128x256xf32, #tpu.memory_space<vmem>>[vector<16xi32>, vector<16xi32>], vector<16xf32>,
        %eq3A_1082 = arith.constant 0 : i32
        %eq3A_1083 = vector.broadcast %eq3A_1082 : i32 to vector<16xi32>
        %eq3A_1084 = arith.cmpi eq, %select_n3A_1057, %eq3A_1083 : vector<16xi32>
        %sub3A_1085 = arith.constant 1 : i32
        %sub3A_1086 = vector.broadcast %sub3A_1085 : i32 to vector<16xi32>
        %sub3A_1087 = arith.subi %select_n3A_1057, %sub3A_1086 : vector<16xi32>
        %jit3A_1088 = arith.constant 13 : i32
        %broadcast_in_dim3A_1089 = vector.broadcast %jit3A_1088 : i32 to vector<16xi32>
        %select_n3A_1090 = arith.select %eq3A_1084, %broadcast_in_dim3A_1089, %sub3A_1087 : vector<16xi1>, vector<16xi32>
        %add3A_1091 = arith.constant 1 : i32
        %add3A_1092 = vector.broadcast %add3A_1091 : i32 to vector<16xi32>
        %add3A_1093 = arith.addi %select_n3A_1068, %add3A_1092 : vector<16xi32>
        %select_n3A_1094 = arith.select %eq3A_1084, %select_n3A_1068, %add3A_1093 : vector<16xi1>, vector<16xi32>
        %ge3A_1095 = arith.constant 14 : i32
        %ge3A_1096 = vector.broadcast %ge3A_1095 : i32 to vector<16xi32>
        %ge3A_1097 = arith.cmpi sge, %select_n3A_1094, %ge3A_1096 : vector<16xi32>
        %sub3A_1098 = arith.constant 14 : i32
        %sub3A_1099 = vector.broadcast %sub3A_1098 : i32 to vector<16xi32>
        %sub3A_1100 = arith.subi %select_n3A_1094, %sub3A_1099 : vector<16xi32>
        %select_n3A_1101 = arith.select %ge3A_1097, %sub3A_1100, %select_n3A_1094 : vector<16xi1>, vector<16xi32>
        %mul3A_1102 = arith.muli %select_n3A_1101, %mul3A_955 : vector<16xi32>
        %mul3A_1103 = arith.muli %select_n3A_1090, %mul3A_959 : vector<16xi32>
        %add3A_1104 = arith.addi %mul3A_1102, %mul3A_1103 : vector<16xi32>
        %sub3A_1105 = arith.subi %add3A_1104, %sub3A_966 : vector<16xi32>
        %lt3A_1106 = arith.constant 0 : i32
        %lt3A_1107 = vector.broadcast %lt3A_1106 : i32 to vector<16xi32>
        %lt3A_1108 = arith.cmpi slt, %sub3A_1105, %lt3A_1107 : vector<16xi32>
        %select_n3A_1109 = arith.select %lt3A_1108, %broadcast_in_dim3A_5, %broadcast_in_dim3A_3 : vector<16xi1>, vector<16xf32>
        %sub3A_1110 = arith.subf %broadcast_in_dim3A_5, %select_n3A_1109 : vector<16xf32>
        %mul3A_1111 = arith.constant 14 : i32
        %mul3A_1112 = vector.broadcast %mul3A_1111 : i32 to vector<16xi32>
        %mul3A_1113 = arith.muli %select_n3A_1101, %mul3A_1112 : vector<16xi32>
        %add3A_1114 = arith.addi %mul3A_1113, %select_n3A_1090 : vector<16xi32>
        tpu.vector_store_idx %arg5[%add3A_57, %add3A_1114], %select_n3A_1109 : memref<128x256xf32, #tpu.memory_space<vmem>>[vector<16xi32>, vector<16xi32>], vector<16xf32>,
        tpu.vector_store_idx %arg6[%add3A_57, %add3A_1114], %sub3A_1110 : memref<128x256xf32, #tpu.memory_space<vmem>>[vector<16xi32>, vector<16xi32>], vector<16xf32>,
        %eq3A_1115 = arith.constant 0 : i32
        %eq3A_1116 = vector.broadcast %eq3A_1115 : i32 to vector<16xi32>
        %eq3A_1117 = arith.cmpi eq, %select_n3A_1090, %eq3A_1116 : vector<16xi32>
        %sub3A_1118 = arith.constant 1 : i32
        %sub3A_1119 = vector.broadcast %sub3A_1118 : i32 to vector<16xi32>
        %sub3A_1120 = arith.subi %select_n3A_1090, %sub3A_1119 : vector<16xi32>
        %jit3A_1121 = arith.constant 13 : i32
        %broadcast_in_dim3A_1122 = vector.broadcast %jit3A_1121 : i32 to vector<16xi32>
        %select_n3A_1123 = arith.select %eq3A_1117, %broadcast_in_dim3A_1122, %sub3A_1120 : vector<16xi1>, vector<16xi32>
        %add3A_1124 = arith.constant 1 : i32
        %add3A_1125 = vector.broadcast %add3A_1124 : i32 to vector<16xi32>
        %add3A_1126 = arith.addi %select_n3A_1101, %add3A_1125 : vector<16xi32>
        %select_n3A_1127 = arith.select %eq3A_1117, %select_n3A_1101, %add3A_1126 : vector<16xi1>, vector<16xi32>
        %ge3A_1128 = arith.constant 14 : i32
        %ge3A_1129 = vector.broadcast %ge3A_1128 : i32 to vector<16xi32>
        %ge3A_1130 = arith.cmpi sge, %select_n3A_1127, %ge3A_1129 : vector<16xi32>
        %sub3A_1131 = arith.constant 14 : i32
        %sub3A_1132 = vector.broadcast %sub3A_1131 : i32 to vector<16xi32>
        %sub3A_1133 = arith.subi %select_n3A_1127, %sub3A_1132 : vector<16xi32>
        %select_n3A_1134 = arith.select %ge3A_1130, %sub3A_1133, %select_n3A_1127 : vector<16xi1>, vector<16xi32>
        %mul3A_1135 = arith.muli %select_n3A_1134, %mul3A_955 : vector<16xi32>
        %mul3A_1136 = arith.muli %select_n3A_1123, %mul3A_959 : vector<16xi32>
        %add3A_1137 = arith.addi %mul3A_1135, %mul3A_1136 : vector<16xi32>
        %sub3A_1138 = arith.subi %add3A_1137, %sub3A_966 : vector<16xi32>
        %lt3A_1139 = arith.constant 0 : i32
        %lt3A_1140 = vector.broadcast %lt3A_1139 : i32 to vector<16xi32>
        %lt3A_1141 = arith.cmpi slt, %sub3A_1138, %lt3A_1140 : vector<16xi32>
        %select_n3A_1142 = arith.select %lt3A_1141, %broadcast_in_dim3A_5, %broadcast_in_dim3A_3 : vector<16xi1>, vector<16xf32>
        %sub3A_1143 = arith.subf %broadcast_in_dim3A_5, %select_n3A_1142 : vector<16xf32>
        %mul3A_1144 = arith.constant 14 : i32
        %mul3A_1145 = vector.broadcast %mul3A_1144 : i32 to vector<16xi32>
        %mul3A_1146 = arith.muli %select_n3A_1134, %mul3A_1145 : vector<16xi32>
        %add3A_1147 = arith.addi %mul3A_1146, %select_n3A_1123 : vector<16xi32>
        tpu.vector_store_idx %arg5[%add3A_57, %add3A_1147], %select_n3A_1142 : memref<128x256xf32, #tpu.memory_space<vmem>>[vector<16xi32>, vector<16xi32>], vector<16xf32>,
        tpu.vector_store_idx %arg6[%add3A_57, %add3A_1147], %sub3A_1143 : memref<128x256xf32, #tpu.memory_space<vmem>>[vector<16xi32>, vector<16xi32>], vector<16xf32>,
        %eq3A_1148 = arith.constant 0 : i32
        %eq3A_1149 = vector.broadcast %eq3A_1148 : i32 to vector<16xi32>
        %eq3A_1150 = arith.cmpi eq, %select_n3A_1123, %eq3A_1149 : vector<16xi32>
        %sub3A_1151 = arith.constant 1 : i32
        %sub3A_1152 = vector.broadcast %sub3A_1151 : i32 to vector<16xi32>
        %sub3A_1153 = arith.subi %select_n3A_1123, %sub3A_1152 : vector<16xi32>
        %jit3A_1154 = arith.constant 13 : i32
        %broadcast_in_dim3A_1155 = vector.broadcast %jit3A_1154 : i32 to vector<16xi32>
        %select_n3A_1156 = arith.select %eq3A_1150, %broadcast_in_dim3A_1155, %sub3A_1153 : vector<16xi1>, vector<16xi32>
        %add3A_1157 = arith.constant 1 : i32
        %add3A_1158 = vector.broadcast %add3A_1157 : i32 to vector<16xi32>
        %add3A_1159 = arith.addi %select_n3A_1134, %add3A_1158 : vector<16xi32>
        %select_n3A_1160 = arith.select %eq3A_1150, %select_n3A_1134, %add3A_1159 : vector<16xi1>, vector<16xi32>
        %ge3A_1161 = arith.constant 14 : i32
        %ge3A_1162 = vector.broadcast %ge3A_1161 : i32 to vector<16xi32>
        %ge3A_1163 = arith.cmpi sge, %select_n3A_1160, %ge3A_1162 : vector<16xi32>
        %sub3A_1164 = arith.constant 14 : i32
        %sub3A_1165 = vector.broadcast %sub3A_1164 : i32 to vector<16xi32>
        %sub3A_1166 = arith.subi %select_n3A_1160, %sub3A_1165 : vector<16xi32>
        %select_n3A_1167 = arith.select %ge3A_1163, %sub3A_1166, %select_n3A_1160 : vector<16xi1>, vector<16xi32>
        %mul3A_1168 = arith.muli %select_n3A_1167, %mul3A_955 : vector<16xi32>
        %mul3A_1169 = arith.muli %select_n3A_1156, %mul3A_959 : vector<16xi32>
        %add3A_1170 = arith.addi %mul3A_1168, %mul3A_1169 : vector<16xi32>
        %sub3A_1171 = arith.subi %add3A_1170, %sub3A_966 : vector<16xi32>
        %lt3A_1172 = arith.constant 0 : i32
        %lt3A_1173 = vector.broadcast %lt3A_1172 : i32 to vector<16xi32>
        %lt3A_1174 = arith.cmpi slt, %sub3A_1171, %lt3A_1173 : vector<16xi32>
        %select_n3A_1175 = arith.select %lt3A_1174, %broadcast_in_dim3A_5, %broadcast_in_dim3A_3 : vector<16xi1>, vector<16xf32>
        %sub3A_1176 = arith.subf %broadcast_in_dim3A_5, %select_n3A_1175 : vector<16xf32>
        %mul3A_1177 = arith.constant 14 : i32
        %mul3A_1178 = vector.broadcast %mul3A_1177 : i32 to vector<16xi32>
        %mul3A_1179 = arith.muli %select_n3A_1167, %mul3A_1178 : vector<16xi32>
        %add3A_1180 = arith.addi %mul3A_1179, %select_n3A_1156 : vector<16xi32>
        tpu.vector_store_idx %arg5[%add3A_57, %add3A_1180], %select_n3A_1175 : memref<128x256xf32, #tpu.memory_space<vmem>>[vector<16xi32>, vector<16xi32>], vector<16xf32>,
        tpu.vector_store_idx %arg6[%add3A_57, %add3A_1180], %sub3A_1176 : memref<128x256xf32, #tpu.memory_space<vmem>>[vector<16xi32>, vector<16xi32>], vector<16xf32>,
        %eq3A_1181 = arith.constant 0 : i32
        %eq3A_1182 = vector.broadcast %eq3A_1181 : i32 to vector<16xi32>
        %eq3A_1183 = arith.cmpi eq, %select_n3A_1156, %eq3A_1182 : vector<16xi32>
        %sub3A_1184 = arith.constant 1 : i32
        %sub3A_1185 = vector.broadcast %sub3A_1184 : i32 to vector<16xi32>
        %sub3A_1186 = arith.subi %select_n3A_1156, %sub3A_1185 : vector<16xi32>
        %jit3A_1187 = arith.constant 13 : i32
        %broadcast_in_dim3A_1188 = vector.broadcast %jit3A_1187 : i32 to vector<16xi32>
        %select_n3A_1189 = arith.select %eq3A_1183, %broadcast_in_dim3A_1188, %sub3A_1186 : vector<16xi1>, vector<16xi32>
        %add3A_1190 = arith.constant 1 : i32
        %add3A_1191 = vector.broadcast %add3A_1190 : i32 to vector<16xi32>
        %add3A_1192 = arith.addi %select_n3A_1167, %add3A_1191 : vector<16xi32>
        %select_n3A_1193 = arith.select %eq3A_1183, %select_n3A_1167, %add3A_1192 : vector<16xi1>, vector<16xi32>
        %ge3A_1194 = arith.constant 14 : i32
        %ge3A_1195 = vector.broadcast %ge3A_1194 : i32 to vector<16xi32>
        %ge3A_1196 = arith.cmpi sge, %select_n3A_1193, %ge3A_1195 : vector<16xi32>
        %sub3A_1197 = arith.constant 14 : i32
        %sub3A_1198 = vector.broadcast %sub3A_1197 : i32 to vector<16xi32>
        %sub3A_1199 = arith.subi %select_n3A_1193, %sub3A_1198 : vector<16xi32>
        %select_n3A_1200 = arith.select %ge3A_1196, %sub3A_1199, %select_n3A_1193 : vector<16xi1>, vector<16xi32>
        %mul3A_1201 = arith.muli %select_n3A_1200, %mul3A_955 : vector<16xi32>
        %mul3A_1202 = arith.muli %select_n3A_1189, %mul3A_959 : vector<16xi32>
        %add3A_1203 = arith.addi %mul3A_1201, %mul3A_1202 : vector<16xi32>
        %sub3A_1204 = arith.subi %add3A_1203, %sub3A_966 : vector<16xi32>
        %lt3A_1205 = arith.constant 0 : i32
        %lt3A_1206 = vector.broadcast %lt3A_1205 : i32 to vector<16xi32>
        %lt3A_1207 = arith.cmpi slt, %sub3A_1204, %lt3A_1206 : vector<16xi32>
        %select_n3A_1208 = arith.select %lt3A_1207, %broadcast_in_dim3A_5, %broadcast_in_dim3A_3 : vector<16xi1>, vector<16xf32>
        %sub3A_1209 = arith.subf %broadcast_in_dim3A_5, %select_n3A_1208 : vector<16xf32>
        %mul3A_1210 = arith.constant 14 : i32
        %mul3A_1211 = vector.broadcast %mul3A_1210 : i32 to vector<16xi32>
        %mul3A_1212 = arith.muli %select_n3A_1200, %mul3A_1211 : vector<16xi32>
        %add3A_1213 = arith.addi %mul3A_1212, %select_n3A_1189 : vector<16xi32>
        tpu.vector_store_idx %arg5[%add3A_57, %add3A_1213], %select_n3A_1208 : memref<128x256xf32, #tpu.memory_space<vmem>>[vector<16xi32>, vector<16xi32>], vector<16xf32>,
        tpu.vector_store_idx %arg6[%add3A_57, %add3A_1213], %sub3A_1209 : memref<128x256xf32, #tpu.memory_space<vmem>>[vector<16xi32>, vector<16xi32>], vector<16xf32>,
        %eq3A_1214 = arith.constant 0 : i32
        %eq3A_1215 = vector.broadcast %eq3A_1214 : i32 to vector<16xi32>
        %eq3A_1216 = arith.cmpi eq, %select_n3A_1189, %eq3A_1215 : vector<16xi32>
        %sub3A_1217 = arith.constant 1 : i32
        %sub3A_1218 = vector.broadcast %sub3A_1217 : i32 to vector<16xi32>
        %sub3A_1219 = arith.subi %select_n3A_1189, %sub3A_1218 : vector<16xi32>
        %jit3A_1220 = arith.constant 13 : i32
        %broadcast_in_dim3A_1221 = vector.broadcast %jit3A_1220 : i32 to vector<16xi32>
        %select_n3A_1222 = arith.select %eq3A_1216, %broadcast_in_dim3A_1221, %sub3A_1219 : vector<16xi1>, vector<16xi32>
        %add3A_1223 = arith.constant 1 : i32
        %add3A_1224 = vector.broadcast %add3A_1223 : i32 to vector<16xi32>
        %add3A_1225 = arith.addi %select_n3A_1200, %add3A_1224 : vector<16xi32>
        %select_n3A_1226 = arith.select %eq3A_1216, %select_n3A_1200, %add3A_1225 : vector<16xi1>, vector<16xi32>
        %ge3A_1227 = arith.constant 14 : i32
        %ge3A_1228 = vector.broadcast %ge3A_1227 : i32 to vector<16xi32>
        %ge3A_1229 = arith.cmpi sge, %select_n3A_1226, %ge3A_1228 : vector<16xi32>
        %sub3A_1230 = arith.constant 14 : i32
        %sub3A_1231 = vector.broadcast %sub3A_1230 : i32 to vector<16xi32>
        %sub3A_1232 = arith.subi %select_n3A_1226, %sub3A_1231 : vector<16xi32>
        %select_n3A_1233 = arith.select %ge3A_1229, %sub3A_1232, %select_n3A_1226 : vector<16xi1>, vector<16xi32>
        %mul3A_1234 = arith.muli %select_n3A_1233, %mul3A_955 : vector<16xi32>
        %mul3A_1235 = arith.muli %select_n3A_1222, %mul3A_959 : vector<16xi32>
        %add3A_1236 = arith.addi %mul3A_1234, %mul3A_1235 : vector<16xi32>
        %sub3A_1237 = arith.subi %add3A_1236, %sub3A_966 : vector<16xi32>
        %lt3A_1238 = arith.constant 0 : i32
        %lt3A_1239 = vector.broadcast %lt3A_1238 : i32 to vector<16xi32>
        %lt3A_1240 = arith.cmpi slt, %sub3A_1237, %lt3A_1239 : vector<16xi32>
        %select_n3A_1241 = arith.select %lt3A_1240, %broadcast_in_dim3A_5, %broadcast_in_dim3A_3 : vector<16xi1>, vector<16xf32>
        %sub3A_1242 = arith.subf %broadcast_in_dim3A_5, %select_n3A_1241 : vector<16xf32>
        %mul3A_1243 = arith.constant 14 : i32
        %mul3A_1244 = vector.broadcast %mul3A_1243 : i32 to vector<16xi32>
        %mul3A_1245 = arith.muli %select_n3A_1233, %mul3A_1244 : vector<16xi32>
        %add3A_1246 = arith.addi %mul3A_1245, %select_n3A_1222 : vector<16xi32>
        tpu.vector_store_idx %arg5[%add3A_57, %add3A_1246], %select_n3A_1241 : memref<128x256xf32, #tpu.memory_space<vmem>>[vector<16xi32>, vector<16xi32>], vector<16xf32>,
        tpu.vector_store_idx %arg6[%add3A_57, %add3A_1246], %sub3A_1242 : memref<128x256xf32, #tpu.memory_space<vmem>>[vector<16xi32>, vector<16xi32>], vector<16xf32>,
        %eq3A_1247 = arith.constant 0 : i32
        %eq3A_1248 = vector.broadcast %eq3A_1247 : i32 to vector<16xi32>
        %eq3A_1249 = arith.cmpi eq, %select_n3A_1222, %eq3A_1248 : vector<16xi32>
        %sub3A_1250 = arith.constant 1 : i32
        %sub3A_1251 = vector.broadcast %sub3A_1250 : i32 to vector<16xi32>
        %sub3A_1252 = arith.subi %select_n3A_1222, %sub3A_1251 : vector<16xi32>
        %jit3A_1253 = arith.constant 13 : i32
        %broadcast_in_dim3A_1254 = vector.broadcast %jit3A_1253 : i32 to vector<16xi32>
        %select_n3A_1255 = arith.select %eq3A_1249, %broadcast_in_dim3A_1254, %sub3A_1252 : vector<16xi1>, vector<16xi32>
        %add3A_1256 = arith.constant 1 : i32
        %add3A_1257 = vector.broadcast %add3A_1256 : i32 to vector<16xi32>
        %add3A_1258 = arith.addi %select_n3A_1233, %add3A_1257 : vector<16xi32>
        %select_n3A_1259 = arith.select %eq3A_1249, %select_n3A_1233, %add3A_1258 : vector<16xi1>, vector<16xi32>
        %ge3A_1260 = arith.constant 14 : i32
        %ge3A_1261 = vector.broadcast %ge3A_1260 : i32 to vector<16xi32>
        %ge3A_1262 = arith.cmpi sge, %select_n3A_1259, %ge3A_1261 : vector<16xi32>
        %sub3A_1263 = arith.constant 14 : i32
        %sub3A_1264 = vector.broadcast %sub3A_1263 : i32 to vector<16xi32>
        %sub3A_1265 = arith.subi %select_n3A_1259, %sub3A_1264 : vector<16xi32>
        %select_n3A_1266 = arith.select %ge3A_1262, %sub3A_1265, %select_n3A_1259 : vector<16xi1>, vector<16xi32>
        %mul3A_1267 = arith.muli %select_n3A_1266, %mul3A_955 : vector<16xi32>
        %mul3A_1268 = arith.muli %select_n3A_1255, %mul3A_959 : vector<16xi32>
        %add3A_1269 = arith.addi %mul3A_1267, %mul3A_1268 : vector<16xi32>
        %sub3A_1270 = arith.subi %add3A_1269, %sub3A_966 : vector<16xi32>
        %lt3A_1271 = arith.constant 0 : i32
        %lt3A_1272 = vector.broadcast %lt3A_1271 : i32 to vector<16xi32>
        %lt3A_1273 = arith.cmpi slt, %sub3A_1270, %lt3A_1272 : vector<16xi32>
        %select_n3A_1274 = arith.select %lt3A_1273, %broadcast_in_dim3A_5, %broadcast_in_dim3A_3 : vector<16xi1>, vector<16xf32>
        %sub3A_1275 = arith.subf %broadcast_in_dim3A_5, %select_n3A_1274 : vector<16xf32>
        %mul3A_1276 = arith.constant 14 : i32
        %mul3A_1277 = vector.broadcast %mul3A_1276 : i32 to vector<16xi32>
        %mul3A_1278 = arith.muli %select_n3A_1266, %mul3A_1277 : vector<16xi32>
        %add3A_1279 = arith.addi %mul3A_1278, %select_n3A_1255 : vector<16xi32>
        tpu.vector_store_idx %arg5[%add3A_57, %add3A_1279], %select_n3A_1274 : memref<128x256xf32, #tpu.memory_space<vmem>>[vector<16xi32>, vector<16xi32>], vector<16xf32>,
        tpu.vector_store_idx %arg6[%add3A_57, %add3A_1279], %sub3A_1275 : memref<128x256xf32, #tpu.memory_space<vmem>>[vector<16xi32>, vector<16xi32>], vector<16xf32>,
        %eq3A_1280 = arith.constant 0 : i32
        %eq3A_1281 = vector.broadcast %eq3A_1280 : i32 to vector<16xi32>
        %eq3A_1282 = arith.cmpi eq, %select_n3A_1255, %eq3A_1281 : vector<16xi32>
        %sub3A_1283 = arith.constant 1 : i32
        %sub3A_1284 = vector.broadcast %sub3A_1283 : i32 to vector<16xi32>
        %sub3A_1285 = arith.subi %select_n3A_1255, %sub3A_1284 : vector<16xi32>
        %jit3A_1286 = arith.constant 13 : i32
        %broadcast_in_dim3A_1287 = vector.broadcast %jit3A_1286 : i32 to vector<16xi32>
        %select_n3A_1288 = arith.select %eq3A_1282, %broadcast_in_dim3A_1287, %sub3A_1285 : vector<16xi1>, vector<16xi32>
        %add3A_1289 = arith.constant 1 : i32
        %add3A_1290 = vector.broadcast %add3A_1289 : i32 to vector<16xi32>
        %add3A_1291 = arith.addi %select_n3A_1266, %add3A_1290 : vector<16xi32>
        %select_n3A_1292 = arith.select %eq3A_1282, %select_n3A_1266, %add3A_1291 : vector<16xi1>, vector<16xi32>
        %ge3A_1293 = arith.constant 14 : i32
        %ge3A_1294 = vector.broadcast %ge3A_1293 : i32 to vector<16xi32>
        %ge3A_1295 = arith.cmpi sge, %select_n3A_1292, %ge3A_1294 : vector<16xi32>
        %sub3A_1296 = arith.constant 14 : i32
        %sub3A_1297 = vector.broadcast %sub3A_1296 : i32 to vector<16xi32>
        %sub3A_1298 = arith.subi %select_n3A_1292, %sub3A_1297 : vector<16xi32>
        %select_n3A_1299 = arith.select %ge3A_1295, %sub3A_1298, %select_n3A_1292 : vector<16xi1>, vector<16xi32>
        %mul3A_1300 = arith.muli %select_n3A_1299, %mul3A_955 : vector<16xi32>
        %mul3A_1301 = arith.muli %select_n3A_1288, %mul3A_959 : vector<16xi32>
        %add3A_1302 = arith.addi %mul3A_1300, %mul3A_1301 : vector<16xi32>
        %sub3A_1303 = arith.subi %add3A_1302, %sub3A_966 : vector<16xi32>
        %lt3A_1304 = arith.constant 0 : i32
        %lt3A_1305 = vector.broadcast %lt3A_1304 : i32 to vector<16xi32>
        %lt3A_1306 = arith.cmpi slt, %sub3A_1303, %lt3A_1305 : vector<16xi32>
        %select_n3A_1307 = arith.select %lt3A_1306, %broadcast_in_dim3A_5, %broadcast_in_dim3A_3 : vector<16xi1>, vector<16xf32>
        %sub3A_1308 = arith.subf %broadcast_in_dim3A_5, %select_n3A_1307 : vector<16xf32>
        %mul3A_1309 = arith.constant 14 : i32
        %mul3A_1310 = vector.broadcast %mul3A_1309 : i32 to vector<16xi32>
        %mul3A_1311 = arith.muli %select_n3A_1299, %mul3A_1310 : vector<16xi32>
        %add3A_1312 = arith.addi %mul3A_1311, %select_n3A_1288 : vector<16xi32>
        tpu.vector_store_idx %arg5[%add3A_57, %add3A_1312], %select_n3A_1307 : memref<128x256xf32, #tpu.memory_space<vmem>>[vector<16xi32>, vector<16xi32>], vector<16xf32>,
        tpu.vector_store_idx %arg6[%add3A_57, %add3A_1312], %sub3A_1308 : memref<128x256xf32, #tpu.memory_space<vmem>>[vector<16xi32>, vector<16xi32>], vector<16xf32>,
        %eq3A_1313 = arith.constant 0 : i32
        %eq3A_1314 = vector.broadcast %eq3A_1313 : i32 to vector<16xi32>
        %eq3A_1315 = arith.cmpi eq, %select_n3A_1288, %eq3A_1314 : vector<16xi32>
        %sub3A_1316 = arith.constant 1 : i32
        %sub3A_1317 = vector.broadcast %sub3A_1316 : i32 to vector<16xi32>
        %sub3A_1318 = arith.subi %select_n3A_1288, %sub3A_1317 : vector<16xi32>
        %jit3A_1319 = arith.constant 13 : i32
        %broadcast_in_dim3A_1320 = vector.broadcast %jit3A_1319 : i32 to vector<16xi32>
        %select_n3A_1321 = arith.select %eq3A_1315, %broadcast_in_dim3A_1320, %sub3A_1318 : vector<16xi1>, vector<16xi32>
        %add3A_1322 = arith.constant 1 : i32
        %add3A_1323 = vector.broadcast %add3A_1322 : i32 to vector<16xi32>
        %add3A_1324 = arith.addi %select_n3A_1299, %add3A_1323 : vector<16xi32>
        %select_n3A_1325 = arith.select %eq3A_1315, %select_n3A_1299, %add3A_1324 : vector<16xi1>, vector<16xi32>
        %ge3A_1326 = arith.constant 14 : i32
        %ge3A_1327 = vector.broadcast %ge3A_1326 : i32 to vector<16xi32>
        %ge3A_1328 = arith.cmpi sge, %select_n3A_1325, %ge3A_1327 : vector<16xi32>
        %sub3A_1329 = arith.constant 14 : i32
        %sub3A_1330 = vector.broadcast %sub3A_1329 : i32 to vector<16xi32>
        %sub3A_1331 = arith.subi %select_n3A_1325, %sub3A_1330 : vector<16xi32>
        %select_n3A_1332 = arith.select %ge3A_1328, %sub3A_1331, %select_n3A_1325 : vector<16xi1>, vector<16xi32>
        %mul3A_1333 = arith.muli %select_n3A_1332, %mul3A_955 : vector<16xi32>
        %mul3A_1334 = arith.muli %select_n3A_1321, %mul3A_959 : vector<16xi32>
        %add3A_1335 = arith.addi %mul3A_1333, %mul3A_1334 : vector<16xi32>
        %sub3A_1336 = arith.subi %add3A_1335, %sub3A_966 : vector<16xi32>
        %lt3A_1337 = arith.constant 0 : i32
        %lt3A_1338 = vector.broadcast %lt3A_1337 : i32 to vector<16xi32>
        %lt3A_1339 = arith.cmpi slt, %sub3A_1336, %lt3A_1338 : vector<16xi32>
        %select_n3A_1340 = arith.select %lt3A_1339, %broadcast_in_dim3A_5, %broadcast_in_dim3A_3 : vector<16xi1>, vector<16xf32>
        %sub3A_1341 = arith.subf %broadcast_in_dim3A_5, %select_n3A_1340 : vector<16xf32>
        %mul3A_1342 = arith.constant 14 : i32
        %mul3A_1343 = vector.broadcast %mul3A_1342 : i32 to vector<16xi32>
        %mul3A_1344 = arith.muli %select_n3A_1332, %mul3A_1343 : vector<16xi32>
        %add3A_1345 = arith.addi %mul3A_1344, %select_n3A_1321 : vector<16xi32>
        tpu.vector_store_idx %arg5[%add3A_57, %add3A_1345], %select_n3A_1340 : memref<128x256xf32, #tpu.memory_space<vmem>>[vector<16xi32>, vector<16xi32>], vector<16xf32>,
        tpu.vector_store_idx %arg6[%add3A_57, %add3A_1345], %sub3A_1341 : memref<128x256xf32, #tpu.memory_space<vmem>>[vector<16xi32>, vector<16xi32>], vector<16xf32>,
        %eq3A_1346 = arith.constant 0 : i32
        %eq3A_1347 = vector.broadcast %eq3A_1346 : i32 to vector<16xi32>
        %eq3A_1348 = arith.cmpi eq, %select_n3A_1321, %eq3A_1347 : vector<16xi32>
        %sub3A_1349 = arith.constant 1 : i32
        %sub3A_1350 = vector.broadcast %sub3A_1349 : i32 to vector<16xi32>
        %sub3A_1351 = arith.subi %select_n3A_1321, %sub3A_1350 : vector<16xi32>
        %jit3A_1352 = arith.constant 13 : i32
        %broadcast_in_dim3A_1353 = vector.broadcast %jit3A_1352 : i32 to vector<16xi32>
        %select_n3A_1354 = arith.select %eq3A_1348, %broadcast_in_dim3A_1353, %sub3A_1351 : vector<16xi1>, vector<16xi32>
        %add3A_1355 = arith.constant 1 : i32
        %add3A_1356 = vector.broadcast %add3A_1355 : i32 to vector<16xi32>
        %add3A_1357 = arith.addi %select_n3A_1332, %add3A_1356 : vector<16xi32>
        %select_n3A_1358 = arith.select %eq3A_1348, %select_n3A_1332, %add3A_1357 : vector<16xi1>, vector<16xi32>
        %ge3A_1359 = arith.constant 14 : i32
        %ge3A_1360 = vector.broadcast %ge3A_1359 : i32 to vector<16xi32>
        %ge3A_1361 = arith.cmpi sge, %select_n3A_1358, %ge3A_1360 : vector<16xi32>
        %sub3A_1362 = arith.constant 14 : i32
        %sub3A_1363 = vector.broadcast %sub3A_1362 : i32 to vector<16xi32>
        %sub3A_1364 = arith.subi %select_n3A_1358, %sub3A_1363 : vector<16xi32>
        %select_n3A_1365 = arith.select %ge3A_1361, %sub3A_1364, %select_n3A_1358 : vector<16xi1>, vector<16xi32>
        %mul3A_1366 = arith.muli %select_n3A_1365, %mul3A_955 : vector<16xi32>
        %mul3A_1367 = arith.muli %select_n3A_1354, %mul3A_959 : vector<16xi32>
        %add3A_1368 = arith.addi %mul3A_1366, %mul3A_1367 : vector<16xi32>
        %sub3A_1369 = arith.subi %add3A_1368, %sub3A_966 : vector<16xi32>
        %lt3A_1370 = arith.constant 0 : i32
        %lt3A_1371 = vector.broadcast %lt3A_1370 : i32 to vector<16xi32>
        %lt3A_1372 = arith.cmpi slt, %sub3A_1369, %lt3A_1371 : vector<16xi32>
        %select_n3A_1373 = arith.select %lt3A_1372, %broadcast_in_dim3A_5, %broadcast_in_dim3A_3 : vector<16xi1>, vector<16xf32>
        %sub3A_1374 = arith.subf %broadcast_in_dim3A_5, %select_n3A_1373 : vector<16xf32>
        %mul3A_1375 = arith.constant 14 : i32
        %mul3A_1376 = vector.broadcast %mul3A_1375 : i32 to vector<16xi32>
        %mul3A_1377 = arith.muli %select_n3A_1365, %mul3A_1376 : vector<16xi32>
        %add3A_1378 = arith.addi %mul3A_1377, %select_n3A_1354 : vector<16xi32>
        tpu.vector_store_idx %arg5[%add3A_57, %add3A_1378], %select_n3A_1373 : memref<128x256xf32, #tpu.memory_space<vmem>>[vector<16xi32>, vector<16xi32>], vector<16xf32>,
        tpu.vector_store_idx %arg6[%add3A_57, %add3A_1378], %sub3A_1374 : memref<128x256xf32, #tpu.memory_space<vmem>>[vector<16xi32>, vector<16xi32>], vector<16xf32>,
        %eq3A_1379 = arith.constant 0 : i32
        %eq3A_1380 = vector.broadcast %eq3A_1379 : i32 to vector<16xi32>
        %eq3A_1381 = arith.cmpi eq, %select_n3A_1354, %eq3A_1380 : vector<16xi32>
        %sub3A_1382 = arith.constant 1 : i32
        %sub3A_1383 = vector.broadcast %sub3A_1382 : i32 to vector<16xi32>
        %sub3A_1384 = arith.subi %select_n3A_1354, %sub3A_1383 : vector<16xi32>
        %jit3A_1385 = arith.constant 13 : i32
        %broadcast_in_dim3A_1386 = vector.broadcast %jit3A_1385 : i32 to vector<16xi32>
        %select_n3A_1387 = arith.select %eq3A_1381, %broadcast_in_dim3A_1386, %sub3A_1384 : vector<16xi1>, vector<16xi32>
        %add3A_1388 = arith.constant 1 : i32
        %add3A_1389 = vector.broadcast %add3A_1388 : i32 to vector<16xi32>
        %add3A_1390 = arith.addi %select_n3A_1365, %add3A_1389 : vector<16xi32>
        %select_n3A_1391 = arith.select %eq3A_1381, %select_n3A_1365, %add3A_1390 : vector<16xi1>, vector<16xi32>
        %ge3A_1392 = arith.constant 14 : i32
        %ge3A_1393 = vector.broadcast %ge3A_1392 : i32 to vector<16xi32>
        %ge3A_1394 = arith.cmpi sge, %select_n3A_1391, %ge3A_1393 : vector<16xi32>
        %sub3A_1395 = arith.constant 14 : i32
        %sub3A_1396 = vector.broadcast %sub3A_1395 : i32 to vector<16xi32>
        %sub3A_1397 = arith.subi %select_n3A_1391, %sub3A_1396 : vector<16xi32>
        %select_n3A_1398 = arith.select %ge3A_1394, %sub3A_1397, %select_n3A_1391 : vector<16xi1>, vector<16xi32>
        %mul3A_1399 = arith.muli %select_n3A_1398, %mul3A_955 : vector<16xi32>
        %mul3A_1400 = arith.muli %select_n3A_1387, %mul3A_959 : vector<16xi32>
        %add3A_1401 = arith.addi %mul3A_1399, %mul3A_1400 : vector<16xi32>
        %sub3A_1402 = arith.subi %add3A_1401, %sub3A_966 : vector<16xi32>
        %lt3A_1403 = arith.constant 0 : i32
        %lt3A_1404 = vector.broadcast %lt3A_1403 : i32 to vector<16xi32>
        %lt3A_1405 = arith.cmpi slt, %sub3A_1402, %lt3A_1404 : vector<16xi32>
        %select_n3A_1406 = arith.select %lt3A_1405, %broadcast_in_dim3A_5, %broadcast_in_dim3A_3 : vector<16xi1>, vector<16xf32>
        %sub3A_1407 = arith.subf %broadcast_in_dim3A_5, %select_n3A_1406 : vector<16xf32>
        %mul3A_1408 = arith.constant 14 : i32
        %mul3A_1409 = vector.broadcast %mul3A_1408 : i32 to vector<16xi32>
        %mul3A_1410 = arith.muli %select_n3A_1398, %mul3A_1409 : vector<16xi32>
        %add3A_1411 = arith.addi %mul3A_1410, %select_n3A_1387 : vector<16xi32>
        tpu.vector_store_idx %arg5[%add3A_57, %add3A_1411], %select_n3A_1406 : memref<128x256xf32, #tpu.memory_space<vmem>>[vector<16xi32>, vector<16xi32>], vector<16xf32>,
        tpu.vector_store_idx %arg6[%add3A_57, %add3A_1411], %sub3A_1407 : memref<128x256xf32, #tpu.memory_space<vmem>>[vector<16xi32>, vector<16xi32>], vector<16xf32>,
        %eq3A_1412 = arith.constant 0 : i32
        %eq3A_1413 = vector.broadcast %eq3A_1412 : i32 to vector<16xi32>
        %eq3A_1414 = arith.cmpi eq, %select_n3A_1387, %eq3A_1413 : vector<16xi32>
        %sub3A_1415 = arith.constant 1 : i32
        %sub3A_1416 = vector.broadcast %sub3A_1415 : i32 to vector<16xi32>
        %sub3A_1417 = arith.subi %select_n3A_1387, %sub3A_1416 : vector<16xi32>
        %jit3A_1418 = arith.constant 13 : i32
        %broadcast_in_dim3A_1419 = vector.broadcast %jit3A_1418 : i32 to vector<16xi32>
        %select_n3A_1420 = arith.select %eq3A_1414, %broadcast_in_dim3A_1419, %sub3A_1417 : vector<16xi1>, vector<16xi32>
        %add3A_1421 = arith.constant 1 : i32
        %add3A_1422 = vector.broadcast %add3A_1421 : i32 to vector<16xi32>
        %add3A_1423 = arith.addi %select_n3A_1398, %add3A_1422 : vector<16xi32>
        %select_n3A_1424 = arith.select %eq3A_1414, %select_n3A_1398, %add3A_1423 : vector<16xi1>, vector<16xi32>
        %ge3A_1425 = arith.constant 14 : i32
        %ge3A_1426 = vector.broadcast %ge3A_1425 : i32 to vector<16xi32>
        %ge3A_1427 = arith.cmpi sge, %select_n3A_1424, %ge3A_1426 : vector<16xi32>
        %sub3A_1428 = arith.constant 14 : i32
        %sub3A_1429 = vector.broadcast %sub3A_1428 : i32 to vector<16xi32>
        %sub3A_1430 = arith.subi %select_n3A_1424, %sub3A_1429 : vector<16xi32>
        %select_n3A_1431 = arith.select %ge3A_1427, %sub3A_1430, %select_n3A_1424 : vector<16xi1>, vector<16xi32>
        %mul3A_1432 = arith.muli %select_n3A_1431, %mul3A_955 : vector<16xi32>
        %mul3A_1433 = arith.muli %select_n3A_1420, %mul3A_959 : vector<16xi32>
        %add3A_1434 = arith.addi %mul3A_1432, %mul3A_1433 : vector<16xi32>
        %sub3A_1435 = arith.subi %add3A_1434, %sub3A_966 : vector<16xi32>
        %lt3A_1436 = arith.constant 0 : i32
        %lt3A_1437 = vector.broadcast %lt3A_1436 : i32 to vector<16xi32>
        %lt3A_1438 = arith.cmpi slt, %sub3A_1435, %lt3A_1437 : vector<16xi32>
        %select_n3A_1439 = arith.select %lt3A_1438, %broadcast_in_dim3A_5, %broadcast_in_dim3A_3 : vector<16xi1>, vector<16xf32>
        %sub3A_1440 = arith.subf %broadcast_in_dim3A_5, %select_n3A_1439 : vector<16xf32>
        %mul3A_1441 = arith.constant 14 : i32
        %mul3A_1442 = vector.broadcast %mul3A_1441 : i32 to vector<16xi32>
        %mul3A_1443 = arith.muli %select_n3A_1431, %mul3A_1442 : vector<16xi32>
        %add3A_1444 = arith.addi %mul3A_1443, %select_n3A_1420 : vector<16xi32>
        tpu.vector_store_idx %arg5[%add3A_57, %add3A_1444], %select_n3A_1439 : memref<128x256xf32, #tpu.memory_space<vmem>>[vector<16xi32>, vector<16xi32>], vector<16xf32>,
        tpu.vector_store_idx %arg6[%add3A_57, %add3A_1444], %sub3A_1440 : memref<128x256xf32, #tpu.memory_space<vmem>>[vector<16xi32>, vector<16xi32>], vector<16xf32>,
        %eq3A_1445 = arith.constant 0 : i32
        %eq3A_1446 = vector.broadcast %eq3A_1445 : i32 to vector<16xi32>
        %eq3A_1447 = arith.cmpi eq, %select_n3A_1420, %eq3A_1446 : vector<16xi32>
        %sub3A_1448 = arith.constant 1 : i32
        %sub3A_1449 = vector.broadcast %sub3A_1448 : i32 to vector<16xi32>
        %sub3A_1450 = arith.subi %select_n3A_1420, %sub3A_1449 : vector<16xi32>
        %jit3A_1451 = arith.constant 13 : i32
        %broadcast_in_dim3A_1452 = vector.broadcast %jit3A_1451 : i32 to vector<16xi32>
        %select_n3A_1453 = arith.select %eq3A_1447, %broadcast_in_dim3A_1452, %sub3A_1450 : vector<16xi1>, vector<16xi32>
        %add3A_1454 = arith.constant 1 : i32
        %add3A_1455 = vector.broadcast %add3A_1454 : i32 to vector<16xi32>
        %add3A_1456 = arith.addi %select_n3A_1431, %add3A_1455 : vector<16xi32>
        %select_n3A_1457 = arith.select %eq3A_1447, %select_n3A_1431, %add3A_1456 : vector<16xi1>, vector<16xi32>
        %ge3A_1458 = arith.constant 14 : i32
        %ge3A_1459 = vector.broadcast %ge3A_1458 : i32 to vector<16xi32>
        %ge3A_1460 = arith.cmpi sge, %select_n3A_1457, %ge3A_1459 : vector<16xi32>
        %sub3A_1461 = arith.constant 14 : i32
        %sub3A_1462 = vector.broadcast %sub3A_1461 : i32 to vector<16xi32>
        %sub3A_1463 = arith.subi %select_n3A_1457, %sub3A_1462 : vector<16xi32>
        %select_n3A_1464 = arith.select %ge3A_1460, %sub3A_1463, %select_n3A_1457 : vector<16xi1>, vector<16xi32>
        scf.yield %select_n3A_1464, %select_n3A_1453 : vector<16xi32>, vector<16xi32>
      }
      %scan3A_972 = arith.constant 14 : i32
      %mul3A_973 = arith.constant 16 : i32
      %mul3A_974 = arith.muli %scan3A_53, %mul3A_973 : i32
      %mul3A_975 = arith.constant 16 : i32
      %mul3A_976 = arith.muli %scan3A_53, %mul3A_975 : i32
      %dma_start3A = arith.constant 0 : i32
      %dma_start3A_977 = tpu.memref_slice %arg5[%mul3A_974, %dma_start3A] : memref<128x256xf32, #tpu.memory_space<vmem>> -> memref<16x256xf32, #tpu.memory_space<vmem>>
      %dma_start3A_978 = arith.constant 0 : i32
      %dma_start3A_979 = tpu.memref_slice %arg3[%add3A, %mul3A_976, %dma_start3A_978] : memref<32x128x256xf32, #tpu.memory_space<hbm>> -> memref<1x16x256xf32, #tpu.memory_space<hbm>>
      %dma_start3A_980 = tpu.memref_squeeze %dma_start3A_979 : memref<1x16x256xf32, #tpu.memory_space<hbm>> -> memref<16x256xf32, #tpu.memory_space<hbm>>
      %dma_start3A_981 = arith.constant 0 : i32
      %dma_start3A_982 = tpu.memref_slice %arg3[%add3A, %mul3A_976, %dma_start3A_981] : memref<32x128x256xf32, #tpu.memory_space<hbm>> -> memref<1x16x256xf32, #tpu.memory_space<hbm>>
      %dma_start3A_983 = tpu.memref_squeeze %dma_start3A_982 : memref<1x16x256xf32, #tpu.memory_space<hbm>> -> memref<16x256xf32, #tpu.memory_space<hbm>>
      %dma_start3A_984 = arith.constant 0 : i32
      %dma_start3A_985 = tpu.memref_slice %arg5[%mul3A_974, %dma_start3A_984] : memref<128x256xf32, #tpu.memory_space<vmem>> -> memref<16x256xf32, #tpu.memory_space<vmem>>
      tpu.enqueue_dma source(%dma_start3A_985 : memref<16x256xf32, #tpu.memory_space<vmem>>) target(%dma_start3A_983 : memref<16x256xf32, #tpu.memory_space<hbm>>) target_semaphore(%arg8 : memref<!tpu.dma_semaphore, #tpu.memory_space<semaphore_mem>>)
      %mul3A_986 = arith.constant 16 : i32
      %mul3A_987 = arith.muli %scan3A_53, %mul3A_986 : i32
      %mul3A_988 = arith.constant 16 : i32
      %mul3A_989 = arith.muli %scan3A_53, %mul3A_988 : i32
      %dma_start3A_990 = arith.constant 0 : i32
      %dma_start3A_991 = tpu.memref_slice %arg6[%mul3A_987, %dma_start3A_990] : memref<128x256xf32, #tpu.memory_space<vmem>> -> memref<16x256xf32, #tpu.memory_space<vmem>>
      %dma_start3A_992 = arith.constant 0 : i32
      %dma_start3A_993 = tpu.memref_slice %arg4[%add3A, %mul3A_989, %dma_start3A_992] : memref<32x128x256xf32, #tpu.memory_space<hbm>> -> memref<1x16x256xf32, #tpu.memory_space<hbm>>
      %dma_start3A_994 = tpu.memref_squeeze %dma_start3A_993 : memref<1x16x256xf32, #tpu.memory_space<hbm>> -> memref<16x256xf32, #tpu.memory_space<hbm>>
      %dma_start3A_995 = arith.constant 0 : i32
      %dma_start3A_996 = tpu.memref_slice %arg4[%add3A, %mul3A_989, %dma_start3A_995] : memref<32x128x256xf32, #tpu.memory_space<hbm>> -> memref<1x16x256xf32, #tpu.memory_space<hbm>>
      %dma_start3A_997 = tpu.memref_squeeze %dma_start3A_996 : memref<1x16x256xf32, #tpu.memory_space<hbm>> -> memref<16x256xf32, #tpu.memory_space<hbm>>
      %dma_start3A_998 = arith.constant 0 : i32
      %dma_start3A_999 = tpu.memref_slice %arg6[%mul3A_987, %dma_start3A_998] : memref<128x256xf32, #tpu.memory_space<vmem>> -> memref<16x256xf32, #tpu.memory_space<vmem>>
      tpu.enqueue_dma source(%dma_start3A_999 : memref<16x256xf32, #tpu.memory_space<vmem>>) target(%dma_start3A_997 : memref<16x256xf32, #tpu.memory_space<hbm>>) target_semaphore(%arg8 : memref<!tpu.dma_semaphore, #tpu.memory_space<semaphore_mem>>)
    }
    %scan3A_46 = arith.constant 8 : i32
    %scan3A_47 = arith.constant 0 : i32
    %scan3A_48 = arith.constant 0 : i32
    %scan3A_49 = arith.constant 8 : i32
    %scan3A_50 = arith.addi %scan3A_48, %scan3A_49 : i32
    %scan3A_51 = arith.constant 1 : i32
    scf.for %scan3A_53 = %scan3A_48 to %scan3A_50 step %scan3A_51  : i32 {
      %dma_wait3A = arith.constant 0 : i32
      %dma_wait3A_54 = arith.constant 0 : i32
      %dma_wait3A_55 = arith.constant 0 : i32
      %dma_wait3A_56 = tpu.memref_slice %arg5[%dma_wait3A_54, %dma_wait3A_55] : memref<128x256xf32, #tpu.memory_space<vmem>> -> memref<16x256xf32, #tpu.memory_space<vmem>>
      %dma_wait3A_57 = arith.constant 0 : i32
      %dma_wait3A_58 = arith.constant 0 : i32
      %dma_wait3A_59 = tpu.memref_slice %arg3[%dma_wait3A, %dma_wait3A_57, %dma_wait3A_58] : memref<32x128x256xf32, #tpu.memory_space<hbm>> -> memref<1x16x256xf32, #tpu.memory_space<hbm>>
      %dma_wait3A_60 = tpu.memref_squeeze %dma_wait3A_59 : memref<1x16x256xf32, #tpu.memory_space<hbm>> -> memref<16x256xf32, #tpu.memory_space<hbm>>
      %dma_wait3A_61 = arith.constant 0 : i32
      %dma_wait3A_62 = arith.constant 0 : i32
      %dma_wait3A_63 = tpu.memref_slice %arg3[%dma_wait3A, %dma_wait3A_61, %dma_wait3A_62] : memref<32x128x256xf32, #tpu.memory_space<hbm>> -> memref<1x16x256xf32, #tpu.memory_space<hbm>>
      %dma_wait3A_64 = tpu.memref_squeeze %dma_wait3A_63 : memref<1x16x256xf32, #tpu.memory_space<hbm>> -> memref<16x256xf32, #tpu.memory_space<hbm>>
      %dma_wait3A_65 = arith.constant 0 : i32
      %dma_wait3A_66 = arith.constant 0 : i32
      %dma_wait3A_67 = tpu.memref_slice %arg5[%dma_wait3A_65, %dma_wait3A_66] : memref<128x256xf32, #tpu.memory_space<vmem>> -> memref<16x256xf32, #tpu.memory_space<vmem>>
      tpu.wait_dma2 semaphore(%arg8 : memref<!tpu.dma_semaphore, #tpu.memory_space<semaphore_mem>>) src(%dma_wait3A_67 : memref<16x256xf32, #tpu.memory_space<vmem>>) dst(%dma_wait3A_64 : memref<16x256xf32, #tpu.memory_space<hbm>>)
      %dma_wait3A_68 = arith.constant 0 : i32
      %dma_wait3A_69 = arith.constant 0 : i32
      %dma_wait3A_70 = arith.constant 0 : i32
      %dma_wait3A_71 = tpu.memref_slice %arg6[%dma_wait3A_69, %dma_wait3A_70] : memref<128x256xf32, #tpu.memory_space<vmem>> -> memref<16x256xf32, #tpu.memory_space<vmem>>
      %dma_wait3A_72 = arith.constant 0 : i32
      %dma_wait3A_73 = arith.constant 0 : i32
      %dma_wait3A_74 = tpu.memref_slice %arg4[%dma_wait3A_68, %dma_wait3A_72, %dma_wait3A_73] : memref<32x128x256xf32, #tpu.memory_space<hbm>> -> memref<1x16x256xf32, #tpu.memory_space<hbm>>
      %dma_wait3A_75 = tpu.memref_squeeze %dma_wait3A_74 : memref<1x16x256xf32, #tpu.memory_space<hbm>> -> memref<16x256xf32, #tpu.memory_space<hbm>>
      %dma_wait3A_76 = arith.constant 0 : i32
      %dma_wait3A_77 = arith.constant 0 : i32
      %dma_wait3A_78 = tpu.memref_slice %arg4[%dma_wait3A_68, %dma_wait3A_76, %dma_wait3A_77] : memref<32x128x256xf32, #tpu.memory_space<hbm>> -> memref<1x16x256xf32, #tpu.memory_space<hbm>>
      %dma_wait3A_79 = tpu.memref_squeeze %dma_wait3A_78 : memref<1x16x256xf32, #tpu.memory_space<hbm>> -> memref<16x256xf32, #tpu.memory_space<hbm>>
      %dma_wait3A_80 = arith.constant 0 : i32
      %dma_wait3A_81 = arith.constant 0 : i32
      %dma_wait3A_82 = tpu.memref_slice %arg6[%dma_wait3A_80, %dma_wait3A_81] : memref<128x256xf32, #tpu.memory_space<vmem>> -> memref<16x256xf32, #tpu.memory_space<vmem>>
      tpu.wait_dma2 semaphore(%arg8 : memref<!tpu.dma_semaphore, #tpu.memory_space<semaphore_mem>>) src(%dma_wait3A_82 : memref<16x256xf32, #tpu.memory_space<vmem>>) dst(%dma_wait3A_79 : memref<16x256xf32, #tpu.memory_space<hbm>>)
    }
    %scan3A_52 = arith.constant 8 : i32
    return
  }
}

</mosaic_0001>

<sc_bundles>
// kernel: _nms_run.3.cloned.1.call-start
scs
__scs_entry_jumppad:
0x0: {  	(pc) =	sbr.rel $0x88, $3  }
0x1: {  	(tag) =	ssettag $0x0;
	lr =	simm.s32 $0x1  }
0x2: {  	[smem:$0x3FA0] =	sst lr;
	_ =	strace $0xD0000000  }
0x3: {  	_ = 	snop  }
0x4: {  	_ = 	snop  }
0x5: {  	_ = 	snop  }
0x6: {  	_ = 	snop  }
0x7: {  	_ = 	snop  }
__scs_overlays_trampoline_lowered:
0x8: {  	[smem:$0x3FAF] =	sst s0  }
0x9: {  	[smem:$0x3FB0] =	sst s1  }
0xa: {  	[smem:$0x3FB1] =	sst s2  }
0xb: {  	[smem:$0x3FB2] =	sst s3  }
0xc: {  	[smem:$0x3FB3] =	sst s4  }
0xd: {  	[smem:$0x3FB4] =	sst s5  }
0xe: {  	[smem:$0x3FB5] =	sst s6  }
0xf: {  	[smem:$0x3FB6] =	sst s7  }
0x10: {  	[smem:$0x3FB7] =	sst s8  }
0x11: {  	[smem:$0x3FB8] =	sst s9;
	s0 =	simm.s32 @!p0 $0x0  }
0x12: {  	s1 =	sld [smem:$0x3F9E];
	s0 =	simm.s32 @p0 $0x1  }
0x13: {  	[smem:$0x3FB9] =	sst s0;
	s0 =	simm.s32 @!p1 $0x0  }
0x14: {  	s2 =	sld [smem:$0x3F9D];
	s0 =	simm.s32 @p1 $0x1  }
0x15: {  	[smem:$0x3FBA] =	sst s0;
	s0 =	simm.s32 @!p2 $0x0  }
0x16: {  	s3 =	sld [smem:$0x3FDB];
	s0 =	simm.s32 @p2 $0x1  }
0x17: {  	s4 =	simm.s32 $0x1BF5;
	[smem:$0x3FBC] =	sst s0  }
0x18: {  	s0 =	sld [smem:$0x3F9F];
	_ =	swait.ge [sflag:s4], $0x0  }
0x19: {  	s7 =	sld [smem:$0x3FA0]  }
0x1a: {  	s8 =	sadd.s32 $0xFFFFE003, lr  }
0x1b: {  	s9 =	sadd.s32 $0xFFFFFEF7, lr;
	s5 =	simm.s32 $0xFFFFFFFF;
	p2 =	slt.u32 s8, $0xFFFFF086  }
0x1c: {  	p1 =	slt.u32 s9, $0xF7A;
	s5 =	simm.s32 @!p2 $0x0  }
0x1d: {  	s5 =	simm.s32 @p1 $0x1;
	p0 =	seq.s32 s7, s2  }
0x1e: {  	s7 =	smul.u32 @!p0 $0xF7A, s2;
	p2 =	seq.s32 @!p0 s5, $0x0  }
0x1f: {  	s9 =	smul.u32 $0xF7A, s1;
	s8 =	simm.s32 @!p0 $0x1BF5;
	p2 =	por !p2, p0  }
0x20: {  	[sflag:s8] =	ssyncset.s32 @!p0 $0xFFFFF086;
	s6 =	sadd.s32 @!p0 s3, s7;
	s7 =	simm.s32 @!p0 $0x108  }
0x21: {  	s3 =	sadd.s32 s3, s9;
	s6 =	sadd.s32 @!p0 $0x88, s6;
	s7 =	simm.s32 @p2 $0x1082  }
0x22: {  	[simem:s7], [sflag:s8] =	dma.local @!p0 [hbm:s6], $0xF7A  }
0x23: {  	s9 =	sor.u32 $0xD0000000, s2;
	s6 =	simm.s32 $0x108;
	_ =	swait.ge @!p0 [sflag:s8], $0x0  }
0x24: {  	s3 =	sadd.s32 $0x88, s3;
	s6 =	simm.s32 @!p1 $0x1082;
	[sflag:s4] =	ssyncset.s32 $0xFFFFF086  }
0x25: {  	[simem:s6], [sflag:s4] =	dma.local [hbm:s3], $0xF7A  }
0x26: {  	[smem:$0x3FA0] =	sst s1;
	(tag) =	ssettag s2;
	_ =	strace s9  }
0x27: {  	s1 =	sld [smem:$0x3FB0]  }
0x28: {  	s2 =	sld [smem:$0x3FB1]  }
0x29: {  	s4 =	sld [smem:$0x3FB3]  }
0x2a: {  	p0 =	seq.s32 s5, $0x0;
	s5 =	sld [smem:$0x3FB4]  }
0x2b: {  	s6 =	sld [smem:$0x3FB5]  }
0x2c: {  	s7 =	sld [smem:$0x3FB6]  }
0x2d: {  	s3 =	simm.s32 $0x108;
	s8 =	sld [smem:$0x3FB7]  }
0x2e: {  	s3 =	simm.s32 @!p0 $0x1082;
	s9 =	sld [smem:$0x3FB8]  }
0x2f: {  	lr =	sadd.s32 s0, s3;
	s0 =	sld [smem:$0x3FAF]  }
0x30: {  	s3 =	sld [smem:$0x3FB2]  }
0x31: {  	[smem:$0x3FBB] =	sst s10  }
0x32: {  	s10 =	sld [smem:$0x3FB9];
	_ =	sdelay $0x3  }
0x33: {  	p0 =	seq.s32 s10, $0x1;
	s10 =	sld [smem:$0x3FBB];
	_ =	sdelay $0x3  }
0x34: {  	[smem:$0x3FBB] =	sst s10  }
0x35: {  	s10 =	sld [smem:$0x3FBA];
	_ =	sdelay $0x3  }
0x36: {  	p1 =	seq.s32 s10, $0x1;
	s10 =	sld [smem:$0x3FBB];
	_ =	sdelay $0x3  }
0x37: {  	[smem:$0x3FBB] =	sst s10  }
0x38: {  	s10 =	sld [smem:$0x3FBC]  }
0x39: {  	_ = 	snop;
	(pc) =	sbr.ind lr, $3  }
0x3a: {  	_ = 	snop  }
0x3b: {  	_ = 	snop  }
0x3c: {  	p2 =	seq.s32 s10, $0x1;
	s10 =	sld [smem:$0x3FBB]  }
0x3d: {  	_ =	shalt  }
0x3e: {  	_ =	shalt  }
0x3f: {  	_ =	shalt  }
0x40: {  	_ =	shalt  }
0x41: {  	_ =	shalt  }
0x42: {  	_ =	shalt  }
0x43: {  	_ =	shalt  }
0x44: {  	_ =	shalt  }
0x45: {  	_ =	shalt  }
0x46: {  	_ =	shalt  }
0x47: {  	_ =	shalt  }
0x48: {  	_ =	shalt  }
0x49: {  	_ =	shalt  }
0x4a: {  	_ =	shalt  }
0x4b: {  	_ =	shalt  }
0x4c: {  	_ =	shalt  }
0x4d: {  	_ =	shalt  }
0x4e: {  	_ =	shalt  }
0x4f: {  	_ =	shalt  }
0x50: {  	_ =	shalt  }
0x51: {  	_ =	shalt  }
0x52: {  	_ =	shalt  }
0x53: {  	_ =	shalt  }
0x54: {  	_ =	shalt  }
0x55: {  	_ =	shalt  }
0x56: {  	_ =	shalt  }
0x57: {  	_ =	shalt  }
0x58: {  	_ =	shalt  }
0x59: {  	_ =	shalt  }
0x5a: {  	_ =	shalt  }
0x5b: {  	_ =	shalt  }
0x5c: {  	_ =	shalt  }
0x5d: {  	_ =	shalt  }
0x5e: {  	_ =	shalt  }
0x5f: {  	_ =	shalt  }
0x60: {  	_ =	shalt  }
0x61: {  	_ =	shalt  }
0x62: {  	_ =	shalt  }
0x63: {  	_ =	shalt  }
0x64: {  	_ =	shalt  }
0x65: {  	_ =	shalt  }
0x66: {  	_ =	shalt  }
0x67: {  	_ =	shalt  }
0x68: {  	_ =	shalt  }
0x69: {  	_ =	shalt  }
0x6a: {  	_ =	shalt  }
0x6b: {  	_ =	shalt  }
0x6c: {  	_ =	shalt  }
0x6d: {  	_ =	shalt  }
0x6e: {  	_ =	shalt  }
0x6f: {  	_ =	shalt  }
0x70: {  	_ =	shalt  }
0x71: {  	_ =	shalt  }
0x72: {  	_ =	shalt  }
0x73: {  	_ =	shalt  }
0x74: {  	_ =	shalt  }
0x75: {  	_ =	shalt  }
0x76: {  	_ =	shalt  }
0x77: {  	_ =	shalt  }
0x78: {  	_ =	shalt  }
0x79: {  	_ =	shalt  }
0x7a: {  	_ =	shalt  }
0x7b: {  	_ =	shalt  }
0x7c: {  	_ =	shalt  }
0x7d: {  	_ =	shalt  }
0x7e: {  	_ =	shalt  }
0x7f: {  	_ =	shalt  }
0x80: {  	_ =	shalt  }
0x81: {  	_ =	shalt  }
0x82: {  	_ =	shalt  }
0x83: {  	_ =	shalt  }
0x84: {  	_ =	shalt  }
0x85: {  	_ =	shalt  }
0x86: {  	_ =	shalt  }
0x87: {  	_ =	shalt  }
.Lfunc_end0:
.L_simem_size_0:
called_computation_lowered:
.L_overlay_start_0:
0x88: {  	s2 =	sld [smem:$0x3FD9]  }
0x89: {  	s3 =	sld [smem:$0x3FFE];
	_ =	sdelay $0x1  }
0x8a: {  	s1 =	srdreg.scid  }
0x8b: {  	s0 =	sand.u32 $0x1, s1  }
0x8c: {  	s15 =	sshll.u32 s0, $0xA;
	s2 =	sadd.s32 s3, s2  }
0x8d: {  	s2 =	sadd.s32 s2, s15  }
0x8e: {  	[smem:$0x3FC7] =	sst s2  }
0x8f: {  	_ = 	snop  }
0x90: {  	s2 =	sld [smem:$0x3FD0];
	_ =	sdelay $0x2  }
0x91: {  	s4 =	simm.s32 $0xA;
	s5 =	simm.s32 $0x10;
	s16 =	sld [smem:$0x3FC9]  }
0x92: {  	[smem:s5], [sflag:s4] =	dma.local [hbm:s2], $0x1  }
0x93: {  	_ =	swait.eq [sflag:s4], $0x1  }
0x94: {  	[sflag:s4] =	ssyncset.done $0x0  }
0x95: {  	s17 =	sld [smem:$0x10];
	[sflag:s4] =	ssyncadd.s32 $0xFFFFFFFF  }
0x96: {  	s18 =	sld [smem:$0x11];
	(tm) =	ssettm $0x1  }
0x97: {  	s19 =	sld [smem:$0x3FFB];
	_ =	sdelay $0x3  }
0x98: {  	_ =	strace s19  }
0x99: {  	s5 =	sld [smem:$0x3FFC];
	_ =	sdelay $0x3  }
0x9a: {  	_ =	strace s5  }
0x9b: {  	s5 =	sld [smem:$0x3FFD];
	_ =	sdelay $0x3  }
0x9c: {  	_ =	strace s5  }
0x9d: {  	_ =	strace $0x8FFFFFFF  }
0x9e: {  	s20 =	sld [smem:$0x3FDB];
	_ =	sdelay $0x1  }
0x9f: {  	s6 =	simm.s32 $_scs_section_size  }
0xa0: {  	s7 =	simm.s32 $_size__tile_overlayer_lowered;
	s8 =	simm.s32 $_tile_overlayer_lowered  }
0xa1: {  	s23 =	simm.s32 $0x1BFF;
	s22 =	sshll.u32 s8, $0x1;
	s5 =	sadd.s32 s6, s20  }
0xa2: {  	s9 =	simm.s32 $0x0;
	s21 =	sshll.u32 s7, $0x1;
	s7 =	sadd.s32 s22, s5  }
0xa3: {  	[timem:s9], [sflag:s23] =	dma.local [hbm:s7], s21  }
0xa4: {  	_ =	swait.ge [sflag:s23], s21  }
0xa5: {  	s6 =	ssub.s32 $0x0, s21;
	[sflag:s23] =	ssyncset.done $0x0  }
0xa6: {  	[sflag:s23] =	ssyncadd.s32 s6;
	_ =	sdelay $0x1  }
0xa7: {  	s24 =	simm.s32 $0x1B8B  }
0xa8: {  	_ =	swait.ge [sflag:s24], $0x1  }
0xa9: {  	[sflag:s24] =	ssyncset.done $0x0  }
0xaa: {  	s25 =	simm.s32 $0x1B8E;
	[sflag:s24] =	ssyncadd.s32 $0xFFFFFFFF  }
0xab: {  	s26 =	simm.s32 $execute0_lowered;
	[smem:$0x3FD2] =	sst s25  }
0xac: {  	s6 =	sshll.u32 s26, $0x1;
	_ =	strace $0x80000046;
	[dreg:$0x1] =	wrdreg $0xFFFFFFFF  }
0xad: {  	s28 =	simm.s32 $_size_execute0_lowered;
	s5 =	sadd.s32 s5, s6;
	[dreg:$0x0] =	wrdreg $0x0  }
0xae: {  	s6 =	sshll.u32 s28, $0x1;
	[dreg:$0x2] =	wrdreg s5  }
0xaf: {  	[dreg:$0x3] =	wrdreg s6  }
0xb0: {  	[dreg:$0x4] =	wrdreg $0xC0  }
0xb1: {  	_ =	task [dreg:s9], $0x5FFFF  }
0xb2: {  	[dreg:$0x1] =	wrdreg $0xFFFFFFFF  }
0xb3: {  	[dreg:$0x0] =	wrdreg $0x60  }
0xb4: {  	[dreg:$0x2] =	wrdreg s16  }
0xb5: {  	[dreg:$0x3] =	wrdreg s17  }
0xb6: {  	[dreg:$0x4] =	wrdreg s18  }
0xb7: {  	[dreg:$0x5] =	wrdreg $0x9  }
0xb8: {  	_ =	task.clear_ibuf [dreg:s9], $0x6FFFF;
	_ =	strace $0x90000046  }
0xb9: {  	s29 =	simm.s32 $0x9;
	_ =	strace $0x80000048  }
0xba: {  	_ =	swait.ge [sflag:s29], $0x1  }
0xbb: {  	[sflag:s29] =	ssyncadd.s32 $0xFFFFFFFF  }
0xbc: {  	_ =	strace $0x90000048  }
0xbd: {  	_ =	sfence  }
0xbe: {  	s30 =	sld [smem:$0x0];
	_ =	sdelay $0x2  }
0xbf: {  	s31 =	sshll.u32 s1, $0xD;
	s1 =	sshrl.u32 s1, $0x2  }
0xc0: {  	s3 =	sand.u32 $0x4000, s31;
	s1 =	sadd.s32 s1, s30  }
0xc1: {  	s0 =	sor.u32 s3, s0;
	s1 =	sshll.u32 s1, $0x11  }
0xc2: {  	s0 =	sor.u32 s1, s0  }
0xc3: {  	s0 =	sadd.s32 $0x8F2B, s0  }
0xc4: {  	[sflag:s0] =	ssyncadd.remote.s32 $0x1  }
0xc5: {  	_ =	sfence.sel $0xFFFF  }
0xc6: {  	[dreg:$0x0] =	wrdreg $0xFFFFFFFF;
	(pc) =	sbr.abs _section_cstart, $3  }
0xc7: {  	[dreg:$0x1] =	wrdreg $0xFFFFFFFF  }
0xc8: {  	_ =	task.clear_ibuf [dreg:s9], $0x2FFFF;
	_ =	strace $0x9FFFFFFF  }
0xc9: {  	(tm) =	ssettm $0x7FFFFFFF  }
tec
execute0_lowered:
.L_overlay_start_1:
0x0: {  	(tag) =	ssettag $0x1  }
0x1: {  	s6 =	rddreg [dreg:$0x0]  }
0x2: {  	s0 =	rddreg [dreg:$0x1];
	s2 =	srdreg.scid;
	v2 =	vimm.s32 $0xD0123456;
	v3 =	vimm.s32 $0x789ABCD0  }
0x3: {  	s3 =	rddreg [dreg:$0x2];
	s1 =	stileid.u32;
	v4 =	vimm.s32 $0xDDCBA987;
	s4 =	simm.s32 $0x0;
	v2 =	vunpack.c.l.s4.s8 v2;
	v3 =	vunpack.c.l.s4.s8 v3  }
0x4: {  	v1 =	vimm.s32 $0xECA86420;
	v5 =	vimm.s32 $0x65432100;
	s10 =	simm.s32 $0x8000;
	s11 =	simm.s32 $0x1;
	s12 =	simm.s32 $0x0;
	v4 =	vunpack.c.l.s4.s8 v4  }
.Ltmp0:
0x5: {  	s5 =	sand.u32 $0x1, s2;
	s7 =	sshll.u32 s1, $0x10;
	v5 =	vunpack.c.l.s4.s8 v5;
	v2 =	vunpack.c.0.s8.s32 v2;
	v3 =	vunpack.c.0.s8.s32 v3;
	(pc) =	sbr.rel .LBB2_1-.Ltmp0, $4  }
0x6: {  	v1 =	vunpack.c.l.s4.s8 v1;
	[smem:$0x7FF] =	sst s4;
	s8 =	sshll.u32 s5, $0xF;
	s9 =	ssub.s32 $0x2, s5;
	v4 =	vunpack.c.0.s8.s32 v4  }
0x7: {  	v0 =	vlaneseq.u32;
	_ =	strace $0x80000047;
	s5 =	sor.u32 s8, s7;
	s31 =	sshrl.u32 s9, $0x1;
	v5 =	vunpack.c.0.s8.s32 v5;
	v6 =	vcombine.low v3, v2  }
0x8: {  	v1 =	vunpack.c.0.s8.s32 v1;
	s8 =	sshrl.u32 s5, $0x3;
	s7 =	ssub.s32 s9, s31;
	s9 =	simm.s32 $0x10000;
	v2 =	vimm.s32 $0x0;
	v4 =	vand.u32 $0xF, v4  }
0x9: {  	s6 =	sadd.s32 s6, s8;
	s7 =	smax.u32 s7, $0x1;
	s8 =	simm.s32 $0x2;
	v3 =	vimm.f32 $0.0e+00;
	v4 =	vcombine.low v5, v4;
	v5 =	vand.u32 $0xF, v6  }
.LBB2_25:
0xa: {  	_ =	swait.ge [sflag:s11], $0x1000  }
0xb: {  	[sflag:s11] =	ssyncset.done $0x0  }
0xc: {  	[sflag:s11] =	ssyncadd.s32 $0xFFFFF000  }
0xd: {  	_ =	swait.ge [sflag:s11], $0x1000  }
0xe: {  	[sflag:s11] =	ssyncset.done $0x0  }
0xf: {  	[sflag:s11] =	ssyncadd.s32 $0xFFFFF000  }
0x10: {  	_ =	swait.ge [sflag:s11], $0x1000  }
0x11: {  	[sflag:s11] =	ssyncset.done $0x0  }
0x12: {  	[sflag:s11] =	ssyncadd.s32 $0xFFFFF000  }
0x13: {  	_ =	swait.ge [sflag:s11], $0x1000  }
0x14: {  	[sflag:s11] =	ssyncset.done $0x0  }
0x15: {  	[sflag:s11] =	ssyncadd.s32 $0xFFFFF000  }
0x16: {  	_ =	swait.ge [sflag:s11], $0x1000  }
0x17: {  	[sflag:s11] =	ssyncset.done $0x0  }
0x18: {  	[sflag:s11] =	ssyncadd.s32 $0xFFFFF000  }
0x19: {  	_ =	swait.ge [sflag:s11], $0x1000  }
0x1a: {  	[sflag:s11] =	ssyncset.done $0x0  }
0x1b: {  	[sflag:s11] =	ssyncadd.s32 $0xFFFFF000  }
0x1c: {  	_ =	swait.ge [sflag:s11], $0x1000  }
0x1d: {  	[sflag:s11] =	ssyncset.done $0x0  }
0x1e: {  	[sflag:s11] =	ssyncadd.s32 $0xFFFFF000  }
0x1f: {  	_ =	swait.ge [sflag:s11], $0x1000  }
0x20: {  	[sflag:s11] =	ssyncset.done $0x0  }
0x21: {  	[sflag:s11] =	ssyncadd.s32 $0xFFFFF000  }
0x22: {  	_ =	swait.ge [sflag:s11], $0x1000  }
0x23: {  	[sflag:s11] =	ssyncset.done $0x0  }
0x24: {  	[sflag:s11] =	ssyncadd.s32 $0xFFFFF000  }
0x25: {  	_ =	swait.ge [sflag:s11], $0x1000  }
0x26: {  	[sflag:s11] =	ssyncset.done $0x0  }
0x27: {  	[sflag:s11] =	ssyncadd.s32 $0xFFFFF000  }
0x28: {  	_ =	swait.ge [sflag:s11], $0x1000  }
0x29: {  	[sflag:s11] =	ssyncset.done $0x0  }
0x2a: {  	[sflag:s11] =	ssyncadd.s32 $0xFFFFF000  }
0x2b: {  	_ =	swait.ge [sflag:s11], $0x1000  }
0x2c: {  	[sflag:s11] =	ssyncset.done $0x0  }
0x2d: {  	[sflag:s11] =	ssyncadd.s32 $0xFFFFF000  }
0x2e: {  	_ =	swait.ge [sflag:s11], $0x1000  }
0x2f: {  	[sflag:s11] =	ssyncset.done $0x0  }
0x30: {  	[sflag:s11] =	ssyncadd.s32 $0xFFFFF000  }
0x31: {  	_ =	swait.ge [sflag:s11], $0x1000  }
0x32: {  	[sflag:s11] =	ssyncset.done $0x0  }
0x33: {  	s12 =	sadd.s32 $0x1, s12;
	[sflag:s11] =	ssyncadd.s32 $0xFFFFF000  }
0x34: {  	p0 =	sne.s32 s12, s7;
	_ =	swait.ge [sflag:s11], $0x1000  }
.Ltmp1:
0x35: {  	[sflag:s11] =	ssyncset.done $0x0;
	(pc) =	sbr.rel @!p0 .LBB2_26-.Ltmp1, $4  }
0x36: {  	[sflag:s11] =	ssyncadd.s32 $0xFFFFF000  }
0x37: {  	_ =	swait.ge [sflag:s11], $0x1000  }
0x38: {  	[sflag:s11] =	ssyncset.done $0x0  }
0x39: {  	[sflag:s11] =	ssyncadd.s32 $0xFFFFF000  }
.LBB2_1:
0x3a: {  	[tilespmem:s4], [sflag:$0x2] =	stream.linear.gather [hbm4b:s6+s4], $0x8000, $0x38;
	[tilespmem:$0x16200] =	vst v63  }
0x3b: {  	_ =	swait.ge [sflag:s8], $0x8000  }
0x3c: {  	s13 =	sand.u32 $0x7800, s4;
	s14 =	sand.u32 $0x380, s4;
	[sflag:s8] =	ssyncset.done $0x0  }
0x3d: {  	s15 =	simm.s32 $0x0;
	s16 =	sor.u32 s14, s13;
	[sflag:s8] =	ssyncadd.s32 $0xFFFF8000  }
0x3e: {  	v7 =	vadd.s32 s15, v0;
	v6 =	vld [tilespmem:s16+$0x0];
	_ =	sdelay $0x4  }
0x3f: {  	s20 =	simm.s32 $0x10;
	[tilespmem:v7+s9+$0x0] =	vst.idx.msk $0xffff, v6  }
0x40: {  	v7 =	vadd.s32 s20, v0;
	v6 =	vld [tilespmem:s16+$0x10];
	_ =	sdelay $0x4  }
0x41: {  	s21 =	simm.s32 $0x20;
	[tilespmem:v7+s9+$0x0] =	vst.idx.msk $0xffff, v6  }
0x42: {  	v7 =	vadd.s32 s21, v0;
	v6 =	vld [tilespmem:s16+$0x20];
	_ =	sdelay $0x4  }
0x43: {  	s22 =	simm.s32 $0x30;
	[tilespmem:v7+s9+$0x0] =	vst.idx.msk $0xffff, v6  }
0x44: {  	v7 =	vadd.s32 s22, v0;
	v6 =	vld [tilespmem:s16+$0x30];
	_ =	sdelay $0x4  }
0x45: {  	s23 =	simm.s32 $0x40;
	[tilespmem:v7+s9+$0x0] =	vst.idx.msk $0xffff, v6  }
0x46: {  	v7 =	vadd.s32 s23, v0;
	v6 =	vld [tilespmem:s16+$0x40];
	_ =	sdelay $0x4  }
0x47: {  	s24 =	simm.s32 $0x50;
	[tilespmem:v7+s9+$0x0] =	vst.idx.msk $0xffff, v6  }
0x48: {  	v7 =	vadd.s32 s24, v0;
	v6 =	vld [tilespmem:s16+$0x50];
	_ =	sdelay $0x4  }
0x49: {  	s25 =	simm.s32 $0x60;
	[tilespmem:v7+s9+$0x0] =	vst.idx.msk $0xffff, v6  }
0x4a: {  	v7 =	vadd.s32 s25, v0;
	v6 =	vld [tilespmem:s16+$0x60];
	_ =	sdelay $0x4  }
0x4b: {  	s26 =	simm.s32 $0x70;
	[tilespmem:v7+s9+$0x0] =	vst.idx.msk $0xffff, v6  }
0x4c: {  	v7 =	vadd.s32 s26, v0;
	v6 =	vld [tilespmem:s16+$0x70];
	_ =	sdelay $0x4  }
0x4d: {  	s28 =	simm.s32 $0x80;
	[tilespmem:v7+s9+$0x0] =	vst.idx.msk $0xffff, v6  }
0x4e: {  	v7 =	vadd.s32 s28, v0;
	v6 =	vld [tilespmem:s16+$0x400];
	_ =	sdelay $0x4  }
0x4f: {  	s29 =	simm.s32 $0x90;
	[tilespmem:v7+s9+$0x0] =	vst.idx.msk $0xffff, v6  }
0x50: {  	v7 =	vadd.s32 s29, v0;
	v6 =	vld [tilespmem:s16+$0x410];
	_ =	sdelay $0x4  }
0x51: {  	s30 =	simm.s32 $0xA0;
	[tilespmem:v7+s9+$0x0] =	vst.idx.msk $0xffff, v6  }
0x52: {  	v7 =	vadd.s32 s30, v0;
	v6 =	vld [tilespmem:s16+$0x420];
	_ =	sdelay $0x4  }
0x53: {  	s31 =	simm.s32 $0xB0;
	[tilespmem:v7+s9+$0x0] =	vst.idx.msk $0xffff, v6  }
0x54: {  	v7 =	vadd.s32 s31, v0;
	v6 =	vld [tilespmem:s16+$0x430];
	_ =	sdelay $0x4  }
0x55: {  	s17 =	simm.s32 $0xC0;
	[tilespmem:v7+s9+$0x0] =	vst.idx.msk $0xffff, v6  }
0x56: {  	v7 =	vadd.s32 s17, v0;
	v6 =	vld [tilespmem:s16+$0x440];
	_ =	sdelay $0x2  }
0x57: {  	s13 =	simm.s32 $0x184;
	s14 =	simm.s32 $0x80;
	s15 =	simm.s32 $0x100  }
0x58: {  	s18 =	sand.u32 $0x380, s14;
	s17 =	sand.u32 $0x7800, s15;
	s16 =	simm.s32 $0x248  }
.LBB2_2:
0x59: {  	p0 =	sne.s32 s16, $0x61FC;
	s19 =	sadd.s32 $0xFFFFFF40, s13;
	s17 =	sor.u32 s18, s17;
	[tilespmem:v7+s9+$0x0] =	vst.idx.msk $0xffff, v6  }
0x5a: {  	v6 =	vld [tilespmem:s17+$0x0];
	v7 =	vadd.s32 s19, v0;
	_ =	sdelay $0x4  }
0x5b: {  	s18 =	sadd.s32 $0xFFFFFF50, s13;
	[tilespmem:v7+s9+$0x0] =	vst.idx.msk $0xffff, v6  }
0x5c: {  	v7 =	vadd.s32 s18, v0;
	v6 =	vld [tilespmem:s17+$0x10];
	_ =	sdelay $0x4  }
0x5d: {  	s18 =	sadd.s32 $0xFFFFFF60, s13;
	[tilespmem:v7+s9+$0x0] =	vst.idx.msk $0xffff, v6  }
0x5e: {  	v7 =	vadd.s32 s18, v0;
	v6 =	vld [tilespmem:s17+$0x20];
	_ =	sdelay $0x4  }
0x5f: {  	s18 =	sadd.s32 $0xFFFFFF70, s13;
	[tilespmem:v7+s9+$0x0] =	vst.idx.msk $0xffff, v6  }
0x60: {  	v7 =	vadd.s32 s18, v0;
	v6 =	vld [tilespmem:s17+$0x30];
	_ =	sdelay $0x4  }
0x61: {  	s18 =	sadd.s32 $0xFFFFFF80, s13;
	[tilespmem:v7+s9+$0x0] =	vst.idx.msk $0xffff, v6  }
0x62: {  	v7 =	vadd.s32 s18, v0;
	v6 =	vld [tilespmem:s17+$0x40];
	_ =	sdelay $0x4  }
0x63: {  	s18 =	sadd.s32 $0xFFFFFF90, s13;
	[tilespmem:v7+s9+$0x0] =	vst.idx.msk $0xffff, v6  }
0x64: {  	v7 =	vadd.s32 s18, v0;
	v6 =	vld [tilespmem:s17+$0x50];
	_ =	sdelay $0x4  }
0x65: {  	s18 =	sadd.s32 $0xFFFFFFA0, s13;
	[tilespmem:v7+s9+$0x0] =	vst.idx.msk $0xffff, v6  }
0x66: {  	v7 =	vadd.s32 s18, v0;
	v6 =	vld [tilespmem:s17+$0x60];
	_ =	sdelay $0x4  }
0x67: {  	s18 =	sadd.s32 $0xFFFFFFB0, s13;
	[tilespmem:v7+s9+$0x0] =	vst.idx.msk $0xffff, v6  }
0x68: {  	v7 =	vadd.s32 s18, v0;
	v6 =	vld [tilespmem:s17+$0x70];
	_ =	sdelay $0x4  }
0x69: {  	s18 =	sadd.s32 $0xFFFFFFC0, s13;
	[tilespmem:v7+s9+$0x0] =	vst.idx.msk $0xffff, v6  }
0x6a: {  	v7 =	vadd.s32 s18, v0;
	v6 =	vld [tilespmem:s17+$0x400];
	_ =	sdelay $0x4  }
0x6b: {  	s18 =	sadd.s32 $0xFFFFFFD0, s13;
	[tilespmem:v7+s9+$0x0] =	vst.idx.msk $0xffff, v6  }
0x6c: {  	v7 =	vadd.s32 s18, v0;
	v6 =	vld [tilespmem:s17+$0x410];
	_ =	sdelay $0x4  }
0x6d: {  	s18 =	sadd.s32 $0xFFFFFFE0, s13;
	[tilespmem:v7+s9+$0x0] =	vst.idx.msk $0xffff, v6  }
0x6e: {  	v7 =	vadd.s32 s18, v0;
	v6 =	vld [tilespmem:s17+$0x420];
	_ =	sdelay $0x4  }
0x6f: {  	s18 =	sadd.s32 $0xFFFFFFF0, s13;
	[tilespmem:v7+s9+$0x0] =	vst.idx.msk $0xffff, v6  }
0x70: {  	v7 =	vadd.s32 s18, v0;
	v6 =	vld [tilespmem:s17+$0x430];
	_ =	sdelay $0x4  }
0x71: {  	[tilespmem:v7+s9+$0x0] =	vst.idx.msk $0xffff, v6  }
.Ltmp2:
0x72: {  	v7 =	vadd.s32 s13, v0;
	s13 =	smov.u32 s16;
	v6 =	vld [tilespmem:s17+$0x440];
	(pc) =	sbr.rel @p0 .LBB2_2-.Ltmp2, $3  }
0x73: {  	_ =	sdelay $0x1  }
0x74: {  	s14 =	sadd.s32 $0x80, s14;
	s15 =	sadd.s32 $0x100, s15  }
0x75: {  	s18 =	sand.u32 $0x380, s14;
	s16 =	sadd.s32 $0xC4, s16;
	s17 =	sand.u32 $0x7800, s15  }
0x76: {  	_ =	sdelay $0x3  }
0x77: {  	s14 =	sadd.s32 $0xFFFFFF40, s13;
	s15 =	sor.u32 s18, s17;
	[tilespmem:v7+s9+$0x0] =	vst.idx.msk $0xffff, v6  }
0x78: {  	v6 =	vld [tilespmem:s15+$0x0];
	v7 =	vadd.s32 s14, v0;
	_ =	sdelay $0x4  }
0x79: {  	s20 =	sadd.s32 $0xFFFFFF50, s13;
	[tilespmem:v7+s9+$0x0] =	vst.idx.msk $0xffff, v6  }
0x7a: {  	v7 =	vadd.s32 s20, v0;
	v6 =	vld [tilespmem:s15+$0x10];
	_ =	sdelay $0x4  }
0x7b: {  	s21 =	sadd.s32 $0xFFFFFF60, s13;
	[tilespmem:v7+s9+$0x0] =	vst.idx.msk $0xffff, v6  }
0x7c: {  	v7 =	vadd.s32 s21, v0;
	v6 =	vld [tilespmem:s15+$0x20];
	_ =	sdelay $0x4  }
0x7d: {  	s22 =	sadd.s32 $0xFFFFFF70, s13;
	[tilespmem:v7+s9+$0x0] =	vst.idx.msk $0xffff, v6  }
0x7e: {  	v7 =	vadd.s32 s22, v0;
	v6 =	vld [tilespmem:s15+$0x30];
	_ =	sdelay $0x4  }
0x7f: {  	s23 =	sadd.s32 $0xFFFFFF80, s13;
	[tilespmem:v7+s9+$0x0] =	vst.idx.msk $0xffff, v6  }
0x80: {  	v7 =	vadd.s32 s23, v0;
	v6 =	vld [tilespmem:s15+$0x40];
	_ =	sdelay $0x4  }
0x81: {  	s24 =	sadd.s32 $0xFFFFFF90, s13;
	[tilespmem:v7+s9+$0x0] =	vst.idx.msk $0xffff, v6  }
0x82: {  	v7 =	vadd.s32 s24, v0;
	v6 =	vld [tilespmem:s15+$0x50];
	_ =	sdelay $0x4  }
0x83: {  	s25 =	sadd.s32 $0xFFFFFFA0, s13;
	[tilespmem:v7+s9+$0x0] =	vst.idx.msk $0xffff, v6  }
0x84: {  	v7 =	vadd.s32 s25, v0;
	v6 =	vld [tilespmem:s15+$0x60];
	_ =	sdelay $0x4  }
0x85: {  	s26 =	sadd.s32 $0xFFFFFFB0, s13;
	[tilespmem:v7+s9+$0x0] =	vst.idx.msk $0xffff, v6  }
0x86: {  	v7 =	vadd.s32 s26, v0;
	v6 =	vld [tilespmem:s15+$0x70];
	_ =	sdelay $0x4  }
0x87: {  	s28 =	sadd.s32 $0xFFFFFFC0, s13;
	[tilespmem:v7+s9+$0x0] =	vst.idx.msk $0xffff, v6  }
0x88: {  	v7 =	vadd.s32 s28, v0;
	v6 =	vld [tilespmem:s15+$0x400];
	_ =	sdelay $0x4  }
0x89: {  	s29 =	sadd.s32 $0xFFFFFFD0, s13;
	[tilespmem:v7+s9+$0x0] =	vst.idx.msk $0xffff, v6  }
0x8a: {  	v7 =	vadd.s32 s29, v0;
	v6 =	vld [tilespmem:s15+$0x410];
	_ =	sdelay $0x4  }
0x8b: {  	s30 =	sadd.s32 $0xFFFFFFE0, s13;
	[tilespmem:v7+s9+$0x0] =	vst.idx.msk $0xffff, v6  }
0x8c: {  	v7 =	vadd.s32 s30, v0;
	v6 =	vld [tilespmem:s15+$0x420];
	_ =	sdelay $0x4  }
0x8d: {  	s31 =	sadd.s32 $0xFFFFFFF0, s13;
	[tilespmem:v7+s9+$0x0] =	vst.idx.msk $0xffff, v6  }
0x8e: {  	v7 =	vadd.s32 s31, v0;
	v6 =	vld [tilespmem:s15+$0x430];
	_ =	sdelay $0x4  }
0x8f: {  	[tilespmem:v7+s9+$0x0] =	vst.idx.msk $0xffff, v6  }
0x90: {  	v7 =	vadd.s32 s13, v0;
	v6 =	vld [tilespmem:s15+$0x440];
	_ =	sdelay $0x4  }
0x91: {  	s14 =	simm.s32 $0x0;
	s13 =	simm.s32 $0x0;
	[tilespmem:v7+s9+$0x0] =	vst.idx.msk $0xffff, v6  }
.LBB2_4:
0x92: {  	s15 =	sshll.u32 s14, $0x4  }
0x93: {  	v6 =	vor.u32 s15, v0  }
0x94: {  	v7 =	vmul.u32 $0xC4, v6;
	_ =	sdelay $0x1  }
0x95: {  	v28 =	vadd.s32 s13, v7  }
0x96: {  	v16 =	vor.u32 $0x2, v28  }
0x97: {  	v18 =	vor.u32 $0x3, v28  }
0x98: {  	v19 =	vadd.s32 $0x7, v28  }
0x99: {  	v24 =	vadd.s32 $0x5, v28  }
0x9a: {  	v35 =	vadd.s32 $0xB, v28;
	v34 =	vld.idx.msk [tilespmem:v28+s9+$0x0], $0xffff  }
0x9b: {  	v15 =	vadd.s32 $0x4, v28;
	v33 =	vld.idx.msk [tilespmem:v16+s9+$0x0], $0xffff  }
0x9c: {  	v37 =	vadd.s32 $0x6, v28;
	v13 =	vld.idx.msk [tilespmem:v18+s9+$0x0], $0xffff  }
0x9d: {  	v8 =	vimm.f32 $6.000000240e-01;
	v11 =	vadd.s32 $0xF, v28;
	v38 =	vld.idx.msk [tilespmem:v19+s9+$0x0], $0xffff  }
0x9e: {  	v22 =	vor.u32 $0x1, v28;
	v25 =	vadd.s32 $0xD, v28;
	v26 =	vadd.s32 $0x8, v28;
	v9 =	vld.idx.msk [tilespmem:v24+s9+$0x0], $0xffff  }
0x9f: {  	v14 =	vadd.s32 $0x10, v28;
	v12 =	vadd.s32 $0x16, v28;
	v29 =	vadd.s32 $0xA, v28;
	v40 =	vld.idx.msk [tilespmem:v35+s9+$0x0], $0xffff  }
0xa0: {  	v30 =	vadd.s32 $0x9, v28;
	v17 =	vadd.s32 $0xE, v28;
	v20 =	vadd.s32 $0x12, v28;
	v31 =	vld.idx.msk [tilespmem:v15+s9+$0x0], $0xffff  }
0xa1: {  	v27 =	vadd.s32 $0xC, v28;
	v23 =	vadd.s32 $0x14, v28;
	v32 =	vld.idx.msk [tilespmem:v37+s9+$0x0], $0xffff;
	vm0 =	vgt.f32 v13, v8  }
0xa2: {  	p1 =	por $0x1, $0x1;
	v10 =	vadd.s32 $0x18, v28;
	v21 =	vld.idx.msk [tilespmem:v11+s9+$0x0], $0xffff;
	vm10 =	vgt.f32 v34, v8;
	v41 =	vsel vm0, v13, v8  }
.Ltmp3:
0xa3: {  	v36 =	vld.idx.msk [tilespmem:v26+s9+$0x0], $0xffff;
	vm1 =	vgt.f32 v33, v8;
	v43 =	vsel vm10, v34, v8;
	vm2 =	vgt.f32 v38, v41;
	(pc) =	sbr.rel @!p1 .LBB2_5-.Ltmp3, $4  }
0xa4: {  	v42 =	vld.idx.msk [tilespmem:v29+s9+$0x0], $0xffff;
	v16 =	vsel vm1, v16, v7;
	v18 =	vsel vm0, v18, v7;
	v41 =	vsel vm2, v38, v41  }
0xa5: {  	v13 =	vld.idx.msk [tilespmem:v22+s9+$0x0], $0xffff;
	v39 =	vsel vm1, v33, v8;
	vm3 =	vgt.f32 v31, v43;
	vm0 =	vgt.f32 v40, v41  }
0xa6: {  	v33 =	vld.idx.msk [tilespmem:v14+s9+$0x0], $0xffff;
	vm9 =	vgt.f32 v32, v39;
	v18 =	vsel vm2, v19, v18;
	v34 =	vsel vm0, v40, v41  }
0xa7: {  	p0 =	por $0x0, $0x0;
	s15 =	simm.s32 $0x1C;
	v38 =	vld.idx.msk [tilespmem:v27+s9+$0x0], $0xffff;
	v41 =	vsel vm9, v37, v16;
	v35 =	vsel vm0, v35, v18;
	vm8 =	vgt.f32 v21, v34  }
0xa8: {  	_ =	sdelay $0x2  }
0xa9: {  	v16 =	vsel vm10, v28, v7;
	v19 =	vsel vm3, v31, v43  }
0xaa: {  	v18 =	vld.idx.msk [tilespmem:v17+s9+$0x0], $0xffff;
	v31 =	vadd.s32 $0x13, v28;
	v45 =	vadd.s32 $0x11, v28;
	v37 =	vadd.s32 $0x1A, v28  }
0xab: {  	v32 =	vsel vm9, v32, v39;
	v54 =	vadd.s32 $0x17, v28;
	v11 =	vsel vm8, v11, v35  }
0xac: {  	v50 =	vadd.s32 $0x15, v28;
	v15 =	vsel vm3, v15, v16;
	vm0 =	vgt.f32 v36, v19;
	v16 =	vld.idx.msk [tilespmem:v20+s9+$0x0], $0xffff  }
0xad: {  	v53 =	vld.idx.msk [tilespmem:v23+s9+$0x0], $0xffff;
	v19 =	vsel vm0, v36, v19;
	v15 =	vsel vm0, v26, v15;
	vm0 =	vgt.f32 v42, v32  }
0xae: {  	v55 =	vld.idx.msk [tilespmem:v12+s9+$0x0], $0xffff;
	v40 =	vadd.s32 $0x19, v28;
	v32 =	vsel vm0, v42, v32;
	vm1 =	vgt.f32 v38, v19  }
0xaf: {  	v26 =	vld.idx.msk [tilespmem:v10+s9+$0x0], $0xffff;
	v29 =	vsel vm0, v29, v41;
	v19 =	vsel vm1, v38, v19;
	vm0 =	vgt.f32 v18, v32  }
0xb0: {  	v15 =	vsel vm1, v27, v15;
	v27 =	vld.idx.msk [tilespmem:v31+s9+$0x0], $0xffff;
	vm1 =	vgt.f32 v33, v19;
	v18 =	vsel vm0, v18, v32  }
0xb1: {  	v17 =	vsel vm0, v17, v29;
	v19 =	vsel vm1, v33, v19;
	vm0 =	vgt.f32 v16, v18  }
0xb2: {  	v14 =	vsel vm1, v14, v15;
	vm1 =	vgt.f32 v53, v19;
	v15 =	vsel vm0, v16, v18  }
0xb3: {  	v16 =	vsel vm0, v20, v17;
	v17 =	vsel vm1, v53, v19;
	v20 =	vsel vm1, v23, v14  }
0xb4: {  	v23 =	vadd.s32 $0x1B, v28;
	v19 =	vsel vm8, v21, v34;
	vm1 =	vgt.f32 v55, v15  }
0xb5: {  	vm0 =	vgt.f32 v26, v17;
	vm2 =	vgt.f32 v27, v19;
	v12 =	vsel vm1, v12, v16  }
0xb6: {  	v14 =	vld.idx.msk [tilespmem:v54+s9+$0x0], $0xffff;
	v16 =	vadd.s32 s15, v7;
	v33 =	vsel vm0, v26, v17;
	v29 =	vsel vm2, v31, v11  }
0xb7: {  	v21 =	vld.idx.msk [tilespmem:v37+s9+$0x0], $0xffff;
	v17 =	vsel vm1, v55, v15;
	v18 =	vor.u32 $0x1, v16;
	v56 =	vor.u32 $0x2, v16  }
0xb8: {  	v26 =	vsel vm2, v27, v19;
	v15 =	vadd.s32 $0x4, v16;
	v35 =	vadd.s32 $0x7, v16  }
0xb9: {  	vm2 =	vgt.f32 v13, v8;
	v19 =	vadd.s32 $0x5, v16;
	v11 =	vadd.s32 $0xF, v16  }
0xba: {  	v57 =	vld.idx.msk [tilespmem:v25+s9+$0x0], $0xffff;
	v42 =	vadd.s32 $0xB, v16;
	v58 =	vor.u32 $0x3, v16;
	v48 =	vadd.s32 $0x6, v16  }
0xbb: {  	v27 =	vld.idx.msk [tilespmem:v30+s9+$0x0], $0xffff;
	v13 =	vsel vm2, v13, v8;
	v31 =	vsel vm2, v22, v7;
	v22 =	vadd.s32 $0xD, v16  }
0xbc: {  	v53 =	vld.idx.msk [tilespmem:v50+s9+$0x0], $0xffff;
	vm3 =	vgt.f32 v9, v13;
	vm1 =	vgt.f32 v14, v26;
	vm2 =	vgt.f32 v21, v17  }
0xbd: {  	v59 =	vld.idx.msk [tilespmem:v23+s9+$0x0], $0xffff;
	v31 =	vsel vm3, v24, v31;
	v9 =	vsel vm3, v9, v13;
	v24 =	vadd.s32 $0x9, v16  }
0xbe: {  	v13 =	vld.idx.msk [tilespmem:v45+s9+$0x0], $0xffff;
	v60 =	vsel vm2, v37, v12;
	v61 =	vsel vm1, v14, v26;
	v46 =	vsel vm2, v21, v17  }
0xbf: {  	v14 =	vadd.s32 $0x10, v16;
	v47 =	vld.idx.msk [tilespmem:v16+s9+$0x0], $0xffff;
	v12 =	vadd.s32 $0x16, v16;
	v26 =	vadd.s32 $0x8, v16  }
0xc0: {  	v17 =	vadd.s32 $0xE, v16;
	v37 =	vsel vm0, v10, v20;
	vm2 =	vgt.f32 v27, v9;
	v49 =	vld.idx.msk [tilespmem:v56+s9+$0x0], $0xffff  }
0xc1: {  	v10 =	vsel vm1, v54, v29;
	v20 =	vadd.s32 $0x12, v16;
	v51 =	vld.idx.msk [tilespmem:v58+s9+$0x0], $0xffff;
	v62 =	vsel vm2, v27, v9  }
0xc2: {  	v29 =	vadd.s32 $0xA, v16;
	v32 =	vld.idx.msk [tilespmem:v48+s9+$0x0], $0xffff;
	v21 =	vsel vm2, v30, v31;
	vm1 =	vgt.f32 v57, v62  }
0xc3: {  	v30 =	vld.idx.msk [tilespmem:v35+s9+$0x0], $0xffff;
	v27 =	vadd.s32 $0xC, v16;
	vm0 =	vgt.f32 v59, v61;
	v36 =	vsel vm1, v57, v62  }
0xc4: {  	v31 =	vld.idx.msk [tilespmem:v15+s9+$0x0], $0xffff;
	v25 =	vsel vm1, v25, v21;
	v44 =	vsel vm0, v23, v10;
	v28 =	vsel vm0, v59, v61  }
0xc5: {  	v52 =	vld.idx.msk [tilespmem:v42+s9+$0x0], $0xffff;
	v23 =	vadd.s32 $0x14, v16;
	v10 =	vadd.s32 $0x18, v16;
	vm0 =	vgt.f32 v13, v36  }
0xc6: {  	v9 =	vld.idx.msk [tilespmem:v19+s9+$0x0], $0xffff;
	vm10 =	vgt.f32 v47, v33;
	vm1 =	vgt.f32 v49, v46;
	vm2 =	vgt.f32 v51, v28  }
0xc7: {  	v21 =	vld.idx.msk [tilespmem:v11+s9+$0x0], $0xffff;
	v54 =	vsel vm0, v13, v36;
	v43 =	vsel vm10, v47, v33;
	v25 =	vsel vm0, v45, v25  }
0xc8: {  	p1 =	por $0x1, $0x1;
	v34 =	vsel vm1, v56, v60;
	v63 =	vsel vm2, v58, v44;
	v44 =	vld.idx.msk [tilespmem:v40+s9+$0x0], $0xffff;
	v28 =	vsel vm2, v51, v28  }
.Ltmp4:
0xc9: {  	v13 =	vld.idx.msk [tilespmem:v18+s9+$0x0], $0xffff;
	v39 =	vsel vm1, v49, v46;
	vm3 =	vgt.f32 v31, v43;
	vm1 =	vgt.f32 v30, v28;
	(pc) =	sbr.rel @!p1 .LBB2_7-.Ltmp4, $4  }
0xca: {  	v36 =	vld.idx.msk [tilespmem:v26+s9+$0x0], $0xffff;
	vm9 =	vgt.f32 v32, v39;
	v28 =	vsel vm1, v30, v28;
	v30 =	vsel vm1, v35, v63  }
0xcb: {  	v33 =	vld.idx.msk [tilespmem:v14+s9+$0x0], $0xffff;
	v41 =	vsel vm9, v48, v34;
	vm1 =	vgt.f32 v53, v54;
	vm0 =	vgt.f32 v52, v28  }
0xcc: {  	v38 =	vld.idx.msk [tilespmem:v27+s9+$0x0], $0xffff;
	v45 =	vsel vm1, v53, v54;
	v46 =	vsel vm1, v50, v25;
	v34 =	vsel vm0, v52, v28  }
0xcd: {  	p0 =	por $0x1, $0x1;
	s15 =	simm.s32 $0x38;
	v35 =	vsel vm0, v42, v30;
	v42 =	vld.idx.msk [tilespmem:v29+s9+$0x0], $0xffff;
	vm8 =	vgt.f32 v21, v34;
	vm0 =	vgt.f32 v44, v45  }
.LBB2_8:
0xce: {  	p1 =	sne.s32 s15, $0xA8;
	v25 =	vsel vm10, v16, v37;
	v28 =	vld.idx.msk [tilespmem:v17+s9+$0x0], $0xffff;
	v30 =	vsel vm0, v44, v45;
	v37 =	vsel vm0, v40, v46;
	s16 =	smov.u32 s15;
	s15 =	sadd.s32 $0x1C, s15  }
0xcf: {  	v31 =	vsel vm3, v31, v43;
	v40 =	vadd.s32 $0x13, v16;
	v15 =	vsel vm3, v15, v25;
	v43 =	vld.idx.msk [tilespmem:v23+s9+$0x0], $0xffff  }
0xd0: {  	v45 =	vadd.s32 $0x1A, v16;
	vm0 =	vgt.f32 v36, v31;
	v25 =	vadd.s32 $0x11, v16;
	v44 =	vld.idx.msk [tilespmem:v20+s9+$0x0], $0xffff  }
0xd1: {  	v32 =	vsel vm9, v32, v39;
	v31 =	vsel vm0, v36, v31;
	v15 =	vsel vm0, v26, v15  }
0xd2: {  	v36 =	vadd.s32 $0x17, v16;
	vm0 =	vgt.f32 v42, v32;
	vm1 =	vgt.f32 v38, v31;
	v26 =	vld.idx.msk [tilespmem:v10+s9+$0x0], $0xffff  }
0xd3: {  	v32 =	vsel vm0, v42, v32;
	v29 =	vsel vm0, v29, v41;
	v31 =	vsel vm1, v38, v31;
	v38 =	vld.idx.msk [tilespmem:v12+s9+$0x0], $0xffff  }
0xd4: {  	v15 =	vsel vm1, v27, v15;
	vm0 =	vgt.f32 v28, v32;
	vm1 =	vgt.f32 v33, v31;
	v27 =	vld.idx.msk [tilespmem:v40+s9+$0x0], $0xffff  }
0xd5: {  	v28 =	vsel vm0, v28, v32;
	v17 =	vsel vm0, v17, v29;
	v29 =	vsel vm1, v33, v31  }
0xd6: {  	v14 =	vsel vm1, v14, v15;
	vm0 =	vgt.f32 v44, v28;
	vm1 =	vgt.f32 v43, v29  }
0xd7: {  	v15 =	vsel vm0, v44, v28;
	v17 =	vsel vm0, v20, v17;
	v20 =	vsel vm1, v43, v29;
	v28 =	vld.idx.msk [tilespmem:v36+s9+$0x0], $0xffff  }
0xd8: {  	v23 =	vsel vm1, v23, v14;
	v29 =	vadd.s32 $0x1B, v16;
	vm0 =	vgt.f32 v26, v20  }
0xd9: {  	v11 =	vsel vm8, v11, v35;
	v14 =	vsel vm8, v21, v34;
	vm1 =	vgt.f32 v38, v15;
	v21 =	vld.idx.msk [tilespmem:v45+s9+$0x0], $0xffff  }
0xda: {  	v34 =	vsel vm0, v26, v20;
	vm2 =	vgt.f32 v27, v14;
	v12 =	vsel vm1, v12, v17  }
0xdb: {  	v32 =	vadd.s32 s16, v7;
	v17 =	vsel vm1, v38, v15;
	v20 =	vsel vm2, v40, v11  }
0xdc: {  	v35 =	vor.u32 $0x2, v32;
	v26 =	vor.u32 $0x1, v32;
	v14 =	vsel vm2, v27, v14;
	v33 =	vld.idx.msk [tilespmem:v22+s9+$0x0], $0xffff  }
0xdd: {  	v41 =	vadd.s32 $0x7, v32;
	v15 =	vadd.s32 $0x4, v32;
	vm1 =	vgt.f32 v28, v14;
	v27 =	vld.idx.msk [tilespmem:v24+s9+$0x0], $0xffff  }
0xde: {  	v31 =	vadd.s32 $0x5, v32;
	v11 =	vadd.s32 $0xF, v32;
	vm2 =	vgt.f32 v13, v30;
	v38 =	vld.idx.msk [tilespmem:v25+s9+$0x0], $0xffff  }
0xdf: {  	v13 =	vsel vm2, v13, v30;
	v30 =	vsel vm2, v18, v37;
	vm2 =	vgt.f32 v21, v17;
	v39 =	vld.idx.msk [tilespmem:v29+s9+$0x0], $0xffff  }
0xe0: {  	v46 =	vadd.s32 $0xB, v32;
	v43 =	vadd.s32 $0xD, v32;
	v18 =	vmovc v26;
	vm3 =	vgt.f32 v9, v13;
	v42 =	vld.idx.msk [tilespmem:v32+s9+$0x0], $0xffff  }
0xe1: {  	v44 =	vor.u32 $0x3, v32;
	v26 =	vsel vm3, v19, v30;
	v19 =	vmovc v31;
	v30 =	vsel vm2, v45, v12;
	v47 =	vld.idx.msk [tilespmem:v35+s9+$0x0], $0xffff  }
0xe2: {  	v40 =	vsel vm3, v9, v13;
	v28 =	vsel vm1, v28, v14;
	v48 =	vsel vm2, v21, v17;
	v45 =	vld.idx.msk [tilespmem:v41+s9+$0x0], $0xffff  }
0xe3: {  	v14 =	vadd.s32 $0x10, v32;
	v12 =	vadd.s32 $0x16, v32;
	vm2 =	vgt.f32 v27, v40;
	v9 =	vld.idx.msk [tilespmem:v31+s9+$0x0], $0xffff  }
0xe4: {  	v49 =	vadd.s32 $0x6, v32;
	v50 =	vsel vm2, v24, v26;
	v24 =	vadd.s32 $0x9, v32;
	v31 =	vld.idx.msk [tilespmem:v15+s9+$0x0], $0xffff  }
0xe5: {  	v37 =	vsel vm0, v10, v23;
	v17 =	vadd.s32 $0xE, v32;
	v26 =	vadd.s32 $0x8, v32;
	v13 =	vld.idx.msk [tilespmem:v18+s9+$0x0], $0xffff  }
0xe6: {  	v52 =	vadd.s32 $0x15, v16;
	v10 =	vsel vm1, v36, v20;
	vm0 =	vgt.f32 v39, v28;
	v51 =	vld.idx.msk [tilespmem:v44+s9+$0x0], $0xffff  }
0xe7: {  	v53 =	vsel vm2, v27, v40;
	v54 =	vsel vm0, v29, v10;
	v21 =	vld.idx.msk [tilespmem:v11+s9+$0x0], $0xffff  }
0xe8: {  	v20 =	vadd.s32 $0x12, v32;
	v40 =	vadd.s32 $0x19, v16;
	v16 =	vmovc v32;
	vm1 =	vgt.f32 v33, v53;
	v55 =	vld.idx.msk [tilespmem:v46+s9+$0x0], $0xffff  }
0xe9: {  	v27 =	vadd.s32 $0xC, v16;
	v28 =	vsel vm0, v39, v28;
	v32 =	vld.idx.msk [tilespmem:v49+s9+$0x0], $0xffff  }
0xea: {  	v23 =	vadd.s32 $0x14, v16;
	v29 =	vadd.s32 $0xA, v16;
	v39 =	vsel vm1, v33, v53;
	v36 =	vld.idx.msk [tilespmem:v26+s9+$0x0], $0xffff  }
0xeb: {  	v10 =	vadd.s32 $0x18, v16;
	v50 =	vsel vm1, v22, v50;
	v22 =	vmovc v43;
	vm0 =	vgt.f32 v38, v39;
	v53 =	vld.idx.msk [tilespmem:v52+s9+$0x0], $0xffff  }
0xec: {  	vm10 =	vgt.f32 v42, v34;
	vm1 =	vgt.f32 v47, v48;
	vm2 =	vgt.f32 v51, v28;
	v33 =	vld.idx.msk [tilespmem:v14+s9+$0x0], $0xffff  }
0xed: {  	v30 =	vsel vm1, v35, v30;
	v35 =	vsel vm2, v44, v54;
	v54 =	vsel vm0, v38, v39;
	v44 =	vld.idx.msk [tilespmem:v40+s9+$0x0], $0xffff  }
0xee: {  	v43 =	vsel vm10, v42, v34;
	v39 =	vsel vm1, v47, v48;
	v28 =	vsel vm2, v51, v28;
	v38 =	vld.idx.msk [tilespmem:v27+s9+$0x0], $0xffff  }
.Ltmp5:
0xef: {  	v25 =	vsel vm0, v25, v50;
	vm1 =	vgt.f32 v45, v28;
	vm9 =	vgt.f32 v32, v39;
	(pc) =	sbr.rel @p1 .LBB2_8-.Ltmp5, $4  }
0xf0: {  	vm3 =	vgt.f32 v31, v43;
	v28 =	vsel vm1, v45, v28;
	v35 =	vsel vm1, v41, v35  }
0xf1: {  	v41 =	vsel vm9, v49, v30;
	vm0 =	vgt.f32 v55, v28;
	vm1 =	vgt.f32 v53, v54  }
0xf2: {  	v34 =	vsel vm0, v55, v28;
	v35 =	vsel vm0, v46, v35;
	v45 =	vsel vm1, v53, v54;
	v42 =	vld.idx.msk [tilespmem:v29+s9+$0x0], $0xffff  }
0xf3: {  	vm8 =	vgt.f32 v21, v34;
	v46 =	vsel vm1, v52, v25;
	vm0 =	vgt.f32 v44, v45  }
0xf4: {  	v28 =	vmovc v16;
	v25 =	vmovc v22;
	v30 =	vmov v24;
	v22 =	vmov v18;
	v24 =	vmov v19  }
.LBB2_10:
0xf5: {  	_ = 	snop  }
0xf6: {  	v16 =	vsel vm10, v28, v37;
	v18 =	vsel @p0 vm0, v44, v45  }
0xf7: {  	v37 =	vsel @p0 vm0, v40, v46;
	v31 =	vsel vm3, v31, v43;
	v48 =	vadd.s32 $0x11, v28  }
0xf8: {  	v50 =	vadd.s32 $0x1A, v28;
	v32 =	vsel vm9, v32, v39;
	v51 =	vadd.s32 $0x17, v28  }
0xf9: {  	v19 =	vld.idx.msk [tilespmem:v17+s9+$0x0], $0xffff;
	v57 =	vadd.s32 $0x1B, v28;
	v21 =	vsel vm8, v21, v34;
	v11 =	vsel vm8, v11, v35  }
0xfa: {  	v63 =	vld.idx.msk [tilespmem:v23+s9+$0x0], $0xffff;
	v15 =	vsel vm3, v15, v16;
	v16 =	vadd.s32 $0x13, v28;
	vm0 =	vgt.f32 v36, v31  }
0xfb: {  	v49 =	vld.idx.msk [tilespmem:v20+s9+$0x0], $0xffff;
	v59 =	vadd.s32 $0x15, v28;
	v8 =	vpsel p0, v18, v8;
	v31 =	vsel vm0, v36, v31  }
0xfc: {  	v15 =	vsel vm0, v26, v15;
	vm0 =	vgt.f32 v42, v32;
	vm1 =	vgt.f32 v38, v31  }
0xfd: {  	v52 =	vld.idx.msk [tilespmem:v10+s9+$0x0], $0xffff;
	v32 =	vsel vm0, v42, v32;
	v29 =	vsel vm0, v29, v41;
	v31 =	vsel vm1, v38, v31  }
0xfe: {  	v53 =	vld.idx.msk [tilespmem:v12+s9+$0x0], $0xffff;
	v15 =	vsel vm1, v27, v15;
	vm0 =	vgt.f32 v19, v32;
	vm2 =	vgt.f32 v33, v31  }
0xff: {  	v19 =	vsel vm0, v19, v32;
	v54 =	vsel vm2, v33, v31;
	v55 =	vld.idx.msk [tilespmem:v16+s9+$0x0], $0xffff;
	v17 =	vsel vm0, v17, v29  }
0x100: {  	v14 =	vsel vm2, v14, v15;
	vm0 =	vgt.f32 v49, v19;
	vm1 =	vgt.f32 v63, v54  }
0x101: {  	v58 =	vld.idx.msk [tilespmem:v30+s9+$0x0], $0xffff;
	v15 =	vsel vm0, v49, v19;
	v19 =	vsel vm1, v63, v54;
	v17 =	vsel vm0, v20, v17  }
0x102: {  	v60 =	vld.idx.msk [tilespmem:v25+s9+$0x0], $0xffff;
	v14 =	vsel vm1, v23, v14;
	vm1 =	vgt.f32 v13, v8;
	vm0 =	vgt.f32 v52, v19  }
0x103: {  	v18 =	vld.idx.msk [tilespmem:v50+s9+$0x0], $0xffff;
	vm2 =	vgt.f32 v53, v15;
	v8 =	vsel vm1, v13, v8;
	v13 =	vadd.s32 $0x19, v28  }
0x104: {  	v56 =	vld.idx.msk [tilespmem:v51+s9+$0x0], $0xffff;
	v12 =	vsel vm2, v12, v17;
	vm4 =	vgt.f32 v9, v8;
	vm3 =	vgt.f32 v55, v21  }
0x105: {  	v17 =	vsel vm0, v52, v19;
	v8 =	vsel vm4, v9, v8;
	v11 =	vsel vm3, v16, v11;
	v16 =	vld.idx.msk [tilespmem:v48+s9+$0x0], $0xffff  }
0x106: {  	v19 =	vpsel p0, v37, v7;
	v9 =	vsel vm2, v53, v15;
	vm2 =	vgt.f32 v58, v8  }
0x107: {  	v61 =	vld.idx.msk [tilespmem:v59+s9+$0x0], $0xffff;
	v10 =	vsel vm0, v10, v14;
	v19 =	vsel vm1, v22, v19;
	v8 =	vsel vm2, v58, v8  }
0x108: {  	v62 =	vld.idx.msk [tilespmem:v57+s9+$0x0], $0xffff;
	v15 =	vsel vm3, v55, v21;
	vm1 =	vgt.f32 v18, v9;
	vm5 =	vgt.f32 v60, v8  }
0x109: {  	v19 =	vsel vm4, v24, v19;
	vm3 =	vgt.f32 v56, v15;
	v63 =	vld.idx.msk [tilespmem:v13+s9+$0x0], $0xffff;
	v8 =	vsel vm5, v60, v8  }
0x10a: {  	v12 =	vsel vm1, v50, v12;
	v9 =	vsel vm1, v18, v9;
	vm1 =	vgt.f32 v16, v8  }
0x10b: {  	v18 =	vsel vm2, v30, v19;
	v15 =	vsel vm3, v56, v15;
	v8 =	vsel vm1, v16, v8  }
0x10c: {  	v11 =	vsel vm3, v51, v11;
	v14 =	vsel vm5, v25, v18;
	vm0 =	vgt.f32 v61, v8  }
0x10d: {  	vm2 =	vgt.f32 v62, v15;
	v14 =	vsel vm1, v48, v14;
	v8 =	vsel vm0, v61, v8  }
0x10e: {  	v11 =	vsel vm2, v57, v11;
	v14 =	vsel vm0, v59, v14;
	vm0 =	vgt.f32 v63, v8  }
0x10f: {  	v15 =	vsel vm2, v62, v15;
	v8 =	vsel vm0, v63, v8;
	v13 =	vsel vm0, v13, v14  }
0x110: {  	vm3 =	vlt.s32 v11, v12;
	vm1 =	veq.f32 v8, v17;
	vm2 =	vlt.s32 v13, v10  }
0x111: {  	vm0 =	vgt.f32 v8, v17;
	vm1 =	vmand vm1, vm2;
	vm2 =	veq.f32 v15, v9  }
0x112: {  	vm0 =	vmor vm0, vm1;
	vm1 =	vgt.f32 v15, v9;
	vm2 =	vmand vm2, vm3  }
0x113: {  	v8 =	vsel vm0, v8, v17;
	vm1 =	vmor vm1, vm2  }
0x114: {  	v10 =	vsel vm0, v13, v10;
	v9 =	vsel vm1, v15, v9;
	v11 =	vsel vm1, v11, v12  }
0x115: {  	vm0 =	veq.f32 v9, v8;
	vm1 =	vlt.s32 v11, v10  }
0x116: {  	vm2 =	vgt.f32 v9, v8;
	vm0 =	vmand vm0, vm1  }
0x117: {  	vm0 =	vmor vm2, vm0  }
0x118: {  	v11 =	vsel vm0, v11, v10  }
0x119: {  	v9 =	vsub.s32 v11, v7  }
0x11a: {  	(v2sf) =	vpush v9, $0xD;
	_ =	sdelay $0x1  }
0x11b: {  	(v2sf) =	vpush v9, $0xC;
	_ =	sdelay $0x1  }
0x11c: {  	(v2sf) =	vpush v9, $0xE  }
0x11d: {  	(v2sf) =	vpush v9, $0xF  }
0x11e: {  	(v2sf) =	vpush v9, $0x9;
	_ =	sdelay $0x1  }
0x11f: {  	(v2sf) =	vpush v9, $0x8;
	_ =	sdelay $0x1  }
0x120: {  	(v2sf) =	vpush v9, $0xA;
	_ =	sdelay $0x1  }
0x121: {  	(v2sf) =	vpush v9, $0xB;
	_ =	sdelay $0x1  }
0x122: {  	(v2sf) =	vpush v9, $0x1  }
0x123: {  	s15 =	spop (v2sf);
	(v2sf) =	vpush v9, $0x0  }
0x124: {  	s16 =	smulhi.u32 $0x92492493, s15;
	s17 =	sshra.s32 s15, $0x1F  }
0x125: {  	s18 =	spop (v2sf);
	s17 =	smul.u32 $0x92492493, s17  }
0x126: {  	s20 =	smulhi.u32 $0x92492493, s18;
	s21 =	sshra.s32 s18, $0x1F  }
0x127: {  	s19 =	spop (v2sf);
	s21 =	smul.u32 $0x92492493, s21  }
0x128: {  	(v2sf) =	vpush v9, $0x2;
	s22 =	spop (v2sf);
	s23 =	smulhi.u32 $0x92492493, s19;
	s24 =	sshra.s32 s19, $0x1F  }
0x129: {  	s15 =	ssub.s32 s16, s15;
	s25 =	spop (v2sf);
	s24 =	smul.u32 $0x92492493, s24  }
0x12a: {  	(v2sf) =	vpush v9, $0x3;
	s28 =	smulhi.u32 $0x92492493, s22;
	s2 =	sshra.s32 s22, $0x1F;
	s15 =	sadd.s32 s17, s15  }
0x12b: {  	s18 =	ssub.s32 s20, s18;
	s26 =	spop (v2sf);
	s20 =	smul.u32 $0x92492493, s2  }
0x12c: {  	(v2sf) =	vpush v9, $0x4;
	s29 =	smulhi.u32 $0x92492493, s25;
	s31 =	sshra.s32 s25, $0x1F;
	s18 =	sadd.s32 s21, s18  }
0x12d: {  	s1 =	ssub.s32 s23, s19;
	s30 =	spop (v2sf);
	s19 =	smul.u32 $0x92492493, s31  }
0x12e: {  	(v2sf) =	vpush v9, $0x5;
	s21 =	smulhi.u32 $0x92492493, s26;
	s2 =	sshra.s32 s26, $0x1F;
	s16 =	sadd.s32 s24, s1  }
0x12f: {  	s1 =	ssub.s32 s28, s22;
	s31 =	spop (v2sf);
	s22 =	smul.u32 $0x92492493, s2  }
0x130: {  	(v2sf) =	vpush v9, $0x6;
	s23 =	smulhi.u32 $0x92492493, s30;
	s2 =	sshra.s32 s30, $0x1F;
	s17 =	sadd.s32 s20, s1  }
0x131: {  	s20 =	ssub.s32 s29, s25;
	s28 =	spop (v2sf);
	s24 =	smul.u32 $0x92492493, s2  }
0x132: {  	s25 =	smulhi.u32 $0x92492493, s31;
	s29 =	sshra.s32 s31, $0x1F;
	s2 =	spop (v2sf);
	(v2sf) =	vpush v9, $0x7  }
0x133: {  	s19 =	sadd.s32 s19, s20;
	s21 =	ssub.s32 s21, s26;
	s20 =	smul.u32 $0x92492493, s29  }
0x134: {  	s26 =	smulhi.u32 $0x92492493, s28;
	s29 =	sshra.s32 s28, $0x1F;
	s30 =	ssub.s32 s23, s30  }
0x135: {  	s21 =	sadd.s32 s22, s21;
	s23 =	smul.u32 $0x92492493, s29;
	s22 =	sadd.s32 s24, s30  }
0x136: {  	s25 =	ssub.s32 s25, s31;
	s24 =	smulhi.u32 $0x92492493, s2;
	s29 =	sshra.s32 s2, $0x1F  }
0x137: {  	s26 =	ssub.s32 s26, s28;
	s1 =	spop (v2sf);
	s29 =	smul.u32 $0x92492493, s29  }
0x138: {  	s20 =	sadd.s32 s20, s25;
	s28 =	smulhi.u32 $0x92492493, s1;
	s31 =	sshra.s32 s1, $0x1F  }
0x139: {  	s23 =	sadd.s32 s23, s26;
	s30 =	spop (v2sf);
	s25 =	smul.u32 $0x92492493, s31  }
0x13a: {  	s2 =	ssub.s32 s24, s2;
	s24 =	smulhi.u32 $0x92492493, s30;
	s26 =	sshra.s32 s30, $0x1F  }
0x13b: {  	s31 =	spop (v2sf);
	s2 =	sadd.s32 s29, s2;
	s26 =	smul.u32 $0x92492493, s26  }
0x13c: {  	s1 =	ssub.s32 s28, s1;
	s28 =	smulhi.u32 $0x92492493, s31;
	s29 =	sshra.s32 s31, $0x1F  }
0x13d: {  	vm0 =	vcmask $0x300;
	s1 =	sadd.s32 s25, s1;
	s25 =	spop (v2sf);
	s29 =	smul.u32 $0x92492493, s29;
	v8 =	vmov s2  }
0x13e: {  	vm1 =	vcmask $0x1310;
	s2 =	ssub.s32 s24, s30;
	s24 =	smulhi.u32 $0x92492493, s25;
	s30 =	sshra.s32 s25, $0x1F;
	v8 =	vnsel vm0, $0x0, v8;
	vm0 =	vcmask $0xB08  }
0x13f: {  	v10 =	vmov s18;
	v12 =	vmov s21;
	s2 =	sadd.s32 s26, s2;
	s26 =	spop (v2sf);
	s30 =	smul.u32 $0x92492493, s30;
	v8 =	vsel vm0, s23, v8  }
0x140: {  	s23 =	ssub.s32 s28, s31;
	s28 =	smulhi.u32 $0x92492493, s26;
	s31 =	sshra.s32 s26, $0x1F;
	v10 =	vsel vm0, s15, v10;
	v12 =	vsel vm0, s19, v12;
	vm0 =	vcmask $0x1B18  }
0x141: {  	v8 =	vsel vm1, s1, v8;
	s23 =	sadd.s32 s29, s23;
	s18 =	smul.u32 $0x92492493, s31;
	v10 =	vsel vm1, s16, v10;
	v12 =	vsel vm1, s22, v12;
	s21 =	spop (v2sf)  }
0x142: {  	s25 =	ssub.s32 s24, s25;
	vm1 =	vcmask $0x2320;
	v8 =	vsel vm0, s2, v8;
	v10 =	vsel vm0, s17, v10;
	s29 =	smulhi.u32 $0x92492493, s21;
	s31 =	sshra.s32 s21, $0x1F  }
0x143: {  	s22 =	sadd.s32 s30, s25;
	v12 =	vsel vm0, s20, v12;
	vm0 =	vcmask $0x2B28;
	v8 =	vsel vm1, s23, v8;
	s23 =	ssub.s32 s28, s26;
	s24 =	smul.u32 $0x92492493, s31  }
0x144: {  	v12 =	vcombine.low v12, v10;
	v8 =	vsel vm0, s22, v8;
	s25 =	sadd.s32 s18, s23;
	vm0 =	vcmask $0x3330;
	s26 =	ssub.s32 s29, s21  }
0x145: {  	v10 =	vmul.u32 $0x2, v0;
	v8 =	vsel vm0, s25, v8;
	vm0 =	vcmask $0x3B38;
	s28 =	sadd.s32 s24, s26  }
0x146: {  	v8 =	vsel vm0, s28, v8  }
0x147: {  	v12 =	vperm.xlane v12, v1;
	v8 =	vperm.xlane v8, v10  }
0x148: {  	vm0 =	vmmov $0xff  }
0x149: {  	v8 =	vsel vm0, v8, v12  }
0x14a: {  	v8 =	vadd.s32 v9, v8  }
0x14b: {  	v13 =	vimm.s32 $0x0;
	v12 =	vshrl.u32 v8, $0x1F;
	v8 =	vshra.s32 v8, $0x3  }
0x14c: {  	v13 =	vsel vm0, $0xFFFFFFFF, v13;
	vm0 =	vne.s32 v11, v7;
	v8 =	vadd.s32 v12, v8  }
0x14d: {  	[tilespmem:$0x1FF90] =	vst v13;
	v13 =	vsel vm0, $0x1, v2;
	v12 =	vshra.s32 v9, $0x1F;
	v14 =	vmul.u32 $0xFFFFFFF2, v8  }
0x14e: {  	v12 =	vor.u32 v13, v12;
	v13 =	vsub.s32 $0x0, v9  }
0x14f: {  	vm0 =	vne.s32 v12, $0x1;
	vm1 =	vne.s32 v14, v13  }
0x150: {  	vm0 =	vmand vm1, vm0  }
0x151: {  	v12 =	vsel vm0, $0xFFFFFFFF, v2  }
0x152: {  	v8 =	vadd.s32 v12, v8  }
0x153: {  	s29 =	simm.s32 $0xFFFFFFFB;
	v12 =	vmul.u32 $0xFFFFFFF2, v8  }
0x154: {  	v19 =	vadd.s32 s29, v8  }
0x155: {  	vm0 =	vlt.u32 v19, $0xE;
	v9 =	vadd.s32 v9, v12  }
0x156: {  	v19 =	vimm.s32 $0x0;
	v12 =	vadd.s32 $0xFFFFFFFB, v9;
	v13 =	vadd.s32 $0xFFFFFFFC, v9  }
0x157: {  	v14 =	vadd.s32 $0xFFFFFFFD, v9;
	v15 =	vadd.s32 $0xFFFFFFFE, v9;
	v16 =	vadd.s32 $0xFFFFFFFF, v9  }
0x158: {  	s30 =	simm.s32 $0xFFFFFFBA;
	v17 =	vadd.s32 $0x1, v9;
	vm4 =	vlt.u32 v9, $0xE;
	vm10 =	vlt.u32 v12, $0xE  }
0x159: {  	v12 =	vadd.s32 s30, v11;
	vm11 =	vlt.u32 v13, $0xE;
	vm1 =	vmand vm10, vm0  }
0x15a: {  	vm12 =	vlt.u32 v14, $0xE;
	v13 =	vadd.s32 $0xFFFFFFFB, v12;
	vm2 =	vmand vm11, vm0  }
0x15b: {  	vm13 =	vlt.u32 v15, $0xE;
	v19 =	vsel vm4, $0xFFFFFFFF, v19;
	v14 =	vadd.s32 $0xFFFFFFFC, v12  }
0x15c: {  	vm8 =	vmmov vm4;
	vm3 =	vmand vm12, vm0;
	[tilespmem:$0x1FFA0] =	vst v19;
	v19 =	vimm.s32 $0x0  }
0x15d: {  	v15 =	vadd.s32 $0xFFFFFFFD, v12;
	vm6 =	vmand vm13, vm0;
	v19 =	vsel vm8, $0xFFFFFFFF, v19  }
0x15e: {  	v18 =	vadd.s32 $0x2, v9;
	vm5 =	vlt.u32 v16, $0xE;
	v16 =	vadd.s32 $0xFFFFFFFE, v12;
	[tilespmem:$0x1FFB0] =	vst v19  }
0x15f: {  	vm4 =	vlt.u32 v17, $0xE;
	vm7 =	vmand vm5, vm0;
	[tilespmem:v13+s9+$0x0] =	vst.idx.msk vm1, v3;
	v13 =	vimm.s32 $0x0  }
0x160: {  	v17 =	vadd.s32 $0xFFFFFFFF, v12;
	vm8 =	vmand vm8, vm0;
	v13 =	vsel vm4, $0xFFFFFFFF, v13;
	[tilespmem:v14+s9+$0x0] =	vst.idx.msk vm2, v3  }
0x161: {  	vm9 =	vmand vm4, vm0;
	vm15 =	vmmov vm10;
	vm14 =	vmmov vm13;
	[tilespmem:$0x1FFC0] =	vst v13  }
0x162: {  	v19 =	vadd.s32 $0x3, v9;
	vm1 =	vlt.u32 v18, $0xE;
	v13 =	vimm.s32 $0x0;
	[tilespmem:v15+s9+$0x0] =	vst.idx.msk vm3, v3  }
0x163: {  	v18 =	vadd.s32 $0x3, v12;
	v14 =	vadd.s32 $0x1, v12;
	v13 =	vsel vm1, $0xFFFFFFFF, v13;
	[tilespmem:v16+s9+$0x0] =	vst.idx.msk vm6, v3  }
0x164: {  	vm4 =	vlt.u32 v19, $0xE;
	vm2 =	vmand vm1, vm0;
	v15 =	vadd.s32 $0x2, v12;
	[tilespmem:$0x1FFD0] =	vst v13  }
0x165: {  	s15 =	simm.s32 $0xFFFFFFFC;
	vm3 =	vmand vm4, vm0;
	v16 =	vadd.s32 $0x4, v9;
	v13 =	vimm.s32 $0x0;
	[tilespmem:v17+s9+$0x0] =	vst.idx.msk vm7, v3  }
0x166: {  	vm6 =	vmmov vm5;
	v17 =	vadd.s32 s15, v8;
	v13 =	vsel vm4, $0xFFFFFFFF, v13;
	[tilespmem:v12+s9+$0x0] =	vst.idx.msk vm8, v3  }
0x167: {  	vm1 =	vlt.u32 v16, $0xE;
	[tilespmem:$0x1FFE0] =	vst v13;
	v13 =	vadd.s32 $0x4, v12;
	v12 =	vimm.s32 $0x0  }
0x168: {  	s31 =	simm.s32 $0xFFFFFFC8;
	[tilespmem:v14+s9+$0x0] =	vst.idx.msk vm9, v3;
	v12 =	vsel vm1, $0xFFFFFFFF, v12;
	vm1 =	vmand vm1, vm0;
	vm0 =	vlt.u32 v17, $0xE  }
0x169: {  	vm4 =	vmmov vm11;
	[tilespmem:$0x1FFF0] =	vst v12;
	v12 =	vadd.s32 s31, v11;
	vm8 =	vmand vm10, vm0  }
0x16a: {  	[tilespmem:v15+s9+$0x0] =	vst.idx.msk vm2, v3;
	vm7 =	vmand vm5, vm0;
	vm9 =	vmand vm11, vm0;
	vm5 =	vmmov vm12  }
0x16b: {  	[tilespmem:v18+s9+$0x0] =	vst.idx.msk vm3, v3;
	vm3 =	vmand vm12, vm0;
	vm2 =	vmand vm13, vm0;
	v16 =	vadd.s32 $0xFFFFFFFB, v12  }
0x16c: {  	s16 =	simm.s32 $0xFFFFFFD6;
	v17 =	vadd.s32 $0xFFFFFFFC, v12;
	v15 =	vadd.s32 $0xFFFFFFFD, v12;
	v14 =	vadd.s32 $0xFFFFFFFE, v12  }
.LBB2_11:
0x16d: {  	_ =	sdelay $0x2  }
0x16e: {  	[tilespmem:v13+s9+$0x0] =	vst.idx.msk vm1, v3;
	v13 =	vld [tilespmem:$0x1FFA0];
	_ =	sdelay $0x4  }
0x16f: {  	vm10 =	vnez.u8 v13;
	v13 =	vld [tilespmem:$0x1FFC0];
	_ =	sdelay $0x3  }
0x170: {  	vm1 =	vmmov vm10  }
0x171: {  	vm10 =	vmand vm1, vm0;
	vm1 =	vnez.u8 v13;
	v13 =	vld [tilespmem:$0x1FFD0]  }
0x172: {  	[tilespmem:v16+s9+$0x0] =	vst.idx.msk vm8, v3;
	v16 =	vld [tilespmem:$0x1FFE0];
	_ =	sdelay $0x1  }
0x173: {  	v18 =	vadd.s32 $0xFFFFFFFF, v12;
	_ =	sdelay $0x1  }
0x174: {  	[tilespmem:v17+s9+$0x0] =	vst.idx.msk vm9, v3;
	vm11 =	vmand vm1, vm0;
	vm1 =	vnez.u8 v13  }
0x175: {  	v17 =	vadd.s32 $0x1, v12;
	[tilespmem:v15+s9+$0x0] =	vst.idx.msk vm3, v3;
	vm12 =	vmand vm1, vm0;
	vm1 =	vnez.u8 v16;
	v16 =	vld [tilespmem:$0x1FFF0]  }
0x176: {  	s1 =	smov.u32 s16;
	[tilespmem:v14+s9+$0x0] =	vst.idx.msk vm2, v3  }
0x177: {  	v15 =	vadd.s32 $0x2, v12;
	v14 =	vadd.s32 s1, v11;
	[tilespmem:v18+s9+$0x0] =	vst.idx.msk vm7, v3;
	vm13 =	vmand vm1, vm0  }
0x178: {  	p0 =	sne.s32 s16, $0x38;
	v19 =	vadd.s32 $0x3, v12;
	[tilespmem:v12+s9+$0x0] =	vst.idx.msk vm10, v3;
	v13 =	vadd.s32 $0x4, v12;
	v12 =	vmov v14  }
.Ltmp6:
0x179: {  	s15 =	sadd.s32 $0x1, s15;
	v14 =	vadd.s32 $0xFFFFFFFE, v12;
	(pc) =	sbr.rel @p0 .LBB2_11-.Ltmp6, $4  }
0x17a: {  	[tilespmem:v17+s9+$0x0] =	vst.idx.msk vm11, v3;
	v17 =	vadd.s32 $0xFFFFFFFC, v12;
	vm1 =	vnez.u8 v16;
	v16 =	vadd.s32 s15, v8  }
0x17b: {  	vm1 =	vmand vm1, vm0;
	vm0 =	vlt.u32 v16, $0xE;
	v16 =	vadd.s32 $0xFFFFFFFB, v12  }
0x17c: {  	[tilespmem:v15+s9+$0x0] =	vst.idx.msk vm12, v3;
	v15 =	vadd.s32 $0xFFFFFFFD, v12;
	vm8 =	vmand vm15, vm0;
	vm7 =	vmand vm6, vm0  }
0x17d: {  	s16 =	sadd.s32 $0xE, s16;
	vm9 =	vmand vm4, vm0;
	vm3 =	vmand vm5, vm0;
	vm2 =	vmand vm14, vm0;
	[tilespmem:v19+s9+$0x0] =	vst.idx.msk vm13, v3  }
0x17e: {  	_ =	sdelay $0x4  }
0x17f: {  	[tilespmem:v13+s9+$0x0] =	vst.idx.msk vm1, v3;
	v13 =	vld [tilespmem:$0x1FFB0];
	_ =	sdelay $0x4  }
0x180: {  	vm1 =	vnez.u8 v13;
	v13 =	vld [tilespmem:$0x1FFC0]  }
0x181: {  	[tilespmem:v16+s9+$0x0] =	vst.idx.msk vm8, v3;
	v16 =	vld [tilespmem:$0x1FFD0];
	_ =	sdelay $0x3  }
0x182: {  	vm4 =	vnez.u8 v13  }
0x183: {  	vm8 =	vmand vm4, vm0;
	vm4 =	vnez.u8 v16;
	v16 =	vld [tilespmem:$0x1FFE0];
	_ =	sdelay $0x3  }
0x184: {  	[tilespmem:v17+s9+$0x0] =	vst.idx.msk vm9, v3  }
0x185: {  	[tilespmem:v15+s9+$0x0] =	vst.idx.msk vm3, v3;
	vm3 =	vnez.u8 v16;
	v16 =	vld [tilespmem:$0x1FFF0];
	_ =	sdelay $0x1  }
0x186: {  	v11 =	vadd.s32 $0xFFFFFFFF, v12;
	vm1 =	vmand vm1, vm0;
	_ =	sdelay $0x1  }
0x187: {  	v13 =	vadd.s32 $0x1, v12;
	vm4 =	vmand vm4, vm0  }
0x188: {  	v15 =	vadd.s32 $0x2, v12;
	vm3 =	vmand vm3, vm0;
	vm5 =	vnez.u8 v16  }
0x189: {  	[tilespmem:v14+s9+$0x0] =	vst.idx.msk vm2, v3;
	v14 =	vadd.s32 $0x3, v12;
	vm0 =	vmand vm5, vm0  }
0x18a: {  	s1 =	simm.s32 $0x0;
	[tilespmem:v11+s9+$0x0] =	vst.idx.msk vm7, v3;
	v16 =	vadd.s32 $0x4, v12  }
0x18b: {  	v18 =	vadd.s32 s1, v7;
	[tilespmem:v12+s9+$0x0] =	vst.idx.msk vm1, v3  }
0x18c: {  	v11 =	vor.u32 $0x2, v18;
	[tilespmem:v13+s9+$0x0] =	vst.idx.msk vm8, v3  }
0x18d: {  	[tilespmem:v15+s9+$0x0] =	vst.idx.msk vm4, v3;
	v12 =	vor.u32 $0x3, v18  }
0x18e: {  	v13 =	vadd.s32 $0x7, v18;
	[tilespmem:v14+s9+$0x0] =	vst.idx.msk vm3, v3  }
0x18f: {  	v14 =	vadd.s32 $0x4, v18;
	[tilespmem:v16+s9+$0x0] =	vst.idx.msk vm0, v3  }
0x190: {  	v17 =	vadd.s32 $0xB, v18;
	v15 =	vld.idx.msk [tilespmem:v18+s9+$0x0], $0xffff  }
0x191: {  	v21 =	vimm.f32 $6.000000240e-01;
	v23 =	vor.u32 $0x1, v18;
	v16 =	vadd.s32 $0x6, v18;
	v19 =	vld.idx.msk [tilespmem:v11+s9+$0x0], $0xffff  }
0x192: {  	v24 =	vadd.s32 $0x5, v18;
	v25 =	vadd.s32 $0xF, v18;
	v20 =	vadd.s32 $0xD, v18;
	v22 =	vld.idx.msk [tilespmem:v12+s9+$0x0], $0xffff  }
0x193: {  	v27 =	vadd.s32 $0x10, v18;
	v28 =	vadd.s32 $0x16, v18;
	v30 =	vadd.s32 $0x8, v18;
	v26 =	vld.idx.msk [tilespmem:v13+s9+$0x0], $0xffff  }
0x194: {  	v31 =	vadd.s32 $0x9, v18;
	v32 =	vadd.s32 $0xE, v18;
	v33 =	vadd.s32 $0x12, v18;
	v29 =	vld.idx.msk [tilespmem:v14+s9+$0x0], $0xffff  }
0x195: {  	v36 =	vadd.s32 $0xC, v18;
	v37 =	vadd.s32 $0xA, v18;
	v38 =	vadd.s32 $0x14, v18;
	v35 =	vld.idx.msk [tilespmem:v17+s9+$0x0], $0xffff  }
0x196: {  	v39 =	vadd.s32 $0x18, v18;
	v43 =	vadd.s32 $0x1A, v18;
	v57 =	vadd.s32 $0x1B, v18;
	v34 =	vld.idx.msk [tilespmem:v16+s9+$0x0], $0xffff  }
0x197: {  	v51 =	vadd.s32 $0x15, v18;
	vm0 =	vgt.f32 v19, v21;
	vm1 =	vgt.f32 v22, v21  }
0x198: {  	v41 =	vld.idx.msk [tilespmem:v30+s9+$0x0], $0xffff;
	vm2 =	vgt.f32 v15, v21;
	v11 =	vsel vm0, v11, v7;
	v22 =	vsel vm1, v22, v21  }
0x199: {  	v40 =	vld.idx.msk [tilespmem:v25+s9+$0x0], $0xffff;
	v19 =	vsel vm0, v19, v21;
	v15 =	vsel vm2, v15, v21;
	vm0 =	vgt.f32 v26, v22  }
0x19a: {  	v12 =	vsel vm1, v12, v7;
	vm4 =	vgt.f32 v29, v15;
	v22 =	vsel vm0, v26, v22  }
0x19b: {  	v12 =	vsel vm0, v13, v12;
	v13 =	vld.idx.msk [tilespmem:v37+s9+$0x0], $0xffff;
	vm3 =	vgt.f32 v34, v19;
	vm0 =	vgt.f32 v35, v22  }
0x19c: {  	v26 =	vld.idx.msk [tilespmem:v36+s9+$0x0], $0xffff;
	v15 =	vsel vm4, v29, v15;
	v11 =	vsel vm3, v16, v11;
	v16 =	vsel vm0, v35, v22  }
0x19d: {  	v12 =	vsel vm0, v17, v12;
	v17 =	vsel vm2, v18, v7;
	vm0 =	vgt.f32 v41, v15  }
0x19e: {  	v22 =	vld.idx.msk [tilespmem:v32+s9+$0x0], $0xffff;
	v35 =	vadd.s32 $0x11, v18;
	v19 =	vsel vm3, v34, v19;
	vm1 =	vgt.f32 v40, v16  }
0x19f: {  	v29 =	vld.idx.msk [tilespmem:v27+s9+$0x0], $0xffff;
	v14 =	vsel vm4, v14, v17;
	v17 =	vadd.s32 $0x13, v18;
	v15 =	vsel vm0, v41, v15  }
0x1a0: {  	v42 =	vld.idx.msk [tilespmem:v33+s9+$0x0], $0xffff;
	v14 =	vsel vm0, v30, v14;
	v30 =	vadd.s32 $0x17, v18;
	v16 =	vsel vm1, v40, v16  }
0x1a1: {  	v54 =	vld.idx.msk [tilespmem:v38+s9+$0x0], $0xffff;
	v12 =	vsel vm1, v25, v12;
	vm0 =	vgt.f32 v13, v19;
	vm2 =	vgt.f32 v26, v15  }
0x1a2: {  	v55 =	vld.idx.msk [tilespmem:v39+s9+$0x0], $0xffff;
	v13 =	vsel vm0, v13, v19;
	v11 =	vsel vm0, v37, v11;
	v15 =	vsel vm2, v26, v15  }
0x1a3: {  	v19 =	vld.idx.msk [tilespmem:v28+s9+$0x0], $0xffff;
	v14 =	vsel vm2, v36, v14;
	v37 =	vadd.s32 $0x19, v18;
	vm0 =	vgt.f32 v22, v13  }
0x1a4: {  	vm2 =	vgt.f32 v29, v15;
	v13 =	vsel vm0, v22, v13;
	v11 =	vsel vm0, v32, v11  }
0x1a5: {  	v15 =	vsel vm2, v29, v15;
	v14 =	vsel vm2, v27, v14;
	vm0 =	vgt.f32 v42, v13  }
0x1a6: {  	s31 =	simm.s32 $0x1C;
	vm2 =	vgt.f32 v54, v15;
	v13 =	vsel vm0, v42, v13;
	v11 =	vsel vm0, v33, v11  }
0x1a7: {  	v26 =	vld.idx.msk [tilespmem:v17+s9+$0x0], $0xffff;
	v15 =	vsel vm2, v54, v15;
	v29 =	vsel vm2, v38, v14;
	v14 =	vadd.s32 s31, v7  }
0x1a8: {  	vm0 =	vgt.f32 v55, v15;
	vm1 =	vgt.f32 v19, v13;
	v36 =	vor.u32 $0x2, v14  }
0x1a9: {  	v27 =	vld.idx.msk [tilespmem:v23+s9+$0x0], $0xffff;
	v22 =	vadd.s32 $0x4, v14;
	v41 =	vadd.s32 $0x7, v14;
	v45 =	vadd.s32 $0xB, v14  }
0x1aa: {  	v56 =	vld.idx.msk [tilespmem:v30+s9+$0x0], $0xffff;
	v60 =	vor.u32 $0x3, v14;
	v48 =	vadd.s32 $0x6, v14;
	v18 =	vadd.s32 $0x18, v14  }
0x1ab: {  	v25 =	vld.idx.msk [tilespmem:v43+s9+$0x0], $0xffff;
	v28 =	vsel vm1, v28, v11;
	v34 =	vsel vm0, v55, v15;
	v19 =	vsel vm1, v19, v13  }
0x1ac: {  	v58 =	vld.idx.msk [tilespmem:v31+s9+$0x0], $0xffff;
	v13 =	vor.u32 $0x1, v14;
	v11 =	vadd.s32 $0xD, v14;
	vm2 =	vgt.f32 v26, v16  }
0x1ad: {  	v15 =	vld.idx.msk [tilespmem:v24+s9+$0x0], $0xffff;
	v32 =	vsel vm0, v39, v29;
	v29 =	vadd.s32 $0xC, v14;
	v17 =	vsel vm2, v17, v12  }
0x1ae: {  	v61 =	vld.idx.msk [tilespmem:v57+s9+$0x0], $0xffff;
	v26 =	vsel vm2, v26, v16;
	vm2 =	vgt.f32 v27, v21;
	v12 =	vadd.s32 $0x5, v14  }
0x1af: {  	v59 =	vld.idx.msk [tilespmem:v20+s9+$0x0], $0xffff;
	v16 =	vadd.s32 $0xF, v14;
	vm1 =	vgt.f32 v56, v26;
	v21 =	vsel vm2, v27, v21  }
0x1b0: {  	v62 =	vld.idx.msk [tilespmem:v35+s9+$0x0], $0xffff;
	v23 =	vsel vm2, v23, v7;
	vm2 =	vgt.f32 v25, v19;
	v27 =	vadd.s32 $0x8, v14  }
0x1b1: {  	v47 =	vld.idx.msk [tilespmem:v14+s9+$0x0], $0xffff;
	v28 =	vsel vm2, v43, v28;
	v26 =	vsel vm1, v56, v26;
	v46 =	vsel vm2, v25, v19  }
0x1b2: {  	v19 =	vadd.s32 $0x16, v14;
	v49 =	vld.idx.msk [tilespmem:v36+s9+$0x0], $0xffff;
	v25 =	vsel vm1, v30, v17;
	vm3 =	vgt.f32 v15, v21  }
0x1b3: {  	v63 =	vld.idx.msk [tilespmem:v60+s9+$0x0], $0xffff;
	v30 =	vadd.s32 $0xA, v14;
	vm0 =	vgt.f32 v61, v26;
	v23 =	vsel vm3, v24, v23  }
0x1b4: {  	v50 =	vld.idx.msk [tilespmem:v41+s9+$0x0], $0xffff;
	v24 =	vsel vm3, v15, v21;
	v21 =	vadd.s32 $0x10, v14;
	v15 =	vadd.s32 $0x9, v14  }
0x1b5: {  	v33 =	vld.idx.msk [tilespmem:v48+s9+$0x0], $0xffff;
	v52 =	vsel vm0, v57, v25;
	v25 =	vadd.s32 $0x12, v14;
	vm2 =	vgt.f32 v58, v24  }
0x1b6: {  	v54 =	vld.idx.msk [tilespmem:v45+s9+$0x0], $0xffff;
	v53 =	vsel vm0, v61, v26;
	v26 =	vadd.s32 $0x14, v14;
	v44 =	vsel vm2, v31, v23  }
0x1b7: {  	v56 =	vld.idx.msk [tilespmem:v51+s9+$0x0], $0xffff;
	v23 =	vadd.s32 $0xE, v14;
	v24 =	vsel vm2, v58, v24;
	vm4 =	vgt.f32 v47, v34  }
0x1b8: {  	v31 =	vld.idx.msk [tilespmem:v22+s9+$0x0], $0xffff;
	vm1 =	vgt.f32 v59, v24;
	vm2 =	vgt.f32 v63, v53;
	v42 =	vsel vm4, v47, v34  }
0x1b9: {  	v39 =	vld.idx.msk [tilespmem:v29+s9+$0x0], $0xffff;
	v38 =	vsel vm1, v59, v24;
	v55 =	vsel vm1, v20, v44;
	vm1 =	vgt.f32 v49, v46  }
0x1ba: {  	v24 =	vld.idx.msk [tilespmem:v16+s9+$0x0], $0xffff;
	v60 =	vsel vm2, v60, v52;
	v61 =	vsel vm2, v63, v53;
	vm0 =	vgt.f32 v62, v38  }
0x1bb: {  	v44 =	vld.idx.msk [tilespmem:v37+s9+$0x0], $0xffff;
	v28 =	vsel vm1, v36, v28;
	v40 =	vsel vm1, v49, v46;
	vm1 =	vgt.f32 v50, v61  }
0x1bc: {  	v17 =	vld.idx.msk [tilespmem:v12+s9+$0x0], $0xffff;
	v43 =	vsel vm0, v62, v38;
	vm3 =	vgt.f32 v33, v40;
	v62 =	vsel vm0, v35, v55  }
0x1bd: {  	v20 =	vld.idx.msk [tilespmem:v13+s9+$0x0], $0xffff;
	v34 =	vsel vm1, v50, v61;
	v63 =	vsel vm1, v41, v60;
	vm0 =	vgt.f32 v31, v42  }
0x1be: {  	v38 =	vld.idx.msk [tilespmem:v27+s9+$0x0], $0xffff;
	v41 =	vsel vm3, v48, v28;
	vm1 =	vgt.f32 v54, v34;
	vm2 =	vgt.f32 v56, v43  }
0x1bf: {  	v35 =	vld.idx.msk [tilespmem:v21+s9+$0x0], $0xffff;
	v36 =	vsel vm1, v54, v34;
	v34 =	vsel vm1, v45, v63;
	v28 =	vsel vm2, v56, v43  }
0x1c0: {  	s15 =	simm.s32 $0x38;
	v43 =	vld.idx.msk [tilespmem:v30+s9+$0x0], $0xffff;
	v45 =	vsel vm2, v51, v62;
	vm9 =	vgt.f32 v24, v36;
	vm1 =	vgt.f32 v44, v28  }
.LBB2_13:
0x1c1: {  	p0 =	sne.s32 s15, $0xA8;
	v32 =	vsel vm4, v14, v32;
	v46 =	vld.idx.msk [tilespmem:v23+s9+$0x0], $0xffff;
	v44 =	vsel vm1, v44, v28;
	v37 =	vsel vm1, v37, v45;
	s1 =	smov.u32 s15;
	s15 =	sadd.s32 $0x1C, s15  }
0x1c2: {  	v31 =	vsel vm0, v31, v42;
	v22 =	vsel vm0, v22, v32;
	v32 =	vadd.s32 $0x13, v14;
	v42 =	vld.idx.msk [tilespmem:v26+s9+$0x0], $0xffff  }
0x1c3: {  	v28 =	vadd.s32 $0x11, v14;
	v47 =	vadd.s32 $0x1A, v14;
	vm0 =	vgt.f32 v38, v31;
	v45 =	vld.idx.msk [tilespmem:v25+s9+$0x0], $0xffff  }
0x1c4: {  	v33 =	vsel vm3, v33, v40;
	v31 =	vsel vm0, v38, v31;
	v22 =	vsel vm0, v27, v22  }
0x1c5: {  	v38 =	vadd.s32 $0x17, v14;
	vm0 =	vgt.f32 v43, v33;
	vm1 =	vgt.f32 v39, v31;
	v27 =	vld.idx.msk [tilespmem:v18+s9+$0x0], $0xffff  }
0x1c6: {  	v33 =	vsel vm0, v43, v33;
	v30 =	vsel vm0, v30, v41;
	v31 =	vsel vm1, v39, v31;
	v39 =	vld.idx.msk [tilespmem:v19+s9+$0x0], $0xffff  }
0x1c7: {  	v22 =	vsel vm1, v29, v22;
	vm0 =	vgt.f32 v46, v33;
	vm1 =	vgt.f32 v35, v31;
	v29 =	vld.idx.msk [tilespmem:v32+s9+$0x0], $0xffff  }
0x1c8: {  	v33 =	vsel vm0, v46, v33;
	v23 =	vsel vm0, v23, v30;
	v30 =	vsel vm1, v35, v31  }
0x1c9: {  	v21 =	vsel vm1, v21, v22;
	vm0 =	vgt.f32 v45, v33;
	vm1 =	vgt.f32 v42, v30  }
0x1ca: {  	v22 =	vsel vm0, v45, v33;
	v23 =	vsel vm0, v25, v23;
	v25 =	vsel vm1, v42, v30;
	v30 =	vld.idx.msk [tilespmem:v38+s9+$0x0], $0xffff  }
0x1cb: {  	v26 =	vsel vm1, v26, v21;
	v33 =	vadd.s32 $0x1B, v14;
	vm0 =	vgt.f32 v27, v25  }
0x1cc: {  	v16 =	vsel vm9, v16, v34;
	v21 =	vsel vm9, v24, v36;
	vm1 =	vgt.f32 v39, v22;
	v24 =	vld.idx.msk [tilespmem:v47+s9+$0x0], $0xffff  }
0x1cd: {  	v34 =	vsel vm0, v27, v25;
	vm2 =	vgt.f32 v29, v21;
	v19 =	vsel vm1, v19, v23  }
0x1ce: {  	v35 =	vadd.s32 s1, v7;
	v23 =	vsel vm1, v39, v22;
	v25 =	vsel vm2, v32, v16  }
0x1cf: {  	v36 =	vor.u32 $0x2, v35;
	v27 =	vor.u32 $0x1, v35;
	v21 =	vsel vm2, v29, v21;
	v39 =	vld.idx.msk [tilespmem:v11+s9+$0x0], $0xffff  }
0x1d0: {  	v41 =	vadd.s32 $0x7, v35;
	v22 =	vadd.s32 $0x4, v35;
	vm1 =	vgt.f32 v30, v21;
	v29 =	vld.idx.msk [tilespmem:v15+s9+$0x0], $0xffff  }
0x1d1: {  	v31 =	vadd.s32 $0x5, v35;
	v16 =	vadd.s32 $0xF, v35;
	vm2 =	vgt.f32 v20, v44;
	v40 =	vld.idx.msk [tilespmem:v28+s9+$0x0], $0xffff  }
0x1d2: {  	v20 =	vsel vm2, v20, v44;
	v32 =	vsel vm2, v13, v37;
	vm2 =	vgt.f32 v24, v23;
	v42 =	vld.idx.msk [tilespmem:v33+s9+$0x0], $0xffff  }
0x1d3: {  	v45 =	vadd.s32 $0xB, v35;
	v44 =	vadd.s32 $0xD, v35;
	v13 =	vmovc v27;
	vm3 =	vgt.f32 v17, v20;
	v43 =	vld.idx.msk [tilespmem:v35+s9+$0x0], $0xffff  }
0x1d4: {  	v48 =	vor.u32 $0x3, v35;
	v27 =	vsel vm3, v12, v32;
	v12 =	vmovc v31;
	v47 =	vsel vm2, v47, v19;
	v46 =	vld.idx.msk [tilespmem:v36+s9+$0x0], $0xffff  }
0x1d5: {  	v37 =	vsel vm3, v17, v20;
	v30 =	vsel vm1, v30, v21;
	v50 =	vsel vm2, v24, v23;
	v49 =	vld.idx.msk [tilespmem:v41+s9+$0x0], $0xffff  }
0x1d6: {  	v21 =	vadd.s32 $0x10, v35;
	v19 =	vadd.s32 $0x16, v35;
	vm2 =	vgt.f32 v29, v37;
	v17 =	vld.idx.msk [tilespmem:v31+s9+$0x0], $0xffff  }
0x1d7: {  	v51 =	vadd.s32 $0x6, v35;
	v52 =	vsel vm2, v15, v27;
	v15 =	vadd.s32 $0x9, v35;
	v31 =	vld.idx.msk [tilespmem:v22+s9+$0x0], $0xffff  }
0x1d8: {  	v32 =	vsel vm0, v18, v26;
	v23 =	vadd.s32 $0xE, v35;
	v27 =	vadd.s32 $0x8, v35;
	v20 =	vld.idx.msk [tilespmem:v13+s9+$0x0], $0xffff  }
0x1d9: {  	v54 =	vadd.s32 $0x15, v14;
	v18 =	vsel vm1, v38, v25;
	vm0 =	vgt.f32 v42, v30;
	v53 =	vld.idx.msk [tilespmem:v48+s9+$0x0], $0xffff  }
0x1da: {  	v55 =	vsel vm2, v29, v37;
	v56 =	vsel vm0, v33, v18;
	v24 =	vld.idx.msk [tilespmem:v16+s9+$0x0], $0xffff  }
0x1db: {  	v25 =	vadd.s32 $0x12, v35;
	v37 =	vadd.s32 $0x19, v14;
	v14 =	vmovc v35;
	vm1 =	vgt.f32 v39, v55;
	v57 =	vld.idx.msk [tilespmem:v45+s9+$0x0], $0xffff  }
0x1dc: {  	v29 =	vadd.s32 $0xC, v14;
	v58 =	vsel vm0, v42, v30;
	v33 =	vld.idx.msk [tilespmem:v51+s9+$0x0], $0xffff  }
0x1dd: {  	v26 =	vadd.s32 $0x14, v14;
	v30 =	vadd.s32 $0xA, v14;
	v39 =	vsel vm1, v39, v55;
	v38 =	vld.idx.msk [tilespmem:v27+s9+$0x0], $0xffff  }
0x1de: {  	v18 =	vadd.s32 $0x18, v14;
	v52 =	vsel vm1, v11, v52;
	v11 =	vmovc v44;
	vm0 =	vgt.f32 v40, v39;
	v55 =	vld.idx.msk [tilespmem:v54+s9+$0x0], $0xffff  }
0x1df: {  	vm4 =	vgt.f32 v43, v34;
	vm1 =	vgt.f32 v46, v50;
	vm2 =	vgt.f32 v53, v58;
	v35 =	vld.idx.msk [tilespmem:v21+s9+$0x0], $0xffff  }
0x1e0: {  	v36 =	vsel vm1, v36, v47;
	v47 =	vsel vm2, v48, v56;
	v48 =	vsel vm0, v40, v39;
	v44 =	vld.idx.msk [tilespmem:v37+s9+$0x0], $0xffff  }
0x1e1: {  	v42 =	vsel vm4, v43, v34;
	v40 =	vsel vm1, v46, v50;
	v34 =	vsel vm2, v53, v58;
	v39 =	vld.idx.msk [tilespmem:v29+s9+$0x0], $0xffff  }
.Ltmp7:
0x1e2: {  	v46 =	vsel vm0, v28, v52;
	vm1 =	vgt.f32 v49, v34;
	vm3 =	vgt.f32 v33, v40;
	(pc) =	sbr.rel @p0 .LBB2_13-.Ltmp7, $4  }
0x1e3: {  	vm0 =	vgt.f32 v31, v42;
	v28 =	vsel vm1, v49, v34;
	v34 =	vsel vm1, v41, v47  }
0x1e4: {  	v41 =	vsel vm3, v51, v36;
	vm1 =	vgt.f32 v57, v28;
	vm2 =	vgt.f32 v55, v48  }
0x1e5: {  	v36 =	vsel vm1, v57, v28;
	v34 =	vsel vm1, v45, v34;
	v28 =	vsel vm2, v55, v48;
	v43 =	vld.idx.msk [tilespmem:v30+s9+$0x0], $0xffff  }
0x1e6: {  	vm9 =	vgt.f32 v24, v36;
	v45 =	vsel vm2, v54, v46;
	vm1 =	vgt.f32 v44, v28  }
0x1e7: {  	_ =	sdelay $0x1  }
0x1e8: {  	v32 =	vsel vm4, v14, v32;
	v28 =	vsel vm1, v44, v28;
	v37 =	vsel vm1, v37, v45  }
0x1e9: {  	v31 =	vsel vm0, v31, v42;
	v59 =	vadd.s32 $0x13, v14;
	v61 =	vadd.s32 $0x11, v14  }
0x1ea: {  	v58 =	vld.idx.msk [tilespmem:v23+s9+$0x0], $0xffff;
	v46 =	vadd.s32 $0x1A, v14;
	v33 =	vsel vm3, v33, v40;
	v62 =	vadd.s32 $0x17, v14  }
0x1eb: {  	v51 =	vadd.s32 $0x1B, v14;
	v24 =	vsel vm9, v24, v36;
	v54 =	vadd.s32 $0x15, v14  }
0x1ec: {  	v47 =	vld.idx.msk [tilespmem:v25+s9+$0x0], $0xffff;
	v16 =	vsel vm9, v16, v34;
	v22 =	vsel vm0, v22, v32;
	vm0 =	vgt.f32 v38, v31  }
0x1ed: {  	v60 =	vld.idx.msk [tilespmem:v26+s9+$0x0], $0xffff;
	v31 =	vsel vm0, v38, v31;
	v22 =	vsel vm0, v27, v22;
	vm0 =	vgt.f32 v43, v33  }
0x1ee: {  	v14 =	vadd.s32 $0x19, v14;
	vm1 =	vgt.f32 v39, v31;
	v33 =	vsel vm0, v43, v33  }
0x1ef: {  	v63 =	vld.idx.msk [tilespmem:v18+s9+$0x0], $0xffff;
	v30 =	vsel vm0, v30, v41;
	v31 =	vsel vm1, v39, v31;
	vm0 =	vgt.f32 v58, v33  }
0x1f0: {  	v40 =	vld.idx.msk [tilespmem:v19+s9+$0x0], $0xffff;
	v22 =	vsel vm1, v29, v22;
	vm1 =	vgt.f32 v35, v31;
	v33 =	vsel vm0, v58, v33  }
0x1f1: {  	v44 =	vld.idx.msk [tilespmem:v59+s9+$0x0], $0xffff;
	v41 =	vsel vm0, v23, v30;
	v43 =	vsel vm1, v35, v31;
	vm0 =	vgt.f32 v47, v33  }
0x1f2: {  	v52 =	vld.idx.msk [tilespmem:v15+s9+$0x0], $0xffff;
	v21 =	vsel vm1, v21, v22;
	vm1 =	vgt.f32 v60, v43;
	v48 =	vsel vm0, v47, v33  }
0x1f3: {  	v55 =	vld.idx.msk [tilespmem:v11+s9+$0x0], $0xffff;
	v49 =	vsel vm1, v60, v43;
	v21 =	vsel vm1, v26, v21;
	vm1 =	vgt.f32 v20, v28  }
0x1f4: {  	v53 =	vld.idx.msk [tilespmem:v46+s9+$0x0], $0xffff;
	v23 =	vsel vm0, v25, v41;
	vm0 =	vgt.f32 v63, v49;
	v20 =	vsel vm1, v20, v28  }
0x1f5: {  	v50 =	vld.idx.msk [tilespmem:v62+s9+$0x0], $0xffff;
	vm2 =	vgt.f32 v40, v48;
	v13 =	vsel vm1, v13, v37;
	vm4 =	vgt.f32 v17, v20  }
0x1f6: {  	v57 =	vld.idx.msk [tilespmem:v61+s9+$0x0], $0xffff;
	vm3 =	vgt.f32 v44, v24;
	v19 =	vsel vm2, v19, v23;
	v17 =	vsel vm4, v17, v20  }
0x1f7: {  	v16 =	vsel vm3, v59, v16;
	v20 =	vsel vm3, v44, v24;
	vm3 =	vgt.f32 v52, v17  }
0x1f8: {  	v58 =	vld.idx.msk [tilespmem:v54+s9+$0x0], $0xffff;
	v56 =	vsel vm0, v63, v49;
	v22 =	vsel vm2, v40, v48;
	v17 =	vsel vm3, v52, v17  }
0x1f9: {  	vm1 =	vgt.f32 v53, v22;
	v59 =	vld.idx.msk [tilespmem:v51+s9+$0x0], $0xffff;
	v12 =	vsel vm4, v12, v13;
	vm5 =	vgt.f32 v55, v17  }
0x1fa: {  	vm2 =	vgt.f32 v50, v20;
	v13 =	vsel vm1, v46, v19;
	v19 =	vld.idx.msk [tilespmem:v14+s9+$0x0], $0xffff;
	v17 =	vsel vm5, v55, v17  }
0x1fb: {  	v22 =	vsel vm1, v53, v22;
	v20 =	vsel vm2, v50, v20;
	vm1 =	vgt.f32 v57, v17  }
0x1fc: {  	v12 =	vsel vm3, v15, v12;
	v15 =	vsel vm0, v18, v21;
	v17 =	vsel vm1, v57, v17  }
0x1fd: {  	v16 =	vsel vm2, v62, v16;
	v11 =	vsel vm5, v11, v12;
	vm0 =	vgt.f32 v58, v17  }
0x1fe: {  	vm2 =	vgt.f32 v59, v20;
	v11 =	vsel vm1, v61, v11;
	v12 =	vsel vm0, v58, v17  }
0x1ff: {  	v16 =	vsel vm2, v51, v16;
	v11 =	vsel vm0, v54, v11;
	vm0 =	vgt.f32 v19, v12  }
0x200: {  	vm3 =	vlt.s32 v16, v13;
	v12 =	vsel vm0, v19, v12;
	v11 =	vsel vm0, v14, v11  }
0x201: {  	v17 =	vsel vm2, v59, v20;
	vm1 =	veq.f32 v12, v56;
	vm2 =	vlt.s32 v11, v15  }
0x202: {  	vm0 =	vgt.f32 v12, v56;
	vm1 =	vmand vm1, vm2;
	vm2 =	veq.f32 v17, v22  }
0x203: {  	vm0 =	vmor vm0, vm1;
	vm1 =	vgt.f32 v17, v22;
	vm2 =	vmand vm2, vm3  }
0x204: {  	v12 =	vsel vm0, v12, v56;
	vm1 =	vmor vm1, vm2  }
0x205: {  	v11 =	vsel vm0, v11, v15;
	v14 =	vsel vm1, v17, v22;
	v13 =	vsel vm1, v16, v13  }
0x206: {  	vm0 =	veq.f32 v14, v12;
	vm1 =	vlt.s32 v13, v11  }
0x207: {  	vm2 =	vgt.f32 v14, v12;
	vm0 =	vmand vm0, vm1  }
0x208: {  	vm0 =	vmor vm2, vm0  }
0x209: {  	v13 =	vsel vm0, v13, v11  }
0x20a: {  	v12 =	vsub.s32 v13, v7  }
0x20b: {  	(v2sf) =	vpush v12, $0xD;
	_ =	sdelay $0x1  }
0x20c: {  	(v2sf) =	vpush v12, $0xC;
	_ =	sdelay $0x1  }
0x20d: {  	(v2sf) =	vpush v12, $0xE  }
0x20e: {  	(v2sf) =	vpush v12, $0xF  }
0x20f: {  	(v2sf) =	vpush v12, $0x9;
	_ =	sdelay $0x1  }
0x210: {  	(v2sf) =	vpush v12, $0x8;
	_ =	sdelay $0x1  }
0x211: {  	(v2sf) =	vpush v12, $0xA;
	_ =	sdelay $0x1  }
0x212: {  	(v2sf) =	vpush v12, $0xB;
	_ =	sdelay $0x1  }
0x213: {  	(v2sf) =	vpush v12, $0x1  }
0x214: {  	s1 =	spop (v2sf);
	(v2sf) =	vpush v12, $0x0  }
0x215: {  	s2 =	smulhi.u32 $0x92492493, s1;
	s15 =	sshra.s32 s1, $0x1F  }
0x216: {  	s16 =	spop (v2sf);
	s15 =	smul.u32 $0x92492493, s15  }
0x217: {  	s18 =	smulhi.u32 $0x92492493, s16;
	s19 =	sshra.s32 s16, $0x1F  }
0x218: {  	s17 =	spop (v2sf);
	s19 =	smul.u32 $0x92492493, s19  }
0x219: {  	(v2sf) =	vpush v12, $0x2;
	s20 =	spop (v2sf);
	s21 =	smulhi.u32 $0x92492493, s17;
	s22 =	sshra.s32 s17, $0x1F  }
0x21a: {  	s1 =	ssub.s32 s2, s1;
	s23 =	spop (v2sf);
	s22 =	smul.u32 $0x92492493, s22  }
0x21b: {  	(v2sf) =	vpush v12, $0x3;
	s2 =	smulhi.u32 $0x92492493, s20;
	s25 =	sshra.s32 s20, $0x1F;
	s15 =	sadd.s32 s15, s1  }
0x21c: {  	s18 =	ssub.s32 s18, s16;
	s24 =	spop (v2sf);
	s25 =	smul.u32 $0x92492493, s25  }
0x21d: {  	(v2sf) =	vpush v12, $0x4;
	s26 =	smulhi.u32 $0x92492493, s23;
	s29 =	sshra.s32 s23, $0x1F;
	s18 =	sadd.s32 s19, s18  }
0x21e: {  	s30 =	ssub.s32 s21, s17;
	s28 =	spop (v2sf);
	s19 =	smul.u32 $0x92492493, s29  }
0x21f: {  	(v2sf) =	vpush v12, $0x5;
	s21 =	smulhi.u32 $0x92492493, s24;
	s31 =	sshra.s32 s24, $0x1F;
	s16 =	sadd.s32 s22, s30  }
0x220: {  	s22 =	ssub.s32 s2, s20;
	s29 =	spop (v2sf);
	s2 =	smul.u32 $0x92492493, s31  }
0x221: {  	(v2sf) =	vpush v12, $0x6;
	s20 =	smulhi.u32 $0x92492493, s28;
	s31 =	sshra.s32 s28, $0x1F;
	s17 =	sadd.s32 s25, s22  }
0x222: {  	s1 =	ssub.s32 s26, s23;
	s30 =	spop (v2sf);
	s22 =	smul.u32 $0x92492493, s31  }
0x223: {  	s23 =	smulhi.u32 $0x92492493, s29;
	s25 =	sshra.s32 s29, $0x1F;
	s26 =	spop (v2sf);
	(v2sf) =	vpush v12, $0x7  }
0x224: {  	s1 =	sadd.s32 s19, s1;
	s21 =	ssub.s32 s21, s24;
	s19 =	smul.u32 $0x92492493, s25  }
0x225: {  	s24 =	smulhi.u32 $0x92492493, s30;
	s25 =	sshra.s32 s30, $0x1F;
	s20 =	ssub.s32 s20, s28  }
0x226: {  	s2 =	sadd.s32 s2, s21;
	s21 =	smul.u32 $0x92492493, s25;
	s20 =	sadd.s32 s22, s20  }
0x227: {  	s23 =	ssub.s32 s23, s29;
	s22 =	smulhi.u32 $0x92492493, s26;
	s25 =	sshra.s32 s26, $0x1F  }
0x228: {  	s24 =	ssub.s32 s24, s30;
	s31 =	spop (v2sf);
	s25 =	smul.u32 $0x92492493, s25  }
0x229: {  	s19 =	sadd.s32 s19, s23;
	s29 =	smulhi.u32 $0x92492493, s31;
	s30 =	sshra.s32 s31, $0x1F  }
0x22a: {  	s21 =	sadd.s32 s21, s24;
	s28 =	spop (v2sf);
	s23 =	smul.u32 $0x92492493, s30  }
0x22b: {  	s22 =	ssub.s32 s22, s26;
	s24 =	smulhi.u32 $0x92492493, s28;
	s26 =	sshra.s32 s28, $0x1F  }
0x22c: {  	s30 =	spop (v2sf);
	s22 =	sadd.s32 s25, s22;
	s25 =	smul.u32 $0x92492493, s26  }
0x22d: {  	s26 =	ssub.s32 s29, s31;
	s29 =	smulhi.u32 $0x92492493, s30;
	s31 =	sshra.s32 s30, $0x1F  }
0x22e: {  	vm1 =	vcmask $0x1310;
	vm0 =	vcmask $0x300;
	s23 =	sadd.s32 s23, s26;
	s26 =	spop (v2sf);
	s31 =	smul.u32 $0x92492493, s31;
	v11 =	vmov s22  }
0x22f: {  	v14 =	vmov s18;
	s22 =	ssub.s32 s24, s28;
	s24 =	smulhi.u32 $0x92492493, s26;
	s28 =	sshra.s32 s26, $0x1F;
	v11 =	vnsel vm0, $0x0, v11;
	vm0 =	vcmask $0xB08  }
0x230: {  	v15 =	vmov s2;
	s22 =	sadd.s32 s25, s22;
	s25 =	spop (v2sf);
	s28 =	smul.u32 $0x92492493, s28;
	v11 =	vsel vm0, s21, v11;
	v14 =	vsel vm0, s15, v14  }
0x231: {  	s21 =	ssub.s32 s29, s30;
	s29 =	smulhi.u32 $0x92492493, s25;
	s30 =	sshra.s32 s25, $0x1F;
	v15 =	vsel vm0, s1, v15;
	vm0 =	vcmask $0x1B18;
	v11 =	vsel vm1, s23, v11  }
0x232: {  	s23 =	sadd.s32 s31, s21;
	s18 =	smul.u32 $0x92492493, s30;
	v14 =	vsel vm1, s16, v14;
	v15 =	vsel vm1, s20, v15;
	vm1 =	vcmask $0x2320;
	s21 =	spop (v2sf)  }
0x233: {  	s26 =	ssub.s32 s24, s26;
	v11 =	vsel vm0, s22, v11;
	v14 =	vsel vm0, s17, v14;
	v15 =	vsel vm0, s19, v15;
	s30 =	smulhi.u32 $0x92492493, s21;
	s31 =	sshra.s32 s21, $0x1F  }
0x234: {  	s1 =	sadd.s32 s28, s26;
	vm0 =	vcmask $0x2B28;
	v11 =	vsel vm1, s23, v11;
	s23 =	ssub.s32 s29, s25;
	v14 =	vcombine.low v15, v14;
	v15 =	vld [tilespmem:$0x1FF90];
	s24 =	smul.u32 $0x92492493, s31  }
0x235: {  	v11 =	vsel vm0, s1, v11;
	s25 =	sadd.s32 s18, s23;
	vm0 =	vcmask $0x3330;
	s26 =	ssub.s32 s30, s21  }
0x236: {  	v11 =	vsel vm0, s25, v11;
	vm0 =	vcmask $0x3B38;
	s28 =	sadd.s32 s24, s26  }
0x237: {  	v11 =	vsel vm0, s28, v11  }
0x238: {  	v14 =	vperm.xlane v14, v1;
	v11 =	vperm.xlane v11, v10  }
0x239: {  	vm0 =	vnez.u8 v15  }
0x23a: {  	v11 =	vsel vm0, v11, v14  }
0x23b: {  	v11 =	vadd.s32 v12, v11  }
0x23c: {  	v14 =	vshrl.u32 v11, $0x1F;
	v11 =	vshra.s32 v11, $0x3  }
0x23d: {  	vm0 =	vne.s32 v13, v7;
	v11 =	vadd.s32 v14, v11  }
0x23e: {  	v15 =	vsel vm0, $0x1, v2;
	v14 =	vshra.s32 v12, $0x1F;
	v16 =	vmul.u32 $0xFFFFFFF2, v11  }
0x23f: {  	v14 =	vor.u32 v15, v14;
	v15 =	vsub.s32 $0x0, v12  }
0x240: {  	vm0 =	vne.s32 v14, $0x1;
	vm1 =	vne.s32 v16, v15  }
0x241: {  	vm0 =	vmand vm1, vm0  }
0x242: {  	v14 =	vsel vm0, $0xFFFFFFFF, v2  }
0x243: {  	v11 =	vadd.s32 v14, v11  }
0x244: {  	v14 =	vmul.u32 $0xFFFFFFF2, v11  }
0x245: {  	s29 =	simm.s32 $0xFFFFFFFB  }
0x246: {  	v61 =	vimm.s32 $0x0;
	v60 =	vadd.s32 s29, v11;
	v12 =	vadd.s32 v12, v14  }
0x247: {  	vm0 =	vlt.u32 v60, $0xE;
	v14 =	vadd.s32 $0xFFFFFFFB, v12;
	v15 =	vadd.s32 $0xFFFFFFFC, v12  }
0x248: {  	s30 =	simm.s32 $0xFFFFFFBA;
	v16 =	vadd.s32 $0xFFFFFFFD, v12;
	v17 =	vadd.s32 $0xFFFFFFFE, v12;
	vm10 =	vlt.u32 v14, $0xE  }
0x249: {  	v14 =	vadd.s32 s30, v13;
	vm11 =	vlt.u32 v15, $0xE;
	vm1 =	vmand vm10, vm0  }
0x24a: {  	v18 =	vadd.s32 $0xFFFFFFFF, v12;
	v15 =	vadd.s32 $0xFFFFFFFB, v14;
	vm2 =	vmand vm11, vm0  }
0x24b: {  	v19 =	vadd.s32 $0x1, v12;
	vm12 =	vlt.u32 v16, $0xE;
	v16 =	vadd.s32 $0xFFFFFFFC, v14  }
0x24c: {  	vm4 =	vlt.u32 v12, $0xE;
	vm13 =	vlt.u32 v17, $0xE;
	vm3 =	vmand vm12, vm0  }
0x24d: {  	v21 =	vsel vm4, $0xFFFFFFFF, v61;
	v17 =	vadd.s32 $0xFFFFFFFD, v14;
	vm6 =	vmand vm13, vm0  }
0x24e: {  	vm5 =	vlt.u32 v18, $0xE;
	vm8 =	vmmov vm4;
	v18 =	vadd.s32 $0xFFFFFFFE, v14;
	[tilespmem:$0x1FF20] =	vst v21  }
0x24f: {  	vm4 =	vlt.u32 v19, $0xE;
	vm7 =	vmand vm5, vm0;
	[tilespmem:v15+s9+$0x0] =	vst.idx.msk vm1, v3;
	v15 =	vimm.s32 $0x0  }
0x250: {  	v19 =	vadd.s32 $0xFFFFFFFF, v14;
	v15 =	vsel vm4, $0xFFFFFFFF, v15;
	[tilespmem:v16+s9+$0x0] =	vst.idx.msk vm2, v3  }
0x251: {  	v62 =	vimm.s32 $0x0;
	v20 =	vadd.s32 $0x2, v12;
	vm14 =	vmand vm8, vm0;
	[tilespmem:$0x1FF40] =	vst v15  }
0x252: {  	v21 =	vsel vm8, $0xFFFFFFFF, v62;
	vm8 =	vlt.u32 v20, $0xE;
	v15 =	vimm.s32 $0x0;
	[tilespmem:v17+s9+$0x0] =	vst.idx.msk vm3, v3  }
0x253: {  	v63 =	vadd.s32 $0x3, v12;
	vm9 =	vmand vm4, vm0;
	v15 =	vsel vm8, $0xFFFFFFFF, v15;
	[tilespmem:v18+s9+$0x0] =	vst.idx.msk vm6, v3  }
0x254: {  	vm1 =	vlt.u32 v63, $0xE;
	v16 =	vadd.s32 $0x1, v14;
	[tilespmem:$0x1FF50] =	vst v15;
	v15 =	vimm.s32 $0x0  }
0x255: {  	[tilespmem:v19+s9+$0x0] =	vst.idx.msk vm7, v3;
	v15 =	vsel vm1, $0xFFFFFFFF, v15  }
0x256: {  	vm1 =	vmand vm1, vm0;
	[tilespmem:$0x1FF60] =	vst v15;
	v15 =	vimm.s32 $0x0  }
0x257: {  	[tilespmem:v14+s9+$0x0] =	vst.idx.msk vm14, v3;
	v15 =	vsel vm1, $0xFFFFFFFF, v15  }
0x258: {  	[tilespmem:$0x1FF80] =	vst v15  }
0x259: {  	[tilespmem:v16+s9+$0x0] =	vst.idx.msk vm9, v3;
	v16 =	vld [tilespmem:$0x1FF80];
	_ =	sdelay $0x1  }
0x25a: {  	s15 =	simm.s32 $0xFFFFFFFC;
	v17 =	vadd.s32 $0x2, v14;
	vm8 =	vmand vm8, vm0;
	v15 =	vadd.s32 $0x4, v12  }
0x25b: {  	v18 =	vadd.s32 s15, v11;
	v19 =	vimm.s32 $0x0;
	vm1 =	vlt.u32 v15, $0xE  }
0x25c: {  	v19 =	vsel vm1, $0xFFFFFFFF, v19;
	vm1 =	vmand vm1, vm0;
	vm0 =	vlt.u32 v18, $0xE  }
0x25d: {  	vm6 =	vmmov vm5;
	vm7 =	vmand vm5, vm0;
	vm5 =	vnez.u8 v16  }
0x25e: {  	v20 =	vadd.s32 $0x3, v14  }
0x25f: {  	s31 =	simm.s32 $0xFFFFFFC8;
	vm15 =	vmmov vm10;
	vm4 =	vmmov vm11  }
0x260: {  	[tilespmem:$0x1FF30] =	vst v21;
	vm14 =	vmmov vm13;
	v15 =	vadd.s32 $0x4, v14;
	v14 =	vadd.s32 s31, v13  }
0x261: {  	[tilespmem:v17+s9+$0x0] =	vst.idx.msk vm8, v3;
	v18 =	vadd.s32 $0xFFFFFFFB, v14;
	v17 =	vadd.s32 $0xFFFFFFFD, v14;
	vm2 =	vmand vm10, vm0  }
0x262: {  	[tilespmem:$0x1FF70] =	vst v19;
	v19 =	vadd.s32 $0xFFFFFFFC, v14;
	vm3 =	vmand vm11, vm0;
	vm9 =	vmand vm12, vm0  }
0x263: {  	s16 =	simm.s32 $0xFFFFFFD6;
	vm8 =	vmand vm13, vm0;
	v16 =	vadd.s32 $0xFFFFFFFE, v14;
	[tilespmem:v20+s9+$0x0] =	vst.idx.msk vm5, v3;
	vm5 =	vmmov vm12  }
.LBB2_15:
0x264: {  	_ =	sdelay $0x2  }
0x265: {  	[tilespmem:v15+s9+$0x0] =	vst.idx.msk vm1, v3;
	v15 =	vld [tilespmem:$0x1FF20];
	_ =	sdelay $0x4  }
0x266: {  	vm10 =	vnez.u8 v15;
	v15 =	vld [tilespmem:$0x1FF40];
	_ =	sdelay $0x3  }
0x267: {  	vm1 =	vmmov vm10  }
0x268: {  	vm10 =	vmand vm1, vm0;
	vm1 =	vnez.u8 v15;
	v15 =	vld [tilespmem:$0x1FF50]  }
0x269: {  	[tilespmem:v18+s9+$0x0] =	vst.idx.msk vm2, v3;
	v18 =	vld [tilespmem:$0x1FF60];
	_ =	sdelay $0x1  }
0x26a: {  	v20 =	vadd.s32 $0xFFFFFFFF, v14;
	_ =	sdelay $0x1  }
0x26b: {  	[tilespmem:v19+s9+$0x0] =	vst.idx.msk vm3, v3;
	vm11 =	vmand vm1, vm0;
	vm1 =	vnez.u8 v15  }
0x26c: {  	v19 =	vadd.s32 $0x1, v14;
	[tilespmem:v17+s9+$0x0] =	vst.idx.msk vm9, v3;
	vm12 =	vmand vm1, vm0;
	vm1 =	vnez.u8 v18;
	v18 =	vld [tilespmem:$0x1FF70]  }
0x26d: {  	s1 =	smov.u32 s16;
	[tilespmem:v16+s9+$0x0] =	vst.idx.msk vm8, v3  }
0x26e: {  	v17 =	vadd.s32 $0x2, v14;
	v16 =	vadd.s32 s1, v13;
	[tilespmem:v20+s9+$0x0] =	vst.idx.msk vm7, v3;
	vm13 =	vmand vm1, vm0  }
0x26f: {  	p0 =	sne.s32 s16, $0x38;
	v21 =	vadd.s32 $0x3, v14;
	[tilespmem:v14+s9+$0x0] =	vst.idx.msk vm10, v3;
	v15 =	vadd.s32 $0x4, v14;
	v14 =	vmov v16  }
.Ltmp8:
0x270: {  	s15 =	sadd.s32 $0x1, s15;
	v16 =	vadd.s32 $0xFFFFFFFE, v14;
	(pc) =	sbr.rel @p0 .LBB2_15-.Ltmp8, $4  }
0x271: {  	[tilespmem:v19+s9+$0x0] =	vst.idx.msk vm11, v3;
	v19 =	vadd.s32 $0xFFFFFFFC, v14;
	vm1 =	vnez.u8 v18;
	v18 =	vadd.s32 s15, v11  }
0x272: {  	vm1 =	vmand vm1, vm0;
	vm0 =	vlt.u32 v18, $0xE;
	v18 =	vadd.s32 $0xFFFFFFFB, v14  }
0x273: {  	[tilespmem:v17+s9+$0x0] =	vst.idx.msk vm12, v3;
	v17 =	vadd.s32 $0xFFFFFFFD, v14;
	vm2 =	vmand vm15, vm0;
	vm7 =	vmand vm6, vm0  }
0x274: {  	s16 =	sadd.s32 $0xE, s16;
	vm3 =	vmand vm4, vm0;
	vm9 =	vmand vm5, vm0;
	vm8 =	vmand vm14, vm0;
	[tilespmem:v21+s9+$0x0] =	vst.idx.msk vm13, v3  }
0x275: {  	_ =	sdelay $0x4  }
0x276: {  	[tilespmem:v15+s9+$0x0] =	vst.idx.msk vm1, v3  }
0x277: {  	[tilespmem:v18+s9+$0x0] =	vst.idx.msk vm2, v3;
	v18 =	vld [tilespmem:$0x1FF50];
	_ =	sdelay $0x1  }
0x278: {  	v15 =	vld [tilespmem:$0x1FF30];
	_ =	sdelay $0x2  }
0x279: {  	[tilespmem:v19+s9+$0x0] =	vst.idx.msk vm3, v3;
	vm3 =	vnez.u8 v18;
	v18 =	vld [tilespmem:$0x1FF60];
	_ =	sdelay $0x1  }
0x27a: {  	vm1 =	vnez.u8 v15;
	v15 =	vld [tilespmem:$0x1FF40];
	_ =	sdelay $0x2  }
0x27b: {  	vm4 =	vnez.u8 v18;
	v18 =	vld [tilespmem:$0x1FF70];
	_ =	sdelay $0x1  }
0x27c: {  	v13 =	vadd.s32 $0xFFFFFFFF, v14;
	vm1 =	vmand vm1, vm0;
	vm2 =	vnez.u8 v15  }
0x27d: {  	vm2 =	vmand vm2, vm0  }
0x27e: {  	vm3 =	vmand vm3, vm0;
	v15 =	vadd.s32 $0x1, v14  }
0x27f: {  	[tilespmem:v17+s9+$0x0] =	vst.idx.msk vm9, v3;
	v17 =	vadd.s32 $0x2, v14;
	vm4 =	vmand vm4, vm0;
	vm5 =	vnez.u8 v18  }
0x280: {  	[tilespmem:v16+s9+$0x0] =	vst.idx.msk vm8, v3;
	v16 =	vadd.s32 $0x3, v14;
	vm0 =	vmand vm5, vm0  }
0x281: {  	s1 =	simm.s32 $0x0;
	[tilespmem:v13+s9+$0x0] =	vst.idx.msk vm7, v3;
	v18 =	vadd.s32 $0x4, v14  }
0x282: {  	v20 =	vadd.s32 s1, v7;
	[tilespmem:v14+s9+$0x0] =	vst.idx.msk vm1, v3  }
0x283: {  	v13 =	vor.u32 $0x2, v20;
	[tilespmem:v15+s9+$0x0] =	vst.idx.msk vm2, v3  }
0x284: {  	v14 =	vor.u32 $0x3, v20;
	[tilespmem:v17+s9+$0x0] =	vst.idx.msk vm3, v3  }
0x285: {  	v15 =	vadd.s32 $0x7, v20;
	[tilespmem:v16+s9+$0x0] =	vst.idx.msk vm4, v3  }
0x286: {  	v16 =	vadd.s32 $0x4, v20;
	[tilespmem:v18+s9+$0x0] =	vst.idx.msk vm0, v3  }
0x287: {  	v19 =	vadd.s32 $0xB, v20;
	v17 =	vld.idx.msk [tilespmem:v20+s9+$0x0], $0xffff  }
0x288: {  	v23 =	vimm.f32 $6.000000240e-01;
	v25 =	vor.u32 $0x1, v20;
	v18 =	vadd.s32 $0x6, v20;
	v21 =	vld.idx.msk [tilespmem:v13+s9+$0x0], $0xffff  }
0x289: {  	v26 =	vadd.s32 $0x5, v20;
	v27 =	vadd.s32 $0xF, v20;
	v22 =	vadd.s32 $0xD, v20;
	v24 =	vld.idx.msk [tilespmem:v14+s9+$0x0], $0xffff  }
0x28a: {  	v29 =	vadd.s32 $0x10, v20;
	v30 =	vadd.s32 $0x16, v20;
	v32 =	vadd.s32 $0x8, v20;
	v28 =	vld.idx.msk [tilespmem:v15+s9+$0x0], $0xffff  }
0x28b: {  	v33 =	vadd.s32 $0x9, v20;
	v34 =	vadd.s32 $0xE, v20;
	v35 =	vadd.s32 $0x12, v20;
	v31 =	vld.idx.msk [tilespmem:v16+s9+$0x0], $0xffff  }
0x28c: {  	v38 =	vadd.s32 $0xC, v20;
	v39 =	vadd.s32 $0xA, v20;
	v40 =	vadd.s32 $0x14, v20;
	v37 =	vld.idx.msk [tilespmem:v19+s9+$0x0], $0xffff  }
0x28d: {  	v41 =	vadd.s32 $0x18, v20;
	v45 =	vadd.s32 $0x1A, v20;
	v57 =	vadd.s32 $0x1B, v20;
	v36 =	vld.idx.msk [tilespmem:v18+s9+$0x0], $0xffff  }
0x28e: {  	v53 =	vadd.s32 $0x15, v20;
	vm0 =	vgt.f32 v21, v23;
	vm1 =	vgt.f32 v24, v23  }
0x28f: {  	v43 =	vld.idx.msk [tilespmem:v32+s9+$0x0], $0xffff;
	vm2 =	vgt.f32 v17, v23;
	v13 =	vsel vm0, v13, v7;
	v24 =	vsel vm1, v24, v23  }
0x290: {  	v42 =	vld.idx.msk [tilespmem:v27+s9+$0x0], $0xffff;
	v21 =	vsel vm0, v21, v23;
	v17 =	vsel vm2, v17, v23;
	vm0 =	vgt.f32 v28, v24  }
0x291: {  	v14 =	vsel vm1, v14, v7;
	vm4 =	vgt.f32 v31, v17;
	v24 =	vsel vm0, v28, v24  }
0x292: {  	v14 =	vsel vm0, v15, v14;
	v15 =	vld.idx.msk [tilespmem:v39+s9+$0x0], $0xffff;
	vm3 =	vgt.f32 v36, v21;
	vm0 =	vgt.f32 v37, v24  }
0x293: {  	v28 =	vld.idx.msk [tilespmem:v38+s9+$0x0], $0xffff;
	v17 =	vsel vm4, v31, v17;
	v13 =	vsel vm3, v18, v13;
	v18 =	vsel vm0, v37, v24  }
0x294: {  	v14 =	vsel vm0, v19, v14;
	v19 =	vsel vm2, v20, v7;
	vm0 =	vgt.f32 v43, v17  }
0x295: {  	v24 =	vld.idx.msk [tilespmem:v34+s9+$0x0], $0xffff;
	v37 =	vadd.s32 $0x11, v20;
	v21 =	vsel vm3, v36, v21;
	vm1 =	vgt.f32 v42, v18  }
0x296: {  	v31 =	vld.idx.msk [tilespmem:v29+s9+$0x0], $0xffff;
	v16 =	vsel vm4, v16, v19;
	v19 =	vadd.s32 $0x13, v20;
	v17 =	vsel vm0, v43, v17  }
0x297: {  	v44 =	vld.idx.msk [tilespmem:v35+s9+$0x0], $0xffff;
	v16 =	vsel vm0, v32, v16;
	v32 =	vadd.s32 $0x17, v20;
	v18 =	vsel vm1, v42, v18  }
0x298: {  	v54 =	vld.idx.msk [tilespmem:v40+s9+$0x0], $0xffff;
	v14 =	vsel vm1, v27, v14;
	vm0 =	vgt.f32 v15, v21;
	vm2 =	vgt.f32 v28, v17  }
0x299: {  	v55 =	vld.idx.msk [tilespmem:v41+s9+$0x0], $0xffff;
	v15 =	vsel vm0, v15, v21;
	v13 =	vsel vm0, v39, v13;
	v17 =	vsel vm2, v28, v17  }
0x29a: {  	v21 =	vld.idx.msk [tilespmem:v30+s9+$0x0], $0xffff;
	v16 =	vsel vm2, v38, v16;
	v39 =	vadd.s32 $0x19, v20;
	vm0 =	vgt.f32 v24, v15  }
0x29b: {  	vm2 =	vgt.f32 v31, v17;
	v15 =	vsel vm0, v24, v15;
	v13 =	vsel vm0, v34, v13  }
0x29c: {  	v17 =	vsel vm2, v31, v17;
	v16 =	vsel vm2, v29, v16;
	vm0 =	vgt.f32 v44, v15  }
0x29d: {  	s31 =	simm.s32 $0x1C;
	vm2 =	vgt.f32 v54, v17;
	v15 =	vsel vm0, v44, v15;
	v13 =	vsel vm0, v35, v13  }
0x29e: {  	v28 =	vld.idx.msk [tilespmem:v19+s9+$0x0], $0xffff;
	v17 =	vsel vm2, v54, v17;
	v31 =	vsel vm2, v40, v16;
	v16 =	vadd.s32 s31, v7  }
0x29f: {  	vm0 =	vgt.f32 v55, v17;
	vm1 =	vgt.f32 v21, v15;
	v38 =	vor.u32 $0x2, v16  }
0x2a0: {  	v29 =	vld.idx.msk [tilespmem:v25+s9+$0x0], $0xffff;
	v24 =	vadd.s32 $0x4, v16;
	v43 =	vadd.s32 $0x7, v16;
	v47 =	vadd.s32 $0xB, v16  }
0x2a1: {  	v56 =	vld.idx.msk [tilespmem:v32+s9+$0x0], $0xffff;
	v60 =	vor.u32 $0x3, v16;
	v50 =	vadd.s32 $0x6, v16;
	v20 =	vadd.s32 $0x18, v16  }
0x2a2: {  	v27 =	vld.idx.msk [tilespmem:v45+s9+$0x0], $0xffff;
	v30 =	vsel vm1, v30, v13;
	v36 =	vsel vm0, v55, v17;
	v21 =	vsel vm1, v21, v15  }
0x2a3: {  	v58 =	vld.idx.msk [tilespmem:v33+s9+$0x0], $0xffff;
	v15 =	vor.u32 $0x1, v16;
	v13 =	vadd.s32 $0xD, v16;
	vm2 =	vgt.f32 v28, v18  }
0x2a4: {  	v17 =	vld.idx.msk [tilespmem:v26+s9+$0x0], $0xffff;
	v34 =	vsel vm0, v41, v31;
	v31 =	vadd.s32 $0xC, v16;
	v19 =	vsel vm2, v19, v14  }
0x2a5: {  	v61 =	vld.idx.msk [tilespmem:v57+s9+$0x0], $0xffff;
	v28 =	vsel vm2, v28, v18;
	vm2 =	vgt.f32 v29, v23;
	v14 =	vadd.s32 $0x5, v16  }
0x2a6: {  	v59 =	vld.idx.msk [tilespmem:v22+s9+$0x0], $0xffff;
	v18 =	vadd.s32 $0xF, v16;
	vm1 =	vgt.f32 v56, v28;
	v23 =	vsel vm2, v29, v23  }
0x2a7: {  	v62 =	vld.idx.msk [tilespmem:v37+s9+$0x0], $0xffff;
	v25 =	vsel vm2, v25, v7;
	vm2 =	vgt.f32 v27, v21;
	v29 =	vadd.s32 $0x8, v16  }
0x2a8: {  	v49 =	vld.idx.msk [tilespmem:v16+s9+$0x0], $0xffff;
	v30 =	vsel vm2, v45, v30;
	v28 =	vsel vm1, v56, v28;
	v48 =	vsel vm2, v27, v21  }
0x2a9: {  	v21 =	vadd.s32 $0x16, v16;
	v51 =	vld.idx.msk [tilespmem:v38+s9+$0x0], $0xffff;
	v27 =	vsel vm1, v32, v19;
	vm3 =	vgt.f32 v17, v23  }
0x2aa: {  	v63 =	vld.idx.msk [tilespmem:v60+s9+$0x0], $0xffff;
	v32 =	vadd.s32 $0xA, v16;
	vm0 =	vgt.f32 v61, v28;
	v25 =	vsel vm3, v26, v25  }
0x2ab: {  	v52 =	vld.idx.msk [tilespmem:v43+s9+$0x0], $0xffff;
	v26 =	vsel vm3, v17, v23;
	v23 =	vadd.s32 $0x10, v16;
	v17 =	vadd.s32 $0x9, v16  }
0x2ac: {  	v35 =	vld.idx.msk [tilespmem:v50+s9+$0x0], $0xffff;
	v54 =	vsel vm0, v57, v27;
	v27 =	vadd.s32 $0x12, v16;
	vm2 =	vgt.f32 v58, v26  }
0x2ad: {  	v56 =	vld.idx.msk [tilespmem:v47+s9+$0x0], $0xffff;
	v55 =	vsel vm0, v61, v28;
	v28 =	vadd.s32 $0x14, v16;
	v46 =	vsel vm2, v33, v25  }
0x2ae: {  	v41 =	vld.idx.msk [tilespmem:v31+s9+$0x0], $0xffff;
	v25 =	vadd.s32 $0xE, v16;
	v26 =	vsel vm2, v58, v26;
	vm4 =	vgt.f32 v49, v36  }
0x2af: {  	v33 =	vld.idx.msk [tilespmem:v24+s9+$0x0], $0xffff;
	vm1 =	vgt.f32 v59, v26;
	vm2 =	vgt.f32 v63, v55;
	v44 =	vsel vm4, v49, v36  }
0x2b0: {  	v58 =	vld.idx.msk [tilespmem:v53+s9+$0x0], $0xffff;
	v40 =	vsel vm1, v59, v26;
	v57 =	vsel vm1, v22, v46;
	vm1 =	vgt.f32 v51, v48  }
0x2b1: {  	v26 =	vld.idx.msk [tilespmem:v18+s9+$0x0], $0xffff;
	v60 =	vsel vm2, v60, v54;
	v61 =	vsel vm2, v63, v55;
	vm0 =	vgt.f32 v62, v40  }
0x2b2: {  	v46 =	vld.idx.msk [tilespmem:v39+s9+$0x0], $0xffff;
	v30 =	vsel vm1, v38, v30;
	v42 =	vsel vm1, v51, v48;
	vm1 =	vgt.f32 v52, v61  }
0x2b3: {  	v19 =	vld.idx.msk [tilespmem:v14+s9+$0x0], $0xffff;
	v45 =	vsel vm0, v62, v40;
	vm3 =	vgt.f32 v35, v42;
	v62 =	vsel vm0, v37, v57  }
0x2b4: {  	v22 =	vld.idx.msk [tilespmem:v15+s9+$0x0], $0xffff;
	v36 =	vsel vm1, v52, v61;
	v63 =	vsel vm1, v43, v60;
	vm0 =	vgt.f32 v33, v44  }
0x2b5: {  	v40 =	vld.idx.msk [tilespmem:v29+s9+$0x0], $0xffff;
	v43 =	vsel vm3, v50, v30;
	vm1 =	vgt.f32 v56, v36;
	vm2 =	vgt.f32 v58, v45  }
0x2b6: {  	v37 =	vld.idx.msk [tilespmem:v23+s9+$0x0], $0xffff;
	v38 =	vsel vm1, v56, v36;
	v36 =	vsel vm1, v47, v63;
	v30 =	vsel vm2, v58, v45  }
0x2b7: {  	s15 =	simm.s32 $0x38;
	v45 =	vld.idx.msk [tilespmem:v32+s9+$0x0], $0xffff;
	v47 =	vsel vm2, v53, v62;
	vm9 =	vgt.f32 v26, v38;
	vm1 =	vgt.f32 v46, v30  }
.LBB2_17:
0x2b8: {  	p0 =	sne.s32 s15, $0xA8;
	v34 =	vsel vm4, v16, v34;
	v48 =	vld.idx.msk [tilespmem:v25+s9+$0x0], $0xffff;
	v46 =	vsel vm1, v46, v30;
	v39 =	vsel vm1, v39, v47;
	s1 =	smov.u32 s15;
	s15 =	sadd.s32 $0x1C, s15  }
0x2b9: {  	v33 =	vsel vm0, v33, v44;
	v24 =	vsel vm0, v24, v34;
	v34 =	vadd.s32 $0x13, v16;
	v44 =	vld.idx.msk [tilespmem:v28+s9+$0x0], $0xffff  }
0x2ba: {  	v30 =	vadd.s32 $0x11, v16;
	v49 =	vadd.s32 $0x1A, v16;
	vm0 =	vgt.f32 v40, v33;
	v47 =	vld.idx.msk [tilespmem:v27+s9+$0x0], $0xffff  }
0x2bb: {  	v35 =	vsel vm3, v35, v42;
	v33 =	vsel vm0, v40, v33;
	v24 =	vsel vm0, v29, v24  }
0x2bc: {  	v40 =	vadd.s32 $0x17, v16;
	vm0 =	vgt.f32 v45, v35;
	vm1 =	vgt.f32 v41, v33;
	v29 =	vld.idx.msk [tilespmem:v20+s9+$0x0], $0xffff  }
0x2bd: {  	v35 =	vsel vm0, v45, v35;
	v32 =	vsel vm0, v32, v43;
	v33 =	vsel vm1, v41, v33;
	v41 =	vld.idx.msk [tilespmem:v21+s9+$0x0], $0xffff  }
0x2be: {  	v24 =	vsel vm1, v31, v24;
	vm0 =	vgt.f32 v48, v35;
	vm1 =	vgt.f32 v37, v33;
	v31 =	vld.idx.msk [tilespmem:v34+s9+$0x0], $0xffff  }
0x2bf: {  	v35 =	vsel vm0, v48, v35;
	v25 =	vsel vm0, v25, v32;
	v32 =	vsel vm1, v37, v33  }
0x2c0: {  	v23 =	vsel vm1, v23, v24;
	vm0 =	vgt.f32 v47, v35;
	vm1 =	vgt.f32 v44, v32  }
0x2c1: {  	v24 =	vsel vm0, v47, v35;
	v25 =	vsel vm0, v27, v25;
	v27 =	vsel vm1, v44, v32;
	v32 =	vld.idx.msk [tilespmem:v40+s9+$0x0], $0xffff  }
0x2c2: {  	v28 =	vsel vm1, v28, v23;
	v35 =	vadd.s32 $0x1B, v16;
	vm0 =	vgt.f32 v29, v27  }
0x2c3: {  	v18 =	vsel vm9, v18, v36;
	v23 =	vsel vm9, v26, v38;
	vm1 =	vgt.f32 v41, v24;
	v26 =	vld.idx.msk [tilespmem:v49+s9+$0x0], $0xffff  }
0x2c4: {  	v36 =	vsel vm0, v29, v27;
	vm2 =	vgt.f32 v31, v23;
	v21 =	vsel vm1, v21, v25  }
0x2c5: {  	v37 =	vadd.s32 s1, v7;
	v25 =	vsel vm1, v41, v24;
	v27 =	vsel vm2, v34, v18  }
0x2c6: {  	v38 =	vor.u32 $0x2, v37;
	v29 =	vor.u32 $0x1, v37;
	v23 =	vsel vm2, v31, v23;
	v41 =	vld.idx.msk [tilespmem:v13+s9+$0x0], $0xffff  }
0x2c7: {  	v43 =	vadd.s32 $0x7, v37;
	v24 =	vadd.s32 $0x4, v37;
	vm1 =	vgt.f32 v32, v23;
	v31 =	vld.idx.msk [tilespmem:v17+s9+$0x0], $0xffff  }
0x2c8: {  	v33 =	vadd.s32 $0x5, v37;
	v18 =	vadd.s32 $0xF, v37;
	vm2 =	vgt.f32 v22, v46;
	v42 =	vld.idx.msk [tilespmem:v30+s9+$0x0], $0xffff  }
0x2c9: {  	v22 =	vsel vm2, v22, v46;
	v34 =	vsel vm2, v15, v39;
	vm2 =	vgt.f32 v26, v25;
	v44 =	vld.idx.msk [tilespmem:v35+s9+$0x0], $0xffff  }
0x2ca: {  	v47 =	vadd.s32 $0xB, v37;
	v46 =	vadd.s32 $0xD, v37;
	v15 =	vmovc v29;
	vm3 =	vgt.f32 v19, v22;
	v45 =	vld.idx.msk [tilespmem:v37+s9+$0x0], $0xffff  }
0x2cb: {  	v50 =	vor.u32 $0x3, v37;
	v29 =	vsel vm3, v14, v34;
	v14 =	vmovc v33;
	v49 =	vsel vm2, v49, v21;
	v48 =	vld.idx.msk [tilespmem:v38+s9+$0x0], $0xffff  }
0x2cc: {  	v39 =	vsel vm3, v19, v22;
	v32 =	vsel vm1, v32, v23;
	v52 =	vsel vm2, v26, v25;
	v51 =	vld.idx.msk [tilespmem:v43+s9+$0x0], $0xffff  }
0x2cd: {  	v23 =	vadd.s32 $0x10, v37;
	v21 =	vadd.s32 $0x16, v37;
	vm2 =	vgt.f32 v31, v39;
	v19 =	vld.idx.msk [tilespmem:v33+s9+$0x0], $0xffff  }
0x2ce: {  	v53 =	vadd.s32 $0x6, v37;
	v54 =	vsel vm2, v17, v29;
	v17 =	vadd.s32 $0x9, v37;
	v33 =	vld.idx.msk [tilespmem:v24+s9+$0x0], $0xffff  }
0x2cf: {  	v34 =	vsel vm0, v20, v28;
	v25 =	vadd.s32 $0xE, v37;
	v29 =	vadd.s32 $0x8, v37;
	v22 =	vld.idx.msk [tilespmem:v15+s9+$0x0], $0xffff  }
0x2d0: {  	v56 =	vadd.s32 $0x15, v16;
	v20 =	vsel vm1, v40, v27;
	vm0 =	vgt.f32 v44, v32;
	v55 =	vld.idx.msk [tilespmem:v50+s9+$0x0], $0xffff  }
0x2d1: {  	v57 =	vsel vm2, v31, v39;
	v58 =	vsel vm0, v35, v20;
	v26 =	vld.idx.msk [tilespmem:v18+s9+$0x0], $0xffff  }
0x2d2: {  	v27 =	vadd.s32 $0x12, v37;
	v39 =	vadd.s32 $0x19, v16;
	v16 =	vmovc v37;
	vm1 =	vgt.f32 v41, v57;
	v59 =	vld.idx.msk [tilespmem:v47+s9+$0x0], $0xffff  }
0x2d3: {  	v31 =	vadd.s32 $0xC, v16;
	v60 =	vsel vm0, v44, v32;
	v35 =	vld.idx.msk [tilespmem:v53+s9+$0x0], $0xffff  }
0x2d4: {  	v28 =	vadd.s32 $0x14, v16;
	v32 =	vadd.s32 $0xA, v16;
	v41 =	vsel vm1, v41, v57;
	v40 =	vld.idx.msk [tilespmem:v29+s9+$0x0], $0xffff  }
0x2d5: {  	v20 =	vadd.s32 $0x18, v16;
	v54 =	vsel vm1, v13, v54;
	v13 =	vmovc v46;
	vm0 =	vgt.f32 v42, v41;
	v57 =	vld.idx.msk [tilespmem:v56+s9+$0x0], $0xffff  }
0x2d6: {  	vm4 =	vgt.f32 v45, v36;
	vm1 =	vgt.f32 v48, v52;
	vm2 =	vgt.f32 v55, v60;
	v37 =	vld.idx.msk [tilespmem:v23+s9+$0x0], $0xffff  }
0x2d7: {  	v38 =	vsel vm1, v38, v49;
	v49 =	vsel vm2, v50, v58;
	v50 =	vsel vm0, v42, v41;
	v46 =	vld.idx.msk [tilespmem:v39+s9+$0x0], $0xffff  }
0x2d8: {  	v44 =	vsel vm4, v45, v36;
	v42 =	vsel vm1, v48, v52;
	v36 =	vsel vm2, v55, v60;
	v41 =	vld.idx.msk [tilespmem:v31+s9+$0x0], $0xffff  }
.Ltmp9:
0x2d9: {  	v48 =	vsel vm0, v30, v54;
	vm1 =	vgt.f32 v51, v36;
	vm3 =	vgt.f32 v35, v42;
	(pc) =	sbr.rel @p0 .LBB2_17-.Ltmp9, $4  }
0x2da: {  	vm0 =	vgt.f32 v33, v44;
	v30 =	vsel vm1, v51, v36;
	v36 =	vsel vm1, v43, v49  }
0x2db: {  	v43 =	vsel vm3, v53, v38;
	vm1 =	vgt.f32 v59, v30;
	vm2 =	vgt.f32 v57, v50  }
0x2dc: {  	v38 =	vsel vm1, v59, v30;
	v36 =	vsel vm1, v47, v36;
	v30 =	vsel vm2, v57, v50;
	v45 =	vld.idx.msk [tilespmem:v32+s9+$0x0], $0xffff  }
0x2dd: {  	vm9 =	vgt.f32 v26, v38;
	v47 =	vsel vm2, v56, v48;
	vm1 =	vgt.f32 v46, v30  }
0x2de: {  	_ =	sdelay $0x1  }
0x2df: {  	v34 =	vsel vm4, v16, v34;
	v30 =	vsel vm1, v46, v30;
	v39 =	vsel vm1, v39, v47  }
0x2e0: {  	v33 =	vsel vm0, v33, v44;
	v47 =	vadd.s32 $0x11, v16;
	v48 =	vadd.s32 $0x1A, v16  }
0x2e1: {  	v61 =	vld.idx.msk [tilespmem:v25+s9+$0x0], $0xffff;
	v35 =	vsel vm3, v35, v42;
	v55 =	vadd.s32 $0x1B, v16;
	v26 =	vsel vm9, v26, v38  }
0x2e2: {  	v58 =	vadd.s32 $0x15, v16;
	v24 =	vsel vm0, v24, v34;
	vm0 =	vgt.f32 v40, v33  }
0x2e3: {  	v49 =	vld.idx.msk [tilespmem:v27+s9+$0x0], $0xffff;
	v18 =	vsel vm9, v18, v36;
	v34 =	vadd.s32 $0x13, v16;
	v33 =	vsel vm0, v40, v33  }
0x2e4: {  	v62 =	vld.idx.msk [tilespmem:v28+s9+$0x0], $0xffff;
	v24 =	vsel vm0, v29, v24;
	v29 =	vadd.s32 $0x17, v16;
	vm0 =	vgt.f32 v45, v35  }
0x2e5: {  	v16 =	vadd.s32 $0x19, v16;
	vm1 =	vgt.f32 v41, v33;
	v35 =	vsel vm0, v45, v35  }
0x2e6: {  	v63 =	vld.idx.msk [tilespmem:v20+s9+$0x0], $0xffff;
	v32 =	vsel vm0, v32, v43;
	v33 =	vsel vm1, v41, v33;
	vm0 =	vgt.f32 v61, v35  }
0x2e7: {  	v24 =	vsel vm1, v31, v24;
	v45 =	vld.idx.msk [tilespmem:v21+s9+$0x0], $0xffff;
	vm1 =	vgt.f32 v37, v33;
	v35 =	vsel vm0, v61, v35  }
0x2e8: {  	v46 =	vsel vm0, v25, v32;
	v50 =	vsel vm1, v37, v33;
	v51 =	vld.idx.msk [tilespmem:v34+s9+$0x0], $0xffff;
	vm0 =	vgt.f32 v49, v35  }
0x2e9: {  	v56 =	vld.idx.msk [tilespmem:v17+s9+$0x0], $0xffff;
	v23 =	vsel vm1, v23, v24;
	vm1 =	vgt.f32 v62, v50;
	v52 =	vsel vm0, v49, v35  }
0x2ea: {  	v59 =	vld.idx.msk [tilespmem:v13+s9+$0x0], $0xffff;
	v53 =	vsel vm1, v62, v50;
	v23 =	vsel vm1, v28, v23;
	vm1 =	vgt.f32 v22, v30  }
0x2eb: {  	v57 =	vld.idx.msk [tilespmem:v48+s9+$0x0], $0xffff;
	v25 =	vsel vm0, v27, v46;
	vm0 =	vgt.f32 v63, v53;
	v22 =	vsel vm1, v22, v30  }
0x2ec: {  	v61 =	vld.idx.msk [tilespmem:v47+s9+$0x0], $0xffff;
	vm2 =	vgt.f32 v45, v52;
	v15 =	vsel vm1, v15, v39;
	vm4 =	vgt.f32 v19, v22  }
0x2ed: {  	v54 =	vld.idx.msk [tilespmem:v29+s9+$0x0], $0xffff;
	v21 =	vsel vm2, v21, v25;
	vm3 =	vgt.f32 v51, v26;
	v19 =	vsel vm4, v19, v22  }
0x2ee: {  	v18 =	vsel vm3, v34, v18;
	v22 =	vsel vm3, v51, v26;
	vm3 =	vgt.f32 v56, v19  }
0x2ef: {  	v62 =	vld.idx.msk [tilespmem:v58+s9+$0x0], $0xffff;
	v60 =	vsel vm0, v63, v53;
	v24 =	vsel vm2, v45, v52;
	v19 =	vsel vm3, v56, v19  }
0x2f0: {  	v63 =	vld.idx.msk [tilespmem:v55+s9+$0x0], $0xffff;
	vm1 =	vgt.f32 v57, v24;
	v14 =	vsel vm4, v14, v15;
	vm5 =	vgt.f32 v59, v19  }
0x2f1: {  	v15 =	vsel vm1, v48, v21;
	v21 =	vld.idx.msk [tilespmem:v16+s9+$0x0], $0xffff;
	v24 =	vsel vm1, v57, v24;
	v19 =	vsel vm5, v59, v19  }
0x2f2: {  	vm2 =	vgt.f32 v54, v22;
	v14 =	vsel vm3, v17, v14;
	vm1 =	vgt.f32 v61, v19  }
0x2f3: {  	v17 =	vsel vm0, v20, v23;
	v22 =	vsel vm2, v54, v22;
	v19 =	vsel vm1, v61, v19  }
0x2f4: {  	v18 =	vsel vm2, v29, v18;
	v13 =	vsel vm5, v13, v14;
	vm0 =	vgt.f32 v62, v19  }
0x2f5: {  	vm2 =	vgt.f32 v63, v22;
	v13 =	vsel vm1, v47, v13;
	v14 =	vsel vm0, v62, v19  }
0x2f6: {  	v18 =	vsel vm2, v55, v18;
	v13 =	vsel vm0, v58, v13;
	vm0 =	vgt.f32 v21, v14  }
0x2f7: {  	vm3 =	vlt.s32 v18, v15;
	v14 =	vsel vm0, v21, v14;
	v13 =	vsel vm0, v16, v13  }
0x2f8: {  	v19 =	vsel vm2, v63, v22;
	vm1 =	veq.f32 v14, v60;
	vm2 =	vlt.s32 v13, v17  }
0x2f9: {  	vm0 =	vgt.f32 v14, v60;
	vm1 =	vmand vm1, vm2;
	vm2 =	veq.f32 v19, v24  }
0x2fa: {  	vm0 =	vmor vm0, vm1;
	vm1 =	vgt.f32 v19, v24;
	vm2 =	vmand vm2, vm3  }
0x2fb: {  	v14 =	vsel vm0, v14, v60;
	vm1 =	vmor vm1, vm2  }
0x2fc: {  	v13 =	vsel vm0, v13, v17;
	v16 =	vsel vm1, v19, v24;
	v15 =	vsel vm1, v18, v15  }
0x2fd: {  	vm0 =	veq.f32 v16, v14;
	vm1 =	vlt.s32 v15, v13  }
0x2fe: {  	vm2 =	vgt.f32 v16, v14;
	vm0 =	vmand vm0, vm1  }
0x2ff: {  	vm0 =	vmor vm2, vm0  }
0x300: {  	v15 =	vsel vm0, v15, v13  }
0x301: {  	v14 =	vsub.s32 v15, v7  }
0x302: {  	(v2sf) =	vpush v14, $0xD;
	_ =	sdelay $0x1  }
0x303: {  	(v2sf) =	vpush v14, $0xC;
	_ =	sdelay $0x1  }
0x304: {  	(v2sf) =	vpush v14, $0xE  }
0x305: {  	(v2sf) =	vpush v14, $0xF  }
0x306: {  	(v2sf) =	vpush v14, $0x9;
	_ =	sdelay $0x1  }
0x307: {  	(v2sf) =	vpush v14, $0x8;
	_ =	sdelay $0x1  }
0x308: {  	(v2sf) =	vpush v14, $0xA;
	_ =	sdelay $0x1  }
0x309: {  	(v2sf) =	vpush v14, $0xB;
	_ =	sdelay $0x1  }
0x30a: {  	(v2sf) =	vpush v14, $0x1  }
0x30b: {  	s1 =	spop (v2sf);
	(v2sf) =	vpush v14, $0x0  }
0x30c: {  	s2 =	smulhi.u32 $0x92492493, s1;
	s15 =	sshra.s32 s1, $0x1F  }
0x30d: {  	s16 =	spop (v2sf);
	s15 =	smul.u32 $0x92492493, s15  }
0x30e: {  	s18 =	smulhi.u32 $0x92492493, s16;
	s19 =	sshra.s32 s16, $0x1F  }
0x30f: {  	s17 =	spop (v2sf);
	s19 =	smul.u32 $0x92492493, s19  }
0x310: {  	(v2sf) =	vpush v14, $0x2;
	s20 =	spop (v2sf);
	s21 =	smulhi.u32 $0x92492493, s17;
	s22 =	sshra.s32 s17, $0x1F  }
0x311: {  	s1 =	ssub.s32 s2, s1;
	s23 =	spop (v2sf);
	s22 =	smul.u32 $0x92492493, s22  }
0x312: {  	(v2sf) =	vpush v14, $0x3;
	s2 =	smulhi.u32 $0x92492493, s20;
	s25 =	sshra.s32 s20, $0x1F;
	s15 =	sadd.s32 s15, s1  }
0x313: {  	s18 =	ssub.s32 s18, s16;
	s24 =	spop (v2sf);
	s25 =	smul.u32 $0x92492493, s25  }
0x314: {  	(v2sf) =	vpush v14, $0x4;
	s26 =	smulhi.u32 $0x92492493, s23;
	s29 =	sshra.s32 s23, $0x1F;
	s18 =	sadd.s32 s19, s18  }
0x315: {  	s30 =	ssub.s32 s21, s17;
	s28 =	spop (v2sf);
	s19 =	smul.u32 $0x92492493, s29  }
0x316: {  	(v2sf) =	vpush v14, $0x5;
	s21 =	smulhi.u32 $0x92492493, s24;
	s31 =	sshra.s32 s24, $0x1F;
	s16 =	sadd.s32 s22, s30  }
0x317: {  	s22 =	ssub.s32 s2, s20;
	s29 =	spop (v2sf);
	s2 =	smul.u32 $0x92492493, s31  }
0x318: {  	(v2sf) =	vpush v14, $0x6;
	s20 =	smulhi.u32 $0x92492493, s28;
	s31 =	sshra.s32 s28, $0x1F;
	s17 =	sadd.s32 s25, s22  }
0x319: {  	s1 =	ssub.s32 s26, s23;
	s30 =	spop (v2sf);
	s22 =	smul.u32 $0x92492493, s31  }
0x31a: {  	s23 =	smulhi.u32 $0x92492493, s29;
	s25 =	sshra.s32 s29, $0x1F;
	s26 =	spop (v2sf);
	(v2sf) =	vpush v14, $0x7  }
0x31b: {  	s1 =	sadd.s32 s19, s1;
	s21 =	ssub.s32 s21, s24;
	s19 =	smul.u32 $0x92492493, s25  }
0x31c: {  	s24 =	smulhi.u32 $0x92492493, s30;
	s25 =	sshra.s32 s30, $0x1F;
	s20 =	ssub.s32 s20, s28  }
0x31d: {  	s2 =	sadd.s32 s2, s21;
	s21 =	smul.u32 $0x92492493, s25;
	s20 =	sadd.s32 s22, s20  }
0x31e: {  	s23 =	ssub.s32 s23, s29;
	s22 =	smulhi.u32 $0x92492493, s26;
	s25 =	sshra.s32 s26, $0x1F  }
0x31f: {  	s24 =	ssub.s32 s24, s30;
	s31 =	spop (v2sf);
	s25 =	smul.u32 $0x92492493, s25  }
0x320: {  	s19 =	sadd.s32 s19, s23;
	s29 =	smulhi.u32 $0x92492493, s31;
	s30 =	sshra.s32 s31, $0x1F  }
0x321: {  	s21 =	sadd.s32 s21, s24;
	s28 =	spop (v2sf);
	s23 =	smul.u32 $0x92492493, s30  }
0x322: {  	s22 =	ssub.s32 s22, s26;
	s24 =	smulhi.u32 $0x92492493, s28;
	s26 =	sshra.s32 s28, $0x1F  }
0x323: {  	s30 =	spop (v2sf);
	s22 =	sadd.s32 s25, s22;
	s25 =	smul.u32 $0x92492493, s26  }
0x324: {  	s26 =	ssub.s32 s29, s31;
	s29 =	smulhi.u32 $0x92492493, s30;
	s31 =	sshra.s32 s30, $0x1F  }
0x325: {  	vm1 =	vcmask $0x1310;
	vm0 =	vcmask $0x300;
	s23 =	sadd.s32 s23, s26;
	s26 =	spop (v2sf);
	s31 =	smul.u32 $0x92492493, s31;
	v13 =	vmov s22  }
0x326: {  	v16 =	vmov s18;
	s22 =	ssub.s32 s24, s28;
	s24 =	smulhi.u32 $0x92492493, s26;
	s28 =	sshra.s32 s26, $0x1F;
	v13 =	vnsel vm0, $0x0, v13;
	vm0 =	vcmask $0xB08  }
0x327: {  	v17 =	vmov s2;
	s22 =	sadd.s32 s25, s22;
	s25 =	spop (v2sf);
	s28 =	smul.u32 $0x92492493, s28;
	v13 =	vsel vm0, s21, v13;
	v16 =	vsel vm0, s15, v16  }
0x328: {  	s21 =	ssub.s32 s29, s30;
	s29 =	smulhi.u32 $0x92492493, s25;
	s30 =	sshra.s32 s25, $0x1F;
	v17 =	vsel vm0, s1, v17;
	vm0 =	vcmask $0x1B18;
	v13 =	vsel vm1, s23, v13  }
0x329: {  	s23 =	sadd.s32 s31, s21;
	s18 =	smul.u32 $0x92492493, s30;
	v16 =	vsel vm1, s16, v16;
	v17 =	vsel vm1, s20, v17;
	vm1 =	vcmask $0x2320;
	s21 =	spop (v2sf)  }
0x32a: {  	s26 =	ssub.s32 s24, s26;
	v13 =	vsel vm0, s22, v13;
	v16 =	vsel vm0, s17, v16;
	v17 =	vsel vm0, s19, v17;
	s30 =	smulhi.u32 $0x92492493, s21;
	s31 =	sshra.s32 s21, $0x1F  }
0x32b: {  	s1 =	sadd.s32 s28, s26;
	vm0 =	vcmask $0x2B28;
	v13 =	vsel vm1, s23, v13;
	s23 =	ssub.s32 s29, s25;
	v16 =	vcombine.low v17, v16;
	v17 =	vld [tilespmem:$0x1FF90];
	s24 =	smul.u32 $0x92492493, s31  }
0x32c: {  	v13 =	vsel vm0, s1, v13;
	s25 =	sadd.s32 s18, s23;
	vm0 =	vcmask $0x3330;
	s26 =	ssub.s32 s30, s21  }
0x32d: {  	v13 =	vsel vm0, s25, v13;
	vm0 =	vcmask $0x3B38;
	s28 =	sadd.s32 s24, s26  }
0x32e: {  	v13 =	vsel vm0, s28, v13  }
0x32f: {  	v16 =	vperm.xlane v16, v1;
	v13 =	vperm.xlane v13, v10  }
0x330: {  	vm0 =	vnez.u8 v17  }
0x331: {  	v13 =	vsel vm0, v13, v16  }
0x332: {  	v13 =	vadd.s32 v14, v13  }
0x333: {  	v16 =	vshrl.u32 v13, $0x1F;
	v13 =	vshra.s32 v13, $0x3  }
0x334: {  	vm0 =	vne.s32 v15, v7;
	v13 =	vadd.s32 v16, v13  }
0x335: {  	v17 =	vsel vm0, $0x1, v2;
	v16 =	vshra.s32 v14, $0x1F;
	v18 =	vmul.u32 $0xFFFFFFF2, v13  }
0x336: {  	v16 =	vor.u32 v17, v16;
	v17 =	vsub.s32 $0x0, v14  }
0x337: {  	vm0 =	vne.s32 v16, $0x1;
	vm1 =	vne.s32 v18, v17  }
0x338: {  	vm0 =	vmand vm1, vm0  }
0x339: {  	v16 =	vsel vm0, $0xFFFFFFFF, v2  }
0x33a: {  	v13 =	vadd.s32 v16, v13  }
0x33b: {  	v16 =	vmul.u32 $0xFFFFFFF2, v13  }
0x33c: {  	s29 =	simm.s32 $0xFFFFFFFB  }
0x33d: {  	v23 =	vadd.s32 s29, v13;
	v14 =	vadd.s32 v14, v16  }
0x33e: {  	vm0 =	vlt.u32 v23, $0xE;
	v23 =	vimm.s32 $0x0;
	v16 =	vadd.s32 $0xFFFFFFFB, v14  }
0x33f: {  	v17 =	vadd.s32 $0xFFFFFFFC, v14;
	v18 =	vadd.s32 $0xFFFFFFFD, v14;
	v19 =	vadd.s32 $0xFFFFFFFE, v14  }
0x340: {  	s30 =	simm.s32 $0xFFFFFFBA;
	v20 =	vadd.s32 $0xFFFFFFFF, v14;
	vm4 =	vlt.u32 v14, $0xE;
	vm10 =	vlt.u32 v16, $0xE  }
0x341: {  	v16 =	vadd.s32 s30, v15;
	vm11 =	vlt.u32 v17, $0xE;
	vm1 =	vmand vm10, vm0  }
0x342: {  	vm12 =	vlt.u32 v18, $0xE;
	v17 =	vadd.s32 $0xFFFFFFFB, v16;
	vm2 =	vmand vm11, vm0  }
0x343: {  	vm13 =	vlt.u32 v19, $0xE;
	v23 =	vsel vm4, $0xFFFFFFFF, v23;
	v18 =	vadd.s32 $0xFFFFFFFC, v16  }
0x344: {  	vm8 =	vmmov vm4;
	vm3 =	vmand vm12, vm0;
	[tilespmem:$0x1FEB0] =	vst v23;
	v23 =	vimm.s32 $0x0  }
0x345: {  	v19 =	vadd.s32 $0xFFFFFFFD, v16;
	vm6 =	vmand vm13, vm0;
	v23 =	vsel vm8, $0xFFFFFFFF, v23  }
0x346: {  	v21 =	vadd.s32 $0x1, v14;
	vm5 =	vlt.u32 v20, $0xE;
	v20 =	vadd.s32 $0xFFFFFFFE, v16;
	[tilespmem:$0x1FEC0] =	vst v23  }
0x347: {  	vm4 =	vlt.u32 v21, $0xE;
	vm7 =	vmand vm5, vm0;
	[tilespmem:v17+s9+$0x0] =	vst.idx.msk vm1, v3;
	v17 =	vimm.s32 $0x0  }
0x348: {  	v21 =	vadd.s32 $0xFFFFFFFF, v16;
	v17 =	vsel vm4, $0xFFFFFFFF, v17;
	[tilespmem:v18+s9+$0x0] =	vst.idx.msk vm2, v3  }
0x349: {  	v22 =	vadd.s32 $0x2, v14;
	vm14 =	vmand vm8, vm0;
	[tilespmem:$0x1FED0] =	vst v17  }
0x34a: {  	vm8 =	vlt.u32 v22, $0xE;
	v17 =	vimm.s32 $0x0;
	[tilespmem:v19+s9+$0x0] =	vst.idx.msk vm3, v3  }
0x34b: {  	vm9 =	vmand vm4, vm0;
	v23 =	vadd.s32 $0x3, v14;
	v17 =	vsel vm8, $0xFFFFFFFF, v17;
	[tilespmem:v20+s9+$0x0] =	vst.idx.msk vm6, v3  }
0x34c: {  	vm1 =	vlt.u32 v23, $0xE;
	v18 =	vadd.s32 $0x1, v16;
	[tilespmem:$0x1FEE0] =	vst v17;
	v17 =	vimm.s32 $0x0  }
0x34d: {  	[tilespmem:v21+s9+$0x0] =	vst.idx.msk vm7, v3;
	v17 =	vsel vm1, $0xFFFFFFFF, v17  }
0x34e: {  	vm1 =	vmand vm1, vm0;
	[tilespmem:$0x1FEF0] =	vst v17;
	v17 =	vimm.s32 $0x0  }
0x34f: {  	[tilespmem:v16+s9+$0x0] =	vst.idx.msk vm14, v3;
	v17 =	vsel vm1, $0xFFFFFFFF, v17  }
0x350: {  	[tilespmem:$0x1FF10] =	vst v17  }
0x351: {  	[tilespmem:v18+s9+$0x0] =	vst.idx.msk vm9, v3;
	v18 =	vld [tilespmem:$0x1FF10];
	_ =	sdelay $0x1  }
0x352: {  	s15 =	simm.s32 $0xFFFFFFFC;
	v19 =	vadd.s32 $0x2, v16;
	vm8 =	vmand vm8, vm0;
	v17 =	vadd.s32 $0x4, v14  }
0x353: {  	v20 =	vadd.s32 s15, v13;
	v21 =	vimm.s32 $0x0;
	vm1 =	vlt.u32 v17, $0xE  }
0x354: {  	v21 =	vsel vm1, $0xFFFFFFFF, v21;
	vm1 =	vmand vm1, vm0;
	vm0 =	vlt.u32 v20, $0xE  }
0x355: {  	vm6 =	vmmov vm5;
	vm7 =	vmand vm5, vm0;
	vm5 =	vnez.u8 v18  }
0x356: {  	v22 =	vadd.s32 $0x3, v16  }
0x357: {  	s31 =	simm.s32 $0xFFFFFFC8;
	vm15 =	vmmov vm10;
	vm4 =	vmmov vm11  }
0x358: {  	vm14 =	vmmov vm13;
	v17 =	vadd.s32 $0x4, v16;
	v16 =	vadd.s32 s31, v15  }
0x359: {  	[tilespmem:v19+s9+$0x0] =	vst.idx.msk vm8, v3;
	v20 =	vadd.s32 $0xFFFFFFFB, v16;
	v19 =	vadd.s32 $0xFFFFFFFD, v16;
	vm2 =	vmand vm10, vm0  }
0x35a: {  	[tilespmem:$0x1FF00] =	vst v21;
	v21 =	vadd.s32 $0xFFFFFFFC, v16;
	vm3 =	vmand vm11, vm0;
	vm9 =	vmand vm12, vm0  }
0x35b: {  	s16 =	simm.s32 $0xFFFFFFD6;
	vm8 =	vmand vm13, vm0;
	v18 =	vadd.s32 $0xFFFFFFFE, v16;
	[tilespmem:v22+s9+$0x0] =	vst.idx.msk vm5, v3;
	vm5 =	vmmov vm12  }
.LBB2_19:
0x35c: {  	_ =	sdelay $0x2  }
0x35d: {  	[tilespmem:v17+s9+$0x0] =	vst.idx.msk vm1, v3;
	v17 =	vld [tilespmem:$0x1FEB0];
	_ =	sdelay $0x4  }
0x35e: {  	vm10 =	vnez.u8 v17;
	v17 =	vld [tilespmem:$0x1FED0];
	_ =	sdelay $0x3  }
0x35f: {  	vm1 =	vmmov vm10  }
0x360: {  	vm10 =	vmand vm1, vm0;
	vm1 =	vnez.u8 v17;
	v17 =	vld [tilespmem:$0x1FEE0]  }
0x361: {  	[tilespmem:v20+s9+$0x0] =	vst.idx.msk vm2, v3;
	v20 =	vld [tilespmem:$0x1FEF0];
	_ =	sdelay $0x1  }
0x362: {  	v22 =	vadd.s32 $0xFFFFFFFF, v16;
	_ =	sdelay $0x1  }
0x363: {  	[tilespmem:v21+s9+$0x0] =	vst.idx.msk vm3, v3;
	vm11 =	vmand vm1, vm0;
	vm1 =	vnez.u8 v17  }
0x364: {  	v21 =	vadd.s32 $0x1, v16;
	[tilespmem:v19+s9+$0x0] =	vst.idx.msk vm9, v3;
	vm12 =	vmand vm1, vm0;
	vm1 =	vnez.u8 v20;
	v20 =	vld [tilespmem:$0x1FF00]  }
0x365: {  	s1 =	smov.u32 s16;
	[tilespmem:v18+s9+$0x0] =	vst.idx.msk vm8, v3  }
0x366: {  	v19 =	vadd.s32 $0x2, v16;
	v18 =	vadd.s32 s1, v15;
	[tilespmem:v22+s9+$0x0] =	vst.idx.msk vm7, v3;
	vm13 =	vmand vm1, vm0  }
0x367: {  	p0 =	sne.s32 s16, $0x38;
	v23 =	vadd.s32 $0x3, v16;
	[tilespmem:v16+s9+$0x0] =	vst.idx.msk vm10, v3;
	v17 =	vadd.s32 $0x4, v16;
	v16 =	vmov v18  }
.Ltmp10:
0x368: {  	s15 =	sadd.s32 $0x1, s15;
	v18 =	vadd.s32 $0xFFFFFFFE, v16;
	(pc) =	sbr.rel @p0 .LBB2_19-.Ltmp10, $4  }
0x369: {  	[tilespmem:v21+s9+$0x0] =	vst.idx.msk vm11, v3;
	v21 =	vadd.s32 $0xFFFFFFFC, v16;
	vm1 =	vnez.u8 v20;
	v20 =	vadd.s32 s15, v13  }
0x36a: {  	vm1 =	vmand vm1, vm0;
	vm0 =	vlt.u32 v20, $0xE;
	v20 =	vadd.s32 $0xFFFFFFFB, v16  }
0x36b: {  	[tilespmem:v19+s9+$0x0] =	vst.idx.msk vm12, v3;
	v19 =	vadd.s32 $0xFFFFFFFD, v16;
	vm2 =	vmand vm15, vm0;
	vm7 =	vmand vm6, vm0  }
0x36c: {  	s16 =	sadd.s32 $0xE, s16;
	vm3 =	vmand vm4, vm0;
	vm9 =	vmand vm5, vm0;
	vm8 =	vmand vm14, vm0;
	[tilespmem:v23+s9+$0x0] =	vst.idx.msk vm13, v3  }
0x36d: {  	_ =	sdelay $0x4  }
0x36e: {  	[tilespmem:v17+s9+$0x0] =	vst.idx.msk vm1, v3  }
0x36f: {  	[tilespmem:v20+s9+$0x0] =	vst.idx.msk vm2, v3;
	v20 =	vld [tilespmem:$0x1FEE0];
	_ =	sdelay $0x1  }
0x370: {  	v17 =	vld [tilespmem:$0x1FEC0];
	_ =	sdelay $0x2  }
0x371: {  	[tilespmem:v21+s9+$0x0] =	vst.idx.msk vm3, v3;
	vm3 =	vnez.u8 v20;
	v20 =	vld [tilespmem:$0x1FEF0];
	_ =	sdelay $0x1  }
0x372: {  	vm1 =	vnez.u8 v17;
	v17 =	vld [tilespmem:$0x1FED0];
	_ =	sdelay $0x2  }
0x373: {  	vm4 =	vnez.u8 v20;
	v20 =	vld [tilespmem:$0x1FF00];
	_ =	sdelay $0x1  }
0x374: {  	v15 =	vadd.s32 $0xFFFFFFFF, v16;
	vm1 =	vmand vm1, vm0;
	vm2 =	vnez.u8 v17  }
0x375: {  	vm2 =	vmand vm2, vm0  }
0x376: {  	vm3 =	vmand vm3, vm0;
	v17 =	vadd.s32 $0x1, v16  }
0x377: {  	[tilespmem:v19+s9+$0x0] =	vst.idx.msk vm9, v3;
	v19 =	vadd.s32 $0x2, v16;
	vm4 =	vmand vm4, vm0;
	vm5 =	vnez.u8 v20  }
0x378: {  	[tilespmem:v18+s9+$0x0] =	vst.idx.msk vm8, v3;
	v18 =	vadd.s32 $0x3, v16;
	vm0 =	vmand vm5, vm0  }
0x379: {  	s1 =	simm.s32 $0x0;
	[tilespmem:v15+s9+$0x0] =	vst.idx.msk vm7, v3;
	v20 =	vadd.s32 $0x4, v16  }
0x37a: {  	v22 =	vadd.s32 s1, v7;
	[tilespmem:v16+s9+$0x0] =	vst.idx.msk vm1, v3  }
0x37b: {  	v15 =	vor.u32 $0x2, v22;
	[tilespmem:v17+s9+$0x0] =	vst.idx.msk vm2, v3  }
0x37c: {  	v16 =	vor.u32 $0x3, v22;
	[tilespmem:v19+s9+$0x0] =	vst.idx.msk vm3, v3  }
0x37d: {  	v17 =	vadd.s32 $0x7, v22;
	[tilespmem:v18+s9+$0x0] =	vst.idx.msk vm4, v3  }
0x37e: {  	v18 =	vadd.s32 $0x4, v22;
	[tilespmem:v20+s9+$0x0] =	vst.idx.msk vm0, v3  }
0x37f: {  	v21 =	vadd.s32 $0xB, v22;
	v19 =	vld.idx.msk [tilespmem:v22+s9+$0x0], $0xffff  }
0x380: {  	v25 =	vimm.f32 $6.000000240e-01;
	v27 =	vor.u32 $0x1, v22;
	v20 =	vadd.s32 $0x6, v22;
	v23 =	vld.idx.msk [tilespmem:v15+s9+$0x0], $0xffff  }
0x381: {  	v28 =	vadd.s32 $0x5, v22;
	v29 =	vadd.s32 $0xF, v22;
	v24 =	vadd.s32 $0xD, v22;
	v26 =	vld.idx.msk [tilespmem:v16+s9+$0x0], $0xffff  }
0x382: {  	v31 =	vadd.s32 $0x10, v22;
	v32 =	vadd.s32 $0x16, v22;
	v34 =	vadd.s32 $0x8, v22;
	v30 =	vld.idx.msk [tilespmem:v17+s9+$0x0], $0xffff  }
0x383: {  	v35 =	vadd.s32 $0x9, v22;
	v36 =	vadd.s32 $0xE, v22;
	v37 =	vadd.s32 $0x12, v22;
	v33 =	vld.idx.msk [tilespmem:v18+s9+$0x0], $0xffff  }
0x384: {  	v40 =	vadd.s32 $0xC, v22;
	v41 =	vadd.s32 $0xA, v22;
	v42 =	vadd.s32 $0x14, v22;
	v39 =	vld.idx.msk [tilespmem:v21+s9+$0x0], $0xffff  }
0x385: {  	v43 =	vadd.s32 $0x18, v22;
	v47 =	vadd.s32 $0x1A, v22;
	v59 =	vadd.s32 $0x1B, v22;
	v38 =	vld.idx.msk [tilespmem:v20+s9+$0x0], $0xffff  }
0x386: {  	vm0 =	vgt.f32 v23, v25;
	vm1 =	vgt.f32 v26, v25;
	vm2 =	vgt.f32 v19, v25  }
0x387: {  	v45 =	vld.idx.msk [tilespmem:v34+s9+$0x0], $0xffff;
	v15 =	vsel vm0, v15, v7;
	v26 =	vsel vm1, v26, v25;
	v16 =	vsel vm1, v16, v7  }
0x388: {  	v44 =	vld.idx.msk [tilespmem:v29+s9+$0x0], $0xffff;
	v23 =	vsel vm0, v23, v25;
	v19 =	vsel vm2, v19, v25;
	vm0 =	vgt.f32 v30, v26  }
0x389: {  	vm4 =	vgt.f32 v33, v19;
	v26 =	vsel vm0, v30, v26;
	v16 =	vsel vm0, v17, v16  }
0x38a: {  	v17 =	vld.idx.msk [tilespmem:v41+s9+$0x0], $0xffff;
	v19 =	vsel vm4, v33, v19;
	vm3 =	vgt.f32 v38, v23;
	vm0 =	vgt.f32 v39, v26  }
0x38b: {  	v30 =	vld.idx.msk [tilespmem:v40+s9+$0x0], $0xffff;
	v15 =	vsel vm3, v20, v15;
	v20 =	vsel vm0, v39, v26;
	v16 =	vsel vm0, v21, v16  }
0x38c: {  	v55 =	vld.idx.msk [tilespmem:v31+s9+$0x0], $0xffff;
	v21 =	vsel vm2, v22, v7;
	vm0 =	vgt.f32 v45, v19;
	v39 =	vadd.s32 $0x11, v22  }
0x38d: {  	v26 =	vld.idx.msk [tilespmem:v36+s9+$0x0], $0xffff;
	v23 =	vsel vm3, v38, v23;
	vm1 =	vgt.f32 v44, v20;
	v18 =	vsel vm4, v18, v21  }
0x38e: {  	v46 =	vld.idx.msk [tilespmem:v37+s9+$0x0], $0xffff;
	v21 =	vadd.s32 $0x13, v22;
	v19 =	vsel vm0, v45, v19;
	v18 =	vsel vm0, v34, v18  }
0x38f: {  	v56 =	vld.idx.msk [tilespmem:v42+s9+$0x0], $0xffff;
	v34 =	vadd.s32 $0x17, v22;
	v20 =	vsel vm1, v44, v20;
	vm0 =	vgt.f32 v17, v23  }
0x390: {  	v57 =	vld.idx.msk [tilespmem:v43+s9+$0x0], $0xffff;
	v16 =	vsel vm1, v29, v16;
	vm2 =	vgt.f32 v30, v19;
	v17 =	vsel vm0, v17, v23  }
0x391: {  	v15 =	vsel vm0, v41, v15;
	v19 =	vsel vm2, v30, v19;
	v23 =	vld.idx.msk [tilespmem:v32+s9+$0x0], $0xffff;
	v18 =	vsel vm2, v40, v18  }
0x392: {  	v41 =	vadd.s32 $0x19, v22;
	vm0 =	vgt.f32 v26, v17;
	vm2 =	vgt.f32 v55, v19  }
0x393: {  	v17 =	vsel vm0, v26, v17;
	v15 =	vsel vm0, v36, v15;
	v19 =	vsel vm2, v55, v19  }
0x394: {  	v30 =	vld.idx.msk [tilespmem:v21+s9+$0x0], $0xffff;
	v18 =	vsel vm2, v31, v18;
	vm0 =	vgt.f32 v46, v17;
	vm2 =	vgt.f32 v56, v19  }
0x395: {  	v55 =	vadd.s32 $0x15, v22;
	v26 =	vsel vm0, v46, v17;
	v17 =	vsel vm2, v56, v19  }
0x396: {  	v15 =	vsel vm0, v37, v15;
	vm0 =	vgt.f32 v57, v17;
	vm1 =	vgt.f32 v23, v26  }
0x397: {  	s31 =	simm.s32 $0x1C;
	v58 =	vsel vm2, v42, v18;
	v32 =	vsel vm1, v32, v15;
	v38 =	vsel vm0, v57, v17  }
0x398: {  	v31 =	vld.idx.msk [tilespmem:v27+s9+$0x0], $0xffff;
	v17 =	vadd.s32 s31, v7;
	v23 =	vsel vm1, v23, v26;
	v36 =	vsel vm0, v43, v58  }
0x399: {  	v29 =	vld.idx.msk [tilespmem:v47+s9+$0x0], $0xffff;
	vm2 =	vgt.f32 v30, v20;
	v18 =	vor.u32 $0x1, v17;
	v40 =	vor.u32 $0x2, v17  }
0x39a: {  	v19 =	vld.idx.msk [tilespmem:v34+s9+$0x0], $0xffff;
	v26 =	vadd.s32 $0x4, v17;
	v45 =	vadd.s32 $0x7, v17;
	v49 =	vadd.s32 $0xB, v17  }
0x39b: {  	v60 =	vld.idx.msk [tilespmem:v28+s9+$0x0], $0xffff;
	v15 =	vadd.s32 $0xD, v17;
	v44 =	vor.u32 $0x3, v17;
	v52 =	vadd.s32 $0x6, v17  }
0x39c: {  	v61 =	vld.idx.msk [tilespmem:v35+s9+$0x0], $0xffff;
	v33 =	vadd.s32 $0xC, v17;
	v22 =	vadd.s32 $0x18, v17;
	v21 =	vsel vm2, v21, v16  }
0x39d: {  	v62 =	vld.idx.msk [tilespmem:v24+s9+$0x0], $0xffff;
	v30 =	vsel vm2, v30, v20;
	vm2 =	vgt.f32 v31, v25;
	v16 =	vadd.s32 $0x5, v17  }
0x39e: {  	v63 =	vld.idx.msk [tilespmem:v59+s9+$0x0], $0xffff;
	v25 =	vsel vm2, v31, v25;
	v27 =	vsel vm2, v27, v7;
	vm2 =	vgt.f32 v29, v23  }
0x39f: {  	v20 =	vadd.s32 $0xF, v17;
	vm1 =	vgt.f32 v19, v30;
	v32 =	vsel vm2, v47, v32;
	v47 =	vld.idx.msk [tilespmem:v39+s9+$0x0], $0xffff  }
0x3a0: {  	v31 =	vadd.s32 $0x8, v17;
	vm3 =	vgt.f32 v60, v25;
	v30 =	vsel vm1, v19, v30;
	v51 =	vld.idx.msk [tilespmem:v17+s9+$0x0], $0xffff  }
0x3a1: {  	v50 =	vsel vm2, v29, v23;
	v27 =	vsel vm3, v28, v27;
	v28 =	vsel vm3, v60, v25;
	v60 =	vld.idx.msk [tilespmem:v55+s9+$0x0], $0xffff  }
0x3a2: {  	v23 =	vadd.s32 $0x16, v17;
	v19 =	vadd.s32 $0x9, v17;
	v29 =	vsel vm1, v34, v21;
	v53 =	vld.idx.msk [tilespmem:v40+s9+$0x0], $0xffff  }
0x3a3: {  	v34 =	vadd.s32 $0xA, v17;
	vm0 =	vgt.f32 v63, v30;
	vm2 =	vgt.f32 v61, v28;
	v43 =	vld.idx.msk [tilespmem:v44+s9+$0x0], $0xffff  }
0x3a4: {  	v25 =	vadd.s32 $0x10, v17;
	v54 =	vld.idx.msk [tilespmem:v45+s9+$0x0], $0xffff;
	v56 =	vsel vm0, v59, v29;
	v28 =	vsel vm2, v61, v28  }
0x3a5: {  	v29 =	vadd.s32 $0x12, v17;
	v57 =	vsel vm0, v63, v30;
	v37 =	vld.idx.msk [tilespmem:v52+s9+$0x0], $0xffff;
	vm1 =	vgt.f32 v62, v28  }
0x3a6: {  	v30 =	vadd.s32 $0x14, v17;
	v48 =	vsel vm2, v35, v27;
	v35 =	vld.idx.msk [tilespmem:v26+s9+$0x0], $0xffff;
	v42 =	vsel vm1, v62, v28  }
0x3a7: {  	v58 =	vld.idx.msk [tilespmem:v49+s9+$0x0], $0xffff;
	v27 =	vadd.s32 $0xE, v17;
	v59 =	vsel vm1, v24, v48;
	vm0 =	vgt.f32 v47, v42  }
0x3a8: {  	v21 =	vld.idx.msk [tilespmem:v16+s9+$0x0], $0xffff;
	vm4 =	vgt.f32 v51, v38;
	vm1 =	vgt.f32 v53, v50;
	vm2 =	vgt.f32 v43, v57  }
0x3a9: {  	v28 =	vld.idx.msk [tilespmem:v20+s9+$0x0], $0xffff;
	v47 =	vsel vm0, v47, v42;
	v46 =	vsel vm4, v51, v38;
	v61 =	vsel vm0, v39, v59  }
0x3aa: {  	v48 =	vld.idx.msk [tilespmem:v41+s9+$0x0], $0xffff;
	v32 =	vsel vm1, v40, v32;
	v56 =	vsel vm2, v44, v56;
	v57 =	vsel vm2, v43, v57  }
0x3ab: {  	v24 =	vld.idx.msk [tilespmem:v18+s9+$0x0], $0xffff;
	v44 =	vsel vm1, v53, v50;
	vm0 =	vgt.f32 v35, v46;
	vm1 =	vgt.f32 v54, v57  }
0x3ac: {  	v42 =	vld.idx.msk [tilespmem:v31+s9+$0x0], $0xffff;
	vm2 =	vgt.f32 v60, v47;
	vm3 =	vgt.f32 v37, v44;
	v62 =	vsel vm1, v54, v57  }
0x3ad: {  	v38 =	vld.idx.msk [tilespmem:v25+s9+$0x0], $0xffff;
	v63 =	vsel vm1, v45, v56;
	v45 =	vsel vm3, v52, v32;
	vm1 =	vgt.f32 v58, v62  }
0x3ae: {  	v43 =	vld.idx.msk [tilespmem:v33+s9+$0x0], $0xffff;
	v32 =	vsel vm2, v60, v47;
	v40 =	vsel vm1, v58, v62;
	v39 =	vsel vm1, v49, v63  }
0x3af: {  	s15 =	simm.s32 $0x38;
	v47 =	vld.idx.msk [tilespmem:v34+s9+$0x0], $0xffff;
	v49 =	vsel vm2, v55, v61;
	vm1 =	vgt.f32 v48, v32;
	vm9 =	vgt.f32 v28, v40  }
.LBB2_21:
0x3b0: {  	p0 =	sne.s32 s15, $0xA8;
	v36 =	vsel vm4, v17, v36;
	v50 =	vld.idx.msk [tilespmem:v27+s9+$0x0], $0xffff;
	v48 =	vsel vm1, v48, v32;
	v41 =	vsel vm1, v41, v49;
	s1 =	smov.u32 s15;
	s15 =	sadd.s32 $0x1C, s15  }
0x3b1: {  	v35 =	vsel vm0, v35, v46;
	v26 =	vsel vm0, v26, v36;
	v36 =	vadd.s32 $0x13, v17;
	v46 =	vld.idx.msk [tilespmem:v30+s9+$0x0], $0xffff  }
0x3b2: {  	v32 =	vadd.s32 $0x11, v17;
	v51 =	vadd.s32 $0x1A, v17;
	vm0 =	vgt.f32 v42, v35;
	v49 =	vld.idx.msk [tilespmem:v29+s9+$0x0], $0xffff  }
0x3b3: {  	v37 =	vsel vm3, v37, v44;
	v35 =	vsel vm0, v42, v35;
	v26 =	vsel vm0, v31, v26  }
0x3b4: {  	v42 =	vadd.s32 $0x17, v17;
	vm0 =	vgt.f32 v47, v37;
	vm1 =	vgt.f32 v43, v35;
	v31 =	vld.idx.msk [tilespmem:v22+s9+$0x0], $0xffff  }
0x3b5: {  	v37 =	vsel vm0, v47, v37;
	v34 =	vsel vm0, v34, v45;
	v35 =	vsel vm1, v43, v35;
	v43 =	vld.idx.msk [tilespmem:v23+s9+$0x0], $0xffff  }
0x3b6: {  	v26 =	vsel vm1, v33, v26;
	vm0 =	vgt.f32 v50, v37;
	vm1 =	vgt.f32 v38, v35;
	v33 =	vld.idx.msk [tilespmem:v36+s9+$0x0], $0xffff  }
0x3b7: {  	v37 =	vsel vm0, v50, v37;
	v27 =	vsel vm0, v27, v34;
	v34 =	vsel vm1, v38, v35  }
0x3b8: {  	v25 =	vsel vm1, v25, v26;
	vm0 =	vgt.f32 v49, v37;
	vm1 =	vgt.f32 v46, v34  }
0x3b9: {  	v26 =	vsel vm0, v49, v37;
	v27 =	vsel vm0, v29, v27;
	v29 =	vsel vm1, v46, v34;
	v34 =	vld.idx.msk [tilespmem:v42+s9+$0x0], $0xffff  }
0x3ba: {  	v30 =	vsel vm1, v30, v25;
	v37 =	vadd.s32 $0x1B, v17;
	vm0 =	vgt.f32 v31, v29  }
0x3bb: {  	v20 =	vsel vm9, v20, v39;
	v25 =	vsel vm9, v28, v40;
	vm1 =	vgt.f32 v43, v26;
	v28 =	vld.idx.msk [tilespmem:v51+s9+$0x0], $0xffff  }
0x3bc: {  	v39 =	vsel vm0, v31, v29;
	vm2 =	vgt.f32 v33, v25;
	v23 =	vsel vm1, v23, v27  }
0x3bd: {  	v38 =	vadd.s32 s1, v7;
	v27 =	vsel vm1, v43, v26;
	v29 =	vsel vm2, v36, v20  }
0x3be: {  	v40 =	vor.u32 $0x2, v38;
	v31 =	vor.u32 $0x1, v38;
	v25 =	vsel vm2, v33, v25;
	v43 =	vld.idx.msk [tilespmem:v15+s9+$0x0], $0xffff  }
0x3bf: {  	v45 =	vadd.s32 $0x7, v38;
	v26 =	vadd.s32 $0x4, v38;
	vm1 =	vgt.f32 v34, v25;
	v33 =	vld.idx.msk [tilespmem:v19+s9+$0x0], $0xffff  }
0x3c0: {  	v35 =	vadd.s32 $0x5, v38;
	v20 =	vadd.s32 $0xF, v38;
	vm2 =	vgt.f32 v24, v48;
	v44 =	vld.idx.msk [tilespmem:v32+s9+$0x0], $0xffff  }
0x3c1: {  	v24 =	vsel vm2, v24, v48;
	v36 =	vsel vm2, v18, v41;
	vm2 =	vgt.f32 v28, v27;
	v46 =	vld.idx.msk [tilespmem:v37+s9+$0x0], $0xffff  }
0x3c2: {  	v49 =	vadd.s32 $0xB, v38;
	v48 =	vadd.s32 $0xD, v38;
	v18 =	vmovc v31;
	vm3 =	vgt.f32 v21, v24;
	v47 =	vld.idx.msk [tilespmem:v38+s9+$0x0], $0xffff  }
0x3c3: {  	v52 =	vor.u32 $0x3, v38;
	v31 =	vsel vm3, v16, v36;
	v16 =	vmovc v35;
	v51 =	vsel vm2, v51, v23;
	v50 =	vld.idx.msk [tilespmem:v40+s9+$0x0], $0xffff  }
0x3c4: {  	v41 =	vsel vm3, v21, v24;
	v34 =	vsel vm1, v34, v25;
	v54 =	vsel vm2, v28, v27;
	v53 =	vld.idx.msk [tilespmem:v45+s9+$0x0], $0xffff  }
0x3c5: {  	v25 =	vadd.s32 $0x10, v38;
	v23 =	vadd.s32 $0x16, v38;
	vm2 =	vgt.f32 v33, v41;
	v21 =	vld.idx.msk [tilespmem:v35+s9+$0x0], $0xffff  }
0x3c6: {  	v55 =	vadd.s32 $0x6, v38;
	v56 =	vsel vm2, v19, v31;
	v19 =	vadd.s32 $0x9, v38;
	v35 =	vld.idx.msk [tilespmem:v26+s9+$0x0], $0xffff  }
0x3c7: {  	v36 =	vsel vm0, v22, v30;
	v27 =	vadd.s32 $0xE, v38;
	v31 =	vadd.s32 $0x8, v38;
	v24 =	vld.idx.msk [tilespmem:v18+s9+$0x0], $0xffff  }
0x3c8: {  	v58 =	vadd.s32 $0x15, v17;
	v22 =	vsel vm1, v42, v29;
	vm0 =	vgt.f32 v46, v34;
	v57 =	vld.idx.msk [tilespmem:v52+s9+$0x0], $0xffff  }
0x3c9: {  	v59 =	vsel vm2, v33, v41;
	v60 =	vsel vm0, v37, v22;
	v28 =	vld.idx.msk [tilespmem:v20+s9+$0x0], $0xffff  }
0x3ca: {  	v29 =	vadd.s32 $0x12, v38;
	v41 =	vadd.s32 $0x19, v17;
	v17 =	vmovc v38;
	vm1 =	vgt.f32 v43, v59;
	v61 =	vld.idx.msk [tilespmem:v49+s9+$0x0], $0xffff  }
0x3cb: {  	v33 =	vadd.s32 $0xC, v17;
	v62 =	vsel vm0, v46, v34;
	v37 =	vld.idx.msk [tilespmem:v55+s9+$0x0], $0xffff  }
0x3cc: {  	v30 =	vadd.s32 $0x14, v17;
	v34 =	vadd.s32 $0xA, v17;
	v43 =	vsel vm1, v43, v59;
	v42 =	vld.idx.msk [tilespmem:v31+s9+$0x0], $0xffff  }
0x3cd: {  	v22 =	vadd.s32 $0x18, v17;
	v56 =	vsel vm1, v15, v56;
	v15 =	vmovc v48;
	vm0 =	vgt.f32 v44, v43;
	v59 =	vld.idx.msk [tilespmem:v58+s9+$0x0], $0xffff  }
0x3ce: {  	vm4 =	vgt.f32 v47, v39;
	vm1 =	vgt.f32 v50, v54;
	vm2 =	vgt.f32 v57, v62;
	v38 =	vld.idx.msk [tilespmem:v25+s9+$0x0], $0xffff  }
0x3cf: {  	v40 =	vsel vm1, v40, v51;
	v51 =	vsel vm2, v52, v60;
	v52 =	vsel vm0, v44, v43;
	v48 =	vld.idx.msk [tilespmem:v41+s9+$0x0], $0xffff  }
0x3d0: {  	v46 =	vsel vm4, v47, v39;
	v44 =	vsel vm1, v50, v54;
	v39 =	vsel vm2, v57, v62;
	v43 =	vld.idx.msk [tilespmem:v33+s9+$0x0], $0xffff  }
.Ltmp11:
0x3d1: {  	v50 =	vsel vm0, v32, v56;
	vm1 =	vgt.f32 v53, v39;
	vm3 =	vgt.f32 v37, v44;
	(pc) =	sbr.rel @p0 .LBB2_21-.Ltmp11, $4  }
0x3d2: {  	vm0 =	vgt.f32 v35, v46;
	v32 =	vsel vm1, v53, v39;
	v39 =	vsel vm1, v45, v51  }
0x3d3: {  	v45 =	vsel vm3, v55, v40;
	vm1 =	vgt.f32 v61, v32;
	vm2 =	vgt.f32 v59, v52  }
0x3d4: {  	v40 =	vsel vm1, v61, v32;
	v39 =	vsel vm1, v49, v39;
	v32 =	vsel vm2, v59, v52;
	v47 =	vld.idx.msk [tilespmem:v34+s9+$0x0], $0xffff  }
0x3d5: {  	vm9 =	vgt.f32 v28, v40;
	v49 =	vsel vm2, v58, v50;
	vm1 =	vgt.f32 v48, v32  }
0x3d6: {  	v36 =	vsel vm4, v17, v36;
	v32 =	vsel vm1, v48, v32;
	v41 =	vsel vm1, v41, v49  }
0x3d7: {  	v35 =	vsel vm0, v35, v46;
	v57 =	vadd.s32 $0x13, v17;
	v49 =	vadd.s32 $0x11, v17  }
0x3d8: {  	v50 =	vadd.s32 $0x1A, v17;
	v37 =	vsel vm3, v37, v44;
	v28 =	vsel vm9, v28, v40  }
0x3d9: {  	v48 =	vadd.s32 $0x15, v17;
	v20 =	vsel vm9, v20, v39;
	v53 =	vadd.s32 $0x19, v17  }
0x3da: {  	v56 =	vld.idx.msk [tilespmem:v27+s9+$0x0], $0xffff;
	v26 =	vsel vm0, v26, v36;
	vm13 =	vgt.f32 v42, v35;
	vm8 =	vgt.f32 v24, v32  }
0x3db: {  	v51 =	vld.idx.msk [tilespmem:v29+s9+$0x0], $0xffff;
	v35 =	vsel vm13, v42, v35;
	v26 =	vsel vm13, v31, v26;
	v31 =	vadd.s32 $0x17, v17  }
0x3dc: {  	v46 =	vld.idx.msk [tilespmem:v19+s9+$0x0], $0xffff;
	v24 =	vsel vm8, v24, v32;
	v18 =	vsel vm8, v18, v41;
	vm14 =	vgt.f32 v47, v37  }
0x3dd: {  	v58 =	vld.idx.msk [tilespmem:v30+s9+$0x0], $0xffff;
	vm15 =	vgt.f32 v43, v35;
	vm11 =	vgt.f32 v21, v24;
	v37 =	vsel vm14, v47, v37  }
0x3de: {  	v59 =	vld.idx.msk [tilespmem:v22+s9+$0x0], $0xffff;
	v34 =	vsel vm14, v34, v45;
	v35 =	vsel vm15, v43, v35;
	v26 =	vsel vm15, v33, v26  }
0x3df: {  	v60 =	vld.idx.msk [tilespmem:v23+s9+$0x0], $0xffff;
	v45 =	vadd.s32 $0x1B, v17;
	v21 =	vsel vm11, v21, v24;
	vm4 =	vgt.f32 v56, v37  }
0x3e0: {  	v16 =	vsel vm11, v16, v18;
	vm5 =	vgt.f32 v38, v35;
	v63 =	vld.idx.msk [tilespmem:v57+s9+$0x0], $0xffff;
	v37 =	vsel vm4, v56, v37  }
0x3e1: {  	v47 =	vld.idx.msk [tilespmem:v50+s9+$0x0], $0xffff;
	vm12 =	vgt.f32 v46, v21;
	v61 =	vsel vm4, v27, v34;
	vm6 =	vgt.f32 v51, v37  }
0x3e2: {  	v62 =	vsel vm5, v38, v35;
	v25 =	vsel vm5, v25, v26;
	v43 =	vsel vm6, v51, v37;
	v51 =	vld.idx.msk [tilespmem:v15+s9+$0x0], $0xffff  }
0x3e3: {  	v56 =	vld.idx.msk [tilespmem:v49+s9+$0x0], $0xffff;
	v21 =	vsel vm12, v46, v21;
	v16 =	vsel vm12, v19, v16;
	vm7 =	vgt.f32 v58, v62  }
0x3e4: {  	v52 =	vld.idx.msk [tilespmem:v31+s9+$0x0], $0xffff;
	v27 =	vsel vm6, v29, v61;
	v44 =	vsel vm7, v58, v62;
	v25 =	vsel vm7, v30, v25  }
0x3e5: {  	vm0 =	vgt.f32 v59, v44;
	vm2 =	vgt.f32 v60, v43;
	vm10 =	vgt.f32 v63, v28  }
0x3e6: {  	v54 =	vsel vm2, v23, v27;
	v55 =	vsel vm0, v59, v44;
	v59 =	vld.idx.msk [tilespmem:v48+s9+$0x0], $0xffff;
	v20 =	vsel vm10, v57, v20  }
0x3e7: {  	v57 =	vsel vm2, v60, v43;
	v58 =	vsel vm10, v63, v28;
	v60 =	vld.idx.msk [tilespmem:v45+s9+$0x0], $0xffff;
	vm14 =	vgt.f32 v51, v21  }
0x3e8: {  	v62 =	vld.idx.msk [tilespmem:v53+s9+$0x0], $0xffff;
	v63 =	vsel vm0, v22, v25;
	vm13 =	vgt.f32 v47, v57;
	v21 =	vsel vm14, v51, v21  }
0x3e9: {  	vm15 =	vgt.f32 v52, v58;
	v61 =	vsel vm13, v50, v54;
	vm8 =	vgt.f32 v56, v21  }
0x3ea: {  	v26 =	vsel vm15, v52, v58;
	v24 =	vsel vm13, v47, v57;
	v21 =	vsel vm8, v56, v21  }
0x3eb: {  	v20 =	vsel vm15, v31, v20;
	v25 =	vsel vm14, v15, v16;
	vm9 =	vgt.f32 v59, v21  }
0x3ec: {  	vm10 =	vgt.f32 v60, v26;
	v15 =	vsel vm8, v49, v25;
	v29 =	vsel vm9, v59, v21  }
0x3ed: {  	v20 =	vsel vm10, v45, v20;
	v15 =	vsel vm9, v48, v15;
	vm11 =	vgt.f32 v62, v29  }
0x3ee: {  	v30 =	vsel vm10, v60, v26;
	v16 =	vsel vm11, v62, v29;
	v15 =	vsel vm11, v53, v15  }
0x3ef: {  	vm15 =	veq.f32 v30, v24;
	vm13 =	veq.f32 v16, v55;
	vm14 =	vlt.s32 v15, v63  }
0x3f0: {  	vm6 =	vlt.s32 v20, v61;
	vm12 =	vgt.f32 v16, v55;
	vm1 =	vmand vm13, vm14  }
0x3f1: {  	vm7 =	vgt.f32 v30, v24;
	vm2 =	vmand vm15, vm6;
	vm0 =	vmor vm12, vm1  }
0x3f2: {  	vm1 =	vmor vm7, vm2;
	v16 =	vsel vm0, v16, v55  }
0x3f3: {  	v15 =	vsel vm0, v15, v63;
	v31 =	vsel vm1, v30, v24;
	v18 =	vsel vm1, v20, v61  }
0x3f4: {  	vm8 =	veq.f32 v31, v16;
	vm1 =	vlt.s32 v18, v15  }
0x3f5: {  	vm9 =	vgt.f32 v31, v16;
	vm0 =	vmand vm8, vm1  }
0x3f6: {  	vm0 =	vmor vm9, vm0  }
0x3f7: {  	v32 =	vsel vm0, v18, v15  }
0x3f8: {  	v15 =	vsub.s32 v32, v7  }
0x3f9: {  	(v2sf) =	vpush v15, $0xD;
	_ =	sdelay $0x1  }
0x3fa: {  	(v2sf) =	vpush v15, $0xC;
	_ =	sdelay $0x1  }
0x3fb: {  	(v2sf) =	vpush v15, $0xE  }
0x3fc: {  	(v2sf) =	vpush v15, $0xF  }
0x3fd: {  	(v2sf) =	vpush v15, $0x9;
	_ =	sdelay $0x1  }
0x3fe: {  	(v2sf) =	vpush v15, $0x8;
	_ =	sdelay $0x1  }
0x3ff: {  	(v2sf) =	vpush v15, $0xA;
	_ =	sdelay $0x1  }
0x400: {  	(v2sf) =	vpush v15, $0xB;
	_ =	sdelay $0x1  }
0x401: {  	(v2sf) =	vpush v15, $0x1  }
0x402: {  	s1 =	spop (v2sf);
	(v2sf) =	vpush v15, $0x0  }
0x403: {  	s2 =	smulhi.u32 $0x92492493, s1;
	s15 =	sshra.s32 s1, $0x1F  }
0x404: {  	s16 =	spop (v2sf);
	s15 =	smul.u32 $0x92492493, s15  }
0x405: {  	s18 =	smulhi.u32 $0x92492493, s16;
	s19 =	sshra.s32 s16, $0x1F  }
0x406: {  	s17 =	spop (v2sf);
	s19 =	smul.u32 $0x92492493, s19  }
0x407: {  	(v2sf) =	vpush v15, $0x2;
	s20 =	spop (v2sf);
	s21 =	smulhi.u32 $0x92492493, s17;
	s22 =	sshra.s32 s17, $0x1F  }
0x408: {  	s1 =	ssub.s32 s2, s1;
	s23 =	spop (v2sf);
	s22 =	smul.u32 $0x92492493, s22  }
0x409: {  	(v2sf) =	vpush v15, $0x3;
	s2 =	smulhi.u32 $0x92492493, s20;
	s25 =	sshra.s32 s20, $0x1F;
	s15 =	sadd.s32 s15, s1  }
0x40a: {  	s18 =	ssub.s32 s18, s16;
	s24 =	spop (v2sf);
	s25 =	smul.u32 $0x92492493, s25  }
0x40b: {  	(v2sf) =	vpush v15, $0x4;
	s26 =	smulhi.u32 $0x92492493, s23;
	s29 =	sshra.s32 s23, $0x1F;
	s18 =	sadd.s32 s19, s18  }
0x40c: {  	s30 =	ssub.s32 s21, s17;
	s28 =	spop (v2sf);
	s19 =	smul.u32 $0x92492493, s29  }
0x40d: {  	(v2sf) =	vpush v15, $0x5;
	s21 =	smulhi.u32 $0x92492493, s24;
	s31 =	sshra.s32 s24, $0x1F;
	s16 =	sadd.s32 s22, s30  }
0x40e: {  	s22 =	ssub.s32 s2, s20;
	s29 =	spop (v2sf);
	s2 =	smul.u32 $0x92492493, s31  }
0x40f: {  	(v2sf) =	vpush v15, $0x6;
	s20 =	smulhi.u32 $0x92492493, s28;
	s31 =	sshra.s32 s28, $0x1F;
	s17 =	sadd.s32 s25, s22  }
0x410: {  	s1 =	ssub.s32 s26, s23;
	s30 =	spop (v2sf);
	s22 =	smul.u32 $0x92492493, s31  }
0x411: {  	s23 =	smulhi.u32 $0x92492493, s29;
	s25 =	sshra.s32 s29, $0x1F;
	s26 =	spop (v2sf);
	(v2sf) =	vpush v15, $0x7  }
0x412: {  	s1 =	sadd.s32 s19, s1;
	s21 =	ssub.s32 s21, s24;
	s19 =	smul.u32 $0x92492493, s25  }
0x413: {  	s24 =	smulhi.u32 $0x92492493, s30;
	s25 =	sshra.s32 s30, $0x1F;
	s20 =	ssub.s32 s20, s28  }
0x414: {  	s2 =	sadd.s32 s2, s21;
	s21 =	smul.u32 $0x92492493, s25;
	s20 =	sadd.s32 s22, s20  }
0x415: {  	s23 =	ssub.s32 s23, s29;
	s22 =	smulhi.u32 $0x92492493, s26;
	s25 =	sshra.s32 s26, $0x1F  }
0x416: {  	s24 =	ssub.s32 s24, s30;
	s31 =	spop (v2sf);
	s25 =	smul.u32 $0x92492493, s25  }
0x417: {  	s19 =	sadd.s32 s19, s23;
	s29 =	smulhi.u32 $0x92492493, s31;
	s30 =	sshra.s32 s31, $0x1F  }
0x418: {  	s21 =	sadd.s32 s21, s24;
	s28 =	spop (v2sf);
	s23 =	smul.u32 $0x92492493, s30  }
0x419: {  	s22 =	ssub.s32 s22, s26;
	s24 =	smulhi.u32 $0x92492493, s28;
	s26 =	sshra.s32 s28, $0x1F  }
0x41a: {  	s30 =	spop (v2sf);
	s22 =	sadd.s32 s25, s22;
	s25 =	smul.u32 $0x92492493, s26  }
0x41b: {  	s26 =	ssub.s32 s29, s31;
	s29 =	smulhi.u32 $0x92492493, s30;
	s31 =	sshra.s32 s30, $0x1F  }
0x41c: {  	vm4 =	vcmask $0x3330;
	s23 =	sadd.s32 s23, s26;
	s26 =	spop (v2sf);
	s31 =	smul.u32 $0x92492493, s31  }
0x41d: {  	vm10 =	vcmask $0x300;
	vm15 =	vcmask $0x2B28;
	v33 =	vmov s22;
	s22 =	ssub.s32 s24, s28;
	s24 =	smulhi.u32 $0x92492493, s26;
	s28 =	sshra.s32 s26, $0x1F  }
0x41e: {  	vm11 =	vcmask $0xB08;
	vm13 =	vcmask $0x1B18;
	s22 =	sadd.s32 s25, s22;
	s25 =	spop (v2sf);
	v17 =	vnsel vm10, $0x0, v33;
	s28 =	smul.u32 $0x92492493, s28  }
0x41f: {  	vm14 =	vcmask $0x2320;
	vm12 =	vcmask $0x1310;
	v17 =	vsel vm11, s21, v17;
	s21 =	ssub.s32 s29, s30;
	s29 =	smulhi.u32 $0x92492493, s25;
	s30 =	sshra.s32 s25, $0x1F  }
0x420: {  	v34 =	vmov s18;
	v35 =	vmov s2;
	v17 =	vsel vm12, s23, v17;
	s21 =	sadd.s32 s31, s21;
	s30 =	smul.u32 $0x92492493, s30;
	s31 =	spop (v2sf)  }
0x421: {  	v18 =	vsel vm11, s15, v34;
	v19 =	vsel vm11, s1, v35;
	v17 =	vsel vm13, s22, v17;
	s22 =	ssub.s32 s24, s26;
	s23 =	smulhi.u32 $0x92492493, s31;
	s24 =	sshra.s32 s31, $0x1F  }
0x422: {  	v36 =	vld [tilespmem:$0x1FF90];
	v18 =	vsel vm12, s16, v18;
	v19 =	vsel vm12, s20, v19;
	s26 =	ssub.s32 s29, s25;
	v17 =	vsel vm14, s21, v17;
	s1 =	sadd.s32 s28, s22;
	s28 =	smul.u32 $0x92492493, s24  }
0x423: {  	v18 =	vsel vm13, s17, v18;
	v19 =	vsel vm13, s19, v19;
	s29 =	sadd.s32 s30, s26;
	v17 =	vsel vm15, s1, v17;
	s30 =	ssub.s32 s23, s31  }
0x424: {  	vm5 =	vcmask $0x3B38;
	v18 =	vcombine.low v19, v18;
	v17 =	vsel vm4, s29, v17;
	s31 =	sadd.s32 s28, s30  }
0x425: {  	v17 =	vsel vm5, s31, v17  }
0x426: {  	v18 =	vperm.xlane v18, v1;
	v10 =	vperm.xlane v17, v10  }
0x427: {  	vm6 =	vnez.u8 v36  }
0x428: {  	v10 =	vsel vm6, v10, v18  }
0x429: {  	v10 =	vadd.s32 v15, v10  }
0x42a: {  	v37 =	vshrl.u32 v10, $0x1F;
	v10 =	vshra.s32 v10, $0x3  }
0x42b: {  	vm7 =	vne.s32 v32, v7;
	v10 =	vadd.s32 v37, v10  }
0x42c: {  	v7 =	vshra.s32 v15, $0x1F;
	v16 =	vsel vm7, $0x1, v2;
	v17 =	vmul.u32 $0xFFFFFFF2, v10  }
0x42d: {  	v38 =	vsub.s32 $0x0, v15;
	v7 =	vor.u32 v16, v7  }
0x42e: {  	v40 =	vsub.s32 v12, v9;
	vm8 =	vne.s32 v7, $0x1;
	vm9 =	vne.s32 v17, v38  }
0x42f: {  	v39 =	vsub.s32 v11, v8;
	v41 =	vmul.u32 v40, v40;
	vm0 =	vmand vm9, vm8  }
0x430: {  	v44 =	vsub.s32 v14, v9;
	v43 =	vsub.s32 v13, v8;
	v7 =	vsel vm0, $0xFFFFFFFF, v2  }
0x431: {  	v16 =	vmul.u32 v43, v43;
	v18 =	vmul.u32 v44, v44;
	v7 =	vadd.s32 v7, v10  }
0x432: {  	v50 =	vsub.s32 v14, v12;
	v10 =	vmul.u32 v39, v39;
	v42 =	vmul.u32 $0xFFFFFFF2, v7  }
0x433: {  	v49 =	vsub.s32 v13, v11;
	v62 =	vand.u32 $0x7, v0;
	v16 =	vadd.s32 v16, v18  }
0x434: {  	v46 =	vsub.s32 v7, v8;
	v10 =	vadd.s32 v10, v41;
	v15 =	vadd.s32 v15, v42  }
0x435: {  	v53 =	vsub.s32 v7, v11;
	v45 =	vshra.s32 v10, $0x1F;
	v47 =	vsub.s32 v15, v9  }
0x436: {  	v17 =	vmul.u32 v46, v46;
	v10 =	vor.u32 v45, v10;
	v18 =	vmul.u32 v47, v47  }
0x437: {  	v55 =	vsub.s32 v7, v13;
	v54 =	vsub.s32 v15, v12;
	vm10 =	vgt.s32 v16, v10  }
0x438: {  	v56 =	vsub.s32 v15, v14;
	v10 =	vsel vm10, v16, v10;
	v48 =	vadd.s32 v17, v18  }
0x439: {  	v17 =	vmul.u32 v49, v49;
	v18 =	vmul.u32 v50, v50;
	vm11 =	vgt.s32 v48, v10  }
0x43a: {  	v57 =	vmul.u32 v56, v56;
	v16 =	vmul.u32 v55, v55;
	v10 =	vsel vm11, v48, v10  }
0x43b: {  	v52 =	vadd.s32 v17, v18;
	v17 =	vmul.u32 v53, v53;
	v18 =	vmul.u32 v54, v54  }
0x43c: {  	v51 =	vsel vm10, v13, v11;
	v58 =	vsel vm10, v14, v12;
	vm12 =	vgt.s32 v52, v10  }
0x43d: {  	v16 =	vadd.s32 v16, v57;
	v10 =	vsel vm12, v52, v10;
	v17 =	vadd.s32 v17, v18  }
0x43e: {  	v19 =	vsel vm11, v7, v51;
	v20 =	vsel vm11, v15, v58;
	vm13 =	vgt.s32 v17, v10  }
0x43f: {  	v59 =	vsel vm12, v13, v19;
	v10 =	vsel vm13, v17, v10;
	vm14 =	vmor vm12, vm13  }
0x440: {  	vm15 =	vgt.s32 v16, v10;
	v10 =	vsel vm12, v14, v20;
	v8 =	vsel vm14, v11, v8  }
0x441: {  	v9 =	vsel vm14, v12, v9;
	vm0 =	vmor vm13, vm15;
	v8 =	vsel vm15, v13, v8  }
0x442: {  	v9 =	vsel vm15, v14, v9;
	v11 =	vsel vm0, v7, v59;
	v10 =	vsel vm0, v15, v10  }
0x443: {  	v7 =	vsub.s32 v11, v8;
	v11 =	vmul.u32 v11, v11;
	v60 =	vmul.u32 v10, v10  }
0x444: {  	v61 =	vmul.u32 v9, v9;
	v9 =	vsub.s32 v10, v9;
	v10 =	vmul.u32 $0x80, v62  }
0x445: {  	v8 =	vmul.u32 v8, v8;
	v11 =	vadd.s32 v60, v11  }
0x446: {  	v6 =	vshll.u32 v6, $0x8  }
0x447: {  	v63 =	vand.u32 $0x7800, v6;
	v7 =	vshll.u32 v7, $0x1;
	v8 =	vadd.s32 v61, v8  }
0x448: {  	s15 =	simm.s32 $0xE;
	v6 =	vshll.u32 v9, $0x1;
	v9 =	vor.u32 v10, v63;
	v8 =	vsub.s32 v8, v11;
	v10 =	vmovc v5;
	v11 =	vmovc v4  }
.LBB2_23:
0x449: {  	v12 =	vmul.u32 v7, v11;
	v13 =	vmul.u32 v6, v10;
	vm0 =	vne.s32 v10, $0x0  }
0x44a: {  	v14 =	vmul.u32 $0xE, v11;
	v15 =	vadd.s32 $0xFFFFFFFF, v10;
	v26 =	vsel vm0, $0x1, v2  }
0x44b: {  	v27 =	vnsel vm0, $0xD, v15;
	v12 =	vadd.s32 v8, v12;
	v11 =	vadd.s32 v26, v11  }
0x44c: {  	v14 =	vadd.s32 v10, v14;
	vm1 =	vne.s32 v27, $0x0;
	v12 =	vadd.s32 v13, v12  }
0x44d: {  	vm4 =	vgt.s32 v11, $0xD;
	v28 =	vadd.s32 $0xFFFFFFF2, v11;
	v29 =	vshll.u32 v14, $0x3  }
0x44e: {  	v14 =	vand.u32 $0x7F, v14;
	v31 =	vsel vm1, $0x1, v2;
	v13 =	vadd.s32 $0xFFFFFFFF, v27  }
0x44f: {  	v15 =	vsel vm4, v28, v11;
	v11 =	vmul.u32 v6, v27;
	vm5 =	vlt.s32 v12, $0x0  }
0x450: {  	v12 =	vand.u32 $0xFFFFFC00, v29;
	v32 =	vnsel vm1, $0xD, v13;
	v16 =	vmul.u32 v7, v15  }
0x451: {  	v10 =	vsel vm5, $0x3F800000, v3;
	v12 =	vadd.s32 v9, v12;
	v30 =	vmul.u32 $0xE, v15  }
0x452: {  	v34 =	vmul.u32 v6, v32;
	vm8 =	vne.s32 v32, $0x0;
	v38 =	vadd.s32 $0xFFFFFFFF, v32  }
0x453: {  	v11 =	vadd.s32 v8, v11;
	v12 =	vor.u32 v14, v12;
	v14 =	vadd.s32 v31, v15  }
0x454: {  	v36 =	vsel vm8, $0x1, v2;
	v39 =	vnsel vm8, $0xD, v38;
	v11 =	vadd.s32 v16, v11  }
0x455: {  	v16 =	vadd.s32 v27, v30;
	vm7 =	vgt.s32 v14, $0xD;
	v33 =	vadd.s32 $0xFFFFFFF2, v14  }
0x456: {  	v19 =	vadd.s32 v8, v34;
	v42 =	vmul.u32 v6, v39;
	vm12 =	vne.s32 v39, $0x0  }
0x457: {  	vm6 =	vlt.s32 v11, $0x0;
	v17 =	vshll.u32 v16, $0x3;
	v14 =	vsel vm7, v33, v14  }
0x458: {  	v16 =	vand.u32 $0x7F, v16;
	v45 =	vsel vm12, $0x1, v2;
	v17 =	vand.u32 $0xFFFFFC00, v17  }
0x459: {  	v18 =	vmul.u32 v7, v14;
	v37 =	vmul.u32 $0xE, v14;
	v14 =	vadd.s32 v36, v14  }
0x45a: {  	v11 =	vsel vm6, $0x3F800000, v3;
	v17 =	vadd.s32 v9, v17;
	vm9 =	vgt.s32 v14, $0xD  }
0x45b: {  	v40 =	vadd.s32 $0xFFFFFFF2, v14;
	v13 =	vor.u32 v16, v17;
	v35 =	vadd.s32 v18, v19  }
0x45c: {  	v15 =	vadd.s32 v32, v37;
	v41 =	vsel vm9, v40, v14;
	v19 =	vadd.s32 v8, v42  }
0x45d: {  	v17 =	vadd.s32 $0xFFFFFFFF, v39;
	vm10 =	vlt.s32 v35, $0x0;
	v43 =	vshll.u32 v15, $0x3  }
0x45e: {  	v20 =	vmul.u32 v7, v41;
	v15 =	vand.u32 $0x7F, v15;
	v44 =	vmul.u32 $0xE, v41  }
0x45f: {  	v18 =	vadd.s32 v45, v41;
	v46 =	vnsel vm12, $0xD, v17;
	v14 =	vsel vm10, $0x3F800000, v3  }
0x460: {  	v16 =	vand.u32 $0xFFFFFC00, v43;
	vm13 =	vgt.s32 v18, $0xD;
	v47 =	vadd.s32 $0xFFFFFFF2, v18  }
0x461: {  	v48 =	vmul.u32 v6, v46;
	vm14 =	vne.s32 v46, $0x0;
	v52 =	vadd.s32 $0xFFFFFFFF, v46  }
0x462: {  	v16 =	vadd.s32 v9, v16;
	v19 =	vadd.s32 v20, v19;
	v18 =	vsel vm13, v47, v18  }
0x463: {  	v50 =	vsel vm14, $0x1, v2;
	v53 =	vnsel vm14, $0xD, v52;
	vm11 =	vlt.s32 v19, $0x0  }
0x464: {  	v16 =	vor.u32 v15, v16;
	v19 =	vadd.s32 v39, v44;
	v22 =	vmul.u32 v7, v18  }
0x465: {  	v23 =	vadd.s32 v8, v48;
	v51 =	vmul.u32 $0xE, v18;
	v18 =	vadd.s32 v50, v18  }
0x466: {  	v56 =	vmul.u32 v6, v53;
	vm6 =	vne.s32 v53, $0x0;
	v15 =	vsel vm11, $0x3F800000, v3  }
0x467: {  	v21 =	vshll.u32 v19, $0x3;
	v19 =	vand.u32 $0x7F, v19;
	vm15 =	vgt.s32 v18, $0xD  }
0x468: {  	v54 =	vadd.s32 $0xFFFFFFF2, v18;
	v59 =	vsel vm6, $0x1, v2;
	v21 =	vand.u32 $0xFFFFFC00, v21  }
0x469: {  	v49 =	vadd.s32 v22, v23;
	v20 =	vadd.s32 v46, v51;
	v55 =	vsel vm15, v54, v18  }
0x46a: {  	v23 =	vadd.s32 v8, v56;
	v21 =	vadd.s32 v9, v21;
	vm4 =	vlt.s32 v49, $0x0  }
0x46b: {  	v57 =	vshll.u32 v20, $0x3;
	v24 =	vmul.u32 v7, v55;
	v20 =	vand.u32 $0x7F, v20  }
0x46c: {  	v58 =	vmul.u32 $0xE, v55;
	v22 =	vadd.s32 v59, v55;
	v59 =	vsub.f32 $1.000000000e+00, v14  }
0x46d: {  	v17 =	vor.u32 v19, v21;
	v18 =	vsel vm4, $0x3F800000, v3;
	v19 =	vand.u32 $0xFFFFFC00, v57  }
0x46e: {  	v21 =	vadd.s32 $0xFFFFFFFF, v53;
	vm7 =	vgt.s32 v22, $0xD;
	v61 =	vadd.s32 $0xFFFFFFF2, v22  }
0x46f: {  	v19 =	vadd.s32 v9, v19;
	v23 =	vadd.s32 v24, v23;
	v60 =	vnsel vm6, $0xD, v21  }
0x470: {  	v22 =	vsel vm7, v61, v22;
	v61 =	vsub.f32 $1.000000000e+00, v15;
	vm5 =	vlt.s32 v23, $0x0  }
0x471: {  	v20 =	vor.u32 v20, v19;
	v23 =	vadd.s32 v53, v58;
	v62 =	vmul.u32 v6, v60  }
0x472: {  	v26 =	vmul.u32 v7, v22;
	vm8 =	vne.s32 v60, $0x0;
	v31 =	vmul.u32 $0xE, v22  }
0x473: {  	[tilespmem:v12+s4+$0x0] =	vst.idx.msk $0xffff, v10;
	v32 =	vadd.s32 $0xFFFFFFFF, v60;
	v53 =	vsub.f32 $1.000000000e+00, v10;
	v10 =	vsub.f32 $1.000000000e+00, v11  }
0x474: {  	v19 =	vsel vm5, $0x3F800000, v3;
	v25 =	vshll.u32 v23, $0x3;
	v23 =	vand.u32 $0x7F, v23  }
0x475: {  	v30 =	vsel vm8, $0x1, v2;
	v33 =	vnsel vm8, $0xD, v32;
	v25 =	vand.u32 $0xFFFFFC00, v25  }
0x476: {  	v27 =	vadd.s32 v8, v62;
	v22 =	vadd.s32 v30, v22;
	v35 =	vmul.u32 v6, v33  }
0x477: {  	v24 =	vadd.s32 v60, v31;
	vm12 =	vne.s32 v33, $0x0;
	v25 =	vadd.s32 v9, v25  }
0x478: {  	v63 =	vadd.s32 v26, v27;
	vm9 =	vgt.s32 v22, $0xD;
	v34 =	vadd.s32 $0xFFFFFFF2, v22  }
0x479: {  	v28 =	vshll.u32 v24, $0x3;
	v24 =	vand.u32 $0x7F, v24;
	v40 =	vsel vm12, $0x1, v2  }
0x47a: {  	v21 =	vor.u32 v23, v25;
	vm10 =	vlt.s32 v63, $0x0;
	v27 =	vsel vm9, v34, v22  }
0x47b: {  	v23 =	vadd.s32 v8, v35;
	v28 =	vand.u32 $0xFFFFFC00, v28;
	v25 =	vadd.s32 $0xFFFFFFFF, v33  }
0x47c: {  	v22 =	vsel vm10, $0x3F800000, v3;
	v36 =	vmul.u32 v7, v27;
	v29 =	vmul.u32 $0xE, v27  }
0x47d: {  	v37 =	vadd.s32 v9, v28;
	v25 =	vnsel vm12, $0xD, v25;
	v27 =	vadd.s32 v40, v27  }
0x47e: {  	v24 =	vor.u32 v24, v37;
	vm13 =	vgt.s32 v27, $0xD;
	v41 =	vadd.s32 $0xFFFFFFF2, v27  }
0x47f: {  	vm14 =	vne.s32 v25, $0x0;
	v42 =	vadd.s32 $0xFFFFFFFF, v25;
	v23 =	vadd.s32 v36, v23  }
0x480: {  	v38 =	vadd.s32 v33, v29;
	v27 =	vsel vm13, v41, v27;
	v43 =	vsel vm14, $0x1, v2  }
0x481: {  	v33 =	vmul.u32 v6, v25;
	vm11 =	vlt.s32 v23, $0x0;
	v39 =	vshll.u32 v38, $0x3  }
0x482: {  	v28 =	vand.u32 $0x7F, v38;
	v30 =	vmul.u32 v7, v27;
	v29 =	vadd.s32 v43, v27  }
0x483: {  	v27 =	vmul.u32 $0xE, v27;
	v23 =	vsel vm11, $0x3F800000, v3;
	v26 =	vand.u32 $0xFFFFFC00, v39  }
0x484: {  	vm15 =	vgt.s32 v29, $0xD;
	v31 =	vadd.s32 $0xFFFFFFF2, v29;
	v33 =	vadd.s32 v8, v33  }
0x485: {  	v26 =	vadd.s32 v9, v26;
	v29 =	vsel vm15, v31, v29;
	v25 =	vadd.s32 v25, v27  }
0x486: {  	v30 =	vadd.s32 v30, v33;
	v33 =	vsub.f32 $1.000000000e+00, v18;
	v26 =	vor.u32 v28, v26  }
0x487: {  	v28 =	vnsel vm14, $0xD, v42;
	v49 =	vand.u32 $0x7F, v25;
	v25 =	vshll.u32 v25, $0x3  }
0x488: {  	v39 =	vmul.u32 v7, v29;
	vm8 =	vlt.s32 v30, $0x0;
	v42 =	vsub.f32 $1.000000000e+00, v22  }
0x489: {  	vm1 =	vne.s32 v28, $0x0;
	v44 =	vadd.s32 $0xFFFFFFFF, v28;
	v25 =	vand.u32 $0xFFFFFC00, v25  }
0x48a: {  	v51 =	vmul.u32 v6, v28;
	v54 =	vsel vm8, $0x3F800000, v3;
	v32 =	vsel vm1, $0x1, v2  }
0x48b: {  	v31 =	vnsel vm1, $0xD, v44;
	v25 =	vadd.s32 v9, v25;
	v44 =	vsub.f32 $1.000000000e+00, v23  }
0x48c: {  	v32 =	vadd.s32 v32, v29;
	vm1 =	vne.s32 v31, $0x0;
	v45 =	vadd.s32 $0xFFFFFFFF, v31  }
0x48d: {  	v29 =	vmul.u32 $0xE, v29;
	v25 =	vor.u32 v49, v25;
	v52 =	vadd.s32 v8, v51  }
0x48e: {  	v57 =	vmul.u32 v6, v31;
	vm4 =	vgt.s32 v32, $0xD;
	v34 =	vadd.s32 $0xFFFFFFF2, v32  }
0x48f: {  	v35 =	vsel vm1, $0x1, v2;
	v30 =	vadd.s32 v39, v52;
	v39 =	vsub.f32 $1.000000000e+00, v19  }
0x490: {  	v32 =	vsel vm4, v34, v32;
	v34 =	vnsel vm1, $0xD, v45;
	v28 =	vadd.s32 v28, v29  }
0x491: {  	vm9 =	vlt.s32 v30, $0x0;
	v35 =	vadd.s32 v35, v32;
	vm1 =	vne.s32 v34, $0x0  }
0x492: {  	[tilespmem:v12+s10+$0x0] =	vst.idx.msk $0xffff, v53;
	v46 =	vadd.s32 $0xFFFFFFFF, v34;
	v55 =	vshll.u32 v28, $0x3;
	v28 =	vand.u32 $0x7F, v28  }
0x493: {  	[tilespmem:v13+s4+$0x0] =	vst.idx.msk $0xffff, v11;
	v58 =	vmul.u32 $0xE, v32;
	v60 =	vmul.u32 v7, v32;
	v62 =	vsel vm9, $0x3F800000, v3  }
0x494: {  	[tilespmem:v13+s10+$0x0] =	vst.idx.msk $0xffff, v10;
	vm5 =	vgt.s32 v35, $0xD;
	v36 =	vadd.s32 $0xFFFFFFF2, v35;
	v37 =	vsel vm1, $0x1, v2  }
0x495: {  	[tilespmem:v16+s4+$0x0] =	vst.idx.msk $0xffff, v14;
	v30 =	vand.u32 $0xFFFFFC00, v55;
	v35 =	vsel vm5, v36, v35;
	v36 =	vnsel vm1, $0xD, v46  }
0x496: {  	v56 =	vadd.s32 v9, v30;
	v10 =	vadd.s32 v31, v58;
	v30 =	vadd.s32 v8, v57  }
0x497: {  	[tilespmem:v16+s10+$0x0] =	vst.idx.msk $0xffff, v59;
	v31 =	vmul.u32 v6, v34;
	v46 =	vsub.f32 $1.000000000e+00, v54;
	v37 =	vadd.s32 v37, v35  }
0x498: {  	[tilespmem:v17+s4+$0x0] =	vst.idx.msk $0xffff, v15;
	vm3 =	vne.s32 v36, $0x0;
	v11 =	vor.u32 v28, v56;
	v28 =	vadd.s32 v60, v30  }
0x499: {  	[tilespmem:v17+s10+$0x0] =	vst.idx.msk $0xffff, v61;
	v63 =	vshll.u32 v10, $0x3;
	v10 =	vand.u32 $0x7F, v10;
	v32 =	vmul.u32 $0xE, v35  }
0x49a: {  	[tilespmem:v20+s4+$0x0] =	vst.idx.msk $0xffff, v18;
	v43 =	vmul.u32 v6, v36;
	v51 =	vadd.s32 $0xFFFFFFFF, v36;
	vm6 =	vgt.s32 v37, $0xD  }
0x49b: {  	[tilespmem:v20+s10+$0x0] =	vst.idx.msk $0xffff, v33;
	v38 =	vadd.s32 $0xFFFFFFF2, v37;
	v48 =	vsel vm3, $0x1, v2;
	vm10 =	vlt.s32 v28, $0x0  }
0x49c: {  	[tilespmem:v21+s4+$0x0] =	vst.idx.msk $0xffff, v19;
	v30 =	vand.u32 $0xFFFFFC00, v63;
	v15 =	vadd.s32 v8, v31;
	v19 =	vnsel vm3, $0xD, v51  }
0x49d: {  	v47 =	vsel vm6, v38, v37;
	v12 =	vadd.s32 v9, v30;
	v38 =	vmul.u32 v7, v35  }
0x49e: {  	v16 =	vadd.s32 v34, v32;
	v40 =	vsel vm10, $0x3F800000, v3;
	v17 =	vadd.s32 v8, v43  }
0x49f: {  	v57 =	vmul.u32 v6, v19;
	v37 =	vadd.s32 v48, v47;
	v10 =	vor.u32 v10, v12  }
0x4a0: {  	[tilespmem:v21+s10+$0x0] =	vst.idx.msk $0xffff, v39;
	v41 =	vshll.u32 v16, $0x3;
	v16 =	vand.u32 $0x7F, v16;
	v45 =	vmul.u32 v7, v47  }
0x4a1: {  	[tilespmem:v24+s4+$0x0] =	vst.idx.msk $0xffff, v22;
	v47 =	vmul.u32 $0xE, v47;
	v48 =	vsub.f32 $1.000000000e+00, v62;
	v49 =	vsub.f32 $1.000000000e+00, v40  }
0x4a2: {  	[tilespmem:v24+s10+$0x0] =	vst.idx.msk $0xffff, v42;
	vm7 =	vgt.s32 v37, $0xD;
	v50 =	vadd.s32 $0xFFFFFFF2, v37;
	v13 =	vadd.s32 v38, v15  }
0x4a3: {  	[tilespmem:v26+s4+$0x0] =	vst.idx.msk $0xffff, v23;
	v15 =	vand.u32 $0xFFFFFC00, v41;
	v37 =	vsel vm7, v50, v37;
	vm11 =	vlt.s32 v13, $0x0  }
0x4a4: {  	[tilespmem:v26+s10+$0x0] =	vst.idx.msk $0xffff, v44;
	v15 =	vadd.s32 v9, v15;
	v50 =	vadd.s32 v36, v47;
	v52 =	vmul.u32 $0xE, v37  }
0x4a5: {  	[tilespmem:v25+s4+$0x0] =	vst.idx.msk $0xffff, v54;
	v15 =	vor.u32 v16, v15;
	v16 =	vadd.s32 v45, v17;
	v53 =	vshll.u32 v50, $0x3  }
0x4a6: {  	[tilespmem:v25+s10+$0x0] =	vst.idx.msk $0xffff, v46;
	vm12 =	vlt.s32 v16, $0x0;
	v16 =	vand.u32 $0xFFFFFC00, v53;
	v21 =	vadd.s32 v19, v52  }
0x4a7: {  	[tilespmem:v11+s4+$0x0] =	vst.idx.msk $0xffff, v62;
	v55 =	vand.u32 $0x7F, v50;
	v16 =	vadd.s32 v9, v16;
	v56 =	vshll.u32 v21, $0x3  }
0x4a8: {  	v54 =	vsel vm11, $0x3F800000, v3;
	[tilespmem:v11+s10+$0x0] =	vst.idx.msk $0xffff, v48;
	v11 =	vor.u32 v55, v16;
	v58 =	vand.u32 $0xFFFFFC00, v56  }
0x4a9: {  	v59 =	vmul.u32 v7, v37;
	[tilespmem:v10+s4+$0x0] =	vst.idx.msk $0xffff, v40;
	v60 =	vand.u32 $0x7F, v21;
	v16 =	vadd.s32 v9, v58  }
0x4aa: {  	v14 =	vadd.s32 v8, v57;
	[tilespmem:v10+s10+$0x0] =	vst.idx.msk $0xffff, v49;
	v10 =	vsub.f32 $1.000000000e+00, v54;
	v16 =	vor.u32 v60, v16  }
0x4ab: {  	p0 =	sne.s32 s15, $0x1;
	v12 =	vadd.s32 v59, v14;
	v61 =	vsel vm12, $0x3F800000, v3;
	[tilespmem:v15+s4+$0x0] =	vst.idx.msk $0xffff, v54  }
.Ltmp12:
0x4ac: {  	vm14 =	vne.s32 v19, $0x0;
	vm13 =	vlt.s32 v12, $0x0;
	[tilespmem:v15+s10+$0x0] =	vst.idx.msk $0xffff, v10;
	v10 =	vsub.f32 $1.000000000e+00, v61;
	(pc) =	sbr.rel @p0 .LBB2_23-.Ltmp12, $4  }
0x4ad: {  	v62 =	vsel vm14, $0x1, v2;
	v12 =	vsel vm13, $0x3F800000, v3;
	[tilespmem:v11+s4+$0x0] =	vst.idx.msk $0xffff, v61  }
0x4ae: {  	v13 =	vadd.s32 v62, v37;
	[tilespmem:v11+s10+$0x0] =	vst.idx.msk $0xffff, v10;
	v11 =	vsub.f32 $1.000000000e+00, v12  }
0x4af: {  	vm15 =	vgt.s32 v13, $0xD;
	v63 =	vadd.s32 $0xFFFFFFF2, v13;
	v10 =	vadd.s32 $0xFFFFFFFF, v19;
	[tilespmem:v16+s4+$0x0] =	vst.idx.msk $0xffff, v12  }
0x4b0: {  	s15 =	sadd.s32 $0xFFFFFFFF, s15;
	v10 =	vnsel vm14, $0xD, v10;
	[tilespmem:v16+s10+$0x0] =	vst.idx.msk $0xffff, v11;
	v11 =	vsel vm15, v63, v13  }
0x4b1: {  	s1 =	sshll.u32 s14, $0xC;
	s14 =	sadd.s32 $0x1, s14  }
0x4b2: {  	s2 =	sor.u32 s5, s1;
	p0 =	sne.s32 s14, $0x8  }
.Ltmp13:
0x4b3: {  	s2 =	sshrl.u32 s2, $0x3;
	(pc) =	sbr.rel @p0 .LBB2_4-.Ltmp13, $4  }
.Ltmp14:
0x4b4: {  	s15 =	sadd.s32 s0, s2;
	(pc) =	sbr.rel @!p0 .LBB2_25-.Ltmp14, $4  }
0x4b5: {  	[hbm4b:s15+s4] =	stream.linear.scatter [tilespmem:s1], [sflag:$0x1], $0x1000, $0x38;
	[tilespmem:$0x16200] =	vst v63  }
0x4b6: {  	s2 =	sadd.s32 s3, s2;
	s1 =	sadd.s32 $0x8000, s1  }
0x4b7: {  	[hbm4b:s2+s4] =	stream.linear.scatter [tilespmem:s1], [sflag:$0x1], $0x1000, $0x38;
	[tilespmem:$0x16200] =	vst v63  }
0x4b8: {  	_ = 	snop  }
.LBB2_5:
.Ltmp15:
0x4b9: {  	(pc) =	sbr.rel .LBB2_10-.Ltmp15, $2  }
0x4ba: {  	_ =	sdelay $0x2  }
0x4bb: {  	v37 =	vmov v7  }
.LBB2_7:
.Ltmp16:
0x4bc: {  	(pc) =	sbr.rel .LBB2_10-.Ltmp16, $2  }
0x4bd: {  	_ =	sdelay $0x2  }
0x4be: {  	v28 =	vmovc v16;
	v25 =	vmovc v22;
	v30 =	vmov v24;
	v22 =	vmov v18;
	v24 =	vmov v19  }
.LBB2_26:
0x4bf: {  	_ =	sfence.sel $0x180000  }
0x4c0: {  	[bflag:$0x0] =	sbarrier.arrive $0xFFFF  }
0x4c1: {  	_ =	strace $0x90000047  }
0x4c2: {  	s0 =	stileid.u32;
	[bflag:$0x2] =	sbarrier.arrive $0xFFFF  }
0x4c3: {  	p0 =	sne.s32 s0, $0x0;
	s0 =	rddreg [dreg:$0x3]  }
0x4c4: {  	s0 =	sadd.s32 @!p0 $0x100000, s0  }
0x4c5: {  	[sflag:s0] =	ssyncadd.tile.s32 @!p0 $0x1;
	_ =	shalt  }
.Lfunc_end2:
_tile_overlayer_lowered:
.L_overlay_start_2:
0x4c6: {  	(tag) =	ssettag $0x2  }
0x4c7: {  	s0 =	rddreg [dreg:$0x0];
	s2 =	stileid.u32  }
0x4c8: {  	s1 =	rddreg [dreg:$0x1];
	p0 =	sne.s32 s2, $0x0  }
0x4c9: {  	s3 =	rddreg [dreg:$0x2];
	[bflag:$0x3] =	sbarrier.arrive $0xFFFF;
	s2 =	simm.s32 @!p0 $0x1C02  }
0x4ca: {  	[timem:s3], [sflag:s2] =	dma.local @!p0 [hbm:s0], s1  }
0x4cb: {  	s0 =	simm.s32 @!p0 $0x2  }
0x4cc: {  	_ =	swait.ge @!p0 [sflag:s0], s1  }
0x4cd: {  	s1 =	ssub.s32 @!p0 $0x0, s1;
	[sflag:s0] =	ssyncset.done @!p0 $0x0  }
0x4ce: {  	[sflag:s0] =	ssyncadd.s32 @!p0 s1  }
0x4cf: {  	[bflag:$0x3] =	sbarrier.arrive $0xFFFF  }
0x4d0: {  	_ =	shalt  }

</sc_bundles>
